<compile_context>
chip_gen: v7x
topology: tpu7x:2x2x1
jax: 0.10.2.dev20260603
libtpu: 0.0.44.dev20260713+nightly
codegen_flags: <defaults>
</compile_context>

<pallas_src>
import functools

import jax
import jax.numpy as jnp
import numpy as np
from jax import lax
from jax.experimental import pallas as pl
from jax.experimental.pallas import tpu as pltpu
from jax.experimental.pallas import tpu_sc as plsc

_N_NODES = 100000
_E = 6400000
_CUTOFF = 5.0

_NW = 32
_C = 1024
_IDXW = 512
_P = 1
_EP = _E // _P
_NCHUNK = _EP // _C
_TPW = -(-_NCHUNK // _NW)


def _sc_edge_vectors(phase_base, px, py, pz, sender, receiver,
                     shx, shy, shz):
    mesh = plsc.VectorSubcoreMesh(core_axis_name="c", subcore_axis_name="s")

    @functools.partial(
        pl.kernel,
        mesh=mesh,
        compiler_params=pltpu.CompilerParams(needs_layout_passes=False),
        out_type=[jax.ShapeDtypeStruct((_EP,), jnp.float32) for _ in range(3)],
        scratch_types=[
            pltpu.VMEM((_C,), jnp.int32),
            pltpu.VMEM((_C,), jnp.int32),
            pltpu.VMEM((_C,), jnp.float32),
            pltpu.VMEM((_C,), jnp.float32),
            pltpu.VMEM((_C,), jnp.float32),
            pltpu.VMEM((_C,), jnp.float32),
            pltpu.VMEM((_C,), jnp.float32),
            pltpu.VMEM((_C,), jnp.float32),
            pltpu.VMEM((_C,), jnp.float32),
            pltpu.VMEM((_C,), jnp.float32),
            pltpu.VMEM((_C,), jnp.float32),
            pltpu.VMEM((_C,), jnp.float32),
            pltpu.VMEM((_C,), jnp.float32),
            pltpu.VMEM((_C,), jnp.float32),
            pltpu.VMEM_SHARED((_N_NODES,), jnp.float32),
            pltpu.VMEM_SHARED((_N_NODES,), jnp.float32),
            pltpu.VMEM_SHARED((_N_NODES,), jnp.float32),
            pltpu.SemaphoreType.DMA,
        ],
    )
    def k(px_hbm, py_hbm, pz_hbm, send_hbm, recv_hbm,
          shx_hbm, shy_hbm, shz_hbm, vx_hbm, vy_hbm, vz_hbm,
          sidx, ridx, sxb, syb, szb, rxb, ryb, rzb, hxb, hyb, hzb,
          ox, oy, oz, pxs, pys, pzs, sem):
        wid = lax.axis_index("s") * 2 + lax.axis_index("c")

        @pl.when(lax.axis_index("s") == 0)
        def _stage():
            pltpu.sync_copy(px_hbm, pxs)
            pltpu.sync_copy(py_hbm, pys)
            pltpu.sync_copy(pz_hbm, pzs)

        plsc.subcore_barrier()

        def chunk(t, carry):
            cid = wid + _NW * t

            @pl.when(cid < _NCHUNK)
            def _():
                base = phase_base + cid * _C
                obase = cid * _C
                ins = [
                    pltpu.async_copy(send_hbm.at[pl.ds(base, _C)], sidx, sem),
                    pltpu.async_copy(recv_hbm.at[pl.ds(base, _C)], ridx, sem),
                    pltpu.async_copy(shx_hbm.at[pl.ds(base, _C)], hxb, sem),
                    pltpu.async_copy(shy_hbm.at[pl.ds(base, _C)], hyb, sem),
                    pltpu.async_copy(shz_hbm.at[pl.ds(base, _C)], hzb, sem),
                ]
                for cp in ins:
                    cp.wait()
                cps = []
                for j in range(_C // _IDXW):
                    sl = pl.ds(j * _IDXW, _IDXW)
                    for tab, idx, dst in ((pxs, sidx, sxb),
                                          (pys, sidx, syb),
                                          (pzs, sidx, szb),
                                          (pxs, ridx, rxb),
                                          (pys, ridx, ryb),
                                          (pzs, ridx, rzb)):
                        cps.append(pltpu.async_copy(
                            tab.at[idx.at[sl]], dst.at[sl], sem))
                for cp in cps:
                    cp.wait()
                for g in range(_C // 16):
                    s = pl.ds(g * 16, 16)
                    ox[s] = rxb[s] - sxb[s] + hxb[s]
                    oy[s] = ryb[s] - syb[s] + hyb[s]
                    oz[s] = rzb[s] - szb[s] + hzb[s]
                outs = [
                    pltpu.async_copy(ox, vx_hbm.at[pl.ds(obase, _C)], sem),
                    pltpu.async_copy(oy, vy_hbm.at[pl.ds(obase, _C)], sem),
                    pltpu.async_copy(oz, vz_hbm.at[pl.ds(obase, _C)], sem),
                ]
                for cp in outs:
                    cp.wait()
            return carry

        lax.fori_loop(0, _TPW, chunk, 0)

    return k(px, py, pz, sender, receiver, shx, shy, shz)


_BR = 400


def _tc_radial(vx, vy, vz):
    w = (np.pi * np.arange(1, 7, dtype=np.float32) / _CUTOFF).tolist()
    pref = float(np.sqrt(2.0 / _CUTOFF))
    rows = vx.shape[0]

    def body(vx_ref, vy_ref, vz_ref, len_ref,
             e0_ref, e1_ref, e2_ref, e3_ref, e4_ref, e5_ref,
             ux_ref, uy_ref, uz_ref):
        x = vx_ref[...]
        y = vy_ref[...]
        z = vz_ref[...]
        d2 = x * x + y * y + z * z
        l = jnp.sqrt(d2)
        inv = jnp.where(l > 0.0, 1.0 / l, 0.0)
        r = l * (1.0 / _CUTOFF)
        r2 = r * r
        r6 = r2 * r2 * r2
        env = 1.0 + r6 * (-28.0 + 48.0 * r - 21.0 * r2)
        env = jnp.where(l < _CUTOFF, env, 0.0)
        b = (pref * inv) * env
        len_ref[...] = l
        ux_ref[...] = x * inv
        uy_ref[...] = y * inv
        uz_ref[...] = z * inv
        theta = w[0] * l
        s1 = jnp.sin(theta)
        c2 = 2.0 * jnp.cos(theta)
        e0_ref[...] = b * s1
        sk_m1, sk = s1, c2 * s1
        e1_ref[...] = b * sk
        erefs = [e2_ref, e3_ref, e4_ref, e5_ref]
        for k in range(4):
            sk_m1, sk = sk, c2 * sk - sk_m1
            erefs[k][...] = b * sk

    spec = pl.BlockSpec((_BR, 128), lambda i: (i, 0))
    return pl.pallas_call(
        body,
        grid=(rows // _BR,),
        in_specs=[spec] * 3,
        out_specs=[spec] * 10,
        out_shape=[jax.ShapeDtypeStruct((rows, 128), jnp.float32)] * 10,
    )(vx, vy, vz)


def kernel(positions, edge_index, shifts):
    sender = edge_index[0]
    receiver = edge_index[1]
    px = positions[:, 0]
    py = positions[:, 1]
    pz = positions[:, 2]
    shx, shy, shz = shifts[:, 0], shifts[:, 1], shifts[:, 2]
    rows_p = _EP // 128
    phase_outs = []
    for p in range(_P):
        vx, vy, vz = _sc_edge_vectors(p * _EP, px, py, pz, sender, receiver,
                                      shx, shy, shz)
        phase_outs.append(_tc_radial(vx.reshape(rows_p, 128),
                                     vy.reshape(rows_p, 128),
                                     vz.reshape(rows_p, 128)))
    def cat(i):
        return jnp.concatenate([po[i].reshape(_EP) for po in phase_outs])
    lengths = cat(0).reshape(_E, 1)
    emb = jnp.stack([cat(1 + k) for k in range(6)], axis=-1)
    unit = jnp.stack([cat(7 + k) for k in range(3)], axis=-1)
    return (lengths, emb, unit)

# --- scband reference (transcript-rebuilt; emitter-appended) ---
"""Pipeline reference for scband-base-gnn-71588514889752 (READ-ONLY COPY).

The authoritative reference and input builder live on the scoring server;
editing this copy changes nothing except your own understanding.
"""

import jax, jax.numpy as jnp
import numpy as np

N_NODES = 100000
N_EDGES = 6400000
CUTOFF = 5.0
N_BASES = 6
N_POLY = 6


def _bessel_basis(x):
    # x: [E, 1]; MACE-style BesselBasis (non-trainable weights)
    w = jnp.pi * jnp.arange(1, N_BASES + 1, dtype=jnp.float32) / CUTOFF  # [n_bases]
    prefactor = np.sqrt(2.0 / CUTOFF).astype(np.float32)
    return prefactor * jnp.sin(w * x) / x  # [E, n_bases]


def _poly_cutoff(x):
    # Polynomial cutoff envelope of order p = N_POLY
    p = float(N_POLY)
    r = x / CUTOFF
    env = (1.0
           - ((p + 1.0) * (p + 2.0) / 2.0) * r ** p
           + p * (p + 2.0) * r ** (p + 1.0)
           - (p * (p + 1.0) / 2.0) * r ** (p + 2.0))
    return env * (x < CUTOFF)


def _radial_embedding(lengths):
    return _bessel_basis(lengths) * _poly_cutoff(lengths)


def setup_inputs(seed: int = 0) -> dict:
    key = jax.random.key(seed)
    k1, k2, k3 = jax.random.split(key, 3)
    positions = jax.random.normal(k1, (N_NODES, 3), dtype=jnp.float32)
    edge_index = jax.random.randint(k2, (2, N_EDGES), 0, N_NODES, dtype=jnp.int32)
    shifts = jax.random.normal(k3, (N_EDGES, 3), dtype=jnp.float32)
    return {"positions": positions, "edge_index": edge_index, "shifts": shifts}


def reference(positions, edge_index, shifts):
    # get_edge_vectors_and_lengths
    sender = edge_index[0]
    receiver = edge_index[1]
    vectors = jnp.take(positions, receiver, axis=0) - jnp.take(positions, sender, axis=0) + shifts
    lengths = jnp.linalg.norm(vectors, axis=-1, keepdims=True)  # [E, 1]
    unit_vectors = jnp.nan_to_num(vectors / lengths)
    # embed_edge returns (lengths, radial_embedding(lengths), vectors)
    edge_embeddings = _radial_embedding(lengths)  # [E, n_bases]
    return (lengths, edge_embeddings, unit_vectors)

if __name__ == "__main__":
    import jax
    _d = setup_inputs()
    print(jax.jit(kernel)(*tuple(_d.values())))

</pallas_src>

<mosaic_0001>
#map = affine_map<(d0, d1) -> (0)>
module attributes {stable_mosaic.version = 14 : i64} {
  func.func @k(%arg0: i32, %arg1: i32, %arg2: memref<100000xf32, #tpu.memory_space<hbm>>, %arg3: memref<100000xf32, #tpu.memory_space<hbm>>, %arg4: memref<100000xf32, #tpu.memory_space<hbm>>, %arg5: memref<6400000xi32, #tpu.memory_space<hbm>>, %arg6: memref<6400000xi32, #tpu.memory_space<hbm>>, %arg7: memref<6400000xf32, #tpu.memory_space<hbm>>, %arg8: memref<6400000xf32, #tpu.memory_space<hbm>>, %arg9: memref<6400000xf32, #tpu.memory_space<hbm>>, %arg10: memref<6400000xf32, #tpu.memory_space<hbm>>, %arg11: memref<6400000xf32, #tpu.memory_space<hbm>>, %arg12: memref<6400000xf32, #tpu.memory_space<hbm>>, %arg13: memref<1024xi32, #tpu.memory_space<vmem>>, %arg14: memref<1024xi32, #tpu.memory_space<vmem>>, %arg15: memref<1024xf32, #tpu.memory_space<vmem>>, %arg16: memref<1024xf32, #tpu.memory_space<vmem>>, %arg17: memref<1024xf32, #tpu.memory_space<vmem>>, %arg18: memref<1024xf32, #tpu.memory_space<vmem>>, %arg19: memref<1024xf32, #tpu.memory_space<vmem>>, %arg20: memref<1024xf32, #tpu.memory_space<vmem>>, %arg21: memref<1024xf32, #tpu.memory_space<vmem>>, %arg22: memref<1024xf32, #tpu.memory_space<vmem>>, %arg23: memref<1024xf32, #tpu.memory_space<vmem>>, %arg24: memref<1024xf32, #tpu.memory_space<vmem>>, %arg25: memref<1024xf32, #tpu.memory_space<vmem>>, %arg26: memref<1024xf32, #tpu.memory_space<vmem>>, %arg27: memref<100000xf32, #tpu.memory_space<vmem_shared>>, %arg28: memref<100000xf32, #tpu.memory_space<vmem_shared>>, %arg29: memref<100000xf32, #tpu.memory_space<vmem_shared>>, %arg30: memref<!tpu.dma_semaphore, #tpu.memory_space<semaphore_mem>>) attributes {dimension_semantics = [#tpu.dimension_semantics<core_parallel>, #tpu.dimension_semantics<subcore_parallel>], iteration_bounds = array<i64: 2, 16>, scalar_prefetch = 0 : i64, scratch_operands = 18 : i64, tpu.core_type = #tpu.core_type<sc_vector_subcore>, window_params = [{transform_indices = #map}, {transform_indices = #map}, {transform_indices = #map}, {transform_indices = #map}, {transform_indices = #map}, {transform_indices = #map}, {transform_indices = #map}, {transform_indices = #map}, {transform_indices = #map}, {transform_indices = #map}, {transform_indices = #map}]} {
    %mul3A = arith.constant 2 : i32
    %mul3A_0 = arith.muli %arg1, %mul3A : i32
    %add3A = arith.addi %mul3A_0, %arg0 : i32
    %eq3A = arith.constant 0 : i32
    %eq3A_1 = arith.cmpi eq, %arg1, %eq3A : i32
    %convert_element_type3A = arith.extui %eq3A_1 : i1 to i32
    %cond3A = arith.constant 0 : i32
    %cond3A_2 = arith.cmpi ne, %convert_element_type3A, %cond3A : i32
    scf.if %cond3A_2 {
      "tpu.region"() ({
        %run_scoped3A = tpu.sem_alloc : memref<!tpu.dma_semaphore, #tpu.memory_space<semaphore_mem>>
        tpu.enqueue_dma source(%arg2 : memref<100000xf32, #tpu.memory_space<hbm>>) target(%arg27 : memref<100000xf32, #tpu.memory_space<vmem_shared>>) target_semaphore(%run_scoped3A : memref<!tpu.dma_semaphore, #tpu.memory_space<semaphore_mem>>)
        tpu.wait_dma2 semaphore(%run_scoped3A : memref<!tpu.dma_semaphore, #tpu.memory_space<semaphore_mem>>) src(%arg2 : memref<100000xf32, #tpu.memory_space<hbm>>) dst(%arg27 : memref<100000xf32, #tpu.memory_space<vmem_shared>>)
        tpu.yield
      }) : () -> ()
      "tpu.region"() ({
        %run_scoped3A = tpu.sem_alloc : memref<!tpu.dma_semaphore, #tpu.memory_space<semaphore_mem>>
        tpu.enqueue_dma source(%arg3 : memref<100000xf32, #tpu.memory_space<hbm>>) target(%arg28 : memref<100000xf32, #tpu.memory_space<vmem_shared>>) target_semaphore(%run_scoped3A : memref<!tpu.dma_semaphore, #tpu.memory_space<semaphore_mem>>)
        tpu.wait_dma2 semaphore(%run_scoped3A : memref<!tpu.dma_semaphore, #tpu.memory_space<semaphore_mem>>) src(%arg3 : memref<100000xf32, #tpu.memory_space<hbm>>) dst(%arg28 : memref<100000xf32, #tpu.memory_space<vmem_shared>>)
        tpu.yield
      }) : () -> ()
      "tpu.region"() ({
        %run_scoped3A = tpu.sem_alloc : memref<!tpu.dma_semaphore, #tpu.memory_space<semaphore_mem>>
        tpu.enqueue_dma source(%arg4 : memref<100000xf32, #tpu.memory_space<hbm>>) target(%arg29 : memref<100000xf32, #tpu.memory_space<vmem_shared>>) target_semaphore(%run_scoped3A : memref<!tpu.dma_semaphore, #tpu.memory_space<semaphore_mem>>)
        tpu.wait_dma2 semaphore(%run_scoped3A : memref<!tpu.dma_semaphore, #tpu.memory_space<semaphore_mem>>) src(%arg4 : memref<100000xf32, #tpu.memory_space<hbm>>) dst(%arg29 : memref<100000xf32, #tpu.memory_space<vmem_shared>>)
        tpu.yield
      }) : () -> ()
    } else {
    }
    %barrier3A = arith.constant 0 : index
    tpu.barrier barrier_id(%barrier3A)
    %scan3A = arith.constant 0 : i32
    %scan3A_3 = arith.constant 0 : i32
    %scan3A_4 = arith.constant 196 : i32
    %scan3A_5 = arith.addi %scan3A_3, %scan3A_4 : i32
    %scan3A_6 = arith.constant 1 : i32
    scf.for %scan3A_8 = %scan3A_3 to %scan3A_5 step %scan3A_6  : i32 {
      %mul3A_9 = arith.constant 32 : i32
      %mul3A_10 = arith.muli %mul3A_9, %scan3A_8 : i32
      %add3A_11 = arith.addi %add3A, %mul3A_10 : i32
      %lt3A = arith.constant 6250 : i32
      %lt3A_12 = arith.cmpi slt, %add3A_11, %lt3A : i32
      %convert_element_type3A_13 = arith.extui %lt3A_12 : i1 to i32
      %cond3A_14 = arith.constant 0 : i32
      %cond3A_15 = arith.cmpi ne, %convert_element_type3A_13, %cond3A_14 : i32
      scf.if %cond3A_15 {
        %mul3A_16 = arith.constant 1024 : i32
        %mul3A_17 = arith.muli %add3A_11, %mul3A_16 : i32
        %add3A_18 = arith.constant 0 : i32
        %add3A_19 = arith.addi %add3A_18, %mul3A_17 : i32
        %mul3A_20 = arith.constant 1024 : i32
        %mul3A_21 = arith.muli %add3A_11, %mul3A_20 : i32
        %dma_start3A = tpu.memref_slice %arg5[%add3A_19] : memref<6400000xi32, #tpu.memory_space<hbm>> -> memref<1024xi32, #tpu.memory_space<hbm>>
        %dma_start3A_22 = tpu.memref_slice %arg5[%add3A_19] : memref<6400000xi32, #tpu.memory_space<hbm>> -> memref<1024xi32, #tpu.memory_space<hbm>>
        tpu.enqueue_dma source(%dma_start3A_22 : memref<1024xi32, #tpu.memory_space<hbm>>) target(%arg13 : memref<1024xi32, #tpu.memory_space<vmem>>) target_semaphore(%arg30 : memref<!tpu.dma_semaphore, #tpu.memory_space<semaphore_mem>>)
        %dma_start3A_23 = tpu.memref_slice %arg6[%add3A_19] : memref<6400000xi32, #tpu.memory_space<hbm>> -> memref<1024xi32, #tpu.memory_space<hbm>>
        %dma_start3A_24 = tpu.memref_slice %arg6[%add3A_19] : memref<6400000xi32, #tpu.memory_space<hbm>> -> memref<1024xi32, #tpu.memory_space<hbm>>
        tpu.enqueue_dma source(%dma_start3A_24 : memref<1024xi32, #tpu.memory_space<hbm>>) target(%arg14 : memref<1024xi32, #tpu.memory_space<vmem>>) target_semaphore(%arg30 : memref<!tpu.dma_semaphore, #tpu.memory_space<semaphore_mem>>)
        %dma_start3A_25 = tpu.memref_slice %arg7[%add3A_19] : memref<6400000xf32, #tpu.memory_space<hbm>> -> memref<1024xf32, #tpu.memory_space<hbm>>
        %dma_start3A_26 = tpu.memref_slice %arg7[%add3A_19] : memref<6400000xf32, #tpu.memory_space<hbm>> -> memref<1024xf32, #tpu.memory_space<hbm>>
        tpu.enqueue_dma source(%dma_start3A_26 : memref<1024xf32, #tpu.memory_space<hbm>>) target(%arg21 : memref<1024xf32, #tpu.memory_space<vmem>>) target_semaphore(%arg30 : memref<!tpu.dma_semaphore, #tpu.memory_space<semaphore_mem>>)
        %dma_start3A_27 = tpu.memref_slice %arg8[%add3A_19] : memref<6400000xf32, #tpu.memory_space<hbm>> -> memref<1024xf32, #tpu.memory_space<hbm>>
        %dma_start3A_28 = tpu.memref_slice %arg8[%add3A_19] : memref<6400000xf32, #tpu.memory_space<hbm>> -> memref<1024xf32, #tpu.memory_space<hbm>>
        tpu.enqueue_dma source(%dma_start3A_28 : memref<1024xf32, #tpu.memory_space<hbm>>) target(%arg22 : memref<1024xf32, #tpu.memory_space<vmem>>) target_semaphore(%arg30 : memref<!tpu.dma_semaphore, #tpu.memory_space<semaphore_mem>>)
        %dma_start3A_29 = tpu.memref_slice %arg9[%add3A_19] : memref<6400000xf32, #tpu.memory_space<hbm>> -> memref<1024xf32, #tpu.memory_space<hbm>>
        %dma_start3A_30 = tpu.memref_slice %arg9[%add3A_19] : memref<6400000xf32, #tpu.memory_space<hbm>> -> memref<1024xf32, #tpu.memory_space<hbm>>
        tpu.enqueue_dma source(%dma_start3A_30 : memref<1024xf32, #tpu.memory_space<hbm>>) target(%arg23 : memref<1024xf32, #tpu.memory_space<vmem>>) target_semaphore(%arg30 : memref<!tpu.dma_semaphore, #tpu.memory_space<semaphore_mem>>)
        %dma_wait3A = tpu.memref_slice %arg5[%add3A_19] : memref<6400000xi32, #tpu.memory_space<hbm>> -> memref<1024xi32, #tpu.memory_space<hbm>>
        %dma_wait3A_31 = tpu.memref_slice %arg5[%add3A_19] : memref<6400000xi32, #tpu.memory_space<hbm>> -> memref<1024xi32, #tpu.memory_space<hbm>>
        tpu.wait_dma2 semaphore(%arg30 : memref<!tpu.dma_semaphore, #tpu.memory_space<semaphore_mem>>) src(%dma_wait3A_31 : memref<1024xi32, #tpu.memory_space<hbm>>) dst(%arg13 : memref<1024xi32, #tpu.memory_space<vmem>>)
        %dma_wait3A_32 = tpu.memref_slice %arg6[%add3A_19] : memref<6400000xi32, #tpu.memory_space<hbm>> -> memref<1024xi32, #tpu.memory_space<hbm>>
        %dma_wait3A_33 = tpu.memref_slice %arg6[%add3A_19] : memref<6400000xi32, #tpu.memory_space<hbm>> -> memref<1024xi32, #tpu.memory_space<hbm>>
        tpu.wait_dma2 semaphore(%arg30 : memref<!tpu.dma_semaphore, #tpu.memory_space<semaphore_mem>>) src(%dma_wait3A_33 : memref<1024xi32, #tpu.memory_space<hbm>>) dst(%arg14 : memref<1024xi32, #tpu.memory_space<vmem>>)
        %dma_wait3A_34 = tpu.memref_slice %arg7[%add3A_19] : memref<6400000xf32, #tpu.memory_space<hbm>> -> memref<1024xf32, #tpu.memory_space<hbm>>
        %dma_wait3A_35 = tpu.memref_slice %arg7[%add3A_19] : memref<6400000xf32, #tpu.memory_space<hbm>> -> memref<1024xf32, #tpu.memory_space<hbm>>
        tpu.wait_dma2 semaphore(%arg30 : memref<!tpu.dma_semaphore, #tpu.memory_space<semaphore_mem>>) src(%dma_wait3A_35 : memref<1024xf32, #tpu.memory_space<hbm>>) dst(%arg21 : memref<1024xf32, #tpu.memory_space<vmem>>)
        %dma_wait3A_36 = tpu.memref_slice %arg8[%add3A_19] : memref<6400000xf32, #tpu.memory_space<hbm>> -> memref<1024xf32, #tpu.memory_space<hbm>>
        %dma_wait3A_37 = tpu.memref_slice %arg8[%add3A_19] : memref<6400000xf32, #tpu.memory_space<hbm>> -> memref<1024xf32, #tpu.memory_space<hbm>>
        tpu.wait_dma2 semaphore(%arg30 : memref<!tpu.dma_semaphore, #tpu.memory_space<semaphore_mem>>) src(%dma_wait3A_37 : memref<1024xf32, #tpu.memory_space<hbm>>) dst(%arg22 : memref<1024xf32, #tpu.memory_space<vmem>>)
        %dma_wait3A_38 = tpu.memref_slice %arg9[%add3A_19] : memref<6400000xf32, #tpu.memory_space<hbm>> -> memref<1024xf32, #tpu.memory_space<hbm>>
        %dma_wait3A_39 = tpu.memref_slice %arg9[%add3A_19] : memref<6400000xf32, #tpu.memory_space<hbm>> -> memref<1024xf32, #tpu.memory_space<hbm>>
        tpu.wait_dma2 semaphore(%arg30 : memref<!tpu.dma_semaphore, #tpu.memory_space<semaphore_mem>>) src(%dma_wait3A_39 : memref<1024xf32, #tpu.memory_space<hbm>>) dst(%arg23 : memref<1024xf32, #tpu.memory_space<vmem>>)
        %dma_start3A_40 = arith.constant 0 : i32
        %dma_start3A_41 = tpu.memref_slice %arg15[%dma_start3A_40] : memref<1024xf32, #tpu.memory_space<vmem>> -> memref<512xf32, #tpu.memory_space<vmem>>
        %dma_start3A_42 = arith.constant 0 : i32
        %dma_start3A_43 = tpu.memref_slice %arg13[%dma_start3A_42] : memref<1024xi32, #tpu.memory_space<vmem>> -> memref<512xi32, #tpu.memory_space<vmem>>
        %dma_start3A_44 = arith.constant 0 : i32
        %dma_start3A_45 = tpu.memref_slice %arg27[%dma_start3A_44] : memref<100000xf32, #tpu.memory_space<vmem_shared>> -> memref<100000xf32, #tpu.memory_space<vmem_shared>>
        tpu.enqueue_indirect_dma source(%dma_start3A_45 : memref<100000xf32, #tpu.memory_space<vmem_shared>>) target(%dma_start3A_41 : memref<512xf32, #tpu.memory_space<vmem>>) offsets(%dma_start3A_43 : memref<512xi32, #tpu.memory_space<vmem>>) semaphore(%arg30 : memref<!tpu.dma_semaphore, #tpu.memory_space<semaphore_mem>>)
        %dma_start3A_46 = arith.constant 0 : i32
        %dma_start3A_47 = tpu.memref_slice %arg16[%dma_start3A_46] : memref<1024xf32, #tpu.memory_space<vmem>> -> memref<512xf32, #tpu.memory_space<vmem>>
        %dma_start3A_48 = arith.constant 0 : i32
        %dma_start3A_49 = tpu.memref_slice %arg13[%dma_start3A_48] : memref<1024xi32, #tpu.memory_space<vmem>> -> memref<512xi32, #tpu.memory_space<vmem>>
        %dma_start3A_50 = arith.constant 0 : i32
        %dma_start3A_51 = tpu.memref_slice %arg28[%dma_start3A_50] : memref<100000xf32, #tpu.memory_space<vmem_shared>> -> memref<100000xf32, #tpu.memory_space<vmem_shared>>
        tpu.enqueue_indirect_dma source(%dma_start3A_51 : memref<100000xf32, #tpu.memory_space<vmem_shared>>) target(%dma_start3A_47 : memref<512xf32, #tpu.memory_space<vmem>>) offsets(%dma_start3A_49 : memref<512xi32, #tpu.memory_space<vmem>>) semaphore(%arg30 : memref<!tpu.dma_semaphore, #tpu.memory_space<semaphore_mem>>)
        %dma_start3A_52 = arith.constant 0 : i32
        %dma_start3A_53 = tpu.memref_slice %arg17[%dma_start3A_52] : memref<1024xf32, #tpu.memory_space<vmem>> -> memref<512xf32, #tpu.memory_space<vmem>>
        %dma_start3A_54 = arith.constant 0 : i32
        %dma_start3A_55 = tpu.memref_slice %arg13[%dma_start3A_54] : memref<1024xi32, #tpu.memory_space<vmem>> -> memref<512xi32, #tpu.memory_space<vmem>>
        %dma_start3A_56 = arith.constant 0 : i32
        %dma_start3A_57 = tpu.memref_slice %arg29[%dma_start3A_56] : memref<100000xf32, #tpu.memory_space<vmem_shared>> -> memref<100000xf32, #tpu.memory_space<vmem_shared>>
        tpu.enqueue_indirect_dma source(%dma_start3A_57 : memref<100000xf32, #tpu.memory_space<vmem_shared>>) target(%dma_start3A_53 : memref<512xf32, #tpu.memory_space<vmem>>) offsets(%dma_start3A_55 : memref<512xi32, #tpu.memory_space<vmem>>) semaphore(%arg30 : memref<!tpu.dma_semaphore, #tpu.memory_space<semaphore_mem>>)
        %dma_start3A_58 = arith.constant 0 : i32
        %dma_start3A_59 = tpu.memref_slice %arg18[%dma_start3A_58] : memref<1024xf32, #tpu.memory_space<vmem>> -> memref<512xf32, #tpu.memory_space<vmem>>
        %dma_start3A_60 = arith.constant 0 : i32
        %dma_start3A_61 = tpu.memref_slice %arg14[%dma_start3A_60] : memref<1024xi32, #tpu.memory_space<vmem>> -> memref<512xi32, #tpu.memory_space<vmem>>
        %dma_start3A_62 = arith.constant 0 : i32
        %dma_start3A_63 = tpu.memref_slice %arg27[%dma_start3A_62] : memref<100000xf32, #tpu.memory_space<vmem_shared>> -> memref<100000xf32, #tpu.memory_space<vmem_shared>>
        tpu.enqueue_indirect_dma source(%dma_start3A_63 : memref<100000xf32, #tpu.memory_space<vmem_shared>>) target(%dma_start3A_59 : memref<512xf32, #tpu.memory_space<vmem>>) offsets(%dma_start3A_61 : memref<512xi32, #tpu.memory_space<vmem>>) semaphore(%arg30 : memref<!tpu.dma_semaphore, #tpu.memory_space<semaphore_mem>>)
        %dma_start3A_64 = arith.constant 0 : i32
        %dma_start3A_65 = tpu.memref_slice %arg19[%dma_start3A_64] : memref<1024xf32, #tpu.memory_space<vmem>> -> memref<512xf32, #tpu.memory_space<vmem>>
        %dma_start3A_66 = arith.constant 0 : i32
        %dma_start3A_67 = tpu.memref_slice %arg14[%dma_start3A_66] : memref<1024xi32, #tpu.memory_space<vmem>> -> memref<512xi32, #tpu.memory_space<vmem>>
        %dma_start3A_68 = arith.constant 0 : i32
        %dma_start3A_69 = tpu.memref_slice %arg28[%dma_start3A_68] : memref<100000xf32, #tpu.memory_space<vmem_shared>> -> memref<100000xf32, #tpu.memory_space<vmem_shared>>
        tpu.enqueue_indirect_dma source(%dma_start3A_69 : memref<100000xf32, #tpu.memory_space<vmem_shared>>) target(%dma_start3A_65 : memref<512xf32, #tpu.memory_space<vmem>>) offsets(%dma_start3A_67 : memref<512xi32, #tpu.memory_space<vmem>>) semaphore(%arg30 : memref<!tpu.dma_semaphore, #tpu.memory_space<semaphore_mem>>)
        %dma_start3A_70 = arith.constant 0 : i32
        %dma_start3A_71 = tpu.memref_slice %arg20[%dma_start3A_70] : memref<1024xf32, #tpu.memory_space<vmem>> -> memref<512xf32, #tpu.memory_space<vmem>>
        %dma_start3A_72 = arith.constant 0 : i32
        %dma_start3A_73 = tpu.memref_slice %arg14[%dma_start3A_72] : memref<1024xi32, #tpu.memory_space<vmem>> -> memref<512xi32, #tpu.memory_space<vmem>>
        %dma_start3A_74 = arith.constant 0 : i32
        %dma_start3A_75 = tpu.memref_slice %arg29[%dma_start3A_74] : memref<100000xf32, #tpu.memory_space<vmem_shared>> -> memref<100000xf32, #tpu.memory_space<vmem_shared>>
        tpu.enqueue_indirect_dma source(%dma_start3A_75 : memref<100000xf32, #tpu.memory_space<vmem_shared>>) target(%dma_start3A_71 : memref<512xf32, #tpu.memory_space<vmem>>) offsets(%dma_start3A_73 : memref<512xi32, #tpu.memory_space<vmem>>) semaphore(%arg30 : memref<!tpu.dma_semaphore, #tpu.memory_space<semaphore_mem>>)
        %dma_start3A_76 = arith.constant 512 : i32
        %dma_start3A_77 = tpu.memref_slice %arg15[%dma_start3A_76] : memref<1024xf32, #tpu.memory_space<vmem>> -> memref<512xf32, #tpu.memory_space<vmem>>
        %dma_start3A_78 = arith.constant 512 : i32
        %dma_start3A_79 = tpu.memref_slice %arg13[%dma_start3A_78] : memref<1024xi32, #tpu.memory_space<vmem>> -> memref<512xi32, #tpu.memory_space<vmem>>
        %dma_start3A_80 = arith.constant 0 : i32
        %dma_start3A_81 = tpu.memref_slice %arg27[%dma_start3A_80] : memref<100000xf32, #tpu.memory_space<vmem_shared>> -> memref<100000xf32, #tpu.memory_space<vmem_shared>>
        tpu.enqueue_indirect_dma source(%dma_start3A_81 : memref<100000xf32, #tpu.memory_space<vmem_shared>>) target(%dma_start3A_77 : memref<512xf32, #tpu.memory_space<vmem>>) offsets(%dma_start3A_79 : memref<512xi32, #tpu.memory_space<vmem>>) semaphore(%arg30 : memref<!tpu.dma_semaphore, #tpu.memory_space<semaphore_mem>>)
        %dma_start3A_82 = arith.constant 512 : i32
        %dma_start3A_83 = tpu.memref_slice %arg16[%dma_start3A_82] : memref<1024xf32, #tpu.memory_space<vmem>> -> memref<512xf32, #tpu.memory_space<vmem>>
        %dma_start3A_84 = arith.constant 512 : i32
        %dma_start3A_85 = tpu.memref_slice %arg13[%dma_start3A_84] : memref<1024xi32, #tpu.memory_space<vmem>> -> memref<512xi32, #tpu.memory_space<vmem>>
        %dma_start3A_86 = arith.constant 0 : i32
        %dma_start3A_87 = tpu.memref_slice %arg28[%dma_start3A_86] : memref<100000xf32, #tpu.memory_space<vmem_shared>> -> memref<100000xf32, #tpu.memory_space<vmem_shared>>
        tpu.enqueue_indirect_dma source(%dma_start3A_87 : memref<100000xf32, #tpu.memory_space<vmem_shared>>) target(%dma_start3A_83 : memref<512xf32, #tpu.memory_space<vmem>>) offsets(%dma_start3A_85 : memref<512xi32, #tpu.memory_space<vmem>>) semaphore(%arg30 : memref<!tpu.dma_semaphore, #tpu.memory_space<semaphore_mem>>)
        %dma_start3A_88 = arith.constant 512 : i32
        %dma_start3A_89 = tpu.memref_slice %arg17[%dma_start3A_88] : memref<1024xf32, #tpu.memory_space<vmem>> -> memref<512xf32, #tpu.memory_space<vmem>>
        %dma_start3A_90 = arith.constant 512 : i32
        %dma_start3A_91 = tpu.memref_slice %arg13[%dma_start3A_90] : memref<1024xi32, #tpu.memory_space<vmem>> -> memref<512xi32, #tpu.memory_space<vmem>>
        %dma_start3A_92 = arith.constant 0 : i32
        %dma_start3A_93 = tpu.memref_slice %arg29[%dma_start3A_92] : memref<100000xf32, #tpu.memory_space<vmem_shared>> -> memref<100000xf32, #tpu.memory_space<vmem_shared>>
        tpu.enqueue_indirect_dma source(%dma_start3A_93 : memref<100000xf32, #tpu.memory_space<vmem_shared>>) target(%dma_start3A_89 : memref<512xf32, #tpu.memory_space<vmem>>) offsets(%dma_start3A_91 : memref<512xi32, #tpu.memory_space<vmem>>) semaphore(%arg30 : memref<!tpu.dma_semaphore, #tpu.memory_space<semaphore_mem>>)
        %dma_start3A_94 = arith.constant 512 : i32
        %dma_start3A_95 = tpu.memref_slice %arg18[%dma_start3A_94] : memref<1024xf32, #tpu.memory_space<vmem>> -> memref<512xf32, #tpu.memory_space<vmem>>
        %dma_start3A_96 = arith.constant 512 : i32
        %dma_start3A_97 = tpu.memref_slice %arg14[%dma_start3A_96] : memref<1024xi32, #tpu.memory_space<vmem>> -> memref<512xi32, #tpu.memory_space<vmem>>
        %dma_start3A_98 = arith.constant 0 : i32
        %dma_start3A_99 = tpu.memref_slice %arg27[%dma_start3A_98] : memref<100000xf32, #tpu.memory_space<vmem_shared>> -> memref<100000xf32, #tpu.memory_space<vmem_shared>>
        tpu.enqueue_indirect_dma source(%dma_start3A_99 : memref<100000xf32, #tpu.memory_space<vmem_shared>>) target(%dma_start3A_95 : memref<512xf32, #tpu.memory_space<vmem>>) offsets(%dma_start3A_97 : memref<512xi32, #tpu.memory_space<vmem>>) semaphore(%arg30 : memref<!tpu.dma_semaphore, #tpu.memory_space<semaphore_mem>>)
        %dma_start3A_100 = arith.constant 512 : i32
        %dma_start3A_101 = tpu.memref_slice %arg19[%dma_start3A_100] : memref<1024xf32, #tpu.memory_space<vmem>> -> memref<512xf32, #tpu.memory_space<vmem>>
        %dma_start3A_102 = arith.constant 512 : i32
        %dma_start3A_103 = tpu.memref_slice %arg14[%dma_start3A_102] : memref<1024xi32, #tpu.memory_space<vmem>> -> memref<512xi32, #tpu.memory_space<vmem>>
        %dma_start3A_104 = arith.constant 0 : i32
        %dma_start3A_105 = tpu.memref_slice %arg28[%dma_start3A_104] : memref<100000xf32, #tpu.memory_space<vmem_shared>> -> memref<100000xf32, #tpu.memory_space<vmem_shared>>
        tpu.enqueue_indirect_dma source(%dma_start3A_105 : memref<100000xf32, #tpu.memory_space<vmem_shared>>) target(%dma_start3A_101 : memref<512xf32, #tpu.memory_space<vmem>>) offsets(%dma_start3A_103 : memref<512xi32, #tpu.memory_space<vmem>>) semaphore(%arg30 : memref<!tpu.dma_semaphore, #tpu.memory_space<semaphore_mem>>)
        %dma_start3A_106 = arith.constant 512 : i32
        %dma_start3A_107 = tpu.memref_slice %arg20[%dma_start3A_106] : memref<1024xf32, #tpu.memory_space<vmem>> -> memref<512xf32, #tpu.memory_space<vmem>>
        %dma_start3A_108 = arith.constant 512 : i32
        %dma_start3A_109 = tpu.memref_slice %arg14[%dma_start3A_108] : memref<1024xi32, #tpu.memory_space<vmem>> -> memref<512xi32, #tpu.memory_space<vmem>>
        %dma_start3A_110 = arith.constant 0 : i32
        %dma_start3A_111 = tpu.memref_slice %arg29[%dma_start3A_110] : memref<100000xf32, #tpu.memory_space<vmem_shared>> -> memref<100000xf32, #tpu.memory_space<vmem_shared>>
        tpu.enqueue_indirect_dma source(%dma_start3A_111 : memref<100000xf32, #tpu.memory_space<vmem_shared>>) target(%dma_start3A_107 : memref<512xf32, #tpu.memory_space<vmem>>) offsets(%dma_start3A_109 : memref<512xi32, #tpu.memory_space<vmem>>) semaphore(%arg30 : memref<!tpu.dma_semaphore, #tpu.memory_space<semaphore_mem>>)
        %dma_wait3A_112 = arith.constant 0 : i32
        %dma_wait3A_113 = tpu.memref_slice %arg15[%dma_wait3A_112] : memref<1024xf32, #tpu.memory_space<vmem>> -> memref<512xf32, #tpu.memory_space<vmem>>
        %dma_wait3A_114 = arith.constant 0 : i32
        %dma_wait3A_115 = tpu.memref_slice %arg13[%dma_wait3A_114] : memref<1024xi32, #tpu.memory_space<vmem>> -> memref<512xi32, #tpu.memory_space<vmem>>
        %dma_wait3A_116 = arith.constant 0 : i32
        %dma_wait3A_117 = tpu.memref_slice %arg27[%dma_wait3A_116] : memref<100000xf32, #tpu.memory_space<vmem_shared>> -> memref<100000xf32, #tpu.memory_space<vmem_shared>>
        tpu.wait_indirect_dma semaphore(%arg30 : memref<!tpu.dma_semaphore, #tpu.memory_space<semaphore_mem>>) src(%dma_wait3A_117 : memref<100000xf32, #tpu.memory_space<vmem_shared>>) dst(%dma_wait3A_113 : memref<512xf32, #tpu.memory_space<vmem>>)
        %dma_wait3A_118 = arith.constant 0 : i32
        %dma_wait3A_119 = tpu.memref_slice %arg16[%dma_wait3A_118] : memref<1024xf32, #tpu.memory_space<vmem>> -> memref<512xf32, #tpu.memory_space<vmem>>
        %dma_wait3A_120 = arith.constant 0 : i32
        %dma_wait3A_121 = tpu.memref_slice %arg13[%dma_wait3A_120] : memref<1024xi32, #tpu.memory_space<vmem>> -> memref<512xi32, #tpu.memory_space<vmem>>
        %dma_wait3A_122 = arith.constant 0 : i32
        %dma_wait3A_123 = tpu.memref_slice %arg28[%dma_wait3A_122] : memref<100000xf32, #tpu.memory_space<vmem_shared>> -> memref<100000xf32, #tpu.memory_space<vmem_shared>>
        tpu.wait_indirect_dma semaphore(%arg30 : memref<!tpu.dma_semaphore, #tpu.memory_space<semaphore_mem>>) src(%dma_wait3A_123 : memref<100000xf32, #tpu.memory_space<vmem_shared>>) dst(%dma_wait3A_119 : memref<512xf32, #tpu.memory_space<vmem>>)
        %dma_wait3A_124 = arith.constant 0 : i32
        %dma_wait3A_125 = tpu.memref_slice %arg17[%dma_wait3A_124] : memref<1024xf32, #tpu.memory_space<vmem>> -> memref<512xf32, #tpu.memory_space<vmem>>
        %dma_wait3A_126 = arith.constant 0 : i32
        %dma_wait3A_127 = tpu.memref_slice %arg13[%dma_wait3A_126] : memref<1024xi32, #tpu.memory_space<vmem>> -> memref<512xi32, #tpu.memory_space<vmem>>
        %dma_wait3A_128 = arith.constant 0 : i32
        %dma_wait3A_129 = tpu.memref_slice %arg29[%dma_wait3A_128] : memref<100000xf32, #tpu.memory_space<vmem_shared>> -> memref<100000xf32, #tpu.memory_space<vmem_shared>>
        tpu.wait_indirect_dma semaphore(%arg30 : memref<!tpu.dma_semaphore, #tpu.memory_space<semaphore_mem>>) src(%dma_wait3A_129 : memref<100000xf32, #tpu.memory_space<vmem_shared>>) dst(%dma_wait3A_125 : memref<512xf32, #tpu.memory_space<vmem>>)
        %dma_wait3A_130 = arith.constant 0 : i32
        %dma_wait3A_131 = tpu.memref_slice %arg18[%dma_wait3A_130] : memref<1024xf32, #tpu.memory_space<vmem>> -> memref<512xf32, #tpu.memory_space<vmem>>
        %dma_wait3A_132 = arith.constant 0 : i32
        %dma_wait3A_133 = tpu.memref_slice %arg14[%dma_wait3A_132] : memref<1024xi32, #tpu.memory_space<vmem>> -> memref<512xi32, #tpu.memory_space<vmem>>
        %dma_wait3A_134 = arith.constant 0 : i32
        %dma_wait3A_135 = tpu.memref_slice %arg27[%dma_wait3A_134] : memref<100000xf32, #tpu.memory_space<vmem_shared>> -> memref<100000xf32, #tpu.memory_space<vmem_shared>>
        tpu.wait_indirect_dma semaphore(%arg30 : memref<!tpu.dma_semaphore, #tpu.memory_space<semaphore_mem>>) src(%dma_wait3A_135 : memref<100000xf32, #tpu.memory_space<vmem_shared>>) dst(%dma_wait3A_131 : memref<512xf32, #tpu.memory_space<vmem>>)
        %dma_wait3A_136 = arith.constant 0 : i32
        %dma_wait3A_137 = tpu.memref_slice %arg19[%dma_wait3A_136] : memref<1024xf32, #tpu.memory_space<vmem>> -> memref<512xf32, #tpu.memory_space<vmem>>
        %dma_wait3A_138 = arith.constant 0 : i32
        %dma_wait3A_139 = tpu.memref_slice %arg14[%dma_wait3A_138] : memref<1024xi32, #tpu.memory_space<vmem>> -> memref<512xi32, #tpu.memory_space<vmem>>
        %dma_wait3A_140 = arith.constant 0 : i32
        %dma_wait3A_141 = tpu.memref_slice %arg28[%dma_wait3A_140] : memref<100000xf32, #tpu.memory_space<vmem_shared>> -> memref<100000xf32, #tpu.memory_space<vmem_shared>>
        tpu.wait_indirect_dma semaphore(%arg30 : memref<!tpu.dma_semaphore, #tpu.memory_space<semaphore_mem>>) src(%dma_wait3A_141 : memref<100000xf32, #tpu.memory_space<vmem_shared>>) dst(%dma_wait3A_137 : memref<512xf32, #tpu.memory_space<vmem>>)
        %dma_wait3A_142 = arith.constant 0 : i32
        %dma_wait3A_143 = tpu.memref_slice %arg20[%dma_wait3A_142] : memref<1024xf32, #tpu.memory_space<vmem>> -> memref<512xf32, #tpu.memory_space<vmem>>
        %dma_wait3A_144 = arith.constant 0 : i32
        %dma_wait3A_145 = tpu.memref_slice %arg14[%dma_wait3A_144] : memref<1024xi32, #tpu.memory_space<vmem>> -> memref<512xi32, #tpu.memory_space<vmem>>
        %dma_wait3A_146 = arith.constant 0 : i32
        %dma_wait3A_147 = tpu.memref_slice %arg29[%dma_wait3A_146] : memref<100000xf32, #tpu.memory_space<vmem_shared>> -> memref<100000xf32, #tpu.memory_space<vmem_shared>>
        tpu.wait_indirect_dma semaphore(%arg30 : memref<!tpu.dma_semaphore, #tpu.memory_space<semaphore_mem>>) src(%dma_wait3A_147 : memref<100000xf32, #tpu.memory_space<vmem_shared>>) dst(%dma_wait3A_143 : memref<512xf32, #tpu.memory_space<vmem>>)
        %dma_wait3A_148 = arith.constant 512 : i32
        %dma_wait3A_149 = tpu.memref_slice %arg15[%dma_wait3A_148] : memref<1024xf32, #tpu.memory_space<vmem>> -> memref<512xf32, #tpu.memory_space<vmem>>
        %dma_wait3A_150 = arith.constant 512 : i32
        %dma_wait3A_151 = tpu.memref_slice %arg13[%dma_wait3A_150] : memref<1024xi32, #tpu.memory_space<vmem>> -> memref<512xi32, #tpu.memory_space<vmem>>
        %dma_wait3A_152 = arith.constant 0 : i32
        %dma_wait3A_153 = tpu.memref_slice %arg27[%dma_wait3A_152] : memref<100000xf32, #tpu.memory_space<vmem_shared>> -> memref<100000xf32, #tpu.memory_space<vmem_shared>>
        tpu.wait_indirect_dma semaphore(%arg30 : memref<!tpu.dma_semaphore, #tpu.memory_space<semaphore_mem>>) src(%dma_wait3A_153 : memref<100000xf32, #tpu.memory_space<vmem_shared>>) dst(%dma_wait3A_149 : memref<512xf32, #tpu.memory_space<vmem>>)
        %dma_wait3A_154 = arith.constant 512 : i32
        %dma_wait3A_155 = tpu.memref_slice %arg16[%dma_wait3A_154] : memref<1024xf32, #tpu.memory_space<vmem>> -> memref<512xf32, #tpu.memory_space<vmem>>
        %dma_wait3A_156 = arith.constant 512 : i32
        %dma_wait3A_157 = tpu.memref_slice %arg13[%dma_wait3A_156] : memref<1024xi32, #tpu.memory_space<vmem>> -> memref<512xi32, #tpu.memory_space<vmem>>
        %dma_wait3A_158 = arith.constant 0 : i32
        %dma_wait3A_159 = tpu.memref_slice %arg28[%dma_wait3A_158] : memref<100000xf32, #tpu.memory_space<vmem_shared>> -> memref<100000xf32, #tpu.memory_space<vmem_shared>>
        tpu.wait_indirect_dma semaphore(%arg30 : memref<!tpu.dma_semaphore, #tpu.memory_space<semaphore_mem>>) src(%dma_wait3A_159 : memref<100000xf32, #tpu.memory_space<vmem_shared>>) dst(%dma_wait3A_155 : memref<512xf32, #tpu.memory_space<vmem>>)
        %dma_wait3A_160 = arith.constant 512 : i32
        %dma_wait3A_161 = tpu.memref_slice %arg17[%dma_wait3A_160] : memref<1024xf32, #tpu.memory_space<vmem>> -> memref<512xf32, #tpu.memory_space<vmem>>
        %dma_wait3A_162 = arith.constant 512 : i32
        %dma_wait3A_163 = tpu.memref_slice %arg13[%dma_wait3A_162] : memref<1024xi32, #tpu.memory_space<vmem>> -> memref<512xi32, #tpu.memory_space<vmem>>
        %dma_wait3A_164 = arith.constant 0 : i32
        %dma_wait3A_165 = tpu.memref_slice %arg29[%dma_wait3A_164] : memref<100000xf32, #tpu.memory_space<vmem_shared>> -> memref<100000xf32, #tpu.memory_space<vmem_shared>>
        tpu.wait_indirect_dma semaphore(%arg30 : memref<!tpu.dma_semaphore, #tpu.memory_space<semaphore_mem>>) src(%dma_wait3A_165 : memref<100000xf32, #tpu.memory_space<vmem_shared>>) dst(%dma_wait3A_161 : memref<512xf32, #tpu.memory_space<vmem>>)
        %dma_wait3A_166 = arith.constant 512 : i32
        %dma_wait3A_167 = tpu.memref_slice %arg18[%dma_wait3A_166] : memref<1024xf32, #tpu.memory_space<vmem>> -> memref<512xf32, #tpu.memory_space<vmem>>
        %dma_wait3A_168 = arith.constant 512 : i32
        %dma_wait3A_169 = tpu.memref_slice %arg14[%dma_wait3A_168] : memref<1024xi32, #tpu.memory_space<vmem>> -> memref<512xi32, #tpu.memory_space<vmem>>
        %dma_wait3A_170 = arith.constant 0 : i32
        %dma_wait3A_171 = tpu.memref_slice %arg27[%dma_wait3A_170] : memref<100000xf32, #tpu.memory_space<vmem_shared>> -> memref<100000xf32, #tpu.memory_space<vmem_shared>>
        tpu.wait_indirect_dma semaphore(%arg30 : memref<!tpu.dma_semaphore, #tpu.memory_space<semaphore_mem>>) src(%dma_wait3A_171 : memref<100000xf32, #tpu.memory_space<vmem_shared>>) dst(%dma_wait3A_167 : memref<512xf32, #tpu.memory_space<vmem>>)
        %dma_wait3A_172 = arith.constant 512 : i32
        %dma_wait3A_173 = tpu.memref_slice %arg19[%dma_wait3A_172] : memref<1024xf32, #tpu.memory_space<vmem>> -> memref<512xf32, #tpu.memory_space<vmem>>
        %dma_wait3A_174 = arith.constant 512 : i32
        %dma_wait3A_175 = tpu.memref_slice %arg14[%dma_wait3A_174] : memref<1024xi32, #tpu.memory_space<vmem>> -> memref<512xi32, #tpu.memory_space<vmem>>
        %dma_wait3A_176 = arith.constant 0 : i32
        %dma_wait3A_177 = tpu.memref_slice %arg28[%dma_wait3A_176] : memref<100000xf32, #tpu.memory_space<vmem_shared>> -> memref<100000xf32, #tpu.memory_space<vmem_shared>>
        tpu.wait_indirect_dma semaphore(%arg30 : memref<!tpu.dma_semaphore, #tpu.memory_space<semaphore_mem>>) src(%dma_wait3A_177 : memref<100000xf32, #tpu.memory_space<vmem_shared>>) dst(%dma_wait3A_173 : memref<512xf32, #tpu.memory_space<vmem>>)
        %dma_wait3A_178 = arith.constant 512 : i32
        %dma_wait3A_179 = tpu.memref_slice %arg20[%dma_wait3A_178] : memref<1024xf32, #tpu.memory_space<vmem>> -> memref<512xf32, #tpu.memory_space<vmem>>
        %dma_wait3A_180 = arith.constant 512 : i32
        %dma_wait3A_181 = tpu.memref_slice %arg14[%dma_wait3A_180] : memref<1024xi32, #tpu.memory_space<vmem>> -> memref<512xi32, #tpu.memory_space<vmem>>
        %dma_wait3A_182 = arith.constant 0 : i32
        %dma_wait3A_183 = tpu.memref_slice %arg29[%dma_wait3A_182] : memref<100000xf32, #tpu.memory_space<vmem_shared>> -> memref<100000xf32, #tpu.memory_space<vmem_shared>>
        tpu.wait_indirect_dma semaphore(%arg30 : memref<!tpu.dma_semaphore, #tpu.memory_space<semaphore_mem>>) src(%dma_wait3A_183 : memref<100000xf32, #tpu.memory_space<vmem_shared>>) dst(%dma_wait3A_179 : memref<512xf32, #tpu.memory_space<vmem>>)
        %get3A = arith.constant 0 : index
        %get3A_184 = tpu.vector_load %arg18[%get3A] {strides = array<i32>} : memref<1024xf32, #tpu.memory_space<vmem>>, vector<16xf32>,
        %get3A_185 = arith.constant 0 : index
        %get3A_186 = tpu.vector_load %arg15[%get3A_185] {strides = array<i32>} : memref<1024xf32, #tpu.memory_space<vmem>>, vector<16xf32>,
        %sub3A = arith.subf %get3A_184, %get3A_186 : vector<16xf32>
        %get3A_187 = arith.constant 0 : index
        %get3A_188 = tpu.vector_load %arg21[%get3A_187] {strides = array<i32>} : memref<1024xf32, #tpu.memory_space<vmem>>, vector<16xf32>,
        %add3A_189 = arith.addf %sub3A, %get3A_188 : vector<16xf32>
        %swap3A = arith.constant 0 : index
        %swap3A_190 = tpu.vector_load %arg24[%swap3A] {strides = array<i32>} : memref<1024xf32, #tpu.memory_space<vmem>>, vector<16xf32>,
        tpu.vector_store %arg24[%swap3A], %add3A_189 {strides = array<i32>} : memref<1024xf32, #tpu.memory_space<vmem>>, vector<16xf32>,
        %get3A_191 = arith.constant 0 : index
        %get3A_192 = tpu.vector_load %arg19[%get3A_191] {strides = array<i32>} : memref<1024xf32, #tpu.memory_space<vmem>>, vector<16xf32>,
        %get3A_193 = arith.constant 0 : index
        %get3A_194 = tpu.vector_load %arg16[%get3A_193] {strides = array<i32>} : memref<1024xf32, #tpu.memory_space<vmem>>, vector<16xf32>,
        %sub3A_195 = arith.subf %get3A_192, %get3A_194 : vector<16xf32>
        %get3A_196 = arith.constant 0 : index
        %get3A_197 = tpu.vector_load %arg22[%get3A_196] {strides = array<i32>} : memref<1024xf32, #tpu.memory_space<vmem>>, vector<16xf32>,
        %add3A_198 = arith.addf %sub3A_195, %get3A_197 : vector<16xf32>
        %swap3A_199 = arith.constant 0 : index
        %swap3A_200 = tpu.vector_load %arg25[%swap3A_199] {strides = array<i32>} : memref<1024xf32, #tpu.memory_space<vmem>>, vector<16xf32>,
        tpu.vector_store %arg25[%swap3A_199], %add3A_198 {strides = array<i32>} : memref<1024xf32, #tpu.memory_space<vmem>>, vector<16xf32>,
        %get3A_201 = arith.constant 0 : index
        %get3A_202 = tpu.vector_load %arg20[%get3A_201] {strides = array<i32>} : memref<1024xf32, #tpu.memory_space<vmem>>, vector<16xf32>,
        %get3A_203 = arith.constant 0 : index
        %get3A_204 = tpu.vector_load %arg17[%get3A_203] {strides = array<i32>} : memref<1024xf32, #tpu.memory_space<vmem>>, vector<16xf32>,
        %sub3A_205 = arith.subf %get3A_202, %get3A_204 : vector<16xf32>
        %get3A_206 = arith.constant 0 : index
        %get3A_207 = tpu.vector_load %arg23[%get3A_206] {strides = array<i32>} : memref<1024xf32, #tpu.memory_space<vmem>>, vector<16xf32>,
        %add3A_208 = arith.addf %sub3A_205, %get3A_207 : vector<16xf32>
        %swap3A_209 = arith.constant 0 : index
        %swap3A_210 = tpu.vector_load %arg26[%swap3A_209] {strides = array<i32>} : memref<1024xf32, #tpu.memory_space<vmem>>, vector<16xf32>,
        tpu.vector_store %arg26[%swap3A_209], %add3A_208 {strides = array<i32>} : memref<1024xf32, #tpu.memory_space<vmem>>, vector<16xf32>,
        %get3A_211 = arith.constant 16 : index
        %get3A_212 = tpu.vector_load %arg18[%get3A_211] {strides = array<i32>} : memref<1024xf32, #tpu.memory_space<vmem>>, vector<16xf32>,
        %get3A_213 = arith.constant 16 : index
        %get3A_214 = tpu.vector_load %arg15[%get3A_213] {strides = array<i32>} : memref<1024xf32, #tpu.memory_space<vmem>>, vector<16xf32>,
        %sub3A_215 = arith.subf %get3A_212, %get3A_214 : vector<16xf32>
        %get3A_216 = arith.constant 16 : index
        %get3A_217 = tpu.vector_load %arg21[%get3A_216] {strides = array<i32>} : memref<1024xf32, #tpu.memory_space<vmem>>, vector<16xf32>,
        %add3A_218 = arith.addf %sub3A_215, %get3A_217 : vector<16xf32>
        %swap3A_219 = arith.constant 16 : index
        %swap3A_220 = tpu.vector_load %arg24[%swap3A_219] {strides = array<i32>} : memref<1024xf32, #tpu.memory_space<vmem>>, vector<16xf32>,
        tpu.vector_store %arg24[%swap3A_219], %add3A_218 {strides = array<i32>} : memref<1024xf32, #tpu.memory_space<vmem>>, vector<16xf32>,
        %get3A_221 = arith.constant 16 : index
        %get3A_222 = tpu.vector_load %arg19[%get3A_221] {strides = array<i32>} : memref<1024xf32, #tpu.memory_space<vmem>>, vector<16xf32>,
        %get3A_223 = arith.constant 16 : index
        %get3A_224 = tpu.vector_load %arg16[%get3A_223] {strides = array<i32>} : memref<1024xf32, #tpu.memory_space<vmem>>, vector<16xf32>,
        %sub3A_225 = arith.subf %get3A_222, %get3A_224 : vector<16xf32>
        %get3A_226 = arith.constant 16 : index
        %get3A_227 = tpu.vector_load %arg22[%get3A_226] {strides = array<i32>} : memref<1024xf32, #tpu.memory_space<vmem>>, vector<16xf32>,
        %add3A_228 = arith.addf %sub3A_225, %get3A_227 : vector<16xf32>
        %swap3A_229 = arith.constant 16 : index
        %swap3A_230 = tpu.vector_load %arg25[%swap3A_229] {strides = array<i32>} : memref<1024xf32, #tpu.memory_space<vmem>>, vector<16xf32>,
        tpu.vector_store %arg25[%swap3A_229], %add3A_228 {strides = array<i32>} : memref<1024xf32, #tpu.memory_space<vmem>>, vector<16xf32>,
        %get3A_231 = arith.constant 16 : index
        %get3A_232 = tpu.vector_load %arg20[%get3A_231] {strides = array<i32>} : memref<1024xf32, #tpu.memory_space<vmem>>, vector<16xf32>,
        %get3A_233 = arith.constant 16 : index
        %get3A_234 = tpu.vector_load %arg17[%get3A_233] {strides = array<i32>} : memref<1024xf32, #tpu.memory_space<vmem>>, vector<16xf32>,
        %sub3A_235 = arith.subf %get3A_232, %get3A_234 : vector<16xf32>
        %get3A_236 = arith.constant 16 : index
        %get3A_237 = tpu.vector_load %arg23[%get3A_236] {strides = array<i32>} : memref<1024xf32, #tpu.memory_space<vmem>>, vector<16xf32>,
        %add3A_238 = arith.addf %sub3A_235, %get3A_237 : vector<16xf32>
        %swap3A_239 = arith.constant 16 : index
        %swap3A_240 = tpu.vector_load %arg26[%swap3A_239] {strides = array<i32>} : memref<1024xf32, #tpu.memory_space<vmem>>, vector<16xf32>,
        tpu.vector_store %arg26[%swap3A_239], %add3A_238 {strides = array<i32>} : memref<1024xf32, #tpu.memory_space<vmem>>, vector<16xf32>,
        %get3A_241 = arith.constant 32 : index
        %get3A_242 = tpu.vector_load %arg18[%get3A_241] {strides = array<i32>} : memref<1024xf32, #tpu.memory_space<vmem>>, vector<16xf32>,
        %get3A_243 = arith.constant 32 : index
        %get3A_244 = tpu.vector_load %arg15[%get3A_243] {strides = array<i32>} : memref<1024xf32, #tpu.memory_space<vmem>>, vector<16xf32>,
        %sub3A_245 = arith.subf %get3A_242, %get3A_244 : vector<16xf32>
        %get3A_246 = arith.constant 32 : index
        %get3A_247 = tpu.vector_load %arg21[%get3A_246] {strides = array<i32>} : memref<1024xf32, #tpu.memory_space<vmem>>, vector<16xf32>,
        %add3A_248 = arith.addf %sub3A_245, %get3A_247 : vector<16xf32>
        %swap3A_249 = arith.constant 32 : index
        %swap3A_250 = tpu.vector_load %arg24[%swap3A_249] {strides = array<i32>} : memref<1024xf32, #tpu.memory_space<vmem>>, vector<16xf32>,
        tpu.vector_store %arg24[%swap3A_249], %add3A_248 {strides = array<i32>} : memref<1024xf32, #tpu.memory_space<vmem>>, vector<16xf32>,
        %get3A_251 = arith.constant 32 : index
        %get3A_252 = tpu.vector_load %arg19[%get3A_251] {strides = array<i32>} : memref<1024xf32, #tpu.memory_space<vmem>>, vector<16xf32>,
        %get3A_253 = arith.constant 32 : index
        %get3A_254 = tpu.vector_load %arg16[%get3A_253] {strides = array<i32>} : memref<1024xf32, #tpu.memory_space<vmem>>, vector<16xf32>,
        %sub3A_255 = arith.subf %get3A_252, %get3A_254 : vector<16xf32>
        %get3A_256 = arith.constant 32 : index
        %get3A_257 = tpu.vector_load %arg22[%get3A_256] {strides = array<i32>} : memref<1024xf32, #tpu.memory_space<vmem>>, vector<16xf32>,
        %add3A_258 = arith.addf %sub3A_255, %get3A_257 : vector<16xf32>
        %swap3A_259 = arith.constant 32 : index
        %swap3A_260 = tpu.vector_load %arg25[%swap3A_259] {strides = array<i32>} : memref<1024xf32, #tpu.memory_space<vmem>>, vector<16xf32>,
        tpu.vector_store %arg25[%swap3A_259], %add3A_258 {strides = array<i32>} : memref<1024xf32, #tpu.memory_space<vmem>>, vector<16xf32>,
        %get3A_261 = arith.constant 32 : index
        %get3A_262 = tpu.vector_load %arg20[%get3A_261] {strides = array<i32>} : memref<1024xf32, #tpu.memory_space<vmem>>, vector<16xf32>,
        %get3A_263 = arith.constant 32 : index
        %get3A_264 = tpu.vector_load %arg17[%get3A_263] {strides = array<i32>} : memref<1024xf32, #tpu.memory_space<vmem>>, vector<16xf32>,
        %sub3A_265 = arith.subf %get3A_262, %get3A_264 : vector<16xf32>
        %get3A_266 = arith.constant 32 : index
        %get3A_267 = tpu.vector_load %arg23[%get3A_266] {strides = array<i32>} : memref<1024xf32, #tpu.memory_space<vmem>>, vector<16xf32>,
        %add3A_268 = arith.addf %sub3A_265, %get3A_267 : vector<16xf32>
        %swap3A_269 = arith.constant 32 : index
        %swap3A_270 = tpu.vector_load %arg26[%swap3A_269] {strides = array<i32>} : memref<1024xf32, #tpu.memory_space<vmem>>, vector<16xf32>,
        tpu.vector_store %arg26[%swap3A_269], %add3A_268 {strides = array<i32>} : memref<1024xf32, #tpu.memory_space<vmem>>, vector<16xf32>,
        %get3A_271 = arith.constant 48 : index
        %get3A_272 = tpu.vector_load %arg18[%get3A_271] {strides = array<i32>} : memref<1024xf32, #tpu.memory_space<vmem>>, vector<16xf32>,
        %get3A_273 = arith.constant 48 : index
        %get3A_274 = tpu.vector_load %arg15[%get3A_273] {strides = array<i32>} : memref<1024xf32, #tpu.memory_space<vmem>>, vector<16xf32>,
        %sub3A_275 = arith.subf %get3A_272, %get3A_274 : vector<16xf32>
        %get3A_276 = arith.constant 48 : index
        %get3A_277 = tpu.vector_load %arg21[%get3A_276] {strides = array<i32>} : memref<1024xf32, #tpu.memory_space<vmem>>, vector<16xf32>,
        %add3A_278 = arith.addf %sub3A_275, %get3A_277 : vector<16xf32>
        %swap3A_279 = arith.constant 48 : index
        %swap3A_280 = tpu.vector_load %arg24[%swap3A_279] {strides = array<i32>} : memref<1024xf32, #tpu.memory_space<vmem>>, vector<16xf32>,
        tpu.vector_store %arg24[%swap3A_279], %add3A_278 {strides = array<i32>} : memref<1024xf32, #tpu.memory_space<vmem>>, vector<16xf32>,
        %get3A_281 = arith.constant 48 : index
        %get3A_282 = tpu.vector_load %arg19[%get3A_281] {strides = array<i32>} : memref<1024xf32, #tpu.memory_space<vmem>>, vector<16xf32>,
        %get3A_283 = arith.constant 48 : index
        %get3A_284 = tpu.vector_load %arg16[%get3A_283] {strides = array<i32>} : memref<1024xf32, #tpu.memory_space<vmem>>, vector<16xf32>,
        %sub3A_285 = arith.subf %get3A_282, %get3A_284 : vector<16xf32>
        %get3A_286 = arith.constant 48 : index
        %get3A_287 = tpu.vector_load %arg22[%get3A_286] {strides = array<i32>} : memref<1024xf32, #tpu.memory_space<vmem>>, vector<16xf32>,
        %add3A_288 = arith.addf %sub3A_285, %get3A_287 : vector<16xf32>
        %swap3A_289 = arith.constant 48 : index
        %swap3A_290 = tpu.vector_load %arg25[%swap3A_289] {strides = array<i32>} : memref<1024xf32, #tpu.memory_space<vmem>>, vector<16xf32>,
        tpu.vector_store %arg25[%swap3A_289], %add3A_288 {strides = array<i32>} : memref<1024xf32, #tpu.memory_space<vmem>>, vector<16xf32>,
        %get3A_291 = arith.constant 48 : index
        %get3A_292 = tpu.vector_load %arg20[%get3A_291] {strides = array<i32>} : memref<1024xf32, #tpu.memory_space<vmem>>, vector<16xf32>,
        %get3A_293 = arith.constant 48 : index
        %get3A_294 = tpu.vector_load %arg17[%get3A_293] {strides = array<i32>} : memref<1024xf32, #tpu.memory_space<vmem>>, vector<16xf32>,
        %sub3A_295 = arith.subf %get3A_292, %get3A_294 : vector<16xf32>
        %get3A_296 = arith.constant 48 : index
        %get3A_297 = tpu.vector_load %arg23[%get3A_296] {strides = array<i32>} : memref<1024xf32, #tpu.memory_space<vmem>>, vector<16xf32>,
        %add3A_298 = arith.addf %sub3A_295, %get3A_297 : vector<16xf32>
        %swap3A_299 = arith.constant 48 : index
        %swap3A_300 = tpu.vector_load %arg26[%swap3A_299] {strides = array<i32>} : memref<1024xf32, #tpu.memory_space<vmem>>, vector<16xf32>,
        tpu.vector_store %arg26[%swap3A_299], %add3A_298 {strides = array<i32>} : memref<1024xf32, #tpu.memory_space<vmem>>, vector<16xf32>,
        %get3A_301 = arith.constant 64 : index
        %get3A_302 = tpu.vector_load %arg18[%get3A_301] {strides = array<i32>} : memref<1024xf32, #tpu.memory_space<vmem>>, vector<16xf32>,
        %get3A_303 = arith.constant 64 : index
        %get3A_304 = tpu.vector_load %arg15[%get3A_303] {strides = array<i32>} : memref<1024xf32, #tpu.memory_space<vmem>>, vector<16xf32>,
        %sub3A_305 = arith.subf %get3A_302, %get3A_304 : vector<16xf32>
        %get3A_306 = arith.constant 64 : index
        %get3A_307 = tpu.vector_load %arg21[%get3A_306] {strides = array<i32>} : memref<1024xf32, #tpu.memory_space<vmem>>, vector<16xf32>,
        %add3A_308 = arith.addf %sub3A_305, %get3A_307 : vector<16xf32>
        %swap3A_309 = arith.constant 64 : index
        %swap3A_310 = tpu.vector_load %arg24[%swap3A_309] {strides = array<i32>} : memref<1024xf32, #tpu.memory_space<vmem>>, vector<16xf32>,
        tpu.vector_store %arg24[%swap3A_309], %add3A_308 {strides = array<i32>} : memref<1024xf32, #tpu.memory_space<vmem>>, vector<16xf32>,
        %get3A_311 = arith.constant 64 : index
        %get3A_312 = tpu.vector_load %arg19[%get3A_311] {strides = array<i32>} : memref<1024xf32, #tpu.memory_space<vmem>>, vector<16xf32>,
        %get3A_313 = arith.constant 64 : index
        %get3A_314 = tpu.vector_load %arg16[%get3A_313] {strides = array<i32>} : memref<1024xf32, #tpu.memory_space<vmem>>, vector<16xf32>,
        %sub3A_315 = arith.subf %get3A_312, %get3A_314 : vector<16xf32>
        %get3A_316 = arith.constant 64 : index
        %get3A_317 = tpu.vector_load %arg22[%get3A_316] {strides = array<i32>} : memref<1024xf32, #tpu.memory_space<vmem>>, vector<16xf32>,
        %add3A_318 = arith.addf %sub3A_315, %get3A_317 : vector<16xf32>
        %swap3A_319 = arith.constant 64 : index
        %swap3A_320 = tpu.vector_load %arg25[%swap3A_319] {strides = array<i32>} : memref<1024xf32, #tpu.memory_space<vmem>>, vector<16xf32>,
        tpu.vector_store %arg25[%swap3A_319], %add3A_318 {strides = array<i32>} : memref<1024xf32, #tpu.memory_space<vmem>>, vector<16xf32>,
        %get3A_321 = arith.constant 64 : index
        %get3A_322 = tpu.vector_load %arg20[%get3A_321] {strides = array<i32>} : memref<1024xf32, #tpu.memory_space<vmem>>, vector<16xf32>,
        %get3A_323 = arith.constant 64 : index
        %get3A_324 = tpu.vector_load %arg17[%get3A_323] {strides = array<i32>} : memref<1024xf32, #tpu.memory_space<vmem>>, vector<16xf32>,
        %sub3A_325 = arith.subf %get3A_322, %get3A_324 : vector<16xf32>
        %get3A_326 = arith.constant 64 : index
        %get3A_327 = tpu.vector_load %arg23[%get3A_326] {strides = array<i32>} : memref<1024xf32, #tpu.memory_space<vmem>>, vector<16xf32>,
        %add3A_328 = arith.addf %sub3A_325, %get3A_327 : vector<16xf32>
        %swap3A_329 = arith.constant 64 : index
        %swap3A_330 = tpu.vector_load %arg26[%swap3A_329] {strides = array<i32>} : memref<1024xf32, #tpu.memory_space<vmem>>, vector<16xf32>,
        tpu.vector_store %arg26[%swap3A_329], %add3A_328 {strides = array<i32>} : memref<1024xf32, #tpu.memory_space<vmem>>, vector<16xf32>,
        %get3A_331 = arith.constant 80 : index
        %get3A_332 = tpu.vector_load %arg18[%get3A_331] {strides = array<i32>} : memref<1024xf32, #tpu.memory_space<vmem>>, vector<16xf32>,
        %get3A_333 = arith.constant 80 : index
        %get3A_334 = tpu.vector_load %arg15[%get3A_333] {strides = array<i32>} : memref<1024xf32, #tpu.memory_space<vmem>>, vector<16xf32>,
        %sub3A_335 = arith.subf %get3A_332, %get3A_334 : vector<16xf32>
        %get3A_336 = arith.constant 80 : index
        %get3A_337 = tpu.vector_load %arg21[%get3A_336] {strides = array<i32>} : memref<1024xf32, #tpu.memory_space<vmem>>, vector<16xf32>,
        %add3A_338 = arith.addf %sub3A_335, %get3A_337 : vector<16xf32>
        %swap3A_339 = arith.constant 80 : index
        %swap3A_340 = tpu.vector_load %arg24[%swap3A_339] {strides = array<i32>} : memref<1024xf32, #tpu.memory_space<vmem>>, vector<16xf32>,
        tpu.vector_store %arg24[%swap3A_339], %add3A_338 {strides = array<i32>} : memref<1024xf32, #tpu.memory_space<vmem>>, vector<16xf32>,
        %get3A_341 = arith.constant 80 : index
        %get3A_342 = tpu.vector_load %arg19[%get3A_341] {strides = array<i32>} : memref<1024xf32, #tpu.memory_space<vmem>>, vector<16xf32>,
        %get3A_343 = arith.constant 80 : index
        %get3A_344 = tpu.vector_load %arg16[%get3A_343] {strides = array<i32>} : memref<1024xf32, #tpu.memory_space<vmem>>, vector<16xf32>,
        %sub3A_345 = arith.subf %get3A_342, %get3A_344 : vector<16xf32>
        %get3A_346 = arith.constant 80 : index
        %get3A_347 = tpu.vector_load %arg22[%get3A_346] {strides = array<i32>} : memref<1024xf32, #tpu.memory_space<vmem>>, vector<16xf32>,
        %add3A_348 = arith.addf %sub3A_345, %get3A_347 : vector<16xf32>
        %swap3A_349 = arith.constant 80 : index
        %swap3A_350 = tpu.vector_load %arg25[%swap3A_349] {strides = array<i32>} : memref<1024xf32, #tpu.memory_space<vmem>>, vector<16xf32>,
        tpu.vector_store %arg25[%swap3A_349], %add3A_348 {strides = array<i32>} : memref<1024xf32, #tpu.memory_space<vmem>>, vector<16xf32>,
        %get3A_351 = arith.constant 80 : index
        %get3A_352 = tpu.vector_load %arg20[%get3A_351] {strides = array<i32>} : memref<1024xf32, #tpu.memory_space<vmem>>, vector<16xf32>,
        %get3A_353 = arith.constant 80 : index
        %get3A_354 = tpu.vector_load %arg17[%get3A_353] {strides = array<i32>} : memref<1024xf32, #tpu.memory_space<vmem>>, vector<16xf32>,
        %sub3A_355 = arith.subf %get3A_352, %get3A_354 : vector<16xf32>
        %get3A_356 = arith.constant 80 : index
        %get3A_357 = tpu.vector_load %arg23[%get3A_356] {strides = array<i32>} : memref<1024xf32, #tpu.memory_space<vmem>>, vector<16xf32>,
        %add3A_358 = arith.addf %sub3A_355, %get3A_357 : vector<16xf32>
        %swap3A_359 = arith.constant 80 : index
        %swap3A_360 = tpu.vector_load %arg26[%swap3A_359] {strides = array<i32>} : memref<1024xf32, #tpu.memory_space<vmem>>, vector<16xf32>,
        tpu.vector_store %arg26[%swap3A_359], %add3A_358 {strides = array<i32>} : memref<1024xf32, #tpu.memory_space<vmem>>, vector<16xf32>,
        %get3A_361 = arith.constant 96 : index
        %get3A_362 = tpu.vector_load %arg18[%get3A_361] {strides = array<i32>} : memref<1024xf32, #tpu.memory_space<vmem>>, vector<16xf32>,
        %get3A_363 = arith.constant 96 : index
        %get3A_364 = tpu.vector_load %arg15[%get3A_363] {strides = array<i32>} : memref<1024xf32, #tpu.memory_space<vmem>>, vector<16xf32>,
        %sub3A_365 = arith.subf %get3A_362, %get3A_364 : vector<16xf32>
        %get3A_366 = arith.constant 96 : index
        %get3A_367 = tpu.vector_load %arg21[%get3A_366] {strides = array<i32>} : memref<1024xf32, #tpu.memory_space<vmem>>, vector<16xf32>,
        %add3A_368 = arith.addf %sub3A_365, %get3A_367 : vector<16xf32>
        %swap3A_369 = arith.constant 96 : index
        %swap3A_370 = tpu.vector_load %arg24[%swap3A_369] {strides = array<i32>} : memref<1024xf32, #tpu.memory_space<vmem>>, vector<16xf32>,
        tpu.vector_store %arg24[%swap3A_369], %add3A_368 {strides = array<i32>} : memref<1024xf32, #tpu.memory_space<vmem>>, vector<16xf32>,
        %get3A_371 = arith.constant 96 : index
        %get3A_372 = tpu.vector_load %arg19[%get3A_371] {strides = array<i32>} : memref<1024xf32, #tpu.memory_space<vmem>>, vector<16xf32>,
        %get3A_373 = arith.constant 96 : index
        %get3A_374 = tpu.vector_load %arg16[%get3A_373] {strides = array<i32>} : memref<1024xf32, #tpu.memory_space<vmem>>, vector<16xf32>,
        %sub3A_375 = arith.subf %get3A_372, %get3A_374 : vector<16xf32>
        %get3A_376 = arith.constant 96 : index
        %get3A_377 = tpu.vector_load %arg22[%get3A_376] {strides = array<i32>} : memref<1024xf32, #tpu.memory_space<vmem>>, vector<16xf32>,
        %add3A_378 = arith.addf %sub3A_375, %get3A_377 : vector<16xf32>
        %swap3A_379 = arith.constant 96 : index
        %swap3A_380 = tpu.vector_load %arg25[%swap3A_379] {strides = array<i32>} : memref<1024xf32, #tpu.memory_space<vmem>>, vector<16xf32>,
        tpu.vector_store %arg25[%swap3A_379], %add3A_378 {strides = array<i32>} : memref<1024xf32, #tpu.memory_space<vmem>>, vector<16xf32>,
        %get3A_381 = arith.constant 96 : index
        %get3A_382 = tpu.vector_load %arg20[%get3A_381] {strides = array<i32>} : memref<1024xf32, #tpu.memory_space<vmem>>, vector<16xf32>,
        %get3A_383 = arith.constant 96 : index
        %get3A_384 = tpu.vector_load %arg17[%get3A_383] {strides = array<i32>} : memref<1024xf32, #tpu.memory_space<vmem>>, vector<16xf32>,
        %sub3A_385 = arith.subf %get3A_382, %get3A_384 : vector<16xf32>
        %get3A_386 = arith.constant 96 : index
        %get3A_387 = tpu.vector_load %arg23[%get3A_386] {strides = array<i32>} : memref<1024xf32, #tpu.memory_space<vmem>>, vector<16xf32>,
        %add3A_388 = arith.addf %sub3A_385, %get3A_387 : vector<16xf32>
        %swap3A_389 = arith.constant 96 : index
        %swap3A_390 = tpu.vector_load %arg26[%swap3A_389] {strides = array<i32>} : memref<1024xf32, #tpu.memory_space<vmem>>, vector<16xf32>,
        tpu.vector_store %arg26[%swap3A_389], %add3A_388 {strides = array<i32>} : memref<1024xf32, #tpu.memory_space<vmem>>, vector<16xf32>,
        %get3A_391 = arith.constant 112 : index
        %get3A_392 = tpu.vector_load %arg18[%get3A_391] {strides = array<i32>} : memref<1024xf32, #tpu.memory_space<vmem>>, vector<16xf32>,
        %get3A_393 = arith.constant 112 : index
        %get3A_394 = tpu.vector_load %arg15[%get3A_393] {strides = array<i32>} : memref<1024xf32, #tpu.memory_space<vmem>>, vector<16xf32>,
        %sub3A_395 = arith.subf %get3A_392, %get3A_394 : vector<16xf32>
        %get3A_396 = arith.constant 112 : index
        %get3A_397 = tpu.vector_load %arg21[%get3A_396] {strides = array<i32>} : memref<1024xf32, #tpu.memory_space<vmem>>, vector<16xf32>,
        %add3A_398 = arith.addf %sub3A_395, %get3A_397 : vector<16xf32>
        %swap3A_399 = arith.constant 112 : index
        %swap3A_400 = tpu.vector_load %arg24[%swap3A_399] {strides = array<i32>} : memref<1024xf32, #tpu.memory_space<vmem>>, vector<16xf32>,
        tpu.vector_store %arg24[%swap3A_399], %add3A_398 {strides = array<i32>} : memref<1024xf32, #tpu.memory_space<vmem>>, vector<16xf32>,
        %get3A_401 = arith.constant 112 : index
        %get3A_402 = tpu.vector_load %arg19[%get3A_401] {strides = array<i32>} : memref<1024xf32, #tpu.memory_space<vmem>>, vector<16xf32>,
        %get3A_403 = arith.constant 112 : index
        %get3A_404 = tpu.vector_load %arg16[%get3A_403] {strides = array<i32>} : memref<1024xf32, #tpu.memory_space<vmem>>, vector<16xf32>,
        %sub3A_405 = arith.subf %get3A_402, %get3A_404 : vector<16xf32>
        %get3A_406 = arith.constant 112 : index
        %get3A_407 = tpu.vector_load %arg22[%get3A_406] {strides = array<i32>} : memref<1024xf32, #tpu.memory_space<vmem>>, vector<16xf32>,
        %add3A_408 = arith.addf %sub3A_405, %get3A_407 : vector<16xf32>
        %swap3A_409 = arith.constant 112 : index
        %swap3A_410 = tpu.vector_load %arg25[%swap3A_409] {strides = array<i32>} : memref<1024xf32, #tpu.memory_space<vmem>>, vector<16xf32>,
        tpu.vector_store %arg25[%swap3A_409], %add3A_408 {strides = array<i32>} : memref<1024xf32, #tpu.memory_space<vmem>>, vector<16xf32>,
        %get3A_411 = arith.constant 112 : index
        %get3A_412 = tpu.vector_load %arg20[%get3A_411] {strides = array<i32>} : memref<1024xf32, #tpu.memory_space<vmem>>, vector<16xf32>,
        %get3A_413 = arith.constant 112 : index
        %get3A_414 = tpu.vector_load %arg17[%get3A_413] {strides = array<i32>} : memref<1024xf32, #tpu.memory_space<vmem>>, vector<16xf32>,
        %sub3A_415 = arith.subf %get3A_412, %get3A_414 : vector<16xf32>
        %get3A_416 = arith.constant 112 : index
        %get3A_417 = tpu.vector_load %arg23[%get3A_416] {strides = array<i32>} : memref<1024xf32, #tpu.memory_space<vmem>>, vector<16xf32>,
        %add3A_418 = arith.addf %sub3A_415, %get3A_417 : vector<16xf32>
        %swap3A_419 = arith.constant 112 : index
        %swap3A_420 = tpu.vector_load %arg26[%swap3A_419] {strides = array<i32>} : memref<1024xf32, #tpu.memory_space<vmem>>, vector<16xf32>,
        tpu.vector_store %arg26[%swap3A_419], %add3A_418 {strides = array<i32>} : memref<1024xf32, #tpu.memory_space<vmem>>, vector<16xf32>,
        %get3A_421 = arith.constant 128 : index
        %get3A_422 = tpu.vector_load %arg18[%get3A_421] {strides = array<i32>} : memref<1024xf32, #tpu.memory_space<vmem>>, vector<16xf32>,
        %get3A_423 = arith.constant 128 : index
        %get3A_424 = tpu.vector_load %arg15[%get3A_423] {strides = array<i32>} : memref<1024xf32, #tpu.memory_space<vmem>>, vector<16xf32>,
        %sub3A_425 = arith.subf %get3A_422, %get3A_424 : vector<16xf32>
        %get3A_426 = arith.constant 128 : index
        %get3A_427 = tpu.vector_load %arg21[%get3A_426] {strides = array<i32>} : memref<1024xf32, #tpu.memory_space<vmem>>, vector<16xf32>,
        %add3A_428 = arith.addf %sub3A_425, %get3A_427 : vector<16xf32>
        %swap3A_429 = arith.constant 128 : index
        %swap3A_430 = tpu.vector_load %arg24[%swap3A_429] {strides = array<i32>} : memref<1024xf32, #tpu.memory_space<vmem>>, vector<16xf32>,
        tpu.vector_store %arg24[%swap3A_429], %add3A_428 {strides = array<i32>} : memref<1024xf32, #tpu.memory_space<vmem>>, vector<16xf32>,
        %get3A_431 = arith.constant 128 : index
        %get3A_432 = tpu.vector_load %arg19[%get3A_431] {strides = array<i32>} : memref<1024xf32, #tpu.memory_space<vmem>>, vector<16xf32>,
        %get3A_433 = arith.constant 128 : index
        %get3A_434 = tpu.vector_load %arg16[%get3A_433] {strides = array<i32>} : memref<1024xf32, #tpu.memory_space<vmem>>, vector<16xf32>,
        %sub3A_435 = arith.subf %get3A_432, %get3A_434 : vector<16xf32>
        %get3A_436 = arith.constant 128 : index
        %get3A_437 = tpu.vector_load %arg22[%get3A_436] {strides = array<i32>} : memref<1024xf32, #tpu.memory_space<vmem>>, vector<16xf32>,
        %add3A_438 = arith.addf %sub3A_435, %get3A_437 : vector<16xf32>
        %swap3A_439 = arith.constant 128 : index
        %swap3A_440 = tpu.vector_load %arg25[%swap3A_439] {strides = array<i32>} : memref<1024xf32, #tpu.memory_space<vmem>>, vector<16xf32>,
        tpu.vector_store %arg25[%swap3A_439], %add3A_438 {strides = array<i32>} : memref<1024xf32, #tpu.memory_space<vmem>>, vector<16xf32>,
        %get3A_441 = arith.constant 128 : index
        %get3A_442 = tpu.vector_load %arg20[%get3A_441] {strides = array<i32>} : memref<1024xf32, #tpu.memory_space<vmem>>, vector<16xf32>,
        %get3A_443 = arith.constant 128 : index
        %get3A_444 = tpu.vector_load %arg17[%get3A_443] {strides = array<i32>} : memref<1024xf32, #tpu.memory_space<vmem>>, vector<16xf32>,
        %sub3A_445 = arith.subf %get3A_442, %get3A_444 : vector<16xf32>
        %get3A_446 = arith.constant 128 : index
        %get3A_447 = tpu.vector_load %arg23[%get3A_446] {strides = array<i32>} : memref<1024xf32, #tpu.memory_space<vmem>>, vector<16xf32>,
        %add3A_448 = arith.addf %sub3A_445, %get3A_447 : vector<16xf32>
        %swap3A_449 = arith.constant 128 : index
        %swap3A_450 = tpu.vector_load %arg26[%swap3A_449] {strides = array<i32>} : memref<1024xf32, #tpu.memory_space<vmem>>, vector<16xf32>,
        tpu.vector_store %arg26[%swap3A_449], %add3A_448 {strides = array<i32>} : memref<1024xf32, #tpu.memory_space<vmem>>, vector<16xf32>,
        %get3A_451 = arith.constant 144 : index
        %get3A_452 = tpu.vector_load %arg18[%get3A_451] {strides = array<i32>} : memref<1024xf32, #tpu.memory_space<vmem>>, vector<16xf32>,
        %get3A_453 = arith.constant 144 : index
        %get3A_454 = tpu.vector_load %arg15[%get3A_453] {strides = array<i32>} : memref<1024xf32, #tpu.memory_space<vmem>>, vector<16xf32>,
        %sub3A_455 = arith.subf %get3A_452, %get3A_454 : vector<16xf32>
        %get3A_456 = arith.constant 144 : index
        %get3A_457 = tpu.vector_load %arg21[%get3A_456] {strides = array<i32>} : memref<1024xf32, #tpu.memory_space<vmem>>, vector<16xf32>,
        %add3A_458 = arith.addf %sub3A_455, %get3A_457 : vector<16xf32>
        %swap3A_459 = arith.constant 144 : index
        %swap3A_460 = tpu.vector_load %arg24[%swap3A_459] {strides = array<i32>} : memref<1024xf32, #tpu.memory_space<vmem>>, vector<16xf32>,
        tpu.vector_store %arg24[%swap3A_459], %add3A_458 {strides = array<i32>} : memref<1024xf32, #tpu.memory_space<vmem>>, vector<16xf32>,
        %get3A_461 = arith.constant 144 : index
        %get3A_462 = tpu.vector_load %arg19[%get3A_461] {strides = array<i32>} : memref<1024xf32, #tpu.memory_space<vmem>>, vector<16xf32>,
        %get3A_463 = arith.constant 144 : index
        %get3A_464 = tpu.vector_load %arg16[%get3A_463] {strides = array<i32>} : memref<1024xf32, #tpu.memory_space<vmem>>, vector<16xf32>,
        %sub3A_465 = arith.subf %get3A_462, %get3A_464 : vector<16xf32>
        %get3A_466 = arith.constant 144 : index
        %get3A_467 = tpu.vector_load %arg22[%get3A_466] {strides = array<i32>} : memref<1024xf32, #tpu.memory_space<vmem>>, vector<16xf32>,
        %add3A_468 = arith.addf %sub3A_465, %get3A_467 : vector<16xf32>
        %swap3A_469 = arith.constant 144 : index
        %swap3A_470 = tpu.vector_load %arg25[%swap3A_469] {strides = array<i32>} : memref<1024xf32, #tpu.memory_space<vmem>>, vector<16xf32>,
        tpu.vector_store %arg25[%swap3A_469], %add3A_468 {strides = array<i32>} : memref<1024xf32, #tpu.memory_space<vmem>>, vector<16xf32>,
        %get3A_471 = arith.constant 144 : index
        %get3A_472 = tpu.vector_load %arg20[%get3A_471] {strides = array<i32>} : memref<1024xf32, #tpu.memory_space<vmem>>, vector<16xf32>,
        %get3A_473 = arith.constant 144 : index
        %get3A_474 = tpu.vector_load %arg17[%get3A_473] {strides = array<i32>} : memref<1024xf32, #tpu.memory_space<vmem>>, vector<16xf32>,
        %sub3A_475 = arith.subf %get3A_472, %get3A_474 : vector<16xf32>
        %get3A_476 = arith.constant 144 : index
        %get3A_477 = tpu.vector_load %arg23[%get3A_476] {strides = array<i32>} : memref<1024xf32, #tpu.memory_space<vmem>>, vector<16xf32>,
        %add3A_478 = arith.addf %sub3A_475, %get3A_477 : vector<16xf32>
        %swap3A_479 = arith.constant 144 : index
        %swap3A_480 = tpu.vector_load %arg26[%swap3A_479] {strides = array<i32>} : memref<1024xf32, #tpu.memory_space<vmem>>, vector<16xf32>,
        tpu.vector_store %arg26[%swap3A_479], %add3A_478 {strides = array<i32>} : memref<1024xf32, #tpu.memory_space<vmem>>, vector<16xf32>,
        %get3A_481 = arith.constant 160 : index
        %get3A_482 = tpu.vector_load %arg18[%get3A_481] {strides = array<i32>} : memref<1024xf32, #tpu.memory_space<vmem>>, vector<16xf32>,
        %get3A_483 = arith.constant 160 : index
        %get3A_484 = tpu.vector_load %arg15[%get3A_483] {strides = array<i32>} : memref<1024xf32, #tpu.memory_space<vmem>>, vector<16xf32>,
        %sub3A_485 = arith.subf %get3A_482, %get3A_484 : vector<16xf32>
        %get3A_486 = arith.constant 160 : index
        %get3A_487 = tpu.vector_load %arg21[%get3A_486] {strides = array<i32>} : memref<1024xf32, #tpu.memory_space<vmem>>, vector<16xf32>,
        %add3A_488 = arith.addf %sub3A_485, %get3A_487 : vector<16xf32>
        %swap3A_489 = arith.constant 160 : index
        %swap3A_490 = tpu.vector_load %arg24[%swap3A_489] {strides = array<i32>} : memref<1024xf32, #tpu.memory_space<vmem>>, vector<16xf32>,
        tpu.vector_store %arg24[%swap3A_489], %add3A_488 {strides = array<i32>} : memref<1024xf32, #tpu.memory_space<vmem>>, vector<16xf32>,
        %get3A_491 = arith.constant 160 : index
        %get3A_492 = tpu.vector_load %arg19[%get3A_491] {strides = array<i32>} : memref<1024xf32, #tpu.memory_space<vmem>>, vector<16xf32>,
        %get3A_493 = arith.constant 160 : index
        %get3A_494 = tpu.vector_load %arg16[%get3A_493] {strides = array<i32>} : memref<1024xf32, #tpu.memory_space<vmem>>, vector<16xf32>,
        %sub3A_495 = arith.subf %get3A_492, %get3A_494 : vector<16xf32>
        %get3A_496 = arith.constant 160 : index
        %get3A_497 = tpu.vector_load %arg22[%get3A_496] {strides = array<i32>} : memref<1024xf32, #tpu.memory_space<vmem>>, vector<16xf32>,
        %add3A_498 = arith.addf %sub3A_495, %get3A_497 : vector<16xf32>
        %swap3A_499 = arith.constant 160 : index
        %swap3A_500 = tpu.vector_load %arg25[%swap3A_499] {strides = array<i32>} : memref<1024xf32, #tpu.memory_space<vmem>>, vector<16xf32>,
        tpu.vector_store %arg25[%swap3A_499], %add3A_498 {strides = array<i32>} : memref<1024xf32, #tpu.memory_space<vmem>>, vector<16xf32>,
        %get3A_501 = arith.constant 160 : index
        %get3A_502 = tpu.vector_load %arg20[%get3A_501] {strides = array<i32>} : memref<1024xf32, #tpu.memory_space<vmem>>, vector<16xf32>,
        %get3A_503 = arith.constant 160 : index
        %get3A_504 = tpu.vector_load %arg17[%get3A_503] {strides = array<i32>} : memref<1024xf32, #tpu.memory_space<vmem>>, vector<16xf32>,
        %sub3A_505 = arith.subf %get3A_502, %get3A_504 : vector<16xf32>
        %get3A_506 = arith.constant 160 : index
        %get3A_507 = tpu.vector_load %arg23[%get3A_506] {strides = array<i32>} : memref<1024xf32, #tpu.memory_space<vmem>>, vector<16xf32>,
        %add3A_508 = arith.addf %sub3A_505, %get3A_507 : vector<16xf32>
        %swap3A_509 = arith.constant 160 : index
        %swap3A_510 = tpu.vector_load %arg26[%swap3A_509] {strides = array<i32>} : memref<1024xf32, #tpu.memory_space<vmem>>, vector<16xf32>,
        tpu.vector_store %arg26[%swap3A_509], %add3A_508 {strides = array<i32>} : memref<1024xf32, #tpu.memory_space<vmem>>, vector<16xf32>,
        %get3A_511 = arith.constant 176 : index
        %get3A_512 = tpu.vector_load %arg18[%get3A_511] {strides = array<i32>} : memref<1024xf32, #tpu.memory_space<vmem>>, vector<16xf32>,
        %get3A_513 = arith.constant 176 : index
        %get3A_514 = tpu.vector_load %arg15[%get3A_513] {strides = array<i32>} : memref<1024xf32, #tpu.memory_space<vmem>>, vector<16xf32>,
        %sub3A_515 = arith.subf %get3A_512, %get3A_514 : vector<16xf32>
        %get3A_516 = arith.constant 176 : index
        %get3A_517 = tpu.vector_load %arg21[%get3A_516] {strides = array<i32>} : memref<1024xf32, #tpu.memory_space<vmem>>, vector<16xf32>,
        %add3A_518 = arith.addf %sub3A_515, %get3A_517 : vector<16xf32>
        %swap3A_519 = arith.constant 176 : index
        %swap3A_520 = tpu.vector_load %arg24[%swap3A_519] {strides = array<i32>} : memref<1024xf32, #tpu.memory_space<vmem>>, vector<16xf32>,
        tpu.vector_store %arg24[%swap3A_519], %add3A_518 {strides = array<i32>} : memref<1024xf32, #tpu.memory_space<vmem>>, vector<16xf32>,
        %get3A_521 = arith.constant 176 : index
        %get3A_522 = tpu.vector_load %arg19[%get3A_521] {strides = array<i32>} : memref<1024xf32, #tpu.memory_space<vmem>>, vector<16xf32>,
        %get3A_523 = arith.constant 176 : index
        %get3A_524 = tpu.vector_load %arg16[%get3A_523] {strides = array<i32>} : memref<1024xf32, #tpu.memory_space<vmem>>, vector<16xf32>,
        %sub3A_525 = arith.subf %get3A_522, %get3A_524 : vector<16xf32>
        %get3A_526 = arith.constant 176 : index
        %get3A_527 = tpu.vector_load %arg22[%get3A_526] {strides = array<i32>} : memref<1024xf32, #tpu.memory_space<vmem>>, vector<16xf32>,
        %add3A_528 = arith.addf %sub3A_525, %get3A_527 : vector<16xf32>
        %swap3A_529 = arith.constant 176 : index
        %swap3A_530 = tpu.vector_load %arg25[%swap3A_529] {strides = array<i32>} : memref<1024xf32, #tpu.memory_space<vmem>>, vector<16xf32>,
        tpu.vector_store %arg25[%swap3A_529], %add3A_528 {strides = array<i32>} : memref<1024xf32, #tpu.memory_space<vmem>>, vector<16xf32>,
        %get3A_531 = arith.constant 176 : index
        %get3A_532 = tpu.vector_load %arg20[%get3A_531] {strides = array<i32>} : memref<1024xf32, #tpu.memory_space<vmem>>, vector<16xf32>,
        %get3A_533 = arith.constant 176 : index
        %get3A_534 = tpu.vector_load %arg17[%get3A_533] {strides = array<i32>} : memref<1024xf32, #tpu.memory_space<vmem>>, vector<16xf32>,
        %sub3A_535 = arith.subf %get3A_532, %get3A_534 : vector<16xf32>
        %get3A_536 = arith.constant 176 : index
        %get3A_537 = tpu.vector_load %arg23[%get3A_536] {strides = array<i32>} : memref<1024xf32, #tpu.memory_space<vmem>>, vector<16xf32>,
        %add3A_538 = arith.addf %sub3A_535, %get3A_537 : vector<16xf32>
        %swap3A_539 = arith.constant 176 : index
        %swap3A_540 = tpu.vector_load %arg26[%swap3A_539] {strides = array<i32>} : memref<1024xf32, #tpu.memory_space<vmem>>, vector<16xf32>,
        tpu.vector_store %arg26[%swap3A_539], %add3A_538 {strides = array<i32>} : memref<1024xf32, #tpu.memory_space<vmem>>, vector<16xf32>,
        %get3A_541 = arith.constant 192 : index
        %get3A_542 = tpu.vector_load %arg18[%get3A_541] {strides = array<i32>} : memref<1024xf32, #tpu.memory_space<vmem>>, vector<16xf32>,
        %get3A_543 = arith.constant 192 : index
        %get3A_544 = tpu.vector_load %arg15[%get3A_543] {strides = array<i32>} : memref<1024xf32, #tpu.memory_space<vmem>>, vector<16xf32>,
        %sub3A_545 = arith.subf %get3A_542, %get3A_544 : vector<16xf32>
        %get3A_546 = arith.constant 192 : index
        %get3A_547 = tpu.vector_load %arg21[%get3A_546] {strides = array<i32>} : memref<1024xf32, #tpu.memory_space<vmem>>, vector<16xf32>,
        %add3A_548 = arith.addf %sub3A_545, %get3A_547 : vector<16xf32>
        %swap3A_549 = arith.constant 192 : index
        %swap3A_550 = tpu.vector_load %arg24[%swap3A_549] {strides = array<i32>} : memref<1024xf32, #tpu.memory_space<vmem>>, vector<16xf32>,
        tpu.vector_store %arg24[%swap3A_549], %add3A_548 {strides = array<i32>} : memref<1024xf32, #tpu.memory_space<vmem>>, vector<16xf32>,
        %get3A_551 = arith.constant 192 : index
        %get3A_552 = tpu.vector_load %arg19[%get3A_551] {strides = array<i32>} : memref<1024xf32, #tpu.memory_space<vmem>>, vector<16xf32>,
        %get3A_553 = arith.constant 192 : index
        %get3A_554 = tpu.vector_load %arg16[%get3A_553] {strides = array<i32>} : memref<1024xf32, #tpu.memory_space<vmem>>, vector<16xf32>,
        %sub3A_555 = arith.subf %get3A_552, %get3A_554 : vector<16xf32>
        %get3A_556 = arith.constant 192 : index
        %get3A_557 = tpu.vector_load %arg22[%get3A_556] {strides = array<i32>} : memref<1024xf32, #tpu.memory_space<vmem>>, vector<16xf32>,
        %add3A_558 = arith.addf %sub3A_555, %get3A_557 : vector<16xf32>
        %swap3A_559 = arith.constant 192 : index
        %swap3A_560 = tpu.vector_load %arg25[%swap3A_559] {strides = array<i32>} : memref<1024xf32, #tpu.memory_space<vmem>>, vector<16xf32>,
        tpu.vector_store %arg25[%swap3A_559], %add3A_558 {strides = array<i32>} : memref<1024xf32, #tpu.memory_space<vmem>>, vector<16xf32>,
        %get3A_561 = arith.constant 192 : index
        %get3A_562 = tpu.vector_load %arg20[%get3A_561] {strides = array<i32>} : memref<1024xf32, #tpu.memory_space<vmem>>, vector<16xf32>,
        %get3A_563 = arith.constant 192 : index
        %get3A_564 = tpu.vector_load %arg17[%get3A_563] {strides = array<i32>} : memref<1024xf32, #tpu.memory_space<vmem>>, vector<16xf32>,
        %sub3A_565 = arith.subf %get3A_562, %get3A_564 : vector<16xf32>
        %get3A_566 = arith.constant 192 : index
        %get3A_567 = tpu.vector_load %arg23[%get3A_566] {strides = array<i32>} : memref<1024xf32, #tpu.memory_space<vmem>>, vector<16xf32>,
        %add3A_568 = arith.addf %sub3A_565, %get3A_567 : vector<16xf32>
        %swap3A_569 = arith.constant 192 : index
        %swap3A_570 = tpu.vector_load %arg26[%swap3A_569] {strides = array<i32>} : memref<1024xf32, #tpu.memory_space<vmem>>, vector<16xf32>,
        tpu.vector_store %arg26[%swap3A_569], %add3A_568 {strides = array<i32>} : memref<1024xf32, #tpu.memory_space<vmem>>, vector<16xf32>,
        %get3A_571 = arith.constant 208 : index
        %get3A_572 = tpu.vector_load %arg18[%get3A_571] {strides = array<i32>} : memref<1024xf32, #tpu.memory_space<vmem>>, vector<16xf32>,
        %get3A_573 = arith.constant 208 : index
        %get3A_574 = tpu.vector_load %arg15[%get3A_573] {strides = array<i32>} : memref<1024xf32, #tpu.memory_space<vmem>>, vector<16xf32>,
        %sub3A_575 = arith.subf %get3A_572, %get3A_574 : vector<16xf32>
        %get3A_576 = arith.constant 208 : index
        %get3A_577 = tpu.vector_load %arg21[%get3A_576] {strides = array<i32>} : memref<1024xf32, #tpu.memory_space<vmem>>, vector<16xf32>,
        %add3A_578 = arith.addf %sub3A_575, %get3A_577 : vector<16xf32>
        %swap3A_579 = arith.constant 208 : index
        %swap3A_580 = tpu.vector_load %arg24[%swap3A_579] {strides = array<i32>} : memref<1024xf32, #tpu.memory_space<vmem>>, vector<16xf32>,
        tpu.vector_store %arg24[%swap3A_579], %add3A_578 {strides = array<i32>} : memref<1024xf32, #tpu.memory_space<vmem>>, vector<16xf32>,
        %get3A_581 = arith.constant 208 : index
        %get3A_582 = tpu.vector_load %arg19[%get3A_581] {strides = array<i32>} : memref<1024xf32, #tpu.memory_space<vmem>>, vector<16xf32>,
        %get3A_583 = arith.constant 208 : index
        %get3A_584 = tpu.vector_load %arg16[%get3A_583] {strides = array<i32>} : memref<1024xf32, #tpu.memory_space<vmem>>, vector<16xf32>,
        %sub3A_585 = arith.subf %get3A_582, %get3A_584 : vector<16xf32>
        %get3A_586 = arith.constant 208 : index
        %get3A_587 = tpu.vector_load %arg22[%get3A_586] {strides = array<i32>} : memref<1024xf32, #tpu.memory_space<vmem>>, vector<16xf32>,
        %add3A_588 = arith.addf %sub3A_585, %get3A_587 : vector<16xf32>
        %swap3A_589 = arith.constant 208 : index
        %swap3A_590 = tpu.vector_load %arg25[%swap3A_589] {strides = array<i32>} : memref<1024xf32, #tpu.memory_space<vmem>>, vector<16xf32>,
        tpu.vector_store %arg25[%swap3A_589], %add3A_588 {strides = array<i32>} : memref<1024xf32, #tpu.memory_space<vmem>>, vector<16xf32>,
        %get3A_591 = arith.constant 208 : index
        %get3A_592 = tpu.vector_load %arg20[%get3A_591] {strides = array<i32>} : memref<1024xf32, #tpu.memory_space<vmem>>, vector<16xf32>,
        %get3A_593 = arith.constant 208 : index
        %get3A_594 = tpu.vector_load %arg17[%get3A_593] {strides = array<i32>} : memref<1024xf32, #tpu.memory_space<vmem>>, vector<16xf32>,
        %sub3A_595 = arith.subf %get3A_592, %get3A_594 : vector<16xf32>
        %get3A_596 = arith.constant 208 : index
        %get3A_597 = tpu.vector_load %arg23[%get3A_596] {strides = array<i32>} : memref<1024xf32, #tpu.memory_space<vmem>>, vector<16xf32>,
        %add3A_598 = arith.addf %sub3A_595, %get3A_597 : vector<16xf32>
        %swap3A_599 = arith.constant 208 : index
        %swap3A_600 = tpu.vector_load %arg26[%swap3A_599] {strides = array<i32>} : memref<1024xf32, #tpu.memory_space<vmem>>, vector<16xf32>,
        tpu.vector_store %arg26[%swap3A_599], %add3A_598 {strides = array<i32>} : memref<1024xf32, #tpu.memory_space<vmem>>, vector<16xf32>,
        %get3A_601 = arith.constant 224 : index
        %get3A_602 = tpu.vector_load %arg18[%get3A_601] {strides = array<i32>} : memref<1024xf32, #tpu.memory_space<vmem>>, vector<16xf32>,
        %get3A_603 = arith.constant 224 : index
        %get3A_604 = tpu.vector_load %arg15[%get3A_603] {strides = array<i32>} : memref<1024xf32, #tpu.memory_space<vmem>>, vector<16xf32>,
        %sub3A_605 = arith.subf %get3A_602, %get3A_604 : vector<16xf32>
        %get3A_606 = arith.constant 224 : index
        %get3A_607 = tpu.vector_load %arg21[%get3A_606] {strides = array<i32>} : memref<1024xf32, #tpu.memory_space<vmem>>, vector<16xf32>,
        %add3A_608 = arith.addf %sub3A_605, %get3A_607 : vector<16xf32>
        %swap3A_609 = arith.constant 224 : index
        %swap3A_610 = tpu.vector_load %arg24[%swap3A_609] {strides = array<i32>} : memref<1024xf32, #tpu.memory_space<vmem>>, vector<16xf32>,
        tpu.vector_store %arg24[%swap3A_609], %add3A_608 {strides = array<i32>} : memref<1024xf32, #tpu.memory_space<vmem>>, vector<16xf32>,
        %get3A_611 = arith.constant 224 : index
        %get3A_612 = tpu.vector_load %arg19[%get3A_611] {strides = array<i32>} : memref<1024xf32, #tpu.memory_space<vmem>>, vector<16xf32>,
        %get3A_613 = arith.constant 224 : index
        %get3A_614 = tpu.vector_load %arg16[%get3A_613] {strides = array<i32>} : memref<1024xf32, #tpu.memory_space<vmem>>, vector<16xf32>,
        %sub3A_615 = arith.subf %get3A_612, %get3A_614 : vector<16xf32>
        %get3A_616 = arith.constant 224 : index
        %get3A_617 = tpu.vector_load %arg22[%get3A_616] {strides = array<i32>} : memref<1024xf32, #tpu.memory_space<vmem>>, vector<16xf32>,
        %add3A_618 = arith.addf %sub3A_615, %get3A_617 : vector<16xf32>
        %swap3A_619 = arith.constant 224 : index
        %swap3A_620 = tpu.vector_load %arg25[%swap3A_619] {strides = array<i32>} : memref<1024xf32, #tpu.memory_space<vmem>>, vector<16xf32>,
        tpu.vector_store %arg25[%swap3A_619], %add3A_618 {strides = array<i32>} : memref<1024xf32, #tpu.memory_space<vmem>>, vector<16xf32>,
        %get3A_621 = arith.constant 224 : index
        %get3A_622 = tpu.vector_load %arg20[%get3A_621] {strides = array<i32>} : memref<1024xf32, #tpu.memory_space<vmem>>, vector<16xf32>,
        %get3A_623 = arith.constant 224 : index
        %get3A_624 = tpu.vector_load %arg17[%get3A_623] {strides = array<i32>} : memref<1024xf32, #tpu.memory_space<vmem>>, vector<16xf32>,
        %sub3A_625 = arith.subf %get3A_622, %get3A_624 : vector<16xf32>
        %get3A_626 = arith.constant 224 : index
        %get3A_627 = tpu.vector_load %arg23[%get3A_626] {strides = array<i32>} : memref<1024xf32, #tpu.memory_space<vmem>>, vector<16xf32>,
        %add3A_628 = arith.addf %sub3A_625, %get3A_627 : vector<16xf32>
        %swap3A_629 = arith.constant 224 : index
        %swap3A_630 = tpu.vector_load %arg26[%swap3A_629] {strides = array<i32>} : memref<1024xf32, #tpu.memory_space<vmem>>, vector<16xf32>,
        tpu.vector_store %arg26[%swap3A_629], %add3A_628 {strides = array<i32>} : memref<1024xf32, #tpu.memory_space<vmem>>, vector<16xf32>,
        %get3A_631 = arith.constant 240 : index
        %get3A_632 = tpu.vector_load %arg18[%get3A_631] {strides = array<i32>} : memref<1024xf32, #tpu.memory_space<vmem>>, vector<16xf32>,
        %get3A_633 = arith.constant 240 : index
        %get3A_634 = tpu.vector_load %arg15[%get3A_633] {strides = array<i32>} : memref<1024xf32, #tpu.memory_space<vmem>>, vector<16xf32>,
        %sub3A_635 = arith.subf %get3A_632, %get3A_634 : vector<16xf32>
        %get3A_636 = arith.constant 240 : index
        %get3A_637 = tpu.vector_load %arg21[%get3A_636] {strides = array<i32>} : memref<1024xf32, #tpu.memory_space<vmem>>, vector<16xf32>,
        %add3A_638 = arith.addf %sub3A_635, %get3A_637 : vector<16xf32>
        %swap3A_639 = arith.constant 240 : index
        %swap3A_640 = tpu.vector_load %arg24[%swap3A_639] {strides = array<i32>} : memref<1024xf32, #tpu.memory_space<vmem>>, vector<16xf32>,
        tpu.vector_store %arg24[%swap3A_639], %add3A_638 {strides = array<i32>} : memref<1024xf32, #tpu.memory_space<vmem>>, vector<16xf32>,
        %get3A_641 = arith.constant 240 : index
        %get3A_642 = tpu.vector_load %arg19[%get3A_641] {strides = array<i32>} : memref<1024xf32, #tpu.memory_space<vmem>>, vector<16xf32>,
        %get3A_643 = arith.constant 240 : index
        %get3A_644 = tpu.vector_load %arg16[%get3A_643] {strides = array<i32>} : memref<1024xf32, #tpu.memory_space<vmem>>, vector<16xf32>,
        %sub3A_645 = arith.subf %get3A_642, %get3A_644 : vector<16xf32>
        %get3A_646 = arith.constant 240 : index
        %get3A_647 = tpu.vector_load %arg22[%get3A_646] {strides = array<i32>} : memref<1024xf32, #tpu.memory_space<vmem>>, vector<16xf32>,
        %add3A_648 = arith.addf %sub3A_645, %get3A_647 : vector<16xf32>
        %swap3A_649 = arith.constant 240 : index
        %swap3A_650 = tpu.vector_load %arg25[%swap3A_649] {strides = array<i32>} : memref<1024xf32, #tpu.memory_space<vmem>>, vector<16xf32>,
        tpu.vector_store %arg25[%swap3A_649], %add3A_648 {strides = array<i32>} : memref<1024xf32, #tpu.memory_space<vmem>>, vector<16xf32>,
        %get3A_651 = arith.constant 240 : index
        %get3A_652 = tpu.vector_load %arg20[%get3A_651] {strides = array<i32>} : memref<1024xf32, #tpu.memory_space<vmem>>, vector<16xf32>,
        %get3A_653 = arith.constant 240 : index
        %get3A_654 = tpu.vector_load %arg17[%get3A_653] {strides = array<i32>} : memref<1024xf32, #tpu.memory_space<vmem>>, vector<16xf32>,
        %sub3A_655 = arith.subf %get3A_652, %get3A_654 : vector<16xf32>
        %get3A_656 = arith.constant 240 : index
        %get3A_657 = tpu.vector_load %arg23[%get3A_656] {strides = array<i32>} : memref<1024xf32, #tpu.memory_space<vmem>>, vector<16xf32>,
        %add3A_658 = arith.addf %sub3A_655, %get3A_657 : vector<16xf32>
        %swap3A_659 = arith.constant 240 : index
        %swap3A_660 = tpu.vector_load %arg26[%swap3A_659] {strides = array<i32>} : memref<1024xf32, #tpu.memory_space<vmem>>, vector<16xf32>,
        tpu.vector_store %arg26[%swap3A_659], %add3A_658 {strides = array<i32>} : memref<1024xf32, #tpu.memory_space<vmem>>, vector<16xf32>,
        %get3A_661 = arith.constant 256 : index
        %get3A_662 = tpu.vector_load %arg18[%get3A_661] {strides = array<i32>} : memref<1024xf32, #tpu.memory_space<vmem>>, vector<16xf32>,
        %get3A_663 = arith.constant 256 : index
        %get3A_664 = tpu.vector_load %arg15[%get3A_663] {strides = array<i32>} : memref<1024xf32, #tpu.memory_space<vmem>>, vector<16xf32>,
        %sub3A_665 = arith.subf %get3A_662, %get3A_664 : vector<16xf32>
        %get3A_666 = arith.constant 256 : index
        %get3A_667 = tpu.vector_load %arg21[%get3A_666] {strides = array<i32>} : memref<1024xf32, #tpu.memory_space<vmem>>, vector<16xf32>,
        %add3A_668 = arith.addf %sub3A_665, %get3A_667 : vector<16xf32>
        %swap3A_669 = arith.constant 256 : index
        %swap3A_670 = tpu.vector_load %arg24[%swap3A_669] {strides = array<i32>} : memref<1024xf32, #tpu.memory_space<vmem>>, vector<16xf32>,
        tpu.vector_store %arg24[%swap3A_669], %add3A_668 {strides = array<i32>} : memref<1024xf32, #tpu.memory_space<vmem>>, vector<16xf32>,
        %get3A_671 = arith.constant 256 : index
        %get3A_672 = tpu.vector_load %arg19[%get3A_671] {strides = array<i32>} : memref<1024xf32, #tpu.memory_space<vmem>>, vector<16xf32>,
        %get3A_673 = arith.constant 256 : index
        %get3A_674 = tpu.vector_load %arg16[%get3A_673] {strides = array<i32>} : memref<1024xf32, #tpu.memory_space<vmem>>, vector<16xf32>,
        %sub3A_675 = arith.subf %get3A_672, %get3A_674 : vector<16xf32>
        %get3A_676 = arith.constant 256 : index
        %get3A_677 = tpu.vector_load %arg22[%get3A_676] {strides = array<i32>} : memref<1024xf32, #tpu.memory_space<vmem>>, vector<16xf32>,
        %add3A_678 = arith.addf %sub3A_675, %get3A_677 : vector<16xf32>
        %swap3A_679 = arith.constant 256 : index
        %swap3A_680 = tpu.vector_load %arg25[%swap3A_679] {strides = array<i32>} : memref<1024xf32, #tpu.memory_space<vmem>>, vector<16xf32>,
        tpu.vector_store %arg25[%swap3A_679], %add3A_678 {strides = array<i32>} : memref<1024xf32, #tpu.memory_space<vmem>>, vector<16xf32>,
        %get3A_681 = arith.constant 256 : index
        %get3A_682 = tpu.vector_load %arg20[%get3A_681] {strides = array<i32>} : memref<1024xf32, #tpu.memory_space<vmem>>, vector<16xf32>,
        %get3A_683 = arith.constant 256 : index
        %get3A_684 = tpu.vector_load %arg17[%get3A_683] {strides = array<i32>} : memref<1024xf32, #tpu.memory_space<vmem>>, vector<16xf32>,
        %sub3A_685 = arith.subf %get3A_682, %get3A_684 : vector<16xf32>
        %get3A_686 = arith.constant 256 : index
        %get3A_687 = tpu.vector_load %arg23[%get3A_686] {strides = array<i32>} : memref<1024xf32, #tpu.memory_space<vmem>>, vector<16xf32>,
        %add3A_688 = arith.addf %sub3A_685, %get3A_687 : vector<16xf32>
        %swap3A_689 = arith.constant 256 : index
        %swap3A_690 = tpu.vector_load %arg26[%swap3A_689] {strides = array<i32>} : memref<1024xf32, #tpu.memory_space<vmem>>, vector<16xf32>,
        tpu.vector_store %arg26[%swap3A_689], %add3A_688 {strides = array<i32>} : memref<1024xf32, #tpu.memory_space<vmem>>, vector<16xf32>,
        %get3A_691 = arith.constant 272 : index
        %get3A_692 = tpu.vector_load %arg18[%get3A_691] {strides = array<i32>} : memref<1024xf32, #tpu.memory_space<vmem>>, vector<16xf32>,
        %get3A_693 = arith.constant 272 : index
        %get3A_694 = tpu.vector_load %arg15[%get3A_693] {strides = array<i32>} : memref<1024xf32, #tpu.memory_space<vmem>>, vector<16xf32>,
        %sub3A_695 = arith.subf %get3A_692, %get3A_694 : vector<16xf32>
        %get3A_696 = arith.constant 272 : index
        %get3A_697 = tpu.vector_load %arg21[%get3A_696] {strides = array<i32>} : memref<1024xf32, #tpu.memory_space<vmem>>, vector<16xf32>,
        %add3A_698 = arith.addf %sub3A_695, %get3A_697 : vector<16xf32>
        %swap3A_699 = arith.constant 272 : index
        %swap3A_700 = tpu.vector_load %arg24[%swap3A_699] {strides = array<i32>} : memref<1024xf32, #tpu.memory_space<vmem>>, vector<16xf32>,
        tpu.vector_store %arg24[%swap3A_699], %add3A_698 {strides = array<i32>} : memref<1024xf32, #tpu.memory_space<vmem>>, vector<16xf32>,
        %get3A_701 = arith.constant 272 : index
        %get3A_702 = tpu.vector_load %arg19[%get3A_701] {strides = array<i32>} : memref<1024xf32, #tpu.memory_space<vmem>>, vector<16xf32>,
        %get3A_703 = arith.constant 272 : index
        %get3A_704 = tpu.vector_load %arg16[%get3A_703] {strides = array<i32>} : memref<1024xf32, #tpu.memory_space<vmem>>, vector<16xf32>,
        %sub3A_705 = arith.subf %get3A_702, %get3A_704 : vector<16xf32>
        %get3A_706 = arith.constant 272 : index
        %get3A_707 = tpu.vector_load %arg22[%get3A_706] {strides = array<i32>} : memref<1024xf32, #tpu.memory_space<vmem>>, vector<16xf32>,
        %add3A_708 = arith.addf %sub3A_705, %get3A_707 : vector<16xf32>
        %swap3A_709 = arith.constant 272 : index
        %swap3A_710 = tpu.vector_load %arg25[%swap3A_709] {strides = array<i32>} : memref<1024xf32, #tpu.memory_space<vmem>>, vector<16xf32>,
        tpu.vector_store %arg25[%swap3A_709], %add3A_708 {strides = array<i32>} : memref<1024xf32, #tpu.memory_space<vmem>>, vector<16xf32>,
        %get3A_711 = arith.constant 272 : index
        %get3A_712 = tpu.vector_load %arg20[%get3A_711] {strides = array<i32>} : memref<1024xf32, #tpu.memory_space<vmem>>, vector<16xf32>,
        %get3A_713 = arith.constant 272 : index
        %get3A_714 = tpu.vector_load %arg17[%get3A_713] {strides = array<i32>} : memref<1024xf32, #tpu.memory_space<vmem>>, vector<16xf32>,
        %sub3A_715 = arith.subf %get3A_712, %get3A_714 : vector<16xf32>
        %get3A_716 = arith.constant 272 : index
        %get3A_717 = tpu.vector_load %arg23[%get3A_716] {strides = array<i32>} : memref<1024xf32, #tpu.memory_space<vmem>>, vector<16xf32>,
        %add3A_718 = arith.addf %sub3A_715, %get3A_717 : vector<16xf32>
        %swap3A_719 = arith.constant 272 : index
        %swap3A_720 = tpu.vector_load %arg26[%swap3A_719] {strides = array<i32>} : memref<1024xf32, #tpu.memory_space<vmem>>, vector<16xf32>,
        tpu.vector_store %arg26[%swap3A_719], %add3A_718 {strides = array<i32>} : memref<1024xf32, #tpu.memory_space<vmem>>, vector<16xf32>,
        %get3A_721 = arith.constant 288 : index
        %get3A_722 = tpu.vector_load %arg18[%get3A_721] {strides = array<i32>} : memref<1024xf32, #tpu.memory_space<vmem>>, vector<16xf32>,
        %get3A_723 = arith.constant 288 : index
        %get3A_724 = tpu.vector_load %arg15[%get3A_723] {strides = array<i32>} : memref<1024xf32, #tpu.memory_space<vmem>>, vector<16xf32>,
        %sub3A_725 = arith.subf %get3A_722, %get3A_724 : vector<16xf32>
        %get3A_726 = arith.constant 288 : index
        %get3A_727 = tpu.vector_load %arg21[%get3A_726] {strides = array<i32>} : memref<1024xf32, #tpu.memory_space<vmem>>, vector<16xf32>,
        %add3A_728 = arith.addf %sub3A_725, %get3A_727 : vector<16xf32>
        %swap3A_729 = arith.constant 288 : index
        %swap3A_730 = tpu.vector_load %arg24[%swap3A_729] {strides = array<i32>} : memref<1024xf32, #tpu.memory_space<vmem>>, vector<16xf32>,
        tpu.vector_store %arg24[%swap3A_729], %add3A_728 {strides = array<i32>} : memref<1024xf32, #tpu.memory_space<vmem>>, vector<16xf32>,
        %get3A_731 = arith.constant 288 : index
        %get3A_732 = tpu.vector_load %arg19[%get3A_731] {strides = array<i32>} : memref<1024xf32, #tpu.memory_space<vmem>>, vector<16xf32>,
        %get3A_733 = arith.constant 288 : index
        %get3A_734 = tpu.vector_load %arg16[%get3A_733] {strides = array<i32>} : memref<1024xf32, #tpu.memory_space<vmem>>, vector<16xf32>,
        %sub3A_735 = arith.subf %get3A_732, %get3A_734 : vector<16xf32>
        %get3A_736 = arith.constant 288 : index
        %get3A_737 = tpu.vector_load %arg22[%get3A_736] {strides = array<i32>} : memref<1024xf32, #tpu.memory_space<vmem>>, vector<16xf32>,
        %add3A_738 = arith.addf %sub3A_735, %get3A_737 : vector<16xf32>
        %swap3A_739 = arith.constant 288 : index
        %swap3A_740 = tpu.vector_load %arg25[%swap3A_739] {strides = array<i32>} : memref<1024xf32, #tpu.memory_space<vmem>>, vector<16xf32>,
        tpu.vector_store %arg25[%swap3A_739], %add3A_738 {strides = array<i32>} : memref<1024xf32, #tpu.memory_space<vmem>>, vector<16xf32>,
        %get3A_741 = arith.constant 288 : index
        %get3A_742 = tpu.vector_load %arg20[%get3A_741] {strides = array<i32>} : memref<1024xf32, #tpu.memory_space<vmem>>, vector<16xf32>,
        %get3A_743 = arith.constant 288 : index
        %get3A_744 = tpu.vector_load %arg17[%get3A_743] {strides = array<i32>} : memref<1024xf32, #tpu.memory_space<vmem>>, vector<16xf32>,
        %sub3A_745 = arith.subf %get3A_742, %get3A_744 : vector<16xf32>
        %get3A_746 = arith.constant 288 : index
        %get3A_747 = tpu.vector_load %arg23[%get3A_746] {strides = array<i32>} : memref<1024xf32, #tpu.memory_space<vmem>>, vector<16xf32>,
        %add3A_748 = arith.addf %sub3A_745, %get3A_747 : vector<16xf32>
        %swap3A_749 = arith.constant 288 : index
        %swap3A_750 = tpu.vector_load %arg26[%swap3A_749] {strides = array<i32>} : memref<1024xf32, #tpu.memory_space<vmem>>, vector<16xf32>,
        tpu.vector_store %arg26[%swap3A_749], %add3A_748 {strides = array<i32>} : memref<1024xf32, #tpu.memory_space<vmem>>, vector<16xf32>,
        %get3A_751 = arith.constant 304 : index
        %get3A_752 = tpu.vector_load %arg18[%get3A_751] {strides = array<i32>} : memref<1024xf32, #tpu.memory_space<vmem>>, vector<16xf32>,
        %get3A_753 = arith.constant 304 : index
        %get3A_754 = tpu.vector_load %arg15[%get3A_753] {strides = array<i32>} : memref<1024xf32, #tpu.memory_space<vmem>>, vector<16xf32>,
        %sub3A_755 = arith.subf %get3A_752, %get3A_754 : vector<16xf32>
        %get3A_756 = arith.constant 304 : index
        %get3A_757 = tpu.vector_load %arg21[%get3A_756] {strides = array<i32>} : memref<1024xf32, #tpu.memory_space<vmem>>, vector<16xf32>,
        %add3A_758 = arith.addf %sub3A_755, %get3A_757 : vector<16xf32>
        %swap3A_759 = arith.constant 304 : index
        %swap3A_760 = tpu.vector_load %arg24[%swap3A_759] {strides = array<i32>} : memref<1024xf32, #tpu.memory_space<vmem>>, vector<16xf32>,
        tpu.vector_store %arg24[%swap3A_759], %add3A_758 {strides = array<i32>} : memref<1024xf32, #tpu.memory_space<vmem>>, vector<16xf32>,
        %get3A_761 = arith.constant 304 : index
        %get3A_762 = tpu.vector_load %arg19[%get3A_761] {strides = array<i32>} : memref<1024xf32, #tpu.memory_space<vmem>>, vector<16xf32>,
        %get3A_763 = arith.constant 304 : index
        %get3A_764 = tpu.vector_load %arg16[%get3A_763] {strides = array<i32>} : memref<1024xf32, #tpu.memory_space<vmem>>, vector<16xf32>,
        %sub3A_765 = arith.subf %get3A_762, %get3A_764 : vector<16xf32>
        %get3A_766 = arith.constant 304 : index
        %get3A_767 = tpu.vector_load %arg22[%get3A_766] {strides = array<i32>} : memref<1024xf32, #tpu.memory_space<vmem>>, vector<16xf32>,
        %add3A_768 = arith.addf %sub3A_765, %get3A_767 : vector<16xf32>
        %swap3A_769 = arith.constant 304 : index
        %swap3A_770 = tpu.vector_load %arg25[%swap3A_769] {strides = array<i32>} : memref<1024xf32, #tpu.memory_space<vmem>>, vector<16xf32>,
        tpu.vector_store %arg25[%swap3A_769], %add3A_768 {strides = array<i32>} : memref<1024xf32, #tpu.memory_space<vmem>>, vector<16xf32>,
        %get3A_771 = arith.constant 304 : index
        %get3A_772 = tpu.vector_load %arg20[%get3A_771] {strides = array<i32>} : memref<1024xf32, #tpu.memory_space<vmem>>, vector<16xf32>,
        %get3A_773 = arith.constant 304 : index
        %get3A_774 = tpu.vector_load %arg17[%get3A_773] {strides = array<i32>} : memref<1024xf32, #tpu.memory_space<vmem>>, vector<16xf32>,
        %sub3A_775 = arith.subf %get3A_772, %get3A_774 : vector<16xf32>
        %get3A_776 = arith.constant 304 : index
        %get3A_777 = tpu.vector_load %arg23[%get3A_776] {strides = array<i32>} : memref<1024xf32, #tpu.memory_space<vmem>>, vector<16xf32>,
        %add3A_778 = arith.addf %sub3A_775, %get3A_777 : vector<16xf32>
        %swap3A_779 = arith.constant 304 : index
        %swap3A_780 = tpu.vector_load %arg26[%swap3A_779] {strides = array<i32>} : memref<1024xf32, #tpu.memory_space<vmem>>, vector<16xf32>,
        tpu.vector_store %arg26[%swap3A_779], %add3A_778 {strides = array<i32>} : memref<1024xf32, #tpu.memory_space<vmem>>, vector<16xf32>,
        %get3A_781 = arith.constant 320 : index
        %get3A_782 = tpu.vector_load %arg18[%get3A_781] {strides = array<i32>} : memref<1024xf32, #tpu.memory_space<vmem>>, vector<16xf32>,
        %get3A_783 = arith.constant 320 : index
        %get3A_784 = tpu.vector_load %arg15[%get3A_783] {strides = array<i32>} : memref<1024xf32, #tpu.memory_space<vmem>>, vector<16xf32>,
        %sub3A_785 = arith.subf %get3A_782, %get3A_784 : vector<16xf32>
        %get3A_786 = arith.constant 320 : index
        %get3A_787 = tpu.vector_load %arg21[%get3A_786] {strides = array<i32>} : memref<1024xf32, #tpu.memory_space<vmem>>, vector<16xf32>,
        %add3A_788 = arith.addf %sub3A_785, %get3A_787 : vector<16xf32>
        %swap3A_789 = arith.constant 320 : index
        %swap3A_790 = tpu.vector_load %arg24[%swap3A_789] {strides = array<i32>} : memref<1024xf32, #tpu.memory_space<vmem>>, vector<16xf32>,
        tpu.vector_store %arg24[%swap3A_789], %add3A_788 {strides = array<i32>} : memref<1024xf32, #tpu.memory_space<vmem>>, vector<16xf32>,
        %get3A_791 = arith.constant 320 : index
        %get3A_792 = tpu.vector_load %arg19[%get3A_791] {strides = array<i32>} : memref<1024xf32, #tpu.memory_space<vmem>>, vector<16xf32>,
        %get3A_793 = arith.constant 320 : index
        %get3A_794 = tpu.vector_load %arg16[%get3A_793] {strides = array<i32>} : memref<1024xf32, #tpu.memory_space<vmem>>, vector<16xf32>,
        %sub3A_795 = arith.subf %get3A_792, %get3A_794 : vector<16xf32>
        %get3A_796 = arith.constant 320 : index
        %get3A_797 = tpu.vector_load %arg22[%get3A_796] {strides = array<i32>} : memref<1024xf32, #tpu.memory_space<vmem>>, vector<16xf32>,
        %add3A_798 = arith.addf %sub3A_795, %get3A_797 : vector<16xf32>
        %swap3A_799 = arith.constant 320 : index
        %swap3A_800 = tpu.vector_load %arg25[%swap3A_799] {strides = array<i32>} : memref<1024xf32, #tpu.memory_space<vmem>>, vector<16xf32>,
        tpu.vector_store %arg25[%swap3A_799], %add3A_798 {strides = array<i32>} : memref<1024xf32, #tpu.memory_space<vmem>>, vector<16xf32>,
        %get3A_801 = arith.constant 320 : index
        %get3A_802 = tpu.vector_load %arg20[%get3A_801] {strides = array<i32>} : memref<1024xf32, #tpu.memory_space<vmem>>, vector<16xf32>,
        %get3A_803 = arith.constant 320 : index
        %get3A_804 = tpu.vector_load %arg17[%get3A_803] {strides = array<i32>} : memref<1024xf32, #tpu.memory_space<vmem>>, vector<16xf32>,
        %sub3A_805 = arith.subf %get3A_802, %get3A_804 : vector<16xf32>
        %get3A_806 = arith.constant 320 : index
        %get3A_807 = tpu.vector_load %arg23[%get3A_806] {strides = array<i32>} : memref<1024xf32, #tpu.memory_space<vmem>>, vector<16xf32>,
        %add3A_808 = arith.addf %sub3A_805, %get3A_807 : vector<16xf32>
        %swap3A_809 = arith.constant 320 : index
        %swap3A_810 = tpu.vector_load %arg26[%swap3A_809] {strides = array<i32>} : memref<1024xf32, #tpu.memory_space<vmem>>, vector<16xf32>,
        tpu.vector_store %arg26[%swap3A_809], %add3A_808 {strides = array<i32>} : memref<1024xf32, #tpu.memory_space<vmem>>, vector<16xf32>,
        %get3A_811 = arith.constant 336 : index
        %get3A_812 = tpu.vector_load %arg18[%get3A_811] {strides = array<i32>} : memref<1024xf32, #tpu.memory_space<vmem>>, vector<16xf32>,
        %get3A_813 = arith.constant 336 : index
        %get3A_814 = tpu.vector_load %arg15[%get3A_813] {strides = array<i32>} : memref<1024xf32, #tpu.memory_space<vmem>>, vector<16xf32>,
        %sub3A_815 = arith.subf %get3A_812, %get3A_814 : vector<16xf32>
        %get3A_816 = arith.constant 336 : index
        %get3A_817 = tpu.vector_load %arg21[%get3A_816] {strides = array<i32>} : memref<1024xf32, #tpu.memory_space<vmem>>, vector<16xf32>,
        %add3A_818 = arith.addf %sub3A_815, %get3A_817 : vector<16xf32>
        %swap3A_819 = arith.constant 336 : index
        %swap3A_820 = tpu.vector_load %arg24[%swap3A_819] {strides = array<i32>} : memref<1024xf32, #tpu.memory_space<vmem>>, vector<16xf32>,
        tpu.vector_store %arg24[%swap3A_819], %add3A_818 {strides = array<i32>} : memref<1024xf32, #tpu.memory_space<vmem>>, vector<16xf32>,
        %get3A_821 = arith.constant 336 : index
        %get3A_822 = tpu.vector_load %arg19[%get3A_821] {strides = array<i32>} : memref<1024xf32, #tpu.memory_space<vmem>>, vector<16xf32>,
        %get3A_823 = arith.constant 336 : index
        %get3A_824 = tpu.vector_load %arg16[%get3A_823] {strides = array<i32>} : memref<1024xf32, #tpu.memory_space<vmem>>, vector<16xf32>,
        %sub3A_825 = arith.subf %get3A_822, %get3A_824 : vector<16xf32>
        %get3A_826 = arith.constant 336 : index
        %get3A_827 = tpu.vector_load %arg22[%get3A_826] {strides = array<i32>} : memref<1024xf32, #tpu.memory_space<vmem>>, vector<16xf32>,
        %add3A_828 = arith.addf %sub3A_825, %get3A_827 : vector<16xf32>
        %swap3A_829 = arith.constant 336 : index
        %swap3A_830 = tpu.vector_load %arg25[%swap3A_829] {strides = array<i32>} : memref<1024xf32, #tpu.memory_space<vmem>>, vector<16xf32>,
        tpu.vector_store %arg25[%swap3A_829], %add3A_828 {strides = array<i32>} : memref<1024xf32, #tpu.memory_space<vmem>>, vector<16xf32>,
        %get3A_831 = arith.constant 336 : index
        %get3A_832 = tpu.vector_load %arg20[%get3A_831] {strides = array<i32>} : memref<1024xf32, #tpu.memory_space<vmem>>, vector<16xf32>,
        %get3A_833 = arith.constant 336 : index
        %get3A_834 = tpu.vector_load %arg17[%get3A_833] {strides = array<i32>} : memref<1024xf32, #tpu.memory_space<vmem>>, vector<16xf32>,
        %sub3A_835 = arith.subf %get3A_832, %get3A_834 : vector<16xf32>
        %get3A_836 = arith.constant 336 : index
        %get3A_837 = tpu.vector_load %arg23[%get3A_836] {strides = array<i32>} : memref<1024xf32, #tpu.memory_space<vmem>>, vector<16xf32>,
        %add3A_838 = arith.addf %sub3A_835, %get3A_837 : vector<16xf32>
        %swap3A_839 = arith.constant 336 : index
        %swap3A_840 = tpu.vector_load %arg26[%swap3A_839] {strides = array<i32>} : memref<1024xf32, #tpu.memory_space<vmem>>, vector<16xf32>,
        tpu.vector_store %arg26[%swap3A_839], %add3A_838 {strides = array<i32>} : memref<1024xf32, #tpu.memory_space<vmem>>, vector<16xf32>,
        %get3A_841 = arith.constant 352 : index
        %get3A_842 = tpu.vector_load %arg18[%get3A_841] {strides = array<i32>} : memref<1024xf32, #tpu.memory_space<vmem>>, vector<16xf32>,
        %get3A_843 = arith.constant 352 : index
        %get3A_844 = tpu.vector_load %arg15[%get3A_843] {strides = array<i32>} : memref<1024xf32, #tpu.memory_space<vmem>>, vector<16xf32>,
        %sub3A_845 = arith.subf %get3A_842, %get3A_844 : vector<16xf32>
        %get3A_846 = arith.constant 352 : index
        %get3A_847 = tpu.vector_load %arg21[%get3A_846] {strides = array<i32>} : memref<1024xf32, #tpu.memory_space<vmem>>, vector<16xf32>,
        %add3A_848 = arith.addf %sub3A_845, %get3A_847 : vector<16xf32>
        %swap3A_849 = arith.constant 352 : index
        %swap3A_850 = tpu.vector_load %arg24[%swap3A_849] {strides = array<i32>} : memref<1024xf32, #tpu.memory_space<vmem>>, vector<16xf32>,
        tpu.vector_store %arg24[%swap3A_849], %add3A_848 {strides = array<i32>} : memref<1024xf32, #tpu.memory_space<vmem>>, vector<16xf32>,
        %get3A_851 = arith.constant 352 : index
        %get3A_852 = tpu.vector_load %arg19[%get3A_851] {strides = array<i32>} : memref<1024xf32, #tpu.memory_space<vmem>>, vector<16xf32>,
        %get3A_853 = arith.constant 352 : index
        %get3A_854 = tpu.vector_load %arg16[%get3A_853] {strides = array<i32>} : memref<1024xf32, #tpu.memory_space<vmem>>, vector<16xf32>,
        %sub3A_855 = arith.subf %get3A_852, %get3A_854 : vector<16xf32>
        %get3A_856 = arith.constant 352 : index
        %get3A_857 = tpu.vector_load %arg22[%get3A_856] {strides = array<i32>} : memref<1024xf32, #tpu.memory_space<vmem>>, vector<16xf32>,
        %add3A_858 = arith.addf %sub3A_855, %get3A_857 : vector<16xf32>
        %swap3A_859 = arith.constant 352 : index
        %swap3A_860 = tpu.vector_load %arg25[%swap3A_859] {strides = array<i32>} : memref<1024xf32, #tpu.memory_space<vmem>>, vector<16xf32>,
        tpu.vector_store %arg25[%swap3A_859], %add3A_858 {strides = array<i32>} : memref<1024xf32, #tpu.memory_space<vmem>>, vector<16xf32>,
        %get3A_861 = arith.constant 352 : index
        %get3A_862 = tpu.vector_load %arg20[%get3A_861] {strides = array<i32>} : memref<1024xf32, #tpu.memory_space<vmem>>, vector<16xf32>,
        %get3A_863 = arith.constant 352 : index
        %get3A_864 = tpu.vector_load %arg17[%get3A_863] {strides = array<i32>} : memref<1024xf32, #tpu.memory_space<vmem>>, vector<16xf32>,
        %sub3A_865 = arith.subf %get3A_862, %get3A_864 : vector<16xf32>
        %get3A_866 = arith.constant 352 : index
        %get3A_867 = tpu.vector_load %arg23[%get3A_866] {strides = array<i32>} : memref<1024xf32, #tpu.memory_space<vmem>>, vector<16xf32>,
        %add3A_868 = arith.addf %sub3A_865, %get3A_867 : vector<16xf32>
        %swap3A_869 = arith.constant 352 : index
        %swap3A_870 = tpu.vector_load %arg26[%swap3A_869] {strides = array<i32>} : memref<1024xf32, #tpu.memory_space<vmem>>, vector<16xf32>,
        tpu.vector_store %arg26[%swap3A_869], %add3A_868 {strides = array<i32>} : memref<1024xf32, #tpu.memory_space<vmem>>, vector<16xf32>,
        %get3A_871 = arith.constant 368 : index
        %get3A_872 = tpu.vector_load %arg18[%get3A_871] {strides = array<i32>} : memref<1024xf32, #tpu.memory_space<vmem>>, vector<16xf32>,
        %get3A_873 = arith.constant 368 : index
        %get3A_874 = tpu.vector_load %arg15[%get3A_873] {strides = array<i32>} : memref<1024xf32, #tpu.memory_space<vmem>>, vector<16xf32>,
        %sub3A_875 = arith.subf %get3A_872, %get3A_874 : vector<16xf32>
        %get3A_876 = arith.constant 368 : index
        %get3A_877 = tpu.vector_load %arg21[%get3A_876] {strides = array<i32>} : memref<1024xf32, #tpu.memory_space<vmem>>, vector<16xf32>,
        %add3A_878 = arith.addf %sub3A_875, %get3A_877 : vector<16xf32>
        %swap3A_879 = arith.constant 368 : index
        %swap3A_880 = tpu.vector_load %arg24[%swap3A_879] {strides = array<i32>} : memref<1024xf32, #tpu.memory_space<vmem>>, vector<16xf32>,
        tpu.vector_store %arg24[%swap3A_879], %add3A_878 {strides = array<i32>} : memref<1024xf32, #tpu.memory_space<vmem>>, vector<16xf32>,
        %get3A_881 = arith.constant 368 : index
        %get3A_882 = tpu.vector_load %arg19[%get3A_881] {strides = array<i32>} : memref<1024xf32, #tpu.memory_space<vmem>>, vector<16xf32>,
        %get3A_883 = arith.constant 368 : index
        %get3A_884 = tpu.vector_load %arg16[%get3A_883] {strides = array<i32>} : memref<1024xf32, #tpu.memory_space<vmem>>, vector<16xf32>,
        %sub3A_885 = arith.subf %get3A_882, %get3A_884 : vector<16xf32>
        %get3A_886 = arith.constant 368 : index
        %get3A_887 = tpu.vector_load %arg22[%get3A_886] {strides = array<i32>} : memref<1024xf32, #tpu.memory_space<vmem>>, vector<16xf32>,
        %add3A_888 = arith.addf %sub3A_885, %get3A_887 : vector<16xf32>
        %swap3A_889 = arith.constant 368 : index
        %swap3A_890 = tpu.vector_load %arg25[%swap3A_889] {strides = array<i32>} : memref<1024xf32, #tpu.memory_space<vmem>>, vector<16xf32>,
        tpu.vector_store %arg25[%swap3A_889], %add3A_888 {strides = array<i32>} : memref<1024xf32, #tpu.memory_space<vmem>>, vector<16xf32>,
        %get3A_891 = arith.constant 368 : index
        %get3A_892 = tpu.vector_load %arg20[%get3A_891] {strides = array<i32>} : memref<1024xf32, #tpu.memory_space<vmem>>, vector<16xf32>,
        %get3A_893 = arith.constant 368 : index
        %get3A_894 = tpu.vector_load %arg17[%get3A_893] {strides = array<i32>} : memref<1024xf32, #tpu.memory_space<vmem>>, vector<16xf32>,
        %sub3A_895 = arith.subf %get3A_892, %get3A_894 : vector<16xf32>
        %get3A_896 = arith.constant 368 : index
        %get3A_897 = tpu.vector_load %arg23[%get3A_896] {strides = array<i32>} : memref<1024xf32, #tpu.memory_space<vmem>>, vector<16xf32>,
        %add3A_898 = arith.addf %sub3A_895, %get3A_897 : vector<16xf32>
        %swap3A_899 = arith.constant 368 : index
        %swap3A_900 = tpu.vector_load %arg26[%swap3A_899] {strides = array<i32>} : memref<1024xf32, #tpu.memory_space<vmem>>, vector<16xf32>,
        tpu.vector_store %arg26[%swap3A_899], %add3A_898 {strides = array<i32>} : memref<1024xf32, #tpu.memory_space<vmem>>, vector<16xf32>,
        %get3A_901 = arith.constant 384 : index
        %get3A_902 = tpu.vector_load %arg18[%get3A_901] {strides = array<i32>} : memref<1024xf32, #tpu.memory_space<vmem>>, vector<16xf32>,
        %get3A_903 = arith.constant 384 : index
        %get3A_904 = tpu.vector_load %arg15[%get3A_903] {strides = array<i32>} : memref<1024xf32, #tpu.memory_space<vmem>>, vector<16xf32>,
        %sub3A_905 = arith.subf %get3A_902, %get3A_904 : vector<16xf32>
        %get3A_906 = arith.constant 384 : index
        %get3A_907 = tpu.vector_load %arg21[%get3A_906] {strides = array<i32>} : memref<1024xf32, #tpu.memory_space<vmem>>, vector<16xf32>,
        %add3A_908 = arith.addf %sub3A_905, %get3A_907 : vector<16xf32>
        %swap3A_909 = arith.constant 384 : index
        %swap3A_910 = tpu.vector_load %arg24[%swap3A_909] {strides = array<i32>} : memref<1024xf32, #tpu.memory_space<vmem>>, vector<16xf32>,
        tpu.vector_store %arg24[%swap3A_909], %add3A_908 {strides = array<i32>} : memref<1024xf32, #tpu.memory_space<vmem>>, vector<16xf32>,
        %get3A_911 = arith.constant 384 : index
        %get3A_912 = tpu.vector_load %arg19[%get3A_911] {strides = array<i32>} : memref<1024xf32, #tpu.memory_space<vmem>>, vector<16xf32>,
        %get3A_913 = arith.constant 384 : index
        %get3A_914 = tpu.vector_load %arg16[%get3A_913] {strides = array<i32>} : memref<1024xf32, #tpu.memory_space<vmem>>, vector<16xf32>,
        %sub3A_915 = arith.subf %get3A_912, %get3A_914 : vector<16xf32>
        %get3A_916 = arith.constant 384 : index
        %get3A_917 = tpu.vector_load %arg22[%get3A_916] {strides = array<i32>} : memref<1024xf32, #tpu.memory_space<vmem>>, vector<16xf32>,
        %add3A_918 = arith.addf %sub3A_915, %get3A_917 : vector<16xf32>
        %swap3A_919 = arith.constant 384 : index
        %swap3A_920 = tpu.vector_load %arg25[%swap3A_919] {strides = array<i32>} : memref<1024xf32, #tpu.memory_space<vmem>>, vector<16xf32>,
        tpu.vector_store %arg25[%swap3A_919], %add3A_918 {strides = array<i32>} : memref<1024xf32, #tpu.memory_space<vmem>>, vector<16xf32>,
        %get3A_921 = arith.constant 384 : index
        %get3A_922 = tpu.vector_load %arg20[%get3A_921] {strides = array<i32>} : memref<1024xf32, #tpu.memory_space<vmem>>, vector<16xf32>,
        %get3A_923 = arith.constant 384 : index
        %get3A_924 = tpu.vector_load %arg17[%get3A_923] {strides = array<i32>} : memref<1024xf32, #tpu.memory_space<vmem>>, vector<16xf32>,
        %sub3A_925 = arith.subf %get3A_922, %get3A_924 : vector<16xf32>
        %get3A_926 = arith.constant 384 : index
        %get3A_927 = tpu.vector_load %arg23[%get3A_926] {strides = array<i32>} : memref<1024xf32, #tpu.memory_space<vmem>>, vector<16xf32>,
        %add3A_928 = arith.addf %sub3A_925, %get3A_927 : vector<16xf32>
        %swap3A_929 = arith.constant 384 : index
        %swap3A_930 = tpu.vector_load %arg26[%swap3A_929] {strides = array<i32>} : memref<1024xf32, #tpu.memory_space<vmem>>, vector<16xf32>,
        tpu.vector_store %arg26[%swap3A_929], %add3A_928 {strides = array<i32>} : memref<1024xf32, #tpu.memory_space<vmem>>, vector<16xf32>,
        %get3A_931 = arith.constant 400 : index
        %get3A_932 = tpu.vector_load %arg18[%get3A_931] {strides = array<i32>} : memref<1024xf32, #tpu.memory_space<vmem>>, vector<16xf32>,
        %get3A_933 = arith.constant 400 : index
        %get3A_934 = tpu.vector_load %arg15[%get3A_933] {strides = array<i32>} : memref<1024xf32, #tpu.memory_space<vmem>>, vector<16xf32>,
        %sub3A_935 = arith.subf %get3A_932, %get3A_934 : vector<16xf32>
        %get3A_936 = arith.constant 400 : index
        %get3A_937 = tpu.vector_load %arg21[%get3A_936] {strides = array<i32>} : memref<1024xf32, #tpu.memory_space<vmem>>, vector<16xf32>,
        %add3A_938 = arith.addf %sub3A_935, %get3A_937 : vector<16xf32>
        %swap3A_939 = arith.constant 400 : index
        %swap3A_940 = tpu.vector_load %arg24[%swap3A_939] {strides = array<i32>} : memref<1024xf32, #tpu.memory_space<vmem>>, vector<16xf32>,
        tpu.vector_store %arg24[%swap3A_939], %add3A_938 {strides = array<i32>} : memref<1024xf32, #tpu.memory_space<vmem>>, vector<16xf32>,
        %get3A_941 = arith.constant 400 : index
        %get3A_942 = tpu.vector_load %arg19[%get3A_941] {strides = array<i32>} : memref<1024xf32, #tpu.memory_space<vmem>>, vector<16xf32>,
        %get3A_943 = arith.constant 400 : index
        %get3A_944 = tpu.vector_load %arg16[%get3A_943] {strides = array<i32>} : memref<1024xf32, #tpu.memory_space<vmem>>, vector<16xf32>,
        %sub3A_945 = arith.subf %get3A_942, %get3A_944 : vector<16xf32>
        %get3A_946 = arith.constant 400 : index
        %get3A_947 = tpu.vector_load %arg22[%get3A_946] {strides = array<i32>} : memref<1024xf32, #tpu.memory_space<vmem>>, vector<16xf32>,
        %add3A_948 = arith.addf %sub3A_945, %get3A_947 : vector<16xf32>
        %swap3A_949 = arith.constant 400 : index
        %swap3A_950 = tpu.vector_load %arg25[%swap3A_949] {strides = array<i32>} : memref<1024xf32, #tpu.memory_space<vmem>>, vector<16xf32>,
        tpu.vector_store %arg25[%swap3A_949], %add3A_948 {strides = array<i32>} : memref<1024xf32, #tpu.memory_space<vmem>>, vector<16xf32>,
        %get3A_951 = arith.constant 400 : index
        %get3A_952 = tpu.vector_load %arg20[%get3A_951] {strides = array<i32>} : memref<1024xf32, #tpu.memory_space<vmem>>, vector<16xf32>,
        %get3A_953 = arith.constant 400 : index
        %get3A_954 = tpu.vector_load %arg17[%get3A_953] {strides = array<i32>} : memref<1024xf32, #tpu.memory_space<vmem>>, vector<16xf32>,
        %sub3A_955 = arith.subf %get3A_952, %get3A_954 : vector<16xf32>
        %get3A_956 = arith.constant 400 : index
        %get3A_957 = tpu.vector_load %arg23[%get3A_956] {strides = array<i32>} : memref<1024xf32, #tpu.memory_space<vmem>>, vector<16xf32>,
        %add3A_958 = arith.addf %sub3A_955, %get3A_957 : vector<16xf32>
        %swap3A_959 = arith.constant 400 : index
        %swap3A_960 = tpu.vector_load %arg26[%swap3A_959] {strides = array<i32>} : memref<1024xf32, #tpu.memory_space<vmem>>, vector<16xf32>,
        tpu.vector_store %arg26[%swap3A_959], %add3A_958 {strides = array<i32>} : memref<1024xf32, #tpu.memory_space<vmem>>, vector<16xf32>,
        %get3A_961 = arith.constant 416 : index
        %get3A_962 = tpu.vector_load %arg18[%get3A_961] {strides = array<i32>} : memref<1024xf32, #tpu.memory_space<vmem>>, vector<16xf32>,
        %get3A_963 = arith.constant 416 : index
        %get3A_964 = tpu.vector_load %arg15[%get3A_963] {strides = array<i32>} : memref<1024xf32, #tpu.memory_space<vmem>>, vector<16xf32>,
        %sub3A_965 = arith.subf %get3A_962, %get3A_964 : vector<16xf32>
        %get3A_966 = arith.constant 416 : index
        %get3A_967 = tpu.vector_load %arg21[%get3A_966] {strides = array<i32>} : memref<1024xf32, #tpu.memory_space<vmem>>, vector<16xf32>,
        %add3A_968 = arith.addf %sub3A_965, %get3A_967 : vector<16xf32>
        %swap3A_969 = arith.constant 416 : index
        %swap3A_970 = tpu.vector_load %arg24[%swap3A_969] {strides = array<i32>} : memref<1024xf32, #tpu.memory_space<vmem>>, vector<16xf32>,
        tpu.vector_store %arg24[%swap3A_969], %add3A_968 {strides = array<i32>} : memref<1024xf32, #tpu.memory_space<vmem>>, vector<16xf32>,
        %get3A_971 = arith.constant 416 : index
        %get3A_972 = tpu.vector_load %arg19[%get3A_971] {strides = array<i32>} : memref<1024xf32, #tpu.memory_space<vmem>>, vector<16xf32>,
        %get3A_973 = arith.constant 416 : index
        %get3A_974 = tpu.vector_load %arg16[%get3A_973] {strides = array<i32>} : memref<1024xf32, #tpu.memory_space<vmem>>, vector<16xf32>,
        %sub3A_975 = arith.subf %get3A_972, %get3A_974 : vector<16xf32>
        %get3A_976 = arith.constant 416 : index
        %get3A_977 = tpu.vector_load %arg22[%get3A_976] {strides = array<i32>} : memref<1024xf32, #tpu.memory_space<vmem>>, vector<16xf32>,
        %add3A_978 = arith.addf %sub3A_975, %get3A_977 : vector<16xf32>
        %swap3A_979 = arith.constant 416 : index
        %swap3A_980 = tpu.vector_load %arg25[%swap3A_979] {strides = array<i32>} : memref<1024xf32, #tpu.memory_space<vmem>>, vector<16xf32>,
        tpu.vector_store %arg25[%swap3A_979], %add3A_978 {strides = array<i32>} : memref<1024xf32, #tpu.memory_space<vmem>>, vector<16xf32>,
        %get3A_981 = arith.constant 416 : index
        %get3A_982 = tpu.vector_load %arg20[%get3A_981] {strides = array<i32>} : memref<1024xf32, #tpu.memory_space<vmem>>, vector<16xf32>,
        %get3A_983 = arith.constant 416 : index
        %get3A_984 = tpu.vector_load %arg17[%get3A_983] {strides = array<i32>} : memref<1024xf32, #tpu.memory_space<vmem>>, vector<16xf32>,
        %sub3A_985 = arith.subf %get3A_982, %get3A_984 : vector<16xf32>
        %get3A_986 = arith.constant 416 : index
        %get3A_987 = tpu.vector_load %arg23[%get3A_986] {strides = array<i32>} : memref<1024xf32, #tpu.memory_space<vmem>>, vector<16xf32>,
        %add3A_988 = arith.addf %sub3A_985, %get3A_987 : vector<16xf32>
        %swap3A_989 = arith.constant 416 : index
        %swap3A_990 = tpu.vector_load %arg26[%swap3A_989] {strides = array<i32>} : memref<1024xf32, #tpu.memory_space<vmem>>, vector<16xf32>,
        tpu.vector_store %arg26[%swap3A_989], %add3A_988 {strides = array<i32>} : memref<1024xf32, #tpu.memory_space<vmem>>, vector<16xf32>,
        %get3A_991 = arith.constant 432 : index
        %get3A_992 = tpu.vector_load %arg18[%get3A_991] {strides = array<i32>} : memref<1024xf32, #tpu.memory_space<vmem>>, vector<16xf32>,
        %get3A_993 = arith.constant 432 : index
        %get3A_994 = tpu.vector_load %arg15[%get3A_993] {strides = array<i32>} : memref<1024xf32, #tpu.memory_space<vmem>>, vector<16xf32>,
        %sub3A_995 = arith.subf %get3A_992, %get3A_994 : vector<16xf32>
        %get3A_996 = arith.constant 432 : index
        %get3A_997 = tpu.vector_load %arg21[%get3A_996] {strides = array<i32>} : memref<1024xf32, #tpu.memory_space<vmem>>, vector<16xf32>,
        %add3A_998 = arith.addf %sub3A_995, %get3A_997 : vector<16xf32>
        %swap3A_999 = arith.constant 432 : index
        %swap3A_1000 = tpu.vector_load %arg24[%swap3A_999] {strides = array<i32>} : memref<1024xf32, #tpu.memory_space<vmem>>, vector<16xf32>,
        tpu.vector_store %arg24[%swap3A_999], %add3A_998 {strides = array<i32>} : memref<1024xf32, #tpu.memory_space<vmem>>, vector<16xf32>,
        %get3A_1001 = arith.constant 432 : index
        %get3A_1002 = tpu.vector_load %arg19[%get3A_1001] {strides = array<i32>} : memref<1024xf32, #tpu.memory_space<vmem>>, vector<16xf32>,
        %get3A_1003 = arith.constant 432 : index
        %get3A_1004 = tpu.vector_load %arg16[%get3A_1003] {strides = array<i32>} : memref<1024xf32, #tpu.memory_space<vmem>>, vector<16xf32>,
        %sub3A_1005 = arith.subf %get3A_1002, %get3A_1004 : vector<16xf32>
        %get3A_1006 = arith.constant 432 : index
        %get3A_1007 = tpu.vector_load %arg22[%get3A_1006] {strides = array<i32>} : memref<1024xf32, #tpu.memory_space<vmem>>, vector<16xf32>,
        %add3A_1008 = arith.addf %sub3A_1005, %get3A_1007 : vector<16xf32>
        %swap3A_1009 = arith.constant 432 : index
        %swap3A_1010 = tpu.vector_load %arg25[%swap3A_1009] {strides = array<i32>} : memref<1024xf32, #tpu.memory_space<vmem>>, vector<16xf32>,
        tpu.vector_store %arg25[%swap3A_1009], %add3A_1008 {strides = array<i32>} : memref<1024xf32, #tpu.memory_space<vmem>>, vector<16xf32>,
        %get3A_1011 = arith.constant 432 : index
        %get3A_1012 = tpu.vector_load %arg20[%get3A_1011] {strides = array<i32>} : memref<1024xf32, #tpu.memory_space<vmem>>, vector<16xf32>,
        %get3A_1013 = arith.constant 432 : index
        %get3A_1014 = tpu.vector_load %arg17[%get3A_1013] {strides = array<i32>} : memref<1024xf32, #tpu.memory_space<vmem>>, vector<16xf32>,
        %sub3A_1015 = arith.subf %get3A_1012, %get3A_1014 : vector<16xf32>
        %get3A_1016 = arith.constant 432 : index
        %get3A_1017 = tpu.vector_load %arg23[%get3A_1016] {strides = array<i32>} : memref<1024xf32, #tpu.memory_space<vmem>>, vector<16xf32>,
        %add3A_1018 = arith.addf %sub3A_1015, %get3A_1017 : vector<16xf32>
        %swap3A_1019 = arith.constant 432 : index
        %swap3A_1020 = tpu.vector_load %arg26[%swap3A_1019] {strides = array<i32>} : memref<1024xf32, #tpu.memory_space<vmem>>, vector<16xf32>,
        tpu.vector_store %arg26[%swap3A_1019], %add3A_1018 {strides = array<i32>} : memref<1024xf32, #tpu.memory_space<vmem>>, vector<16xf32>,
        %get3A_1021 = arith.constant 448 : index
        %get3A_1022 = tpu.vector_load %arg18[%get3A_1021] {strides = array<i32>} : memref<1024xf32, #tpu.memory_space<vmem>>, vector<16xf32>,
        %get3A_1023 = arith.constant 448 : index
        %get3A_1024 = tpu.vector_load %arg15[%get3A_1023] {strides = array<i32>} : memref<1024xf32, #tpu.memory_space<vmem>>, vector<16xf32>,
        %sub3A_1025 = arith.subf %get3A_1022, %get3A_1024 : vector<16xf32>
        %get3A_1026 = arith.constant 448 : index
        %get3A_1027 = tpu.vector_load %arg21[%get3A_1026] {strides = array<i32>} : memref<1024xf32, #tpu.memory_space<vmem>>, vector<16xf32>,
        %add3A_1028 = arith.addf %sub3A_1025, %get3A_1027 : vector<16xf32>
        %swap3A_1029 = arith.constant 448 : index
        %swap3A_1030 = tpu.vector_load %arg24[%swap3A_1029] {strides = array<i32>} : memref<1024xf32, #tpu.memory_space<vmem>>, vector<16xf32>,
        tpu.vector_store %arg24[%swap3A_1029], %add3A_1028 {strides = array<i32>} : memref<1024xf32, #tpu.memory_space<vmem>>, vector<16xf32>,
        %get3A_1031 = arith.constant 448 : index
        %get3A_1032 = tpu.vector_load %arg19[%get3A_1031] {strides = array<i32>} : memref<1024xf32, #tpu.memory_space<vmem>>, vector<16xf32>,
        %get3A_1033 = arith.constant 448 : index
        %get3A_1034 = tpu.vector_load %arg16[%get3A_1033] {strides = array<i32>} : memref<1024xf32, #tpu.memory_space<vmem>>, vector<16xf32>,
        %sub3A_1035 = arith.subf %get3A_1032, %get3A_1034 : vector<16xf32>
        %get3A_1036 = arith.constant 448 : index
        %get3A_1037 = tpu.vector_load %arg22[%get3A_1036] {strides = array<i32>} : memref<1024xf32, #tpu.memory_space<vmem>>, vector<16xf32>,
        %add3A_1038 = arith.addf %sub3A_1035, %get3A_1037 : vector<16xf32>
        %swap3A_1039 = arith.constant 448 : index
        %swap3A_1040 = tpu.vector_load %arg25[%swap3A_1039] {strides = array<i32>} : memref<1024xf32, #tpu.memory_space<vmem>>, vector<16xf32>,
        tpu.vector_store %arg25[%swap3A_1039], %add3A_1038 {strides = array<i32>} : memref<1024xf32, #tpu.memory_space<vmem>>, vector<16xf32>,
        %get3A_1041 = arith.constant 448 : index
        %get3A_1042 = tpu.vector_load %arg20[%get3A_1041] {strides = array<i32>} : memref<1024xf32, #tpu.memory_space<vmem>>, vector<16xf32>,
        %get3A_1043 = arith.constant 448 : index
        %get3A_1044 = tpu.vector_load %arg17[%get3A_1043] {strides = array<i32>} : memref<1024xf32, #tpu.memory_space<vmem>>, vector<16xf32>,
        %sub3A_1045 = arith.subf %get3A_1042, %get3A_1044 : vector<16xf32>
        %get3A_1046 = arith.constant 448 : index
        %get3A_1047 = tpu.vector_load %arg23[%get3A_1046] {strides = array<i32>} : memref<1024xf32, #tpu.memory_space<vmem>>, vector<16xf32>,
        %add3A_1048 = arith.addf %sub3A_1045, %get3A_1047 : vector<16xf32>
        %swap3A_1049 = arith.constant 448 : index
        %swap3A_1050 = tpu.vector_load %arg26[%swap3A_1049] {strides = array<i32>} : memref<1024xf32, #tpu.memory_space<vmem>>, vector<16xf32>,
        tpu.vector_store %arg26[%swap3A_1049], %add3A_1048 {strides = array<i32>} : memref<1024xf32, #tpu.memory_space<vmem>>, vector<16xf32>,
        %get3A_1051 = arith.constant 464 : index
        %get3A_1052 = tpu.vector_load %arg18[%get3A_1051] {strides = array<i32>} : memref<1024xf32, #tpu.memory_space<vmem>>, vector<16xf32>,
        %get3A_1053 = arith.constant 464 : index
        %get3A_1054 = tpu.vector_load %arg15[%get3A_1053] {strides = array<i32>} : memref<1024xf32, #tpu.memory_space<vmem>>, vector<16xf32>,
        %sub3A_1055 = arith.subf %get3A_1052, %get3A_1054 : vector<16xf32>
        %get3A_1056 = arith.constant 464 : index
        %get3A_1057 = tpu.vector_load %arg21[%get3A_1056] {strides = array<i32>} : memref<1024xf32, #tpu.memory_space<vmem>>, vector<16xf32>,
        %add3A_1058 = arith.addf %sub3A_1055, %get3A_1057 : vector<16xf32>
        %swap3A_1059 = arith.constant 464 : index
        %swap3A_1060 = tpu.vector_load %arg24[%swap3A_1059] {strides = array<i32>} : memref<1024xf32, #tpu.memory_space<vmem>>, vector<16xf32>,
        tpu.vector_store %arg24[%swap3A_1059], %add3A_1058 {strides = array<i32>} : memref<1024xf32, #tpu.memory_space<vmem>>, vector<16xf32>,
        %get3A_1061 = arith.constant 464 : index
        %get3A_1062 = tpu.vector_load %arg19[%get3A_1061] {strides = array<i32>} : memref<1024xf32, #tpu.memory_space<vmem>>, vector<16xf32>,
        %get3A_1063 = arith.constant 464 : index
        %get3A_1064 = tpu.vector_load %arg16[%get3A_1063] {strides = array<i32>} : memref<1024xf32, #tpu.memory_space<vmem>>, vector<16xf32>,
        %sub3A_1065 = arith.subf %get3A_1062, %get3A_1064 : vector<16xf32>
        %get3A_1066 = arith.constant 464 : index
        %get3A_1067 = tpu.vector_load %arg22[%get3A_1066] {strides = array<i32>} : memref<1024xf32, #tpu.memory_space<vmem>>, vector<16xf32>,
        %add3A_1068 = arith.addf %sub3A_1065, %get3A_1067 : vector<16xf32>
        %swap3A_1069 = arith.constant 464 : index
        %swap3A_1070 = tpu.vector_load %arg25[%swap3A_1069] {strides = array<i32>} : memref<1024xf32, #tpu.memory_space<vmem>>, vector<16xf32>,
        tpu.vector_store %arg25[%swap3A_1069], %add3A_1068 {strides = array<i32>} : memref<1024xf32, #tpu.memory_space<vmem>>, vector<16xf32>,
        %get3A_1071 = arith.constant 464 : index
        %get3A_1072 = tpu.vector_load %arg20[%get3A_1071] {strides = array<i32>} : memref<1024xf32, #tpu.memory_space<vmem>>, vector<16xf32>,
        %get3A_1073 = arith.constant 464 : index
        %get3A_1074 = tpu.vector_load %arg17[%get3A_1073] {strides = array<i32>} : memref<1024xf32, #tpu.memory_space<vmem>>, vector<16xf32>,
        %sub3A_1075 = arith.subf %get3A_1072, %get3A_1074 : vector<16xf32>
        %get3A_1076 = arith.constant 464 : index
        %get3A_1077 = tpu.vector_load %arg23[%get3A_1076] {strides = array<i32>} : memref<1024xf32, #tpu.memory_space<vmem>>, vector<16xf32>,
        %add3A_1078 = arith.addf %sub3A_1075, %get3A_1077 : vector<16xf32>
        %swap3A_1079 = arith.constant 464 : index
        %swap3A_1080 = tpu.vector_load %arg26[%swap3A_1079] {strides = array<i32>} : memref<1024xf32, #tpu.memory_space<vmem>>, vector<16xf32>,
        tpu.vector_store %arg26[%swap3A_1079], %add3A_1078 {strides = array<i32>} : memref<1024xf32, #tpu.memory_space<vmem>>, vector<16xf32>,
        %get3A_1081 = arith.constant 480 : index
        %get3A_1082 = tpu.vector_load %arg18[%get3A_1081] {strides = array<i32>} : memref<1024xf32, #tpu.memory_space<vmem>>, vector<16xf32>,
        %get3A_1083 = arith.constant 480 : index
        %get3A_1084 = tpu.vector_load %arg15[%get3A_1083] {strides = array<i32>} : memref<1024xf32, #tpu.memory_space<vmem>>, vector<16xf32>,
        %sub3A_1085 = arith.subf %get3A_1082, %get3A_1084 : vector<16xf32>
        %get3A_1086 = arith.constant 480 : index
        %get3A_1087 = tpu.vector_load %arg21[%get3A_1086] {strides = array<i32>} : memref<1024xf32, #tpu.memory_space<vmem>>, vector<16xf32>,
        %add3A_1088 = arith.addf %sub3A_1085, %get3A_1087 : vector<16xf32>
        %swap3A_1089 = arith.constant 480 : index
        %swap3A_1090 = tpu.vector_load %arg24[%swap3A_1089] {strides = array<i32>} : memref<1024xf32, #tpu.memory_space<vmem>>, vector<16xf32>,
        tpu.vector_store %arg24[%swap3A_1089], %add3A_1088 {strides = array<i32>} : memref<1024xf32, #tpu.memory_space<vmem>>, vector<16xf32>,
        %get3A_1091 = arith.constant 480 : index
        %get3A_1092 = tpu.vector_load %arg19[%get3A_1091] {strides = array<i32>} : memref<1024xf32, #tpu.memory_space<vmem>>, vector<16xf32>,
        %get3A_1093 = arith.constant 480 : index
        %get3A_1094 = tpu.vector_load %arg16[%get3A_1093] {strides = array<i32>} : memref<1024xf32, #tpu.memory_space<vmem>>, vector<16xf32>,
        %sub3A_1095 = arith.subf %get3A_1092, %get3A_1094 : vector<16xf32>
        %get3A_1096 = arith.constant 480 : index
        %get3A_1097 = tpu.vector_load %arg22[%get3A_1096] {strides = array<i32>} : memref<1024xf32, #tpu.memory_space<vmem>>, vector<16xf32>,
        %add3A_1098 = arith.addf %sub3A_1095, %get3A_1097 : vector<16xf32>
        %swap3A_1099 = arith.constant 480 : index
        %swap3A_1100 = tpu.vector_load %arg25[%swap3A_1099] {strides = array<i32>} : memref<1024xf32, #tpu.memory_space<vmem>>, vector<16xf32>,
        tpu.vector_store %arg25[%swap3A_1099], %add3A_1098 {strides = array<i32>} : memref<1024xf32, #tpu.memory_space<vmem>>, vector<16xf32>,
        %get3A_1101 = arith.constant 480 : index
        %get3A_1102 = tpu.vector_load %arg20[%get3A_1101] {strides = array<i32>} : memref<1024xf32, #tpu.memory_space<vmem>>, vector<16xf32>,
        %get3A_1103 = arith.constant 480 : index
        %get3A_1104 = tpu.vector_load %arg17[%get3A_1103] {strides = array<i32>} : memref<1024xf32, #tpu.memory_space<vmem>>, vector<16xf32>,
        %sub3A_1105 = arith.subf %get3A_1102, %get3A_1104 : vector<16xf32>
        %get3A_1106 = arith.constant 480 : index
        %get3A_1107 = tpu.vector_load %arg23[%get3A_1106] {strides = array<i32>} : memref<1024xf32, #tpu.memory_space<vmem>>, vector<16xf32>,
        %add3A_1108 = arith.addf %sub3A_1105, %get3A_1107 : vector<16xf32>
        %swap3A_1109 = arith.constant 480 : index
        %swap3A_1110 = tpu.vector_load %arg26[%swap3A_1109] {strides = array<i32>} : memref<1024xf32, #tpu.memory_space<vmem>>, vector<16xf32>,
        tpu.vector_store %arg26[%swap3A_1109], %add3A_1108 {strides = array<i32>} : memref<1024xf32, #tpu.memory_space<vmem>>, vector<16xf32>,
        %get3A_1111 = arith.constant 496 : index
        %get3A_1112 = tpu.vector_load %arg18[%get3A_1111] {strides = array<i32>} : memref<1024xf32, #tpu.memory_space<vmem>>, vector<16xf32>,
        %get3A_1113 = arith.constant 496 : index
        %get3A_1114 = tpu.vector_load %arg15[%get3A_1113] {strides = array<i32>} : memref<1024xf32, #tpu.memory_space<vmem>>, vector<16xf32>,
        %sub3A_1115 = arith.subf %get3A_1112, %get3A_1114 : vector<16xf32>
        %get3A_1116 = arith.constant 496 : index
        %get3A_1117 = tpu.vector_load %arg21[%get3A_1116] {strides = array<i32>} : memref<1024xf32, #tpu.memory_space<vmem>>, vector<16xf32>,
        %add3A_1118 = arith.addf %sub3A_1115, %get3A_1117 : vector<16xf32>
        %swap3A_1119 = arith.constant 496 : index
        %swap3A_1120 = tpu.vector_load %arg24[%swap3A_1119] {strides = array<i32>} : memref<1024xf32, #tpu.memory_space<vmem>>, vector<16xf32>,
        tpu.vector_store %arg24[%swap3A_1119], %add3A_1118 {strides = array<i32>} : memref<1024xf32, #tpu.memory_space<vmem>>, vector<16xf32>,
        %get3A_1121 = arith.constant 496 : index
        %get3A_1122 = tpu.vector_load %arg19[%get3A_1121] {strides = array<i32>} : memref<1024xf32, #tpu.memory_space<vmem>>, vector<16xf32>,
        %get3A_1123 = arith.constant 496 : index
        %get3A_1124 = tpu.vector_load %arg16[%get3A_1123] {strides = array<i32>} : memref<1024xf32, #tpu.memory_space<vmem>>, vector<16xf32>,
        %sub3A_1125 = arith.subf %get3A_1122, %get3A_1124 : vector<16xf32>
        %get3A_1126 = arith.constant 496 : index
        %get3A_1127 = tpu.vector_load %arg22[%get3A_1126] {strides = array<i32>} : memref<1024xf32, #tpu.memory_space<vmem>>, vector<16xf32>,
        %add3A_1128 = arith.addf %sub3A_1125, %get3A_1127 : vector<16xf32>
        %swap3A_1129 = arith.constant 496 : index
        %swap3A_1130 = tpu.vector_load %arg25[%swap3A_1129] {strides = array<i32>} : memref<1024xf32, #tpu.memory_space<vmem>>, vector<16xf32>,
        tpu.vector_store %arg25[%swap3A_1129], %add3A_1128 {strides = array<i32>} : memref<1024xf32, #tpu.memory_space<vmem>>, vector<16xf32>,
        %get3A_1131 = arith.constant 496 : index
        %get3A_1132 = tpu.vector_load %arg20[%get3A_1131] {strides = array<i32>} : memref<1024xf32, #tpu.memory_space<vmem>>, vector<16xf32>,
        %get3A_1133 = arith.constant 496 : index
        %get3A_1134 = tpu.vector_load %arg17[%get3A_1133] {strides = array<i32>} : memref<1024xf32, #tpu.memory_space<vmem>>, vector<16xf32>,
        %sub3A_1135 = arith.subf %get3A_1132, %get3A_1134 : vector<16xf32>
        %get3A_1136 = arith.constant 496 : index
        %get3A_1137 = tpu.vector_load %arg23[%get3A_1136] {strides = array<i32>} : memref<1024xf32, #tpu.memory_space<vmem>>, vector<16xf32>,
        %add3A_1138 = arith.addf %sub3A_1135, %get3A_1137 : vector<16xf32>
        %swap3A_1139 = arith.constant 496 : index
        %swap3A_1140 = tpu.vector_load %arg26[%swap3A_1139] {strides = array<i32>} : memref<1024xf32, #tpu.memory_space<vmem>>, vector<16xf32>,
        tpu.vector_store %arg26[%swap3A_1139], %add3A_1138 {strides = array<i32>} : memref<1024xf32, #tpu.memory_space<vmem>>, vector<16xf32>,
        %get3A_1141 = arith.constant 512 : index
        %get3A_1142 = tpu.vector_load %arg18[%get3A_1141] {strides = array<i32>} : memref<1024xf32, #tpu.memory_space<vmem>>, vector<16xf32>,
        %get3A_1143 = arith.constant 512 : index
        %get3A_1144 = tpu.vector_load %arg15[%get3A_1143] {strides = array<i32>} : memref<1024xf32, #tpu.memory_space<vmem>>, vector<16xf32>,
        %sub3A_1145 = arith.subf %get3A_1142, %get3A_1144 : vector<16xf32>
        %get3A_1146 = arith.constant 512 : index
        %get3A_1147 = tpu.vector_load %arg21[%get3A_1146] {strides = array<i32>} : memref<1024xf32, #tpu.memory_space<vmem>>, vector<16xf32>,
        %add3A_1148 = arith.addf %sub3A_1145, %get3A_1147 : vector<16xf32>
        %swap3A_1149 = arith.constant 512 : index
        %swap3A_1150 = tpu.vector_load %arg24[%swap3A_1149] {strides = array<i32>} : memref<1024xf32, #tpu.memory_space<vmem>>, vector<16xf32>,
        tpu.vector_store %arg24[%swap3A_1149], %add3A_1148 {strides = array<i32>} : memref<1024xf32, #tpu.memory_space<vmem>>, vector<16xf32>,
        %get3A_1151 = arith.constant 512 : index
        %get3A_1152 = tpu.vector_load %arg19[%get3A_1151] {strides = array<i32>} : memref<1024xf32, #tpu.memory_space<vmem>>, vector<16xf32>,
        %get3A_1153 = arith.constant 512 : index
        %get3A_1154 = tpu.vector_load %arg16[%get3A_1153] {strides = array<i32>} : memref<1024xf32, #tpu.memory_space<vmem>>, vector<16xf32>,
        %sub3A_1155 = arith.subf %get3A_1152, %get3A_1154 : vector<16xf32>
        %get3A_1156 = arith.constant 512 : index
        %get3A_1157 = tpu.vector_load %arg22[%get3A_1156] {strides = array<i32>} : memref<1024xf32, #tpu.memory_space<vmem>>, vector<16xf32>,
        %add3A_1158 = arith.addf %sub3A_1155, %get3A_1157 : vector<16xf32>
        %swap3A_1159 = arith.constant 512 : index
        %swap3A_1160 = tpu.vector_load %arg25[%swap3A_1159] {strides = array<i32>} : memref<1024xf32, #tpu.memory_space<vmem>>, vector<16xf32>,
        tpu.vector_store %arg25[%swap3A_1159], %add3A_1158 {strides = array<i32>} : memref<1024xf32, #tpu.memory_space<vmem>>, vector<16xf32>,
        %get3A_1161 = arith.constant 512 : index
        %get3A_1162 = tpu.vector_load %arg20[%get3A_1161] {strides = array<i32>} : memref<1024xf32, #tpu.memory_space<vmem>>, vector<16xf32>,
        %get3A_1163 = arith.constant 512 : index
        %get3A_1164 = tpu.vector_load %arg17[%get3A_1163] {strides = array<i32>} : memref<1024xf32, #tpu.memory_space<vmem>>, vector<16xf32>,
        %sub3A_1165 = arith.subf %get3A_1162, %get3A_1164 : vector<16xf32>
        %get3A_1166 = arith.constant 512 : index
        %get3A_1167 = tpu.vector_load %arg23[%get3A_1166] {strides = array<i32>} : memref<1024xf32, #tpu.memory_space<vmem>>, vector<16xf32>,
        %add3A_1168 = arith.addf %sub3A_1165, %get3A_1167 : vector<16xf32>
        %swap3A_1169 = arith.constant 512 : index
        %swap3A_1170 = tpu.vector_load %arg26[%swap3A_1169] {strides = array<i32>} : memref<1024xf32, #tpu.memory_space<vmem>>, vector<16xf32>,
        tpu.vector_store %arg26[%swap3A_1169], %add3A_1168 {strides = array<i32>} : memref<1024xf32, #tpu.memory_space<vmem>>, vector<16xf32>,
        %get3A_1171 = arith.constant 528 : index
        %get3A_1172 = tpu.vector_load %arg18[%get3A_1171] {strides = array<i32>} : memref<1024xf32, #tpu.memory_space<vmem>>, vector<16xf32>,
        %get3A_1173 = arith.constant 528 : index
        %get3A_1174 = tpu.vector_load %arg15[%get3A_1173] {strides = array<i32>} : memref<1024xf32, #tpu.memory_space<vmem>>, vector<16xf32>,
        %sub3A_1175 = arith.subf %get3A_1172, %get3A_1174 : vector<16xf32>
        %get3A_1176 = arith.constant 528 : index
        %get3A_1177 = tpu.vector_load %arg21[%get3A_1176] {strides = array<i32>} : memref<1024xf32, #tpu.memory_space<vmem>>, vector<16xf32>,
        %add3A_1178 = arith.addf %sub3A_1175, %get3A_1177 : vector<16xf32>
        %swap3A_1179 = arith.constant 528 : index
        %swap3A_1180 = tpu.vector_load %arg24[%swap3A_1179] {strides = array<i32>} : memref<1024xf32, #tpu.memory_space<vmem>>, vector<16xf32>,
        tpu.vector_store %arg24[%swap3A_1179], %add3A_1178 {strides = array<i32>} : memref<1024xf32, #tpu.memory_space<vmem>>, vector<16xf32>,
        %get3A_1181 = arith.constant 528 : index
        %get3A_1182 = tpu.vector_load %arg19[%get3A_1181] {strides = array<i32>} : memref<1024xf32, #tpu.memory_space<vmem>>, vector<16xf32>,
        %get3A_1183 = arith.constant 528 : index
        %get3A_1184 = tpu.vector_load %arg16[%get3A_1183] {strides = array<i32>} : memref<1024xf32, #tpu.memory_space<vmem>>, vector<16xf32>,
        %sub3A_1185 = arith.subf %get3A_1182, %get3A_1184 : vector<16xf32>
        %get3A_1186 = arith.constant 528 : index
        %get3A_1187 = tpu.vector_load %arg22[%get3A_1186] {strides = array<i32>} : memref<1024xf32, #tpu.memory_space<vmem>>, vector<16xf32>,
        %add3A_1188 = arith.addf %sub3A_1185, %get3A_1187 : vector<16xf32>
        %swap3A_1189 = arith.constant 528 : index
        %swap3A_1190 = tpu.vector_load %arg25[%swap3A_1189] {strides = array<i32>} : memref<1024xf32, #tpu.memory_space<vmem>>, vector<16xf32>,
        tpu.vector_store %arg25[%swap3A_1189], %add3A_1188 {strides = array<i32>} : memref<1024xf32, #tpu.memory_space<vmem>>, vector<16xf32>,
        %get3A_1191 = arith.constant 528 : index
        %get3A_1192 = tpu.vector_load %arg20[%get3A_1191] {strides = array<i32>} : memref<1024xf32, #tpu.memory_space<vmem>>, vector<16xf32>,
        %get3A_1193 = arith.constant 528 : index
        %get3A_1194 = tpu.vector_load %arg17[%get3A_1193] {strides = array<i32>} : memref<1024xf32, #tpu.memory_space<vmem>>, vector<16xf32>,
        %sub3A_1195 = arith.subf %get3A_1192, %get3A_1194 : vector<16xf32>
        %get3A_1196 = arith.constant 528 : index
        %get3A_1197 = tpu.vector_load %arg23[%get3A_1196] {strides = array<i32>} : memref<1024xf32, #tpu.memory_space<vmem>>, vector<16xf32>,
        %add3A_1198 = arith.addf %sub3A_1195, %get3A_1197 : vector<16xf32>
        %swap3A_1199 = arith.constant 528 : index
        %swap3A_1200 = tpu.vector_load %arg26[%swap3A_1199] {strides = array<i32>} : memref<1024xf32, #tpu.memory_space<vmem>>, vector<16xf32>,
        tpu.vector_store %arg26[%swap3A_1199], %add3A_1198 {strides = array<i32>} : memref<1024xf32, #tpu.memory_space<vmem>>, vector<16xf32>,
        %get3A_1201 = arith.constant 544 : index
        %get3A_1202 = tpu.vector_load %arg18[%get3A_1201] {strides = array<i32>} : memref<1024xf32, #tpu.memory_space<vmem>>, vector<16xf32>,
        %get3A_1203 = arith.constant 544 : index
        %get3A_1204 = tpu.vector_load %arg15[%get3A_1203] {strides = array<i32>} : memref<1024xf32, #tpu.memory_space<vmem>>, vector<16xf32>,
        %sub3A_1205 = arith.subf %get3A_1202, %get3A_1204 : vector<16xf32>
        %get3A_1206 = arith.constant 544 : index
        %get3A_1207 = tpu.vector_load %arg21[%get3A_1206] {strides = array<i32>} : memref<1024xf32, #tpu.memory_space<vmem>>, vector<16xf32>,
        %add3A_1208 = arith.addf %sub3A_1205, %get3A_1207 : vector<16xf32>
        %swap3A_1209 = arith.constant 544 : index
        %swap3A_1210 = tpu.vector_load %arg24[%swap3A_1209] {strides = array<i32>} : memref<1024xf32, #tpu.memory_space<vmem>>, vector<16xf32>,
        tpu.vector_store %arg24[%swap3A_1209], %add3A_1208 {strides = array<i32>} : memref<1024xf32, #tpu.memory_space<vmem>>, vector<16xf32>,
        %get3A_1211 = arith.constant 544 : index
        %get3A_1212 = tpu.vector_load %arg19[%get3A_1211] {strides = array<i32>} : memref<1024xf32, #tpu.memory_space<vmem>>, vector<16xf32>,
        %get3A_1213 = arith.constant 544 : index
        %get3A_1214 = tpu.vector_load %arg16[%get3A_1213] {strides = array<i32>} : memref<1024xf32, #tpu.memory_space<vmem>>, vector<16xf32>,
        %sub3A_1215 = arith.subf %get3A_1212, %get3A_1214 : vector<16xf32>
        %get3A_1216 = arith.constant 544 : index
        %get3A_1217 = tpu.vector_load %arg22[%get3A_1216] {strides = array<i32>} : memref<1024xf32, #tpu.memory_space<vmem>>, vector<16xf32>,
        %add3A_1218 = arith.addf %sub3A_1215, %get3A_1217 : vector<16xf32>
        %swap3A_1219 = arith.constant 544 : index
        %swap3A_1220 = tpu.vector_load %arg25[%swap3A_1219] {strides = array<i32>} : memref<1024xf32, #tpu.memory_space<vmem>>, vector<16xf32>,
        tpu.vector_store %arg25[%swap3A_1219], %add3A_1218 {strides = array<i32>} : memref<1024xf32, #tpu.memory_space<vmem>>, vector<16xf32>,
        %get3A_1221 = arith.constant 544 : index
        %get3A_1222 = tpu.vector_load %arg20[%get3A_1221] {strides = array<i32>} : memref<1024xf32, #tpu.memory_space<vmem>>, vector<16xf32>,
        %get3A_1223 = arith.constant 544 : index
        %get3A_1224 = tpu.vector_load %arg17[%get3A_1223] {strides = array<i32>} : memref<1024xf32, #tpu.memory_space<vmem>>, vector<16xf32>,
        %sub3A_1225 = arith.subf %get3A_1222, %get3A_1224 : vector<16xf32>
        %get3A_1226 = arith.constant 544 : index
        %get3A_1227 = tpu.vector_load %arg23[%get3A_1226] {strides = array<i32>} : memref<1024xf32, #tpu.memory_space<vmem>>, vector<16xf32>,
        %add3A_1228 = arith.addf %sub3A_1225, %get3A_1227 : vector<16xf32>
        %swap3A_1229 = arith.constant 544 : index
        %swap3A_1230 = tpu.vector_load %arg26[%swap3A_1229] {strides = array<i32>} : memref<1024xf32, #tpu.memory_space<vmem>>, vector<16xf32>,
        tpu.vector_store %arg26[%swap3A_1229], %add3A_1228 {strides = array<i32>} : memref<1024xf32, #tpu.memory_space<vmem>>, vector<16xf32>,
        %get3A_1231 = arith.constant 560 : index
        %get3A_1232 = tpu.vector_load %arg18[%get3A_1231] {strides = array<i32>} : memref<1024xf32, #tpu.memory_space<vmem>>, vector<16xf32>,
        %get3A_1233 = arith.constant 560 : index
        %get3A_1234 = tpu.vector_load %arg15[%get3A_1233] {strides = array<i32>} : memref<1024xf32, #tpu.memory_space<vmem>>, vector<16xf32>,
        %sub3A_1235 = arith.subf %get3A_1232, %get3A_1234 : vector<16xf32>
        %get3A_1236 = arith.constant 560 : index
        %get3A_1237 = tpu.vector_load %arg21[%get3A_1236] {strides = array<i32>} : memref<1024xf32, #tpu.memory_space<vmem>>, vector<16xf32>,
        %add3A_1238 = arith.addf %sub3A_1235, %get3A_1237 : vector<16xf32>
        %swap3A_1239 = arith.constant 560 : index
        %swap3A_1240 = tpu.vector_load %arg24[%swap3A_1239] {strides = array<i32>} : memref<1024xf32, #tpu.memory_space<vmem>>, vector<16xf32>,
        tpu.vector_store %arg24[%swap3A_1239], %add3A_1238 {strides = array<i32>} : memref<1024xf32, #tpu.memory_space<vmem>>, vector<16xf32>,
        %get3A_1241 = arith.constant 560 : index
        %get3A_1242 = tpu.vector_load %arg19[%get3A_1241] {strides = array<i32>} : memref<1024xf32, #tpu.memory_space<vmem>>, vector<16xf32>,
        %get3A_1243 = arith.constant 560 : index
        %get3A_1244 = tpu.vector_load %arg16[%get3A_1243] {strides = array<i32>} : memref<1024xf32, #tpu.memory_space<vmem>>, vector<16xf32>,
        %sub3A_1245 = arith.subf %get3A_1242, %get3A_1244 : vector<16xf32>
        %get3A_1246 = arith.constant 560 : index
        %get3A_1247 = tpu.vector_load %arg22[%get3A_1246] {strides = array<i32>} : memref<1024xf32, #tpu.memory_space<vmem>>, vector<16xf32>,
        %add3A_1248 = arith.addf %sub3A_1245, %get3A_1247 : vector<16xf32>
        %swap3A_1249 = arith.constant 560 : index
        %swap3A_1250 = tpu.vector_load %arg25[%swap3A_1249] {strides = array<i32>} : memref<1024xf32, #tpu.memory_space<vmem>>, vector<16xf32>,
        tpu.vector_store %arg25[%swap3A_1249], %add3A_1248 {strides = array<i32>} : memref<1024xf32, #tpu.memory_space<vmem>>, vector<16xf32>,
        %get3A_1251 = arith.constant 560 : index
        %get3A_1252 = tpu.vector_load %arg20[%get3A_1251] {strides = array<i32>} : memref<1024xf32, #tpu.memory_space<vmem>>, vector<16xf32>,
        %get3A_1253 = arith.constant 560 : index
        %get3A_1254 = tpu.vector_load %arg17[%get3A_1253] {strides = array<i32>} : memref<1024xf32, #tpu.memory_space<vmem>>, vector<16xf32>,
        %sub3A_1255 = arith.subf %get3A_1252, %get3A_1254 : vector<16xf32>
        %get3A_1256 = arith.constant 560 : index
        %get3A_1257 = tpu.vector_load %arg23[%get3A_1256] {strides = array<i32>} : memref<1024xf32, #tpu.memory_space<vmem>>, vector<16xf32>,
        %add3A_1258 = arith.addf %sub3A_1255, %get3A_1257 : vector<16xf32>
        %swap3A_1259 = arith.constant 560 : index
        %swap3A_1260 = tpu.vector_load %arg26[%swap3A_1259] {strides = array<i32>} : memref<1024xf32, #tpu.memory_space<vmem>>, vector<16xf32>,
        tpu.vector_store %arg26[%swap3A_1259], %add3A_1258 {strides = array<i32>} : memref<1024xf32, #tpu.memory_space<vmem>>, vector<16xf32>,
        %get3A_1261 = arith.constant 576 : index
        %get3A_1262 = tpu.vector_load %arg18[%get3A_1261] {strides = array<i32>} : memref<1024xf32, #tpu.memory_space<vmem>>, vector<16xf32>,
        %get3A_1263 = arith.constant 576 : index
        %get3A_1264 = tpu.vector_load %arg15[%get3A_1263] {strides = array<i32>} : memref<1024xf32, #tpu.memory_space<vmem>>, vector<16xf32>,
        %sub3A_1265 = arith.subf %get3A_1262, %get3A_1264 : vector<16xf32>
        %get3A_1266 = arith.constant 576 : index
        %get3A_1267 = tpu.vector_load %arg21[%get3A_1266] {strides = array<i32>} : memref<1024xf32, #tpu.memory_space<vmem>>, vector<16xf32>,
        %add3A_1268 = arith.addf %sub3A_1265, %get3A_1267 : vector<16xf32>
        %swap3A_1269 = arith.constant 576 : index
        %swap3A_1270 = tpu.vector_load %arg24[%swap3A_1269] {strides = array<i32>} : memref<1024xf32, #tpu.memory_space<vmem>>, vector<16xf32>,
        tpu.vector_store %arg24[%swap3A_1269], %add3A_1268 {strides = array<i32>} : memref<1024xf32, #tpu.memory_space<vmem>>, vector<16xf32>,
        %get3A_1271 = arith.constant 576 : index
        %get3A_1272 = tpu.vector_load %arg19[%get3A_1271] {strides = array<i32>} : memref<1024xf32, #tpu.memory_space<vmem>>, vector<16xf32>,
        %get3A_1273 = arith.constant 576 : index
        %get3A_1274 = tpu.vector_load %arg16[%get3A_1273] {strides = array<i32>} : memref<1024xf32, #tpu.memory_space<vmem>>, vector<16xf32>,
        %sub3A_1275 = arith.subf %get3A_1272, %get3A_1274 : vector<16xf32>
        %get3A_1276 = arith.constant 576 : index
        %get3A_1277 = tpu.vector_load %arg22[%get3A_1276] {strides = array<i32>} : memref<1024xf32, #tpu.memory_space<vmem>>, vector<16xf32>,
        %add3A_1278 = arith.addf %sub3A_1275, %get3A_1277 : vector<16xf32>
        %swap3A_1279 = arith.constant 576 : index
        %swap3A_1280 = tpu.vector_load %arg25[%swap3A_1279] {strides = array<i32>} : memref<1024xf32, #tpu.memory_space<vmem>>, vector<16xf32>,
        tpu.vector_store %arg25[%swap3A_1279], %add3A_1278 {strides = array<i32>} : memref<1024xf32, #tpu.memory_space<vmem>>, vector<16xf32>,
        %get3A_1281 = arith.constant 576 : index
        %get3A_1282 = tpu.vector_load %arg20[%get3A_1281] {strides = array<i32>} : memref<1024xf32, #tpu.memory_space<vmem>>, vector<16xf32>,
        %get3A_1283 = arith.constant 576 : index
        %get3A_1284 = tpu.vector_load %arg17[%get3A_1283] {strides = array<i32>} : memref<1024xf32, #tpu.memory_space<vmem>>, vector<16xf32>,
        %sub3A_1285 = arith.subf %get3A_1282, %get3A_1284 : vector<16xf32>
        %get3A_1286 = arith.constant 576 : index
        %get3A_1287 = tpu.vector_load %arg23[%get3A_1286] {strides = array<i32>} : memref<1024xf32, #tpu.memory_space<vmem>>, vector<16xf32>,
        %add3A_1288 = arith.addf %sub3A_1285, %get3A_1287 : vector<16xf32>
        %swap3A_1289 = arith.constant 576 : index
        %swap3A_1290 = tpu.vector_load %arg26[%swap3A_1289] {strides = array<i32>} : memref<1024xf32, #tpu.memory_space<vmem>>, vector<16xf32>,
        tpu.vector_store %arg26[%swap3A_1289], %add3A_1288 {strides = array<i32>} : memref<1024xf32, #tpu.memory_space<vmem>>, vector<16xf32>,
        %get3A_1291 = arith.constant 592 : index
        %get3A_1292 = tpu.vector_load %arg18[%get3A_1291] {strides = array<i32>} : memref<1024xf32, #tpu.memory_space<vmem>>, vector<16xf32>,
        %get3A_1293 = arith.constant 592 : index
        %get3A_1294 = tpu.vector_load %arg15[%get3A_1293] {strides = array<i32>} : memref<1024xf32, #tpu.memory_space<vmem>>, vector<16xf32>,
        %sub3A_1295 = arith.subf %get3A_1292, %get3A_1294 : vector<16xf32>
        %get3A_1296 = arith.constant 592 : index
        %get3A_1297 = tpu.vector_load %arg21[%get3A_1296] {strides = array<i32>} : memref<1024xf32, #tpu.memory_space<vmem>>, vector<16xf32>,
        %add3A_1298 = arith.addf %sub3A_1295, %get3A_1297 : vector<16xf32>
        %swap3A_1299 = arith.constant 592 : index
        %swap3A_1300 = tpu.vector_load %arg24[%swap3A_1299] {strides = array<i32>} : memref<1024xf32, #tpu.memory_space<vmem>>, vector<16xf32>,
        tpu.vector_store %arg24[%swap3A_1299], %add3A_1298 {strides = array<i32>} : memref<1024xf32, #tpu.memory_space<vmem>>, vector<16xf32>,
        %get3A_1301 = arith.constant 592 : index
        %get3A_1302 = tpu.vector_load %arg19[%get3A_1301] {strides = array<i32>} : memref<1024xf32, #tpu.memory_space<vmem>>, vector<16xf32>,
        %get3A_1303 = arith.constant 592 : index
        %get3A_1304 = tpu.vector_load %arg16[%get3A_1303] {strides = array<i32>} : memref<1024xf32, #tpu.memory_space<vmem>>, vector<16xf32>,
        %sub3A_1305 = arith.subf %get3A_1302, %get3A_1304 : vector<16xf32>
        %get3A_1306 = arith.constant 592 : index
        %get3A_1307 = tpu.vector_load %arg22[%get3A_1306] {strides = array<i32>} : memref<1024xf32, #tpu.memory_space<vmem>>, vector<16xf32>,
        %add3A_1308 = arith.addf %sub3A_1305, %get3A_1307 : vector<16xf32>
        %swap3A_1309 = arith.constant 592 : index
        %swap3A_1310 = tpu.vector_load %arg25[%swap3A_1309] {strides = array<i32>} : memref<1024xf32, #tpu.memory_space<vmem>>, vector<16xf32>,
        tpu.vector_store %arg25[%swap3A_1309], %add3A_1308 {strides = array<i32>} : memref<1024xf32, #tpu.memory_space<vmem>>, vector<16xf32>,
        %get3A_1311 = arith.constant 592 : index
        %get3A_1312 = tpu.vector_load %arg20[%get3A_1311] {strides = array<i32>} : memref<1024xf32, #tpu.memory_space<vmem>>, vector<16xf32>,
        %get3A_1313 = arith.constant 592 : index
        %get3A_1314 = tpu.vector_load %arg17[%get3A_1313] {strides = array<i32>} : memref<1024xf32, #tpu.memory_space<vmem>>, vector<16xf32>,
        %sub3A_1315 = arith.subf %get3A_1312, %get3A_1314 : vector<16xf32>
        %get3A_1316 = arith.constant 592 : index
        %get3A_1317 = tpu.vector_load %arg23[%get3A_1316] {strides = array<i32>} : memref<1024xf32, #tpu.memory_space<vmem>>, vector<16xf32>,
        %add3A_1318 = arith.addf %sub3A_1315, %get3A_1317 : vector<16xf32>
        %swap3A_1319 = arith.constant 592 : index
        %swap3A_1320 = tpu.vector_load %arg26[%swap3A_1319] {strides = array<i32>} : memref<1024xf32, #tpu.memory_space<vmem>>, vector<16xf32>,
        tpu.vector_store %arg26[%swap3A_1319], %add3A_1318 {strides = array<i32>} : memref<1024xf32, #tpu.memory_space<vmem>>, vector<16xf32>,
        %get3A_1321 = arith.constant 608 : index
        %get3A_1322 = tpu.vector_load %arg18[%get3A_1321] {strides = array<i32>} : memref<1024xf32, #tpu.memory_space<vmem>>, vector<16xf32>,
        %get3A_1323 = arith.constant 608 : index
        %get3A_1324 = tpu.vector_load %arg15[%get3A_1323] {strides = array<i32>} : memref<1024xf32, #tpu.memory_space<vmem>>, vector<16xf32>,
        %sub3A_1325 = arith.subf %get3A_1322, %get3A_1324 : vector<16xf32>
        %get3A_1326 = arith.constant 608 : index
        %get3A_1327 = tpu.vector_load %arg21[%get3A_1326] {strides = array<i32>} : memref<1024xf32, #tpu.memory_space<vmem>>, vector<16xf32>,
        %add3A_1328 = arith.addf %sub3A_1325, %get3A_1327 : vector<16xf32>
        %swap3A_1329 = arith.constant 608 : index
        %swap3A_1330 = tpu.vector_load %arg24[%swap3A_1329] {strides = array<i32>} : memref<1024xf32, #tpu.memory_space<vmem>>, vector<16xf32>,
        tpu.vector_store %arg24[%swap3A_1329], %add3A_1328 {strides = array<i32>} : memref<1024xf32, #tpu.memory_space<vmem>>, vector<16xf32>,
        %get3A_1331 = arith.constant 608 : index
        %get3A_1332 = tpu.vector_load %arg19[%get3A_1331] {strides = array<i32>} : memref<1024xf32, #tpu.memory_space<vmem>>, vector<16xf32>,
        %get3A_1333 = arith.constant 608 : index
        %get3A_1334 = tpu.vector_load %arg16[%get3A_1333] {strides = array<i32>} : memref<1024xf32, #tpu.memory_space<vmem>>, vector<16xf32>,
        %sub3A_1335 = arith.subf %get3A_1332, %get3A_1334 : vector<16xf32>
        %get3A_1336 = arith.constant 608 : index
        %get3A_1337 = tpu.vector_load %arg22[%get3A_1336] {strides = array<i32>} : memref<1024xf32, #tpu.memory_space<vmem>>, vector<16xf32>,
        %add3A_1338 = arith.addf %sub3A_1335, %get3A_1337 : vector<16xf32>
        %swap3A_1339 = arith.constant 608 : index
        %swap3A_1340 = tpu.vector_load %arg25[%swap3A_1339] {strides = array<i32>} : memref<1024xf32, #tpu.memory_space<vmem>>, vector<16xf32>,
        tpu.vector_store %arg25[%swap3A_1339], %add3A_1338 {strides = array<i32>} : memref<1024xf32, #tpu.memory_space<vmem>>, vector<16xf32>,
        %get3A_1341 = arith.constant 608 : index
        %get3A_1342 = tpu.vector_load %arg20[%get3A_1341] {strides = array<i32>} : memref<1024xf32, #tpu.memory_space<vmem>>, vector<16xf32>,
        %get3A_1343 = arith.constant 608 : index
        %get3A_1344 = tpu.vector_load %arg17[%get3A_1343] {strides = array<i32>} : memref<1024xf32, #tpu.memory_space<vmem>>, vector<16xf32>,
        %sub3A_1345 = arith.subf %get3A_1342, %get3A_1344 : vector<16xf32>
        %get3A_1346 = arith.constant 608 : index
        %get3A_1347 = tpu.vector_load %arg23[%get3A_1346] {strides = array<i32>} : memref<1024xf32, #tpu.memory_space<vmem>>, vector<16xf32>,
        %add3A_1348 = arith.addf %sub3A_1345, %get3A_1347 : vector<16xf32>
        %swap3A_1349 = arith.constant 608 : index
        %swap3A_1350 = tpu.vector_load %arg26[%swap3A_1349] {strides = array<i32>} : memref<1024xf32, #tpu.memory_space<vmem>>, vector<16xf32>,
        tpu.vector_store %arg26[%swap3A_1349], %add3A_1348 {strides = array<i32>} : memref<1024xf32, #tpu.memory_space<vmem>>, vector<16xf32>,
        %get3A_1351 = arith.constant 624 : index
        %get3A_1352 = tpu.vector_load %arg18[%get3A_1351] {strides = array<i32>} : memref<1024xf32, #tpu.memory_space<vmem>>, vector<16xf32>,
        %get3A_1353 = arith.constant 624 : index
        %get3A_1354 = tpu.vector_load %arg15[%get3A_1353] {strides = array<i32>} : memref<1024xf32, #tpu.memory_space<vmem>>, vector<16xf32>,
        %sub3A_1355 = arith.subf %get3A_1352, %get3A_1354 : vector<16xf32>
        %get3A_1356 = arith.constant 624 : index
        %get3A_1357 = tpu.vector_load %arg21[%get3A_1356] {strides = array<i32>} : memref<1024xf32, #tpu.memory_space<vmem>>, vector<16xf32>,
        %add3A_1358 = arith.addf %sub3A_1355, %get3A_1357 : vector<16xf32>
        %swap3A_1359 = arith.constant 624 : index
        %swap3A_1360 = tpu.vector_load %arg24[%swap3A_1359] {strides = array<i32>} : memref<1024xf32, #tpu.memory_space<vmem>>, vector<16xf32>,
        tpu.vector_store %arg24[%swap3A_1359], %add3A_1358 {strides = array<i32>} : memref<1024xf32, #tpu.memory_space<vmem>>, vector<16xf32>,
        %get3A_1361 = arith.constant 624 : index
        %get3A_1362 = tpu.vector_load %arg19[%get3A_1361] {strides = array<i32>} : memref<1024xf32, #tpu.memory_space<vmem>>, vector<16xf32>,
        %get3A_1363 = arith.constant 624 : index
        %get3A_1364 = tpu.vector_load %arg16[%get3A_1363] {strides = array<i32>} : memref<1024xf32, #tpu.memory_space<vmem>>, vector<16xf32>,
        %sub3A_1365 = arith.subf %get3A_1362, %get3A_1364 : vector<16xf32>
        %get3A_1366 = arith.constant 624 : index
        %get3A_1367 = tpu.vector_load %arg22[%get3A_1366] {strides = array<i32>} : memref<1024xf32, #tpu.memory_space<vmem>>, vector<16xf32>,
        %add3A_1368 = arith.addf %sub3A_1365, %get3A_1367 : vector<16xf32>
        %swap3A_1369 = arith.constant 624 : index
        %swap3A_1370 = tpu.vector_load %arg25[%swap3A_1369] {strides = array<i32>} : memref<1024xf32, #tpu.memory_space<vmem>>, vector<16xf32>,
        tpu.vector_store %arg25[%swap3A_1369], %add3A_1368 {strides = array<i32>} : memref<1024xf32, #tpu.memory_space<vmem>>, vector<16xf32>,
        %get3A_1371 = arith.constant 624 : index
        %get3A_1372 = tpu.vector_load %arg20[%get3A_1371] {strides = array<i32>} : memref<1024xf32, #tpu.memory_space<vmem>>, vector<16xf32>,
        %get3A_1373 = arith.constant 624 : index
        %get3A_1374 = tpu.vector_load %arg17[%get3A_1373] {strides = array<i32>} : memref<1024xf32, #tpu.memory_space<vmem>>, vector<16xf32>,
        %sub3A_1375 = arith.subf %get3A_1372, %get3A_1374 : vector<16xf32>
        %get3A_1376 = arith.constant 624 : index
        %get3A_1377 = tpu.vector_load %arg23[%get3A_1376] {strides = array<i32>} : memref<1024xf32, #tpu.memory_space<vmem>>, vector<16xf32>,
        %add3A_1378 = arith.addf %sub3A_1375, %get3A_1377 : vector<16xf32>
        %swap3A_1379 = arith.constant 624 : index
        %swap3A_1380 = tpu.vector_load %arg26[%swap3A_1379] {strides = array<i32>} : memref<1024xf32, #tpu.memory_space<vmem>>, vector<16xf32>,
        tpu.vector_store %arg26[%swap3A_1379], %add3A_1378 {strides = array<i32>} : memref<1024xf32, #tpu.memory_space<vmem>>, vector<16xf32>,
        %get3A_1381 = arith.constant 640 : index
        %get3A_1382 = tpu.vector_load %arg18[%get3A_1381] {strides = array<i32>} : memref<1024xf32, #tpu.memory_space<vmem>>, vector<16xf32>,
        %get3A_1383 = arith.constant 640 : index
        %get3A_1384 = tpu.vector_load %arg15[%get3A_1383] {strides = array<i32>} : memref<1024xf32, #tpu.memory_space<vmem>>, vector<16xf32>,
        %sub3A_1385 = arith.subf %get3A_1382, %get3A_1384 : vector<16xf32>
        %get3A_1386 = arith.constant 640 : index
        %get3A_1387 = tpu.vector_load %arg21[%get3A_1386] {strides = array<i32>} : memref<1024xf32, #tpu.memory_space<vmem>>, vector<16xf32>,
        %add3A_1388 = arith.addf %sub3A_1385, %get3A_1387 : vector<16xf32>
        %swap3A_1389 = arith.constant 640 : index
        %swap3A_1390 = tpu.vector_load %arg24[%swap3A_1389] {strides = array<i32>} : memref<1024xf32, #tpu.memory_space<vmem>>, vector<16xf32>,
        tpu.vector_store %arg24[%swap3A_1389], %add3A_1388 {strides = array<i32>} : memref<1024xf32, #tpu.memory_space<vmem>>, vector<16xf32>,
        %get3A_1391 = arith.constant 640 : index
        %get3A_1392 = tpu.vector_load %arg19[%get3A_1391] {strides = array<i32>} : memref<1024xf32, #tpu.memory_space<vmem>>, vector<16xf32>,
        %get3A_1393 = arith.constant 640 : index
        %get3A_1394 = tpu.vector_load %arg16[%get3A_1393] {strides = array<i32>} : memref<1024xf32, #tpu.memory_space<vmem>>, vector<16xf32>,
        %sub3A_1395 = arith.subf %get3A_1392, %get3A_1394 : vector<16xf32>
        %get3A_1396 = arith.constant 640 : index
        %get3A_1397 = tpu.vector_load %arg22[%get3A_1396] {strides = array<i32>} : memref<1024xf32, #tpu.memory_space<vmem>>, vector<16xf32>,
        %add3A_1398 = arith.addf %sub3A_1395, %get3A_1397 : vector<16xf32>
        %swap3A_1399 = arith.constant 640 : index
        %swap3A_1400 = tpu.vector_load %arg25[%swap3A_1399] {strides = array<i32>} : memref<1024xf32, #tpu.memory_space<vmem>>, vector<16xf32>,
        tpu.vector_store %arg25[%swap3A_1399], %add3A_1398 {strides = array<i32>} : memref<1024xf32, #tpu.memory_space<vmem>>, vector<16xf32>,
        %get3A_1401 = arith.constant 640 : index
        %get3A_1402 = tpu.vector_load %arg20[%get3A_1401] {strides = array<i32>} : memref<1024xf32, #tpu.memory_space<vmem>>, vector<16xf32>,
        %get3A_1403 = arith.constant 640 : index
        %get3A_1404 = tpu.vector_load %arg17[%get3A_1403] {strides = array<i32>} : memref<1024xf32, #tpu.memory_space<vmem>>, vector<16xf32>,
        %sub3A_1405 = arith.subf %get3A_1402, %get3A_1404 : vector<16xf32>
        %get3A_1406 = arith.constant 640 : index
        %get3A_1407 = tpu.vector_load %arg23[%get3A_1406] {strides = array<i32>} : memref<1024xf32, #tpu.memory_space<vmem>>, vector<16xf32>,
        %add3A_1408 = arith.addf %sub3A_1405, %get3A_1407 : vector<16xf32>
        %swap3A_1409 = arith.constant 640 : index
        %swap3A_1410 = tpu.vector_load %arg26[%swap3A_1409] {strides = array<i32>} : memref<1024xf32, #tpu.memory_space<vmem>>, vector<16xf32>,
        tpu.vector_store %arg26[%swap3A_1409], %add3A_1408 {strides = array<i32>} : memref<1024xf32, #tpu.memory_space<vmem>>, vector<16xf32>,
        %get3A_1411 = arith.constant 656 : index
        %get3A_1412 = tpu.vector_load %arg18[%get3A_1411] {strides = array<i32>} : memref<1024xf32, #tpu.memory_space<vmem>>, vector<16xf32>,
        %get3A_1413 = arith.constant 656 : index
        %get3A_1414 = tpu.vector_load %arg15[%get3A_1413] {strides = array<i32>} : memref<1024xf32, #tpu.memory_space<vmem>>, vector<16xf32>,
        %sub3A_1415 = arith.subf %get3A_1412, %get3A_1414 : vector<16xf32>
        %get3A_1416 = arith.constant 656 : index
        %get3A_1417 = tpu.vector_load %arg21[%get3A_1416] {strides = array<i32>} : memref<1024xf32, #tpu.memory_space<vmem>>, vector<16xf32>,
        %add3A_1418 = arith.addf %sub3A_1415, %get3A_1417 : vector<16xf32>
        %swap3A_1419 = arith.constant 656 : index
        %swap3A_1420 = tpu.vector_load %arg24[%swap3A_1419] {strides = array<i32>} : memref<1024xf32, #tpu.memory_space<vmem>>, vector<16xf32>,
        tpu.vector_store %arg24[%swap3A_1419], %add3A_1418 {strides = array<i32>} : memref<1024xf32, #tpu.memory_space<vmem>>, vector<16xf32>,
        %get3A_1421 = arith.constant 656 : index
        %get3A_1422 = tpu.vector_load %arg19[%get3A_1421] {strides = array<i32>} : memref<1024xf32, #tpu.memory_space<vmem>>, vector<16xf32>,
        %get3A_1423 = arith.constant 656 : index
        %get3A_1424 = tpu.vector_load %arg16[%get3A_1423] {strides = array<i32>} : memref<1024xf32, #tpu.memory_space<vmem>>, vector<16xf32>,
        %sub3A_1425 = arith.subf %get3A_1422, %get3A_1424 : vector<16xf32>
        %get3A_1426 = arith.constant 656 : index
        %get3A_1427 = tpu.vector_load %arg22[%get3A_1426] {strides = array<i32>} : memref<1024xf32, #tpu.memory_space<vmem>>, vector<16xf32>,
        %add3A_1428 = arith.addf %sub3A_1425, %get3A_1427 : vector<16xf32>
        %swap3A_1429 = arith.constant 656 : index
        %swap3A_1430 = tpu.vector_load %arg25[%swap3A_1429] {strides = array<i32>} : memref<1024xf32, #tpu.memory_space<vmem>>, vector<16xf32>,
        tpu.vector_store %arg25[%swap3A_1429], %add3A_1428 {strides = array<i32>} : memref<1024xf32, #tpu.memory_space<vmem>>, vector<16xf32>,
        %get3A_1431 = arith.constant 656 : index
        %get3A_1432 = tpu.vector_load %arg20[%get3A_1431] {strides = array<i32>} : memref<1024xf32, #tpu.memory_space<vmem>>, vector<16xf32>,
        %get3A_1433 = arith.constant 656 : index
        %get3A_1434 = tpu.vector_load %arg17[%get3A_1433] {strides = array<i32>} : memref<1024xf32, #tpu.memory_space<vmem>>, vector<16xf32>,
        %sub3A_1435 = arith.subf %get3A_1432, %get3A_1434 : vector<16xf32>
        %get3A_1436 = arith.constant 656 : index
        %get3A_1437 = tpu.vector_load %arg23[%get3A_1436] {strides = array<i32>} : memref<1024xf32, #tpu.memory_space<vmem>>, vector<16xf32>,
        %add3A_1438 = arith.addf %sub3A_1435, %get3A_1437 : vector<16xf32>
        %swap3A_1439 = arith.constant 656 : index
        %swap3A_1440 = tpu.vector_load %arg26[%swap3A_1439] {strides = array<i32>} : memref<1024xf32, #tpu.memory_space<vmem>>, vector<16xf32>,
        tpu.vector_store %arg26[%swap3A_1439], %add3A_1438 {strides = array<i32>} : memref<1024xf32, #tpu.memory_space<vmem>>, vector<16xf32>,
        %get3A_1441 = arith.constant 672 : index
        %get3A_1442 = tpu.vector_load %arg18[%get3A_1441] {strides = array<i32>} : memref<1024xf32, #tpu.memory_space<vmem>>, vector<16xf32>,
        %get3A_1443 = arith.constant 672 : index
        %get3A_1444 = tpu.vector_load %arg15[%get3A_1443] {strides = array<i32>} : memref<1024xf32, #tpu.memory_space<vmem>>, vector<16xf32>,
        %sub3A_1445 = arith.subf %get3A_1442, %get3A_1444 : vector<16xf32>
        %get3A_1446 = arith.constant 672 : index
        %get3A_1447 = tpu.vector_load %arg21[%get3A_1446] {strides = array<i32>} : memref<1024xf32, #tpu.memory_space<vmem>>, vector<16xf32>,
        %add3A_1448 = arith.addf %sub3A_1445, %get3A_1447 : vector<16xf32>
        %swap3A_1449 = arith.constant 672 : index
        %swap3A_1450 = tpu.vector_load %arg24[%swap3A_1449] {strides = array<i32>} : memref<1024xf32, #tpu.memory_space<vmem>>, vector<16xf32>,
        tpu.vector_store %arg24[%swap3A_1449], %add3A_1448 {strides = array<i32>} : memref<1024xf32, #tpu.memory_space<vmem>>, vector<16xf32>,
        %get3A_1451 = arith.constant 672 : index
        %get3A_1452 = tpu.vector_load %arg19[%get3A_1451] {strides = array<i32>} : memref<1024xf32, #tpu.memory_space<vmem>>, vector<16xf32>,
        %get3A_1453 = arith.constant 672 : index
        %get3A_1454 = tpu.vector_load %arg16[%get3A_1453] {strides = array<i32>} : memref<1024xf32, #tpu.memory_space<vmem>>, vector<16xf32>,
        %sub3A_1455 = arith.subf %get3A_1452, %get3A_1454 : vector<16xf32>
        %get3A_1456 = arith.constant 672 : index
        %get3A_1457 = tpu.vector_load %arg22[%get3A_1456] {strides = array<i32>} : memref<1024xf32, #tpu.memory_space<vmem>>, vector<16xf32>,
        %add3A_1458 = arith.addf %sub3A_1455, %get3A_1457 : vector<16xf32>
        %swap3A_1459 = arith.constant 672 : index
        %swap3A_1460 = tpu.vector_load %arg25[%swap3A_1459] {strides = array<i32>} : memref<1024xf32, #tpu.memory_space<vmem>>, vector<16xf32>,
        tpu.vector_store %arg25[%swap3A_1459], %add3A_1458 {strides = array<i32>} : memref<1024xf32, #tpu.memory_space<vmem>>, vector<16xf32>,
        %get3A_1461 = arith.constant 672 : index
        %get3A_1462 = tpu.vector_load %arg20[%get3A_1461] {strides = array<i32>} : memref<1024xf32, #tpu.memory_space<vmem>>, vector<16xf32>,
        %get3A_1463 = arith.constant 672 : index
        %get3A_1464 = tpu.vector_load %arg17[%get3A_1463] {strides = array<i32>} : memref<1024xf32, #tpu.memory_space<vmem>>, vector<16xf32>,
        %sub3A_1465 = arith.subf %get3A_1462, %get3A_1464 : vector<16xf32>
        %get3A_1466 = arith.constant 672 : index
        %get3A_1467 = tpu.vector_load %arg23[%get3A_1466] {strides = array<i32>} : memref<1024xf32, #tpu.memory_space<vmem>>, vector<16xf32>,
        %add3A_1468 = arith.addf %sub3A_1465, %get3A_1467 : vector<16xf32>
        %swap3A_1469 = arith.constant 672 : index
        %swap3A_1470 = tpu.vector_load %arg26[%swap3A_1469] {strides = array<i32>} : memref<1024xf32, #tpu.memory_space<vmem>>, vector<16xf32>,
        tpu.vector_store %arg26[%swap3A_1469], %add3A_1468 {strides = array<i32>} : memref<1024xf32, #tpu.memory_space<vmem>>, vector<16xf32>,
        %get3A_1471 = arith.constant 688 : index
        %get3A_1472 = tpu.vector_load %arg18[%get3A_1471] {strides = array<i32>} : memref<1024xf32, #tpu.memory_space<vmem>>, vector<16xf32>,
        %get3A_1473 = arith.constant 688 : index
        %get3A_1474 = tpu.vector_load %arg15[%get3A_1473] {strides = array<i32>} : memref<1024xf32, #tpu.memory_space<vmem>>, vector<16xf32>,
        %sub3A_1475 = arith.subf %get3A_1472, %get3A_1474 : vector<16xf32>
        %get3A_1476 = arith.constant 688 : index
        %get3A_1477 = tpu.vector_load %arg21[%get3A_1476] {strides = array<i32>} : memref<1024xf32, #tpu.memory_space<vmem>>, vector<16xf32>,
        %add3A_1478 = arith.addf %sub3A_1475, %get3A_1477 : vector<16xf32>
        %swap3A_1479 = arith.constant 688 : index
        %swap3A_1480 = tpu.vector_load %arg24[%swap3A_1479] {strides = array<i32>} : memref<1024xf32, #tpu.memory_space<vmem>>, vector<16xf32>,
        tpu.vector_store %arg24[%swap3A_1479], %add3A_1478 {strides = array<i32>} : memref<1024xf32, #tpu.memory_space<vmem>>, vector<16xf32>,
        %get3A_1481 = arith.constant 688 : index
        %get3A_1482 = tpu.vector_load %arg19[%get3A_1481] {strides = array<i32>} : memref<1024xf32, #tpu.memory_space<vmem>>, vector<16xf32>,
        %get3A_1483 = arith.constant 688 : index
        %get3A_1484 = tpu.vector_load %arg16[%get3A_1483] {strides = array<i32>} : memref<1024xf32, #tpu.memory_space<vmem>>, vector<16xf32>,
        %sub3A_1485 = arith.subf %get3A_1482, %get3A_1484 : vector<16xf32>
        %get3A_1486 = arith.constant 688 : index
        %get3A_1487 = tpu.vector_load %arg22[%get3A_1486] {strides = array<i32>} : memref<1024xf32, #tpu.memory_space<vmem>>, vector<16xf32>,
        %add3A_1488 = arith.addf %sub3A_1485, %get3A_1487 : vector<16xf32>
        %swap3A_1489 = arith.constant 688 : index
        %swap3A_1490 = tpu.vector_load %arg25[%swap3A_1489] {strides = array<i32>} : memref<1024xf32, #tpu.memory_space<vmem>>, vector<16xf32>,
        tpu.vector_store %arg25[%swap3A_1489], %add3A_1488 {strides = array<i32>} : memref<1024xf32, #tpu.memory_space<vmem>>, vector<16xf32>,
        %get3A_1491 = arith.constant 688 : index
        %get3A_1492 = tpu.vector_load %arg20[%get3A_1491] {strides = array<i32>} : memref<1024xf32, #tpu.memory_space<vmem>>, vector<16xf32>,
        %get3A_1493 = arith.constant 688 : index
        %get3A_1494 = tpu.vector_load %arg17[%get3A_1493] {strides = array<i32>} : memref<1024xf32, #tpu.memory_space<vmem>>, vector<16xf32>,
        %sub3A_1495 = arith.subf %get3A_1492, %get3A_1494 : vector<16xf32>
        %get3A_1496 = arith.constant 688 : index
        %get3A_1497 = tpu.vector_load %arg23[%get3A_1496] {strides = array<i32>} : memref<1024xf32, #tpu.memory_space<vmem>>, vector<16xf32>,
        %add3A_1498 = arith.addf %sub3A_1495, %get3A_1497 : vector<16xf32>
        %swap3A_1499 = arith.constant 688 : index
        %swap3A_1500 = tpu.vector_load %arg26[%swap3A_1499] {strides = array<i32>} : memref<1024xf32, #tpu.memory_space<vmem>>, vector<16xf32>,
        tpu.vector_store %arg26[%swap3A_1499], %add3A_1498 {strides = array<i32>} : memref<1024xf32, #tpu.memory_space<vmem>>, vector<16xf32>,
        %get3A_1501 = arith.constant 704 : index
        %get3A_1502 = tpu.vector_load %arg18[%get3A_1501] {strides = array<i32>} : memref<1024xf32, #tpu.memory_space<vmem>>, vector<16xf32>,
        %get3A_1503 = arith.constant 704 : index
        %get3A_1504 = tpu.vector_load %arg15[%get3A_1503] {strides = array<i32>} : memref<1024xf32, #tpu.memory_space<vmem>>, vector<16xf32>,
        %sub3A_1505 = arith.subf %get3A_1502, %get3A_1504 : vector<16xf32>
        %get3A_1506 = arith.constant 704 : index
        %get3A_1507 = tpu.vector_load %arg21[%get3A_1506] {strides = array<i32>} : memref<1024xf32, #tpu.memory_space<vmem>>, vector<16xf32>,
        %add3A_1508 = arith.addf %sub3A_1505, %get3A_1507 : vector<16xf32>
        %swap3A_1509 = arith.constant 704 : index
        %swap3A_1510 = tpu.vector_load %arg24[%swap3A_1509] {strides = array<i32>} : memref<1024xf32, #tpu.memory_space<vmem>>, vector<16xf32>,
        tpu.vector_store %arg24[%swap3A_1509], %add3A_1508 {strides = array<i32>} : memref<1024xf32, #tpu.memory_space<vmem>>, vector<16xf32>,
        %get3A_1511 = arith.constant 704 : index
        %get3A_1512 = tpu.vector_load %arg19[%get3A_1511] {strides = array<i32>} : memref<1024xf32, #tpu.memory_space<vmem>>, vector<16xf32>,
        %get3A_1513 = arith.constant 704 : index
        %get3A_1514 = tpu.vector_load %arg16[%get3A_1513] {strides = array<i32>} : memref<1024xf32, #tpu.memory_space<vmem>>, vector<16xf32>,
        %sub3A_1515 = arith.subf %get3A_1512, %get3A_1514 : vector<16xf32>
        %get3A_1516 = arith.constant 704 : index
        %get3A_1517 = tpu.vector_load %arg22[%get3A_1516] {strides = array<i32>} : memref<1024xf32, #tpu.memory_space<vmem>>, vector<16xf32>,
        %add3A_1518 = arith.addf %sub3A_1515, %get3A_1517 : vector<16xf32>
        %swap3A_1519 = arith.constant 704 : index
        %swap3A_1520 = tpu.vector_load %arg25[%swap3A_1519] {strides = array<i32>} : memref<1024xf32, #tpu.memory_space<vmem>>, vector<16xf32>,
        tpu.vector_store %arg25[%swap3A_1519], %add3A_1518 {strides = array<i32>} : memref<1024xf32, #tpu.memory_space<vmem>>, vector<16xf32>,
        %get3A_1521 = arith.constant 704 : index
        %get3A_1522 = tpu.vector_load %arg20[%get3A_1521] {strides = array<i32>} : memref<1024xf32, #tpu.memory_space<vmem>>, vector<16xf32>,
        %get3A_1523 = arith.constant 704 : index
        %get3A_1524 = tpu.vector_load %arg17[%get3A_1523] {strides = array<i32>} : memref<1024xf32, #tpu.memory_space<vmem>>, vector<16xf32>,
        %sub3A_1525 = arith.subf %get3A_1522, %get3A_1524 : vector<16xf32>
        %get3A_1526 = arith.constant 704 : index
        %get3A_1527 = tpu.vector_load %arg23[%get3A_1526] {strides = array<i32>} : memref<1024xf32, #tpu.memory_space<vmem>>, vector<16xf32>,
        %add3A_1528 = arith.addf %sub3A_1525, %get3A_1527 : vector<16xf32>
        %swap3A_1529 = arith.constant 704 : index
        %swap3A_1530 = tpu.vector_load %arg26[%swap3A_1529] {strides = array<i32>} : memref<1024xf32, #tpu.memory_space<vmem>>, vector<16xf32>,
        tpu.vector_store %arg26[%swap3A_1529], %add3A_1528 {strides = array<i32>} : memref<1024xf32, #tpu.memory_space<vmem>>, vector<16xf32>,
        %get3A_1531 = arith.constant 720 : index
        %get3A_1532 = tpu.vector_load %arg18[%get3A_1531] {strides = array<i32>} : memref<1024xf32, #tpu.memory_space<vmem>>, vector<16xf32>,
        %get3A_1533 = arith.constant 720 : index
        %get3A_1534 = tpu.vector_load %arg15[%get3A_1533] {strides = array<i32>} : memref<1024xf32, #tpu.memory_space<vmem>>, vector<16xf32>,
        %sub3A_1535 = arith.subf %get3A_1532, %get3A_1534 : vector<16xf32>
        %get3A_1536 = arith.constant 720 : index
        %get3A_1537 = tpu.vector_load %arg21[%get3A_1536] {strides = array<i32>} : memref<1024xf32, #tpu.memory_space<vmem>>, vector<16xf32>,
        %add3A_1538 = arith.addf %sub3A_1535, %get3A_1537 : vector<16xf32>
        %swap3A_1539 = arith.constant 720 : index
        %swap3A_1540 = tpu.vector_load %arg24[%swap3A_1539] {strides = array<i32>} : memref<1024xf32, #tpu.memory_space<vmem>>, vector<16xf32>,
        tpu.vector_store %arg24[%swap3A_1539], %add3A_1538 {strides = array<i32>} : memref<1024xf32, #tpu.memory_space<vmem>>, vector<16xf32>,
        %get3A_1541 = arith.constant 720 : index
        %get3A_1542 = tpu.vector_load %arg19[%get3A_1541] {strides = array<i32>} : memref<1024xf32, #tpu.memory_space<vmem>>, vector<16xf32>,
        %get3A_1543 = arith.constant 720 : index
        %get3A_1544 = tpu.vector_load %arg16[%get3A_1543] {strides = array<i32>} : memref<1024xf32, #tpu.memory_space<vmem>>, vector<16xf32>,
        %sub3A_1545 = arith.subf %get3A_1542, %get3A_1544 : vector<16xf32>
        %get3A_1546 = arith.constant 720 : index
        %get3A_1547 = tpu.vector_load %arg22[%get3A_1546] {strides = array<i32>} : memref<1024xf32, #tpu.memory_space<vmem>>, vector<16xf32>,
        %add3A_1548 = arith.addf %sub3A_1545, %get3A_1547 : vector<16xf32>
        %swap3A_1549 = arith.constant 720 : index
        %swap3A_1550 = tpu.vector_load %arg25[%swap3A_1549] {strides = array<i32>} : memref<1024xf32, #tpu.memory_space<vmem>>, vector<16xf32>,
        tpu.vector_store %arg25[%swap3A_1549], %add3A_1548 {strides = array<i32>} : memref<1024xf32, #tpu.memory_space<vmem>>, vector<16xf32>,
        %get3A_1551 = arith.constant 720 : index
        %get3A_1552 = tpu.vector_load %arg20[%get3A_1551] {strides = array<i32>} : memref<1024xf32, #tpu.memory_space<vmem>>, vector<16xf32>,
        %get3A_1553 = arith.constant 720 : index
        %get3A_1554 = tpu.vector_load %arg17[%get3A_1553] {strides = array<i32>} : memref<1024xf32, #tpu.memory_space<vmem>>, vector<16xf32>,
        %sub3A_1555 = arith.subf %get3A_1552, %get3A_1554 : vector<16xf32>
        %get3A_1556 = arith.constant 720 : index
        %get3A_1557 = tpu.vector_load %arg23[%get3A_1556] {strides = array<i32>} : memref<1024xf32, #tpu.memory_space<vmem>>, vector<16xf32>,
        %add3A_1558 = arith.addf %sub3A_1555, %get3A_1557 : vector<16xf32>
        %swap3A_1559 = arith.constant 720 : index
        %swap3A_1560 = tpu.vector_load %arg26[%swap3A_1559] {strides = array<i32>} : memref<1024xf32, #tpu.memory_space<vmem>>, vector<16xf32>,
        tpu.vector_store %arg26[%swap3A_1559], %add3A_1558 {strides = array<i32>} : memref<1024xf32, #tpu.memory_space<vmem>>, vector<16xf32>,
        %get3A_1561 = arith.constant 736 : index
        %get3A_1562 = tpu.vector_load %arg18[%get3A_1561] {strides = array<i32>} : memref<1024xf32, #tpu.memory_space<vmem>>, vector<16xf32>,
        %get3A_1563 = arith.constant 736 : index
        %get3A_1564 = tpu.vector_load %arg15[%get3A_1563] {strides = array<i32>} : memref<1024xf32, #tpu.memory_space<vmem>>, vector<16xf32>,
        %sub3A_1565 = arith.subf %get3A_1562, %get3A_1564 : vector<16xf32>
        %get3A_1566 = arith.constant 736 : index
        %get3A_1567 = tpu.vector_load %arg21[%get3A_1566] {strides = array<i32>} : memref<1024xf32, #tpu.memory_space<vmem>>, vector<16xf32>,
        %add3A_1568 = arith.addf %sub3A_1565, %get3A_1567 : vector<16xf32>
        %swap3A_1569 = arith.constant 736 : index
        %swap3A_1570 = tpu.vector_load %arg24[%swap3A_1569] {strides = array<i32>} : memref<1024xf32, #tpu.memory_space<vmem>>, vector<16xf32>,
        tpu.vector_store %arg24[%swap3A_1569], %add3A_1568 {strides = array<i32>} : memref<1024xf32, #tpu.memory_space<vmem>>, vector<16xf32>,
        %get3A_1571 = arith.constant 736 : index
        %get3A_1572 = tpu.vector_load %arg19[%get3A_1571] {strides = array<i32>} : memref<1024xf32, #tpu.memory_space<vmem>>, vector<16xf32>,
        %get3A_1573 = arith.constant 736 : index
        %get3A_1574 = tpu.vector_load %arg16[%get3A_1573] {strides = array<i32>} : memref<1024xf32, #tpu.memory_space<vmem>>, vector<16xf32>,
        %sub3A_1575 = arith.subf %get3A_1572, %get3A_1574 : vector<16xf32>
        %get3A_1576 = arith.constant 736 : index
        %get3A_1577 = tpu.vector_load %arg22[%get3A_1576] {strides = array<i32>} : memref<1024xf32, #tpu.memory_space<vmem>>, vector<16xf32>,
        %add3A_1578 = arith.addf %sub3A_1575, %get3A_1577 : vector<16xf32>
        %swap3A_1579 = arith.constant 736 : index
        %swap3A_1580 = tpu.vector_load %arg25[%swap3A_1579] {strides = array<i32>} : memref<1024xf32, #tpu.memory_space<vmem>>, vector<16xf32>,
        tpu.vector_store %arg25[%swap3A_1579], %add3A_1578 {strides = array<i32>} : memref<1024xf32, #tpu.memory_space<vmem>>, vector<16xf32>,
        %get3A_1581 = arith.constant 736 : index
        %get3A_1582 = tpu.vector_load %arg20[%get3A_1581] {strides = array<i32>} : memref<1024xf32, #tpu.memory_space<vmem>>, vector<16xf32>,
        %get3A_1583 = arith.constant 736 : index
        %get3A_1584 = tpu.vector_load %arg17[%get3A_1583] {strides = array<i32>} : memref<1024xf32, #tpu.memory_space<vmem>>, vector<16xf32>,
        %sub3A_1585 = arith.subf %get3A_1582, %get3A_1584 : vector<16xf32>
        %get3A_1586 = arith.constant 736 : index
        %get3A_1587 = tpu.vector_load %arg23[%get3A_1586] {strides = array<i32>} : memref<1024xf32, #tpu.memory_space<vmem>>, vector<16xf32>,
        %add3A_1588 = arith.addf %sub3A_1585, %get3A_1587 : vector<16xf32>
        %swap3A_1589 = arith.constant 736 : index
        %swap3A_1590 = tpu.vector_load %arg26[%swap3A_1589] {strides = array<i32>} : memref<1024xf32, #tpu.memory_space<vmem>>, vector<16xf32>,
        tpu.vector_store %arg26[%swap3A_1589], %add3A_1588 {strides = array<i32>} : memref<1024xf32, #tpu.memory_space<vmem>>, vector<16xf32>,
        %get3A_1591 = arith.constant 752 : index
        %get3A_1592 = tpu.vector_load %arg18[%get3A_1591] {strides = array<i32>} : memref<1024xf32, #tpu.memory_space<vmem>>, vector<16xf32>,
        %get3A_1593 = arith.constant 752 : index
        %get3A_1594 = tpu.vector_load %arg15[%get3A_1593] {strides = array<i32>} : memref<1024xf32, #tpu.memory_space<vmem>>, vector<16xf32>,
        %sub3A_1595 = arith.subf %get3A_1592, %get3A_1594 : vector<16xf32>
        %get3A_1596 = arith.constant 752 : index
        %get3A_1597 = tpu.vector_load %arg21[%get3A_1596] {strides = array<i32>} : memref<1024xf32, #tpu.memory_space<vmem>>, vector<16xf32>,
        %add3A_1598 = arith.addf %sub3A_1595, %get3A_1597 : vector<16xf32>
        %swap3A_1599 = arith.constant 752 : index
        %swap3A_1600 = tpu.vector_load %arg24[%swap3A_1599] {strides = array<i32>} : memref<1024xf32, #tpu.memory_space<vmem>>, vector<16xf32>,
        tpu.vector_store %arg24[%swap3A_1599], %add3A_1598 {strides = array<i32>} : memref<1024xf32, #tpu.memory_space<vmem>>, vector<16xf32>,
        %get3A_1601 = arith.constant 752 : index
        %get3A_1602 = tpu.vector_load %arg19[%get3A_1601] {strides = array<i32>} : memref<1024xf32, #tpu.memory_space<vmem>>, vector<16xf32>,
        %get3A_1603 = arith.constant 752 : index
        %get3A_1604 = tpu.vector_load %arg16[%get3A_1603] {strides = array<i32>} : memref<1024xf32, #tpu.memory_space<vmem>>, vector<16xf32>,
        %sub3A_1605 = arith.subf %get3A_1602, %get3A_1604 : vector<16xf32>
        %get3A_1606 = arith.constant 752 : index
        %get3A_1607 = tpu.vector_load %arg22[%get3A_1606] {strides = array<i32>} : memref<1024xf32, #tpu.memory_space<vmem>>, vector<16xf32>,
        %add3A_1608 = arith.addf %sub3A_1605, %get3A_1607 : vector<16xf32>
        %swap3A_1609 = arith.constant 752 : index
        %swap3A_1610 = tpu.vector_load %arg25[%swap3A_1609] {strides = array<i32>} : memref<1024xf32, #tpu.memory_space<vmem>>, vector<16xf32>,
        tpu.vector_store %arg25[%swap3A_1609], %add3A_1608 {strides = array<i32>} : memref<1024xf32, #tpu.memory_space<vmem>>, vector<16xf32>,
        %get3A_1611 = arith.constant 752 : index
        %get3A_1612 = tpu.vector_load %arg20[%get3A_1611] {strides = array<i32>} : memref<1024xf32, #tpu.memory_space<vmem>>, vector<16xf32>,
        %get3A_1613 = arith.constant 752 : index
        %get3A_1614 = tpu.vector_load %arg17[%get3A_1613] {strides = array<i32>} : memref<1024xf32, #tpu.memory_space<vmem>>, vector<16xf32>,
        %sub3A_1615 = arith.subf %get3A_1612, %get3A_1614 : vector<16xf32>
        %get3A_1616 = arith.constant 752 : index
        %get3A_1617 = tpu.vector_load %arg23[%get3A_1616] {strides = array<i32>} : memref<1024xf32, #tpu.memory_space<vmem>>, vector<16xf32>,
        %add3A_1618 = arith.addf %sub3A_1615, %get3A_1617 : vector<16xf32>
        %swap3A_1619 = arith.constant 752 : index
        %swap3A_1620 = tpu.vector_load %arg26[%swap3A_1619] {strides = array<i32>} : memref<1024xf32, #tpu.memory_space<vmem>>, vector<16xf32>,
        tpu.vector_store %arg26[%swap3A_1619], %add3A_1618 {strides = array<i32>} : memref<1024xf32, #tpu.memory_space<vmem>>, vector<16xf32>,
        %get3A_1621 = arith.constant 768 : index
        %get3A_1622 = tpu.vector_load %arg18[%get3A_1621] {strides = array<i32>} : memref<1024xf32, #tpu.memory_space<vmem>>, vector<16xf32>,
        %get3A_1623 = arith.constant 768 : index
        %get3A_1624 = tpu.vector_load %arg15[%get3A_1623] {strides = array<i32>} : memref<1024xf32, #tpu.memory_space<vmem>>, vector<16xf32>,
        %sub3A_1625 = arith.subf %get3A_1622, %get3A_1624 : vector<16xf32>
        %get3A_1626 = arith.constant 768 : index
        %get3A_1627 = tpu.vector_load %arg21[%get3A_1626] {strides = array<i32>} : memref<1024xf32, #tpu.memory_space<vmem>>, vector<16xf32>,
        %add3A_1628 = arith.addf %sub3A_1625, %get3A_1627 : vector<16xf32>
        %swap3A_1629 = arith.constant 768 : index
        %swap3A_1630 = tpu.vector_load %arg24[%swap3A_1629] {strides = array<i32>} : memref<1024xf32, #tpu.memory_space<vmem>>, vector<16xf32>,
        tpu.vector_store %arg24[%swap3A_1629], %add3A_1628 {strides = array<i32>} : memref<1024xf32, #tpu.memory_space<vmem>>, vector<16xf32>,
        %get3A_1631 = arith.constant 768 : index
        %get3A_1632 = tpu.vector_load %arg19[%get3A_1631] {strides = array<i32>} : memref<1024xf32, #tpu.memory_space<vmem>>, vector<16xf32>,
        %get3A_1633 = arith.constant 768 : index
        %get3A_1634 = tpu.vector_load %arg16[%get3A_1633] {strides = array<i32>} : memref<1024xf32, #tpu.memory_space<vmem>>, vector<16xf32>,
        %sub3A_1635 = arith.subf %get3A_1632, %get3A_1634 : vector<16xf32>
        %get3A_1636 = arith.constant 768 : index
        %get3A_1637 = tpu.vector_load %arg22[%get3A_1636] {strides = array<i32>} : memref<1024xf32, #tpu.memory_space<vmem>>, vector<16xf32>,
        %add3A_1638 = arith.addf %sub3A_1635, %get3A_1637 : vector<16xf32>
        %swap3A_1639 = arith.constant 768 : index
        %swap3A_1640 = tpu.vector_load %arg25[%swap3A_1639] {strides = array<i32>} : memref<1024xf32, #tpu.memory_space<vmem>>, vector<16xf32>,
        tpu.vector_store %arg25[%swap3A_1639], %add3A_1638 {strides = array<i32>} : memref<1024xf32, #tpu.memory_space<vmem>>, vector<16xf32>,
        %get3A_1641 = arith.constant 768 : index
        %get3A_1642 = tpu.vector_load %arg20[%get3A_1641] {strides = array<i32>} : memref<1024xf32, #tpu.memory_space<vmem>>, vector<16xf32>,
        %get3A_1643 = arith.constant 768 : index
        %get3A_1644 = tpu.vector_load %arg17[%get3A_1643] {strides = array<i32>} : memref<1024xf32, #tpu.memory_space<vmem>>, vector<16xf32>,
        %sub3A_1645 = arith.subf %get3A_1642, %get3A_1644 : vector<16xf32>
        %get3A_1646 = arith.constant 768 : index
        %get3A_1647 = tpu.vector_load %arg23[%get3A_1646] {strides = array<i32>} : memref<1024xf32, #tpu.memory_space<vmem>>, vector<16xf32>,
        %add3A_1648 = arith.addf %sub3A_1645, %get3A_1647 : vector<16xf32>
        %swap3A_1649 = arith.constant 768 : index
        %swap3A_1650 = tpu.vector_load %arg26[%swap3A_1649] {strides = array<i32>} : memref<1024xf32, #tpu.memory_space<vmem>>, vector<16xf32>,
        tpu.vector_store %arg26[%swap3A_1649], %add3A_1648 {strides = array<i32>} : memref<1024xf32, #tpu.memory_space<vmem>>, vector<16xf32>,
        %get3A_1651 = arith.constant 784 : index
        %get3A_1652 = tpu.vector_load %arg18[%get3A_1651] {strides = array<i32>} : memref<1024xf32, #tpu.memory_space<vmem>>, vector<16xf32>,
        %get3A_1653 = arith.constant 784 : index
        %get3A_1654 = tpu.vector_load %arg15[%get3A_1653] {strides = array<i32>} : memref<1024xf32, #tpu.memory_space<vmem>>, vector<16xf32>,
        %sub3A_1655 = arith.subf %get3A_1652, %get3A_1654 : vector<16xf32>
        %get3A_1656 = arith.constant 784 : index
        %get3A_1657 = tpu.vector_load %arg21[%get3A_1656] {strides = array<i32>} : memref<1024xf32, #tpu.memory_space<vmem>>, vector<16xf32>,
        %add3A_1658 = arith.addf %sub3A_1655, %get3A_1657 : vector<16xf32>
        %swap3A_1659 = arith.constant 784 : index
        %swap3A_1660 = tpu.vector_load %arg24[%swap3A_1659] {strides = array<i32>} : memref<1024xf32, #tpu.memory_space<vmem>>, vector<16xf32>,
        tpu.vector_store %arg24[%swap3A_1659], %add3A_1658 {strides = array<i32>} : memref<1024xf32, #tpu.memory_space<vmem>>, vector<16xf32>,
        %get3A_1661 = arith.constant 784 : index
        %get3A_1662 = tpu.vector_load %arg19[%get3A_1661] {strides = array<i32>} : memref<1024xf32, #tpu.memory_space<vmem>>, vector<16xf32>,
        %get3A_1663 = arith.constant 784 : index
        %get3A_1664 = tpu.vector_load %arg16[%get3A_1663] {strides = array<i32>} : memref<1024xf32, #tpu.memory_space<vmem>>, vector<16xf32>,
        %sub3A_1665 = arith.subf %get3A_1662, %get3A_1664 : vector<16xf32>
        %get3A_1666 = arith.constant 784 : index
        %get3A_1667 = tpu.vector_load %arg22[%get3A_1666] {strides = array<i32>} : memref<1024xf32, #tpu.memory_space<vmem>>, vector<16xf32>,
        %add3A_1668 = arith.addf %sub3A_1665, %get3A_1667 : vector<16xf32>
        %swap3A_1669 = arith.constant 784 : index
        %swap3A_1670 = tpu.vector_load %arg25[%swap3A_1669] {strides = array<i32>} : memref<1024xf32, #tpu.memory_space<vmem>>, vector<16xf32>,
        tpu.vector_store %arg25[%swap3A_1669], %add3A_1668 {strides = array<i32>} : memref<1024xf32, #tpu.memory_space<vmem>>, vector<16xf32>,
        %get3A_1671 = arith.constant 784 : index
        %get3A_1672 = tpu.vector_load %arg20[%get3A_1671] {strides = array<i32>} : memref<1024xf32, #tpu.memory_space<vmem>>, vector<16xf32>,
        %get3A_1673 = arith.constant 784 : index
        %get3A_1674 = tpu.vector_load %arg17[%get3A_1673] {strides = array<i32>} : memref<1024xf32, #tpu.memory_space<vmem>>, vector<16xf32>,
        %sub3A_1675 = arith.subf %get3A_1672, %get3A_1674 : vector<16xf32>
        %get3A_1676 = arith.constant 784 : index
        %get3A_1677 = tpu.vector_load %arg23[%get3A_1676] {strides = array<i32>} : memref<1024xf32, #tpu.memory_space<vmem>>, vector<16xf32>,
        %add3A_1678 = arith.addf %sub3A_1675, %get3A_1677 : vector<16xf32>
        %swap3A_1679 = arith.constant 784 : index
        %swap3A_1680 = tpu.vector_load %arg26[%swap3A_1679] {strides = array<i32>} : memref<1024xf32, #tpu.memory_space<vmem>>, vector<16xf32>,
        tpu.vector_store %arg26[%swap3A_1679], %add3A_1678 {strides = array<i32>} : memref<1024xf32, #tpu.memory_space<vmem>>, vector<16xf32>,
        %get3A_1681 = arith.constant 800 : index
        %get3A_1682 = tpu.vector_load %arg18[%get3A_1681] {strides = array<i32>} : memref<1024xf32, #tpu.memory_space<vmem>>, vector<16xf32>,
        %get3A_1683 = arith.constant 800 : index
        %get3A_1684 = tpu.vector_load %arg15[%get3A_1683] {strides = array<i32>} : memref<1024xf32, #tpu.memory_space<vmem>>, vector<16xf32>,
        %sub3A_1685 = arith.subf %get3A_1682, %get3A_1684 : vector<16xf32>
        %get3A_1686 = arith.constant 800 : index
        %get3A_1687 = tpu.vector_load %arg21[%get3A_1686] {strides = array<i32>} : memref<1024xf32, #tpu.memory_space<vmem>>, vector<16xf32>,
        %add3A_1688 = arith.addf %sub3A_1685, %get3A_1687 : vector<16xf32>
        %swap3A_1689 = arith.constant 800 : index
        %swap3A_1690 = tpu.vector_load %arg24[%swap3A_1689] {strides = array<i32>} : memref<1024xf32, #tpu.memory_space<vmem>>, vector<16xf32>,
        tpu.vector_store %arg24[%swap3A_1689], %add3A_1688 {strides = array<i32>} : memref<1024xf32, #tpu.memory_space<vmem>>, vector<16xf32>,
        %get3A_1691 = arith.constant 800 : index
        %get3A_1692 = tpu.vector_load %arg19[%get3A_1691] {strides = array<i32>} : memref<1024xf32, #tpu.memory_space<vmem>>, vector<16xf32>,
        %get3A_1693 = arith.constant 800 : index
        %get3A_1694 = tpu.vector_load %arg16[%get3A_1693] {strides = array<i32>} : memref<1024xf32, #tpu.memory_space<vmem>>, vector<16xf32>,
        %sub3A_1695 = arith.subf %get3A_1692, %get3A_1694 : vector<16xf32>
        %get3A_1696 = arith.constant 800 : index
        %get3A_1697 = tpu.vector_load %arg22[%get3A_1696] {strides = array<i32>} : memref<1024xf32, #tpu.memory_space<vmem>>, vector<16xf32>,
        %add3A_1698 = arith.addf %sub3A_1695, %get3A_1697 : vector<16xf32>
        %swap3A_1699 = arith.constant 800 : index
        %swap3A_1700 = tpu.vector_load %arg25[%swap3A_1699] {strides = array<i32>} : memref<1024xf32, #tpu.memory_space<vmem>>, vector<16xf32>,
        tpu.vector_store %arg25[%swap3A_1699], %add3A_1698 {strides = array<i32>} : memref<1024xf32, #tpu.memory_space<vmem>>, vector<16xf32>,
        %get3A_1701 = arith.constant 800 : index
        %get3A_1702 = tpu.vector_load %arg20[%get3A_1701] {strides = array<i32>} : memref<1024xf32, #tpu.memory_space<vmem>>, vector<16xf32>,
        %get3A_1703 = arith.constant 800 : index
        %get3A_1704 = tpu.vector_load %arg17[%get3A_1703] {strides = array<i32>} : memref<1024xf32, #tpu.memory_space<vmem>>, vector<16xf32>,
        %sub3A_1705 = arith.subf %get3A_1702, %get3A_1704 : vector<16xf32>
        %get3A_1706 = arith.constant 800 : index
        %get3A_1707 = tpu.vector_load %arg23[%get3A_1706] {strides = array<i32>} : memref<1024xf32, #tpu.memory_space<vmem>>, vector<16xf32>,
        %add3A_1708 = arith.addf %sub3A_1705, %get3A_1707 : vector<16xf32>
        %swap3A_1709 = arith.constant 800 : index
        %swap3A_1710 = tpu.vector_load %arg26[%swap3A_1709] {strides = array<i32>} : memref<1024xf32, #tpu.memory_space<vmem>>, vector<16xf32>,
        tpu.vector_store %arg26[%swap3A_1709], %add3A_1708 {strides = array<i32>} : memref<1024xf32, #tpu.memory_space<vmem>>, vector<16xf32>,
        %get3A_1711 = arith.constant 816 : index
        %get3A_1712 = tpu.vector_load %arg18[%get3A_1711] {strides = array<i32>} : memref<1024xf32, #tpu.memory_space<vmem>>, vector<16xf32>,
        %get3A_1713 = arith.constant 816 : index
        %get3A_1714 = tpu.vector_load %arg15[%get3A_1713] {strides = array<i32>} : memref<1024xf32, #tpu.memory_space<vmem>>, vector<16xf32>,
        %sub3A_1715 = arith.subf %get3A_1712, %get3A_1714 : vector<16xf32>
        %get3A_1716 = arith.constant 816 : index
        %get3A_1717 = tpu.vector_load %arg21[%get3A_1716] {strides = array<i32>} : memref<1024xf32, #tpu.memory_space<vmem>>, vector<16xf32>,
        %add3A_1718 = arith.addf %sub3A_1715, %get3A_1717 : vector<16xf32>
        %swap3A_1719 = arith.constant 816 : index
        %swap3A_1720 = tpu.vector_load %arg24[%swap3A_1719] {strides = array<i32>} : memref<1024xf32, #tpu.memory_space<vmem>>, vector<16xf32>,
        tpu.vector_store %arg24[%swap3A_1719], %add3A_1718 {strides = array<i32>} : memref<1024xf32, #tpu.memory_space<vmem>>, vector<16xf32>,
        %get3A_1721 = arith.constant 816 : index
        %get3A_1722 = tpu.vector_load %arg19[%get3A_1721] {strides = array<i32>} : memref<1024xf32, #tpu.memory_space<vmem>>, vector<16xf32>,
        %get3A_1723 = arith.constant 816 : index
        %get3A_1724 = tpu.vector_load %arg16[%get3A_1723] {strides = array<i32>} : memref<1024xf32, #tpu.memory_space<vmem>>, vector<16xf32>,
        %sub3A_1725 = arith.subf %get3A_1722, %get3A_1724 : vector<16xf32>
        %get3A_1726 = arith.constant 816 : index
        %get3A_1727 = tpu.vector_load %arg22[%get3A_1726] {strides = array<i32>} : memref<1024xf32, #tpu.memory_space<vmem>>, vector<16xf32>,
        %add3A_1728 = arith.addf %sub3A_1725, %get3A_1727 : vector<16xf32>
        %swap3A_1729 = arith.constant 816 : index
        %swap3A_1730 = tpu.vector_load %arg25[%swap3A_1729] {strides = array<i32>} : memref<1024xf32, #tpu.memory_space<vmem>>, vector<16xf32>,
        tpu.vector_store %arg25[%swap3A_1729], %add3A_1728 {strides = array<i32>} : memref<1024xf32, #tpu.memory_space<vmem>>, vector<16xf32>,
        %get3A_1731 = arith.constant 816 : index
        %get3A_1732 = tpu.vector_load %arg20[%get3A_1731] {strides = array<i32>} : memref<1024xf32, #tpu.memory_space<vmem>>, vector<16xf32>,
        %get3A_1733 = arith.constant 816 : index
        %get3A_1734 = tpu.vector_load %arg17[%get3A_1733] {strides = array<i32>} : memref<1024xf32, #tpu.memory_space<vmem>>, vector<16xf32>,
        %sub3A_1735 = arith.subf %get3A_1732, %get3A_1734 : vector<16xf32>
        %get3A_1736 = arith.constant 816 : index
        %get3A_1737 = tpu.vector_load %arg23[%get3A_1736] {strides = array<i32>} : memref<1024xf32, #tpu.memory_space<vmem>>, vector<16xf32>,
        %add3A_1738 = arith.addf %sub3A_1735, %get3A_1737 : vector<16xf32>
        %swap3A_1739 = arith.constant 816 : index
        %swap3A_1740 = tpu.vector_load %arg26[%swap3A_1739] {strides = array<i32>} : memref<1024xf32, #tpu.memory_space<vmem>>, vector<16xf32>,
        tpu.vector_store %arg26[%swap3A_1739], %add3A_1738 {strides = array<i32>} : memref<1024xf32, #tpu.memory_space<vmem>>, vector<16xf32>,
        %get3A_1741 = arith.constant 832 : index
        %get3A_1742 = tpu.vector_load %arg18[%get3A_1741] {strides = array<i32>} : memref<1024xf32, #tpu.memory_space<vmem>>, vector<16xf32>,
        %get3A_1743 = arith.constant 832 : index
        %get3A_1744 = tpu.vector_load %arg15[%get3A_1743] {strides = array<i32>} : memref<1024xf32, #tpu.memory_space<vmem>>, vector<16xf32>,
        %sub3A_1745 = arith.subf %get3A_1742, %get3A_1744 : vector<16xf32>
        %get3A_1746 = arith.constant 832 : index
        %get3A_1747 = tpu.vector_load %arg21[%get3A_1746] {strides = array<i32>} : memref<1024xf32, #tpu.memory_space<vmem>>, vector<16xf32>,
        %add3A_1748 = arith.addf %sub3A_1745, %get3A_1747 : vector<16xf32>
        %swap3A_1749 = arith.constant 832 : index
        %swap3A_1750 = tpu.vector_load %arg24[%swap3A_1749] {strides = array<i32>} : memref<1024xf32, #tpu.memory_space<vmem>>, vector<16xf32>,
        tpu.vector_store %arg24[%swap3A_1749], %add3A_1748 {strides = array<i32>} : memref<1024xf32, #tpu.memory_space<vmem>>, vector<16xf32>,
        %get3A_1751 = arith.constant 832 : index
        %get3A_1752 = tpu.vector_load %arg19[%get3A_1751] {strides = array<i32>} : memref<1024xf32, #tpu.memory_space<vmem>>, vector<16xf32>,
        %get3A_1753 = arith.constant 832 : index
        %get3A_1754 = tpu.vector_load %arg16[%get3A_1753] {strides = array<i32>} : memref<1024xf32, #tpu.memory_space<vmem>>, vector<16xf32>,
        %sub3A_1755 = arith.subf %get3A_1752, %get3A_1754 : vector<16xf32>
        %get3A_1756 = arith.constant 832 : index
        %get3A_1757 = tpu.vector_load %arg22[%get3A_1756] {strides = array<i32>} : memref<1024xf32, #tpu.memory_space<vmem>>, vector<16xf32>,
        %add3A_1758 = arith.addf %sub3A_1755, %get3A_1757 : vector<16xf32>
        %swap3A_1759 = arith.constant 832 : index
        %swap3A_1760 = tpu.vector_load %arg25[%swap3A_1759] {strides = array<i32>} : memref<1024xf32, #tpu.memory_space<vmem>>, vector<16xf32>,
        tpu.vector_store %arg25[%swap3A_1759], %add3A_1758 {strides = array<i32>} : memref<1024xf32, #tpu.memory_space<vmem>>, vector<16xf32>,
        %get3A_1761 = arith.constant 832 : index
        %get3A_1762 = tpu.vector_load %arg20[%get3A_1761] {strides = array<i32>} : memref<1024xf32, #tpu.memory_space<vmem>>, vector<16xf32>,
        %get3A_1763 = arith.constant 832 : index
        %get3A_1764 = tpu.vector_load %arg17[%get3A_1763] {strides = array<i32>} : memref<1024xf32, #tpu.memory_space<vmem>>, vector<16xf32>,
        %sub3A_1765 = arith.subf %get3A_1762, %get3A_1764 : vector<16xf32>
        %get3A_1766 = arith.constant 832 : index
        %get3A_1767 = tpu.vector_load %arg23[%get3A_1766] {strides = array<i32>} : memref<1024xf32, #tpu.memory_space<vmem>>, vector<16xf32>,
        %add3A_1768 = arith.addf %sub3A_1765, %get3A_1767 : vector<16xf32>
        %swap3A_1769 = arith.constant 832 : index
        %swap3A_1770 = tpu.vector_load %arg26[%swap3A_1769] {strides = array<i32>} : memref<1024xf32, #tpu.memory_space<vmem>>, vector<16xf32>,
        tpu.vector_store %arg26[%swap3A_1769], %add3A_1768 {strides = array<i32>} : memref<1024xf32, #tpu.memory_space<vmem>>, vector<16xf32>,
        %get3A_1771 = arith.constant 848 : index
        %get3A_1772 = tpu.vector_load %arg18[%get3A_1771] {strides = array<i32>} : memref<1024xf32, #tpu.memory_space<vmem>>, vector<16xf32>,
        %get3A_1773 = arith.constant 848 : index
        %get3A_1774 = tpu.vector_load %arg15[%get3A_1773] {strides = array<i32>} : memref<1024xf32, #tpu.memory_space<vmem>>, vector<16xf32>,
        %sub3A_1775 = arith.subf %get3A_1772, %get3A_1774 : vector<16xf32>
        %get3A_1776 = arith.constant 848 : index
        %get3A_1777 = tpu.vector_load %arg21[%get3A_1776] {strides = array<i32>} : memref<1024xf32, #tpu.memory_space<vmem>>, vector<16xf32>,
        %add3A_1778 = arith.addf %sub3A_1775, %get3A_1777 : vector<16xf32>
        %swap3A_1779 = arith.constant 848 : index
        %swap3A_1780 = tpu.vector_load %arg24[%swap3A_1779] {strides = array<i32>} : memref<1024xf32, #tpu.memory_space<vmem>>, vector<16xf32>,
        tpu.vector_store %arg24[%swap3A_1779], %add3A_1778 {strides = array<i32>} : memref<1024xf32, #tpu.memory_space<vmem>>, vector<16xf32>,
        %get3A_1781 = arith.constant 848 : index
        %get3A_1782 = tpu.vector_load %arg19[%get3A_1781] {strides = array<i32>} : memref<1024xf32, #tpu.memory_space<vmem>>, vector<16xf32>,
        %get3A_1783 = arith.constant 848 : index
        %get3A_1784 = tpu.vector_load %arg16[%get3A_1783] {strides = array<i32>} : memref<1024xf32, #tpu.memory_space<vmem>>, vector<16xf32>,
        %sub3A_1785 = arith.subf %get3A_1782, %get3A_1784 : vector<16xf32>
        %get3A_1786 = arith.constant 848 : index
        %get3A_1787 = tpu.vector_load %arg22[%get3A_1786] {strides = array<i32>} : memref<1024xf32, #tpu.memory_space<vmem>>, vector<16xf32>,
        %add3A_1788 = arith.addf %sub3A_1785, %get3A_1787 : vector<16xf32>
        %swap3A_1789 = arith.constant 848 : index
        %swap3A_1790 = tpu.vector_load %arg25[%swap3A_1789] {strides = array<i32>} : memref<1024xf32, #tpu.memory_space<vmem>>, vector<16xf32>,
        tpu.vector_store %arg25[%swap3A_1789], %add3A_1788 {strides = array<i32>} : memref<1024xf32, #tpu.memory_space<vmem>>, vector<16xf32>,
        %get3A_1791 = arith.constant 848 : index
        %get3A_1792 = tpu.vector_load %arg20[%get3A_1791] {strides = array<i32>} : memref<1024xf32, #tpu.memory_space<vmem>>, vector<16xf32>,
        %get3A_1793 = arith.constant 848 : index
        %get3A_1794 = tpu.vector_load %arg17[%get3A_1793] {strides = array<i32>} : memref<1024xf32, #tpu.memory_space<vmem>>, vector<16xf32>,
        %sub3A_1795 = arith.subf %get3A_1792, %get3A_1794 : vector<16xf32>
        %get3A_1796 = arith.constant 848 : index
        %get3A_1797 = tpu.vector_load %arg23[%get3A_1796] {strides = array<i32>} : memref<1024xf32, #tpu.memory_space<vmem>>, vector<16xf32>,
        %add3A_1798 = arith.addf %sub3A_1795, %get3A_1797 : vector<16xf32>
        %swap3A_1799 = arith.constant 848 : index
        %swap3A_1800 = tpu.vector_load %arg26[%swap3A_1799] {strides = array<i32>} : memref<1024xf32, #tpu.memory_space<vmem>>, vector<16xf32>,
        tpu.vector_store %arg26[%swap3A_1799], %add3A_1798 {strides = array<i32>} : memref<1024xf32, #tpu.memory_space<vmem>>, vector<16xf32>,
        %get3A_1801 = arith.constant 864 : index
        %get3A_1802 = tpu.vector_load %arg18[%get3A_1801] {strides = array<i32>} : memref<1024xf32, #tpu.memory_space<vmem>>, vector<16xf32>,
        %get3A_1803 = arith.constant 864 : index
        %get3A_1804 = tpu.vector_load %arg15[%get3A_1803] {strides = array<i32>} : memref<1024xf32, #tpu.memory_space<vmem>>, vector<16xf32>,
        %sub3A_1805 = arith.subf %get3A_1802, %get3A_1804 : vector<16xf32>
        %get3A_1806 = arith.constant 864 : index
        %get3A_1807 = tpu.vector_load %arg21[%get3A_1806] {strides = array<i32>} : memref<1024xf32, #tpu.memory_space<vmem>>, vector<16xf32>,
        %add3A_1808 = arith.addf %sub3A_1805, %get3A_1807 : vector<16xf32>
        %swap3A_1809 = arith.constant 864 : index
        %swap3A_1810 = tpu.vector_load %arg24[%swap3A_1809] {strides = array<i32>} : memref<1024xf32, #tpu.memory_space<vmem>>, vector<16xf32>,
        tpu.vector_store %arg24[%swap3A_1809], %add3A_1808 {strides = array<i32>} : memref<1024xf32, #tpu.memory_space<vmem>>, vector<16xf32>,
        %get3A_1811 = arith.constant 864 : index
        %get3A_1812 = tpu.vector_load %arg19[%get3A_1811] {strides = array<i32>} : memref<1024xf32, #tpu.memory_space<vmem>>, vector<16xf32>,
        %get3A_1813 = arith.constant 864 : index
        %get3A_1814 = tpu.vector_load %arg16[%get3A_1813] {strides = array<i32>} : memref<1024xf32, #tpu.memory_space<vmem>>, vector<16xf32>,
        %sub3A_1815 = arith.subf %get3A_1812, %get3A_1814 : vector<16xf32>
        %get3A_1816 = arith.constant 864 : index
        %get3A_1817 = tpu.vector_load %arg22[%get3A_1816] {strides = array<i32>} : memref<1024xf32, #tpu.memory_space<vmem>>, vector<16xf32>,
        %add3A_1818 = arith.addf %sub3A_1815, %get3A_1817 : vector<16xf32>
        %swap3A_1819 = arith.constant 864 : index
        %swap3A_1820 = tpu.vector_load %arg25[%swap3A_1819] {strides = array<i32>} : memref<1024xf32, #tpu.memory_space<vmem>>, vector<16xf32>,
        tpu.vector_store %arg25[%swap3A_1819], %add3A_1818 {strides = array<i32>} : memref<1024xf32, #tpu.memory_space<vmem>>, vector<16xf32>,
        %get3A_1821 = arith.constant 864 : index
        %get3A_1822 = tpu.vector_load %arg20[%get3A_1821] {strides = array<i32>} : memref<1024xf32, #tpu.memory_space<vmem>>, vector<16xf32>,
        %get3A_1823 = arith.constant 864 : index
        %get3A_1824 = tpu.vector_load %arg17[%get3A_1823] {strides = array<i32>} : memref<1024xf32, #tpu.memory_space<vmem>>, vector<16xf32>,
        %sub3A_1825 = arith.subf %get3A_1822, %get3A_1824 : vector<16xf32>
        %get3A_1826 = arith.constant 864 : index
        %get3A_1827 = tpu.vector_load %arg23[%get3A_1826] {strides = array<i32>} : memref<1024xf32, #tpu.memory_space<vmem>>, vector<16xf32>,
        %add3A_1828 = arith.addf %sub3A_1825, %get3A_1827 : vector<16xf32>
        %swap3A_1829 = arith.constant 864 : index
        %swap3A_1830 = tpu.vector_load %arg26[%swap3A_1829] {strides = array<i32>} : memref<1024xf32, #tpu.memory_space<vmem>>, vector<16xf32>,
        tpu.vector_store %arg26[%swap3A_1829], %add3A_1828 {strides = array<i32>} : memref<1024xf32, #tpu.memory_space<vmem>>, vector<16xf32>,
        %get3A_1831 = arith.constant 880 : index
        %get3A_1832 = tpu.vector_load %arg18[%get3A_1831] {strides = array<i32>} : memref<1024xf32, #tpu.memory_space<vmem>>, vector<16xf32>,
        %get3A_1833 = arith.constant 880 : index
        %get3A_1834 = tpu.vector_load %arg15[%get3A_1833] {strides = array<i32>} : memref<1024xf32, #tpu.memory_space<vmem>>, vector<16xf32>,
        %sub3A_1835 = arith.subf %get3A_1832, %get3A_1834 : vector<16xf32>
        %get3A_1836 = arith.constant 880 : index
        %get3A_1837 = tpu.vector_load %arg21[%get3A_1836] {strides = array<i32>} : memref<1024xf32, #tpu.memory_space<vmem>>, vector<16xf32>,
        %add3A_1838 = arith.addf %sub3A_1835, %get3A_1837 : vector<16xf32>
        %swap3A_1839 = arith.constant 880 : index
        %swap3A_1840 = tpu.vector_load %arg24[%swap3A_1839] {strides = array<i32>} : memref<1024xf32, #tpu.memory_space<vmem>>, vector<16xf32>,
        tpu.vector_store %arg24[%swap3A_1839], %add3A_1838 {strides = array<i32>} : memref<1024xf32, #tpu.memory_space<vmem>>, vector<16xf32>,
        %get3A_1841 = arith.constant 880 : index
        %get3A_1842 = tpu.vector_load %arg19[%get3A_1841] {strides = array<i32>} : memref<1024xf32, #tpu.memory_space<vmem>>, vector<16xf32>,
        %get3A_1843 = arith.constant 880 : index
        %get3A_1844 = tpu.vector_load %arg16[%get3A_1843] {strides = array<i32>} : memref<1024xf32, #tpu.memory_space<vmem>>, vector<16xf32>,
        %sub3A_1845 = arith.subf %get3A_1842, %get3A_1844 : vector<16xf32>
        %get3A_1846 = arith.constant 880 : index
        %get3A_1847 = tpu.vector_load %arg22[%get3A_1846] {strides = array<i32>} : memref<1024xf32, #tpu.memory_space<vmem>>, vector<16xf32>,
        %add3A_1848 = arith.addf %sub3A_1845, %get3A_1847 : vector<16xf32>
        %swap3A_1849 = arith.constant 880 : index
        %swap3A_1850 = tpu.vector_load %arg25[%swap3A_1849] {strides = array<i32>} : memref<1024xf32, #tpu.memory_space<vmem>>, vector<16xf32>,
        tpu.vector_store %arg25[%swap3A_1849], %add3A_1848 {strides = array<i32>} : memref<1024xf32, #tpu.memory_space<vmem>>, vector<16xf32>,
        %get3A_1851 = arith.constant 880 : index
        %get3A_1852 = tpu.vector_load %arg20[%get3A_1851] {strides = array<i32>} : memref<1024xf32, #tpu.memory_space<vmem>>, vector<16xf32>,
        %get3A_1853 = arith.constant 880 : index
        %get3A_1854 = tpu.vector_load %arg17[%get3A_1853] {strides = array<i32>} : memref<1024xf32, #tpu.memory_space<vmem>>, vector<16xf32>,
        %sub3A_1855 = arith.subf %get3A_1852, %get3A_1854 : vector<16xf32>
        %get3A_1856 = arith.constant 880 : index
        %get3A_1857 = tpu.vector_load %arg23[%get3A_1856] {strides = array<i32>} : memref<1024xf32, #tpu.memory_space<vmem>>, vector<16xf32>,
        %add3A_1858 = arith.addf %sub3A_1855, %get3A_1857 : vector<16xf32>
        %swap3A_1859 = arith.constant 880 : index
        %swap3A_1860 = tpu.vector_load %arg26[%swap3A_1859] {strides = array<i32>} : memref<1024xf32, #tpu.memory_space<vmem>>, vector<16xf32>,
        tpu.vector_store %arg26[%swap3A_1859], %add3A_1858 {strides = array<i32>} : memref<1024xf32, #tpu.memory_space<vmem>>, vector<16xf32>,
        %get3A_1861 = arith.constant 896 : index
        %get3A_1862 = tpu.vector_load %arg18[%get3A_1861] {strides = array<i32>} : memref<1024xf32, #tpu.memory_space<vmem>>, vector<16xf32>,
        %get3A_1863 = arith.constant 896 : index
        %get3A_1864 = tpu.vector_load %arg15[%get3A_1863] {strides = array<i32>} : memref<1024xf32, #tpu.memory_space<vmem>>, vector<16xf32>,
        %sub3A_1865 = arith.subf %get3A_1862, %get3A_1864 : vector<16xf32>
        %get3A_1866 = arith.constant 896 : index
        %get3A_1867 = tpu.vector_load %arg21[%get3A_1866] {strides = array<i32>} : memref<1024xf32, #tpu.memory_space<vmem>>, vector<16xf32>,
        %add3A_1868 = arith.addf %sub3A_1865, %get3A_1867 : vector<16xf32>
        %swap3A_1869 = arith.constant 896 : index
        %swap3A_1870 = tpu.vector_load %arg24[%swap3A_1869] {strides = array<i32>} : memref<1024xf32, #tpu.memory_space<vmem>>, vector<16xf32>,
        tpu.vector_store %arg24[%swap3A_1869], %add3A_1868 {strides = array<i32>} : memref<1024xf32, #tpu.memory_space<vmem>>, vector<16xf32>,
        %get3A_1871 = arith.constant 896 : index
        %get3A_1872 = tpu.vector_load %arg19[%get3A_1871] {strides = array<i32>} : memref<1024xf32, #tpu.memory_space<vmem>>, vector<16xf32>,
        %get3A_1873 = arith.constant 896 : index
        %get3A_1874 = tpu.vector_load %arg16[%get3A_1873] {strides = array<i32>} : memref<1024xf32, #tpu.memory_space<vmem>>, vector<16xf32>,
        %sub3A_1875 = arith.subf %get3A_1872, %get3A_1874 : vector<16xf32>
        %get3A_1876 = arith.constant 896 : index
        %get3A_1877 = tpu.vector_load %arg22[%get3A_1876] {strides = array<i32>} : memref<1024xf32, #tpu.memory_space<vmem>>, vector<16xf32>,
        %add3A_1878 = arith.addf %sub3A_1875, %get3A_1877 : vector<16xf32>
        %swap3A_1879 = arith.constant 896 : index
        %swap3A_1880 = tpu.vector_load %arg25[%swap3A_1879] {strides = array<i32>} : memref<1024xf32, #tpu.memory_space<vmem>>, vector<16xf32>,
        tpu.vector_store %arg25[%swap3A_1879], %add3A_1878 {strides = array<i32>} : memref<1024xf32, #tpu.memory_space<vmem>>, vector<16xf32>,
        %get3A_1881 = arith.constant 896 : index
        %get3A_1882 = tpu.vector_load %arg20[%get3A_1881] {strides = array<i32>} : memref<1024xf32, #tpu.memory_space<vmem>>, vector<16xf32>,
        %get3A_1883 = arith.constant 896 : index
        %get3A_1884 = tpu.vector_load %arg17[%get3A_1883] {strides = array<i32>} : memref<1024xf32, #tpu.memory_space<vmem>>, vector<16xf32>,
        %sub3A_1885 = arith.subf %get3A_1882, %get3A_1884 : vector<16xf32>
        %get3A_1886 = arith.constant 896 : index
        %get3A_1887 = tpu.vector_load %arg23[%get3A_1886] {strides = array<i32>} : memref<1024xf32, #tpu.memory_space<vmem>>, vector<16xf32>,
        %add3A_1888 = arith.addf %sub3A_1885, %get3A_1887 : vector<16xf32>
        %swap3A_1889 = arith.constant 896 : index
        %swap3A_1890 = tpu.vector_load %arg26[%swap3A_1889] {strides = array<i32>} : memref<1024xf32, #tpu.memory_space<vmem>>, vector<16xf32>,
        tpu.vector_store %arg26[%swap3A_1889], %add3A_1888 {strides = array<i32>} : memref<1024xf32, #tpu.memory_space<vmem>>, vector<16xf32>,
        %get3A_1891 = arith.constant 912 : index
        %get3A_1892 = tpu.vector_load %arg18[%get3A_1891] {strides = array<i32>} : memref<1024xf32, #tpu.memory_space<vmem>>, vector<16xf32>,
        %get3A_1893 = arith.constant 912 : index
        %get3A_1894 = tpu.vector_load %arg15[%get3A_1893] {strides = array<i32>} : memref<1024xf32, #tpu.memory_space<vmem>>, vector<16xf32>,
        %sub3A_1895 = arith.subf %get3A_1892, %get3A_1894 : vector<16xf32>
        %get3A_1896 = arith.constant 912 : index
        %get3A_1897 = tpu.vector_load %arg21[%get3A_1896] {strides = array<i32>} : memref<1024xf32, #tpu.memory_space<vmem>>, vector<16xf32>,
        %add3A_1898 = arith.addf %sub3A_1895, %get3A_1897 : vector<16xf32>
        %swap3A_1899 = arith.constant 912 : index
        %swap3A_1900 = tpu.vector_load %arg24[%swap3A_1899] {strides = array<i32>} : memref<1024xf32, #tpu.memory_space<vmem>>, vector<16xf32>,
        tpu.vector_store %arg24[%swap3A_1899], %add3A_1898 {strides = array<i32>} : memref<1024xf32, #tpu.memory_space<vmem>>, vector<16xf32>,
        %get3A_1901 = arith.constant 912 : index
        %get3A_1902 = tpu.vector_load %arg19[%get3A_1901] {strides = array<i32>} : memref<1024xf32, #tpu.memory_space<vmem>>, vector<16xf32>,
        %get3A_1903 = arith.constant 912 : index
        %get3A_1904 = tpu.vector_load %arg16[%get3A_1903] {strides = array<i32>} : memref<1024xf32, #tpu.memory_space<vmem>>, vector<16xf32>,
        %sub3A_1905 = arith.subf %get3A_1902, %get3A_1904 : vector<16xf32>
        %get3A_1906 = arith.constant 912 : index
        %get3A_1907 = tpu.vector_load %arg22[%get3A_1906] {strides = array<i32>} : memref<1024xf32, #tpu.memory_space<vmem>>, vector<16xf32>,
        %add3A_1908 = arith.addf %sub3A_1905, %get3A_1907 : vector<16xf32>
        %swap3A_1909 = arith.constant 912 : index
        %swap3A_1910 = tpu.vector_load %arg25[%swap3A_1909] {strides = array<i32>} : memref<1024xf32, #tpu.memory_space<vmem>>, vector<16xf32>,
        tpu.vector_store %arg25[%swap3A_1909], %add3A_1908 {strides = array<i32>} : memref<1024xf32, #tpu.memory_space<vmem>>, vector<16xf32>,
        %get3A_1911 = arith.constant 912 : index
        %get3A_1912 = tpu.vector_load %arg20[%get3A_1911] {strides = array<i32>} : memref<1024xf32, #tpu.memory_space<vmem>>, vector<16xf32>,
        %get3A_1913 = arith.constant 912 : index
        %get3A_1914 = tpu.vector_load %arg17[%get3A_1913] {strides = array<i32>} : memref<1024xf32, #tpu.memory_space<vmem>>, vector<16xf32>,
        %sub3A_1915 = arith.subf %get3A_1912, %get3A_1914 : vector<16xf32>
        %get3A_1916 = arith.constant 912 : index
        %get3A_1917 = tpu.vector_load %arg23[%get3A_1916] {strides = array<i32>} : memref<1024xf32, #tpu.memory_space<vmem>>, vector<16xf32>,
        %add3A_1918 = arith.addf %sub3A_1915, %get3A_1917 : vector<16xf32>
        %swap3A_1919 = arith.constant 912 : index
        %swap3A_1920 = tpu.vector_load %arg26[%swap3A_1919] {strides = array<i32>} : memref<1024xf32, #tpu.memory_space<vmem>>, vector<16xf32>,
        tpu.vector_store %arg26[%swap3A_1919], %add3A_1918 {strides = array<i32>} : memref<1024xf32, #tpu.memory_space<vmem>>, vector<16xf32>,
        %get3A_1921 = arith.constant 928 : index
        %get3A_1922 = tpu.vector_load %arg18[%get3A_1921] {strides = array<i32>} : memref<1024xf32, #tpu.memory_space<vmem>>, vector<16xf32>,
        %get3A_1923 = arith.constant 928 : index
        %get3A_1924 = tpu.vector_load %arg15[%get3A_1923] {strides = array<i32>} : memref<1024xf32, #tpu.memory_space<vmem>>, vector<16xf32>,
        %sub3A_1925 = arith.subf %get3A_1922, %get3A_1924 : vector<16xf32>
        %get3A_1926 = arith.constant 928 : index
        %get3A_1927 = tpu.vector_load %arg21[%get3A_1926] {strides = array<i32>} : memref<1024xf32, #tpu.memory_space<vmem>>, vector<16xf32>,
        %add3A_1928 = arith.addf %sub3A_1925, %get3A_1927 : vector<16xf32>
        %swap3A_1929 = arith.constant 928 : index
        %swap3A_1930 = tpu.vector_load %arg24[%swap3A_1929] {strides = array<i32>} : memref<1024xf32, #tpu.memory_space<vmem>>, vector<16xf32>,
        tpu.vector_store %arg24[%swap3A_1929], %add3A_1928 {strides = array<i32>} : memref<1024xf32, #tpu.memory_space<vmem>>, vector<16xf32>,
        %get3A_1931 = arith.constant 928 : index
        %get3A_1932 = tpu.vector_load %arg19[%get3A_1931] {strides = array<i32>} : memref<1024xf32, #tpu.memory_space<vmem>>, vector<16xf32>,
        %get3A_1933 = arith.constant 928 : index
        %get3A_1934 = tpu.vector_load %arg16[%get3A_1933] {strides = array<i32>} : memref<1024xf32, #tpu.memory_space<vmem>>, vector<16xf32>,
        %sub3A_1935 = arith.subf %get3A_1932, %get3A_1934 : vector<16xf32>
        %get3A_1936 = arith.constant 928 : index
        %get3A_1937 = tpu.vector_load %arg22[%get3A_1936] {strides = array<i32>} : memref<1024xf32, #tpu.memory_space<vmem>>, vector<16xf32>,
        %add3A_1938 = arith.addf %sub3A_1935, %get3A_1937 : vector<16xf32>
        %swap3A_1939 = arith.constant 928 : index
        %swap3A_1940 = tpu.vector_load %arg25[%swap3A_1939] {strides = array<i32>} : memref<1024xf32, #tpu.memory_space<vmem>>, vector<16xf32>,
        tpu.vector_store %arg25[%swap3A_1939], %add3A_1938 {strides = array<i32>} : memref<1024xf32, #tpu.memory_space<vmem>>, vector<16xf32>,
        %get3A_1941 = arith.constant 928 : index
        %get3A_1942 = tpu.vector_load %arg20[%get3A_1941] {strides = array<i32>} : memref<1024xf32, #tpu.memory_space<vmem>>, vector<16xf32>,
        %get3A_1943 = arith.constant 928 : index
        %get3A_1944 = tpu.vector_load %arg17[%get3A_1943] {strides = array<i32>} : memref<1024xf32, #tpu.memory_space<vmem>>, vector<16xf32>,
        %sub3A_1945 = arith.subf %get3A_1942, %get3A_1944 : vector<16xf32>
        %get3A_1946 = arith.constant 928 : index
        %get3A_1947 = tpu.vector_load %arg23[%get3A_1946] {strides = array<i32>} : memref<1024xf32, #tpu.memory_space<vmem>>, vector<16xf32>,
        %add3A_1948 = arith.addf %sub3A_1945, %get3A_1947 : vector<16xf32>
        %swap3A_1949 = arith.constant 928 : index
        %swap3A_1950 = tpu.vector_load %arg26[%swap3A_1949] {strides = array<i32>} : memref<1024xf32, #tpu.memory_space<vmem>>, vector<16xf32>,
        tpu.vector_store %arg26[%swap3A_1949], %add3A_1948 {strides = array<i32>} : memref<1024xf32, #tpu.memory_space<vmem>>, vector<16xf32>,
        %get3A_1951 = arith.constant 944 : index
        %get3A_1952 = tpu.vector_load %arg18[%get3A_1951] {strides = array<i32>} : memref<1024xf32, #tpu.memory_space<vmem>>, vector<16xf32>,
        %get3A_1953 = arith.constant 944 : index
        %get3A_1954 = tpu.vector_load %arg15[%get3A_1953] {strides = array<i32>} : memref<1024xf32, #tpu.memory_space<vmem>>, vector<16xf32>,
        %sub3A_1955 = arith.subf %get3A_1952, %get3A_1954 : vector<16xf32>
        %get3A_1956 = arith.constant 944 : index
        %get3A_1957 = tpu.vector_load %arg21[%get3A_1956] {strides = array<i32>} : memref<1024xf32, #tpu.memory_space<vmem>>, vector<16xf32>,
        %add3A_1958 = arith.addf %sub3A_1955, %get3A_1957 : vector<16xf32>
        %swap3A_1959 = arith.constant 944 : index
        %swap3A_1960 = tpu.vector_load %arg24[%swap3A_1959] {strides = array<i32>} : memref<1024xf32, #tpu.memory_space<vmem>>, vector<16xf32>,
        tpu.vector_store %arg24[%swap3A_1959], %add3A_1958 {strides = array<i32>} : memref<1024xf32, #tpu.memory_space<vmem>>, vector<16xf32>,
        %get3A_1961 = arith.constant 944 : index
        %get3A_1962 = tpu.vector_load %arg19[%get3A_1961] {strides = array<i32>} : memref<1024xf32, #tpu.memory_space<vmem>>, vector<16xf32>,
        %get3A_1963 = arith.constant 944 : index
        %get3A_1964 = tpu.vector_load %arg16[%get3A_1963] {strides = array<i32>} : memref<1024xf32, #tpu.memory_space<vmem>>, vector<16xf32>,
        %sub3A_1965 = arith.subf %get3A_1962, %get3A_1964 : vector<16xf32>
        %get3A_1966 = arith.constant 944 : index
        %get3A_1967 = tpu.vector_load %arg22[%get3A_1966] {strides = array<i32>} : memref<1024xf32, #tpu.memory_space<vmem>>, vector<16xf32>,
        %add3A_1968 = arith.addf %sub3A_1965, %get3A_1967 : vector<16xf32>
        %swap3A_1969 = arith.constant 944 : index
        %swap3A_1970 = tpu.vector_load %arg25[%swap3A_1969] {strides = array<i32>} : memref<1024xf32, #tpu.memory_space<vmem>>, vector<16xf32>,
        tpu.vector_store %arg25[%swap3A_1969], %add3A_1968 {strides = array<i32>} : memref<1024xf32, #tpu.memory_space<vmem>>, vector<16xf32>,
        %get3A_1971 = arith.constant 944 : index
        %get3A_1972 = tpu.vector_load %arg20[%get3A_1971] {strides = array<i32>} : memref<1024xf32, #tpu.memory_space<vmem>>, vector<16xf32>,
        %get3A_1973 = arith.constant 944 : index
        %get3A_1974 = tpu.vector_load %arg17[%get3A_1973] {strides = array<i32>} : memref<1024xf32, #tpu.memory_space<vmem>>, vector<16xf32>,
        %sub3A_1975 = arith.subf %get3A_1972, %get3A_1974 : vector<16xf32>
        %get3A_1976 = arith.constant 944 : index
        %get3A_1977 = tpu.vector_load %arg23[%get3A_1976] {strides = array<i32>} : memref<1024xf32, #tpu.memory_space<vmem>>, vector<16xf32>,
        %add3A_1978 = arith.addf %sub3A_1975, %get3A_1977 : vector<16xf32>
        %swap3A_1979 = arith.constant 944 : index
        %swap3A_1980 = tpu.vector_load %arg26[%swap3A_1979] {strides = array<i32>} : memref<1024xf32, #tpu.memory_space<vmem>>, vector<16xf32>,
        tpu.vector_store %arg26[%swap3A_1979], %add3A_1978 {strides = array<i32>} : memref<1024xf32, #tpu.memory_space<vmem>>, vector<16xf32>,
        %get3A_1981 = arith.constant 960 : index
        %get3A_1982 = tpu.vector_load %arg18[%get3A_1981] {strides = array<i32>} : memref<1024xf32, #tpu.memory_space<vmem>>, vector<16xf32>,
        %get3A_1983 = arith.constant 960 : index
        %get3A_1984 = tpu.vector_load %arg15[%get3A_1983] {strides = array<i32>} : memref<1024xf32, #tpu.memory_space<vmem>>, vector<16xf32>,
        %sub3A_1985 = arith.subf %get3A_1982, %get3A_1984 : vector<16xf32>
        %get3A_1986 = arith.constant 960 : index
        %get3A_1987 = tpu.vector_load %arg21[%get3A_1986] {strides = array<i32>} : memref<1024xf32, #tpu.memory_space<vmem>>, vector<16xf32>,
        %add3A_1988 = arith.addf %sub3A_1985, %get3A_1987 : vector<16xf32>
        %swap3A_1989 = arith.constant 960 : index
        %swap3A_1990 = tpu.vector_load %arg24[%swap3A_1989] {strides = array<i32>} : memref<1024xf32, #tpu.memory_space<vmem>>, vector<16xf32>,
        tpu.vector_store %arg24[%swap3A_1989], %add3A_1988 {strides = array<i32>} : memref<1024xf32, #tpu.memory_space<vmem>>, vector<16xf32>,
        %get3A_1991 = arith.constant 960 : index
        %get3A_1992 = tpu.vector_load %arg19[%get3A_1991] {strides = array<i32>} : memref<1024xf32, #tpu.memory_space<vmem>>, vector<16xf32>,
        %get3A_1993 = arith.constant 960 : index
        %get3A_1994 = tpu.vector_load %arg16[%get3A_1993] {strides = array<i32>} : memref<1024xf32, #tpu.memory_space<vmem>>, vector<16xf32>,
        %sub3A_1995 = arith.subf %get3A_1992, %get3A_1994 : vector<16xf32>
        %get3A_1996 = arith.constant 960 : index
        %get3A_1997 = tpu.vector_load %arg22[%get3A_1996] {strides = array<i32>} : memref<1024xf32, #tpu.memory_space<vmem>>, vector<16xf32>,
        %add3A_1998 = arith.addf %sub3A_1995, %get3A_1997 : vector<16xf32>
        %swap3A_1999 = arith.constant 960 : index
        %swap3A_2000 = tpu.vector_load %arg25[%swap3A_1999] {strides = array<i32>} : memref<1024xf32, #tpu.memory_space<vmem>>, vector<16xf32>,
        tpu.vector_store %arg25[%swap3A_1999], %add3A_1998 {strides = array<i32>} : memref<1024xf32, #tpu.memory_space<vmem>>, vector<16xf32>,
        %get3A_2001 = arith.constant 960 : index
        %get3A_2002 = tpu.vector_load %arg20[%get3A_2001] {strides = array<i32>} : memref<1024xf32, #tpu.memory_space<vmem>>, vector<16xf32>,
        %get3A_2003 = arith.constant 960 : index
        %get3A_2004 = tpu.vector_load %arg17[%get3A_2003] {strides = array<i32>} : memref<1024xf32, #tpu.memory_space<vmem>>, vector<16xf32>,
        %sub3A_2005 = arith.subf %get3A_2002, %get3A_2004 : vector<16xf32>
        %get3A_2006 = arith.constant 960 : index
        %get3A_2007 = tpu.vector_load %arg23[%get3A_2006] {strides = array<i32>} : memref<1024xf32, #tpu.memory_space<vmem>>, vector<16xf32>,
        %add3A_2008 = arith.addf %sub3A_2005, %get3A_2007 : vector<16xf32>
        %swap3A_2009 = arith.constant 960 : index
        %swap3A_2010 = tpu.vector_load %arg26[%swap3A_2009] {strides = array<i32>} : memref<1024xf32, #tpu.memory_space<vmem>>, vector<16xf32>,
        tpu.vector_store %arg26[%swap3A_2009], %add3A_2008 {strides = array<i32>} : memref<1024xf32, #tpu.memory_space<vmem>>, vector<16xf32>,
        %get3A_2011 = arith.constant 976 : index
        %get3A_2012 = tpu.vector_load %arg18[%get3A_2011] {strides = array<i32>} : memref<1024xf32, #tpu.memory_space<vmem>>, vector<16xf32>,
        %get3A_2013 = arith.constant 976 : index
        %get3A_2014 = tpu.vector_load %arg15[%get3A_2013] {strides = array<i32>} : memref<1024xf32, #tpu.memory_space<vmem>>, vector<16xf32>,
        %sub3A_2015 = arith.subf %get3A_2012, %get3A_2014 : vector<16xf32>
        %get3A_2016 = arith.constant 976 : index
        %get3A_2017 = tpu.vector_load %arg21[%get3A_2016] {strides = array<i32>} : memref<1024xf32, #tpu.memory_space<vmem>>, vector<16xf32>,
        %add3A_2018 = arith.addf %sub3A_2015, %get3A_2017 : vector<16xf32>
        %swap3A_2019 = arith.constant 976 : index
        %swap3A_2020 = tpu.vector_load %arg24[%swap3A_2019] {strides = array<i32>} : memref<1024xf32, #tpu.memory_space<vmem>>, vector<16xf32>,
        tpu.vector_store %arg24[%swap3A_2019], %add3A_2018 {strides = array<i32>} : memref<1024xf32, #tpu.memory_space<vmem>>, vector<16xf32>,
        %get3A_2021 = arith.constant 976 : index
        %get3A_2022 = tpu.vector_load %arg19[%get3A_2021] {strides = array<i32>} : memref<1024xf32, #tpu.memory_space<vmem>>, vector<16xf32>,
        %get3A_2023 = arith.constant 976 : index
        %get3A_2024 = tpu.vector_load %arg16[%get3A_2023] {strides = array<i32>} : memref<1024xf32, #tpu.memory_space<vmem>>, vector<16xf32>,
        %sub3A_2025 = arith.subf %get3A_2022, %get3A_2024 : vector<16xf32>
        %get3A_2026 = arith.constant 976 : index
        %get3A_2027 = tpu.vector_load %arg22[%get3A_2026] {strides = array<i32>} : memref<1024xf32, #tpu.memory_space<vmem>>, vector<16xf32>,
        %add3A_2028 = arith.addf %sub3A_2025, %get3A_2027 : vector<16xf32>
        %swap3A_2029 = arith.constant 976 : index
        %swap3A_2030 = tpu.vector_load %arg25[%swap3A_2029] {strides = array<i32>} : memref<1024xf32, #tpu.memory_space<vmem>>, vector<16xf32>,
        tpu.vector_store %arg25[%swap3A_2029], %add3A_2028 {strides = array<i32>} : memref<1024xf32, #tpu.memory_space<vmem>>, vector<16xf32>,
        %get3A_2031 = arith.constant 976 : index
        %get3A_2032 = tpu.vector_load %arg20[%get3A_2031] {strides = array<i32>} : memref<1024xf32, #tpu.memory_space<vmem>>, vector<16xf32>,
        %get3A_2033 = arith.constant 976 : index
        %get3A_2034 = tpu.vector_load %arg17[%get3A_2033] {strides = array<i32>} : memref<1024xf32, #tpu.memory_space<vmem>>, vector<16xf32>,
        %sub3A_2035 = arith.subf %get3A_2032, %get3A_2034 : vector<16xf32>
        %get3A_2036 = arith.constant 976 : index
        %get3A_2037 = tpu.vector_load %arg23[%get3A_2036] {strides = array<i32>} : memref<1024xf32, #tpu.memory_space<vmem>>, vector<16xf32>,
        %add3A_2038 = arith.addf %sub3A_2035, %get3A_2037 : vector<16xf32>
        %swap3A_2039 = arith.constant 976 : index
        %swap3A_2040 = tpu.vector_load %arg26[%swap3A_2039] {strides = array<i32>} : memref<1024xf32, #tpu.memory_space<vmem>>, vector<16xf32>,
        tpu.vector_store %arg26[%swap3A_2039], %add3A_2038 {strides = array<i32>} : memref<1024xf32, #tpu.memory_space<vmem>>, vector<16xf32>,
        %get3A_2041 = arith.constant 992 : index
        %get3A_2042 = tpu.vector_load %arg18[%get3A_2041] {strides = array<i32>} : memref<1024xf32, #tpu.memory_space<vmem>>, vector<16xf32>,
        %get3A_2043 = arith.constant 992 : index
        %get3A_2044 = tpu.vector_load %arg15[%get3A_2043] {strides = array<i32>} : memref<1024xf32, #tpu.memory_space<vmem>>, vector<16xf32>,
        %sub3A_2045 = arith.subf %get3A_2042, %get3A_2044 : vector<16xf32>
        %get3A_2046 = arith.constant 992 : index
        %get3A_2047 = tpu.vector_load %arg21[%get3A_2046] {strides = array<i32>} : memref<1024xf32, #tpu.memory_space<vmem>>, vector<16xf32>,
        %add3A_2048 = arith.addf %sub3A_2045, %get3A_2047 : vector<16xf32>
        %swap3A_2049 = arith.constant 992 : index
        %swap3A_2050 = tpu.vector_load %arg24[%swap3A_2049] {strides = array<i32>} : memref<1024xf32, #tpu.memory_space<vmem>>, vector<16xf32>,
        tpu.vector_store %arg24[%swap3A_2049], %add3A_2048 {strides = array<i32>} : memref<1024xf32, #tpu.memory_space<vmem>>, vector<16xf32>,
        %get3A_2051 = arith.constant 992 : index
        %get3A_2052 = tpu.vector_load %arg19[%get3A_2051] {strides = array<i32>} : memref<1024xf32, #tpu.memory_space<vmem>>, vector<16xf32>,
        %get3A_2053 = arith.constant 992 : index
        %get3A_2054 = tpu.vector_load %arg16[%get3A_2053] {strides = array<i32>} : memref<1024xf32, #tpu.memory_space<vmem>>, vector<16xf32>,
        %sub3A_2055 = arith.subf %get3A_2052, %get3A_2054 : vector<16xf32>
        %get3A_2056 = arith.constant 992 : index
        %get3A_2057 = tpu.vector_load %arg22[%get3A_2056] {strides = array<i32>} : memref<1024xf32, #tpu.memory_space<vmem>>, vector<16xf32>,
        %add3A_2058 = arith.addf %sub3A_2055, %get3A_2057 : vector<16xf32>
        %swap3A_2059 = arith.constant 992 : index
        %swap3A_2060 = tpu.vector_load %arg25[%swap3A_2059] {strides = array<i32>} : memref<1024xf32, #tpu.memory_space<vmem>>, vector<16xf32>,
        tpu.vector_store %arg25[%swap3A_2059], %add3A_2058 {strides = array<i32>} : memref<1024xf32, #tpu.memory_space<vmem>>, vector<16xf32>,
        %get3A_2061 = arith.constant 992 : index
        %get3A_2062 = tpu.vector_load %arg20[%get3A_2061] {strides = array<i32>} : memref<1024xf32, #tpu.memory_space<vmem>>, vector<16xf32>,
        %get3A_2063 = arith.constant 992 : index
        %get3A_2064 = tpu.vector_load %arg17[%get3A_2063] {strides = array<i32>} : memref<1024xf32, #tpu.memory_space<vmem>>, vector<16xf32>,
        %sub3A_2065 = arith.subf %get3A_2062, %get3A_2064 : vector<16xf32>
        %get3A_2066 = arith.constant 992 : index
        %get3A_2067 = tpu.vector_load %arg23[%get3A_2066] {strides = array<i32>} : memref<1024xf32, #tpu.memory_space<vmem>>, vector<16xf32>,
        %add3A_2068 = arith.addf %sub3A_2065, %get3A_2067 : vector<16xf32>
        %swap3A_2069 = arith.constant 992 : index
        %swap3A_2070 = tpu.vector_load %arg26[%swap3A_2069] {strides = array<i32>} : memref<1024xf32, #tpu.memory_space<vmem>>, vector<16xf32>,
        tpu.vector_store %arg26[%swap3A_2069], %add3A_2068 {strides = array<i32>} : memref<1024xf32, #tpu.memory_space<vmem>>, vector<16xf32>,
        %get3A_2071 = arith.constant 1008 : index
        %get3A_2072 = tpu.vector_load %arg18[%get3A_2071] {strides = array<i32>} : memref<1024xf32, #tpu.memory_space<vmem>>, vector<16xf32>,
        %get3A_2073 = arith.constant 1008 : index
        %get3A_2074 = tpu.vector_load %arg15[%get3A_2073] {strides = array<i32>} : memref<1024xf32, #tpu.memory_space<vmem>>, vector<16xf32>,
        %sub3A_2075 = arith.subf %get3A_2072, %get3A_2074 : vector<16xf32>
        %get3A_2076 = arith.constant 1008 : index
        %get3A_2077 = tpu.vector_load %arg21[%get3A_2076] {strides = array<i32>} : memref<1024xf32, #tpu.memory_space<vmem>>, vector<16xf32>,
        %add3A_2078 = arith.addf %sub3A_2075, %get3A_2077 : vector<16xf32>
        %swap3A_2079 = arith.constant 1008 : index
        %swap3A_2080 = tpu.vector_load %arg24[%swap3A_2079] {strides = array<i32>} : memref<1024xf32, #tpu.memory_space<vmem>>, vector<16xf32>,
        tpu.vector_store %arg24[%swap3A_2079], %add3A_2078 {strides = array<i32>} : memref<1024xf32, #tpu.memory_space<vmem>>, vector<16xf32>,
        %get3A_2081 = arith.constant 1008 : index
        %get3A_2082 = tpu.vector_load %arg19[%get3A_2081] {strides = array<i32>} : memref<1024xf32, #tpu.memory_space<vmem>>, vector<16xf32>,
        %get3A_2083 = arith.constant 1008 : index
        %get3A_2084 = tpu.vector_load %arg16[%get3A_2083] {strides = array<i32>} : memref<1024xf32, #tpu.memory_space<vmem>>, vector<16xf32>,
        %sub3A_2085 = arith.subf %get3A_2082, %get3A_2084 : vector<16xf32>
        %get3A_2086 = arith.constant 1008 : index
        %get3A_2087 = tpu.vector_load %arg22[%get3A_2086] {strides = array<i32>} : memref<1024xf32, #tpu.memory_space<vmem>>, vector<16xf32>,
        %add3A_2088 = arith.addf %sub3A_2085, %get3A_2087 : vector<16xf32>
        %swap3A_2089 = arith.constant 1008 : index
        %swap3A_2090 = tpu.vector_load %arg25[%swap3A_2089] {strides = array<i32>} : memref<1024xf32, #tpu.memory_space<vmem>>, vector<16xf32>,
        tpu.vector_store %arg25[%swap3A_2089], %add3A_2088 {strides = array<i32>} : memref<1024xf32, #tpu.memory_space<vmem>>, vector<16xf32>,
        %get3A_2091 = arith.constant 1008 : index
        %get3A_2092 = tpu.vector_load %arg20[%get3A_2091] {strides = array<i32>} : memref<1024xf32, #tpu.memory_space<vmem>>, vector<16xf32>,
        %get3A_2093 = arith.constant 1008 : index
        %get3A_2094 = tpu.vector_load %arg17[%get3A_2093] {strides = array<i32>} : memref<1024xf32, #tpu.memory_space<vmem>>, vector<16xf32>,
        %sub3A_2095 = arith.subf %get3A_2092, %get3A_2094 : vector<16xf32>
        %get3A_2096 = arith.constant 1008 : index
        %get3A_2097 = tpu.vector_load %arg23[%get3A_2096] {strides = array<i32>} : memref<1024xf32, #tpu.memory_space<vmem>>, vector<16xf32>,
        %add3A_2098 = arith.addf %sub3A_2095, %get3A_2097 : vector<16xf32>
        %swap3A_2099 = arith.constant 1008 : index
        %swap3A_2100 = tpu.vector_load %arg26[%swap3A_2099] {strides = array<i32>} : memref<1024xf32, #tpu.memory_space<vmem>>, vector<16xf32>,
        tpu.vector_store %arg26[%swap3A_2099], %add3A_2098 {strides = array<i32>} : memref<1024xf32, #tpu.memory_space<vmem>>, vector<16xf32>,
        %dma_start3A_2101 = tpu.memref_slice %arg10[%mul3A_21] : memref<6400000xf32, #tpu.memory_space<hbm>> -> memref<1024xf32, #tpu.memory_space<hbm>>
        %dma_start3A_2102 = tpu.memref_slice %arg10[%mul3A_21] : memref<6400000xf32, #tpu.memory_space<hbm>> -> memref<1024xf32, #tpu.memory_space<hbm>>
        tpu.enqueue_dma source(%arg24 : memref<1024xf32, #tpu.memory_space<vmem>>) target(%dma_start3A_2102 : memref<1024xf32, #tpu.memory_space<hbm>>) target_semaphore(%arg30 : memref<!tpu.dma_semaphore, #tpu.memory_space<semaphore_mem>>)
        %dma_start3A_2103 = tpu.memref_slice %arg11[%mul3A_21] : memref<6400000xf32, #tpu.memory_space<hbm>> -> memref<1024xf32, #tpu.memory_space<hbm>>
        %dma_start3A_2104 = tpu.memref_slice %arg11[%mul3A_21] : memref<6400000xf32, #tpu.memory_space<hbm>> -> memref<1024xf32, #tpu.memory_space<hbm>>
        tpu.enqueue_dma source(%arg25 : memref<1024xf32, #tpu.memory_space<vmem>>) target(%dma_start3A_2104 : memref<1024xf32, #tpu.memory_space<hbm>>) target_semaphore(%arg30 : memref<!tpu.dma_semaphore, #tpu.memory_space<semaphore_mem>>)
        %dma_start3A_2105 = tpu.memref_slice %arg12[%mul3A_21] : memref<6400000xf32, #tpu.memory_space<hbm>> -> memref<1024xf32, #tpu.memory_space<hbm>>
        %dma_start3A_2106 = tpu.memref_slice %arg12[%mul3A_21] : memref<6400000xf32, #tpu.memory_space<hbm>> -> memref<1024xf32, #tpu.memory_space<hbm>>
        tpu.enqueue_dma source(%arg26 : memref<1024xf32, #tpu.memory_space<vmem>>) target(%dma_start3A_2106 : memref<1024xf32, #tpu.memory_space<hbm>>) target_semaphore(%arg30 : memref<!tpu.dma_semaphore, #tpu.memory_space<semaphore_mem>>)
        %dma_wait3A_2107 = tpu.memref_slice %arg10[%mul3A_21] : memref<6400000xf32, #tpu.memory_space<hbm>> -> memref<1024xf32, #tpu.memory_space<hbm>>
        %dma_wait3A_2108 = tpu.memref_slice %arg10[%mul3A_21] : memref<6400000xf32, #tpu.memory_space<hbm>> -> memref<1024xf32, #tpu.memory_space<hbm>>
        tpu.wait_dma2 semaphore(%arg30 : memref<!tpu.dma_semaphore, #tpu.memory_space<semaphore_mem>>) src(%arg24 : memref<1024xf32, #tpu.memory_space<vmem>>) dst(%dma_wait3A_2108 : memref<1024xf32, #tpu.memory_space<hbm>>)
        %dma_wait3A_2109 = tpu.memref_slice %arg11[%mul3A_21] : memref<6400000xf32, #tpu.memory_space<hbm>> -> memref<1024xf32, #tpu.memory_space<hbm>>
        %dma_wait3A_2110 = tpu.memref_slice %arg11[%mul3A_21] : memref<6400000xf32, #tpu.memory_space<hbm>> -> memref<1024xf32, #tpu.memory_space<hbm>>
        tpu.wait_dma2 semaphore(%arg30 : memref<!tpu.dma_semaphore, #tpu.memory_space<semaphore_mem>>) src(%arg25 : memref<1024xf32, #tpu.memory_space<vmem>>) dst(%dma_wait3A_2110 : memref<1024xf32, #tpu.memory_space<hbm>>)
        %dma_wait3A_2111 = tpu.memref_slice %arg12[%mul3A_21] : memref<6400000xf32, #tpu.memory_space<hbm>> -> memref<1024xf32, #tpu.memory_space<hbm>>
        %dma_wait3A_2112 = tpu.memref_slice %arg12[%mul3A_21] : memref<6400000xf32, #tpu.memory_space<hbm>> -> memref<1024xf32, #tpu.memory_space<hbm>>
        tpu.wait_dma2 semaphore(%arg30 : memref<!tpu.dma_semaphore, #tpu.memory_space<semaphore_mem>>) src(%arg26 : memref<1024xf32, #tpu.memory_space<vmem>>) dst(%dma_wait3A_2112 : memref<1024xf32, #tpu.memory_space<hbm>>)
      } else {
      }
    }
    %scan3A_7 = arith.constant 196 : i32
    return
  }
}

module attributes {stable_mosaic.version = 14 : i64} {
  func.func @body(%arg0: i32, %arg1: memref<400x128xf32, #tpu.memory_space<vmem>>, %arg2: memref<400x128xf32, #tpu.memory_space<vmem>>, %arg3: memref<400x128xf32, #tpu.memory_space<vmem>>, %arg4: memref<400x128xf32, #tpu.memory_space<vmem>>, %arg5: memref<400x128xf32, #tpu.memory_space<vmem>>, %arg6: memref<400x128xf32, #tpu.memory_space<vmem>>, %arg7: memref<400x128xf32, #tpu.memory_space<vmem>>, %arg8: memref<400x128xf32, #tpu.memory_space<vmem>>, %arg9: memref<400x128xf32, #tpu.memory_space<vmem>>, %arg10: memref<400x128xf32, #tpu.memory_space<vmem>>, %arg11: memref<400x128xf32, #tpu.memory_space<vmem>>, %arg12: memref<400x128xf32, #tpu.memory_space<vmem>>, %arg13: memref<400x128xf32, #tpu.memory_space<vmem>>) attributes {dimension_semantics = [#tpu.dimension_semantics<arbitrary>], iteration_bounds = array<i64: 125>, scalar_prefetch = 0 : i64, scratch_operands = 0 : i64, tpu.core_type = #tpu.core_type<tc>, window_params = [{transform_indices = @transform_0, window_bounds = array<i64: 400, 128>}, {transform_indices = @transform_1, window_bounds = array<i64: 400, 128>}, {transform_indices = @transform_2, window_bounds = array<i64: 400, 128>}, {transform_indices = @transform_3, window_bounds = array<i64: 400, 128>}, {transform_indices = @transform_4, window_bounds = array<i64: 400, 128>}, {transform_indices = @transform_5, window_bounds = array<i64: 400, 128>}, {transform_indices = @transform_6, window_bounds = array<i64: 400, 128>}, {transform_indices = @transform_7, window_bounds = array<i64: 400, 128>}, {transform_indices = @transform_8, window_bounds = array<i64: 400, 128>}, {transform_indices = @transform_9, window_bounds = array<i64: 400, 128>}, {transform_indices = @transform_10, window_bounds = array<i64: 400, 128>}, {transform_indices = @transform_11, window_bounds = array<i64: 400, 128>}, {transform_indices = @transform_12, window_bounds = array<i64: 400, 128>}]} {
    %get3A = arith.constant 0 : index
    %get3A_0 = arith.constant 0 : index
    %get3A_1 = vector.load %arg1[%get3A, %get3A_0] : memref<400x128xf32, #tpu.memory_space<vmem>>, vector<400x128xf32>
    %get3A_2 = arith.constant 0 : index
    %get3A_3 = arith.constant 0 : index
    %get3A_4 = vector.load %arg2[%get3A_2, %get3A_3] : memref<400x128xf32, #tpu.memory_space<vmem>>, vector<400x128xf32>
    %get3A_5 = arith.constant 0 : index
    %get3A_6 = arith.constant 0 : index
    %get3A_7 = vector.load %arg3[%get3A_5, %get3A_6] : memref<400x128xf32, #tpu.memory_space<vmem>>, vector<400x128xf32>
    %mul3A = arith.mulf %get3A_1, %get3A_1 : vector<400x128xf32>
    %mul3A_8 = arith.mulf %get3A_4, %get3A_4 : vector<400x128xf32>
    %add3A = arith.addf %mul3A, %mul3A_8 : vector<400x128xf32>
    %mul3A_9 = arith.mulf %get3A_7, %get3A_7 : vector<400x128xf32>
    %add3A_10 = arith.addf %add3A, %mul3A_9 : vector<400x128xf32>
    %sqrt3A = math.sqrt %add3A_10 : vector<400x128xf32>
    %gt3A = arith.constant 0.000000e+00 : f32
    %gt3A_11 = vector.broadcast %gt3A : f32 to vector<400x128xf32>
    %gt3A_12 = arith.cmpf ogt, %sqrt3A, %gt3A_11 : vector<400x128xf32>
    %div3A = arith.constant 1.000000e+00 : f32
    %div3A_13 = vector.broadcast %div3A : f32 to vector<400x128xf32>
    %div3A_14 = arith.divf %div3A_13, %sqrt3A : vector<400x128xf32>
    %jit3A = arith.constant 0.000000e+00 : f32
    %broadcast_in_dim3A = vector.broadcast %jit3A : f32 to vector<400x128xf32>
    %select_n3A = arith.select %gt3A_12, %div3A_14, %broadcast_in_dim3A : vector<400x128xi1>, vector<400x128xf32>
    %mul3A_15 = arith.constant 2.000000e-01 : f32
    %mul3A_16 = vector.broadcast %mul3A_15 : f32 to vector<400x128xf32>
    %mul3A_17 = arith.mulf %sqrt3A, %mul3A_16 : vector<400x128xf32>
    %mul3A_18 = arith.mulf %mul3A_17, %mul3A_17 : vector<400x128xf32>
    %mul3A_19 = arith.mulf %mul3A_18, %mul3A_18 : vector<400x128xf32>
    %mul3A_20 = arith.mulf %mul3A_19, %mul3A_18 : vector<400x128xf32>
    %mul3A_21 = arith.constant 4.800000e+01 : f32
    %mul3A_22 = vector.broadcast %mul3A_21 : f32 to vector<400x128xf32>
    %mul3A_23 = arith.mulf %mul3A_22, %mul3A_17 : vector<400x128xf32>
    %add3A_24 = arith.constant -2.800000e+01 : f32
    %add3A_25 = vector.broadcast %add3A_24 : f32 to vector<400x128xf32>
    %add3A_26 = arith.addf %add3A_25, %mul3A_23 : vector<400x128xf32>
    %mul3A_27 = arith.constant 2.100000e+01 : f32
    %mul3A_28 = vector.broadcast %mul3A_27 : f32 to vector<400x128xf32>
    %mul3A_29 = arith.mulf %mul3A_28, %mul3A_18 : vector<400x128xf32>
    %sub3A = arith.subf %add3A_26, %mul3A_29 : vector<400x128xf32>
    %mul3A_30 = arith.mulf %mul3A_20, %sub3A : vector<400x128xf32>
    %add3A_31 = arith.constant 1.000000e+00 : f32
    %add3A_32 = vector.broadcast %add3A_31 : f32 to vector<400x128xf32>
    %add3A_33 = arith.addf %add3A_32, %mul3A_30 : vector<400x128xf32>
    %lt3A = arith.constant 5.000000e+00 : f32
    %lt3A_34 = vector.broadcast %lt3A : f32 to vector<400x128xf32>
    %lt3A_35 = arith.cmpf olt, %sqrt3A, %lt3A_34 : vector<400x128xf32>
    %jit3A_36 = arith.constant 0.000000e+00 : f32
    %broadcast_in_dim3A_37 = vector.broadcast %jit3A_36 : f32 to vector<400x128xf32>
    %select_n3A_38 = arith.select %lt3A_35, %add3A_33, %broadcast_in_dim3A_37 : vector<400x128xi1>, vector<400x128xf32>
    %mul3A_39 = arith.constant 0.632455527 : f32
    %mul3A_40 = vector.broadcast %mul3A_39 : f32 to vector<400x128xf32>
    %mul3A_41 = arith.mulf %mul3A_40, %select_n3A : vector<400x128xf32>
    %mul3A_42 = arith.mulf %mul3A_41, %select_n3A_38 : vector<400x128xf32>
    %swap3A = arith.constant 0 : index
    %swap3A_43 = arith.constant 0 : index
    %swap3A_44 = vector.load %arg4[%swap3A, %swap3A_43] : memref<400x128xf32, #tpu.memory_space<vmem>>, vector<400x128xf32>
    tpu.vector_store %arg4[%swap3A, %swap3A_43], %sqrt3A {strides = array<i32>} : memref<400x128xf32, #tpu.memory_space<vmem>>, vector<400x128xf32>,
    %mul3A_45 = arith.mulf %get3A_1, %select_n3A : vector<400x128xf32>
    %swap3A_46 = arith.constant 0 : index
    %swap3A_47 = arith.constant 0 : index
    %swap3A_48 = vector.load %arg11[%swap3A_46, %swap3A_47] : memref<400x128xf32, #tpu.memory_space<vmem>>, vector<400x128xf32>
    tpu.vector_store %arg11[%swap3A_46, %swap3A_47], %mul3A_45 {strides = array<i32>} : memref<400x128xf32, #tpu.memory_space<vmem>>, vector<400x128xf32>,
    %mul3A_49 = arith.mulf %get3A_4, %select_n3A : vector<400x128xf32>
    %swap3A_50 = arith.constant 0 : index
    %swap3A_51 = arith.constant 0 : index
    %swap3A_52 = vector.load %arg12[%swap3A_50, %swap3A_51] : memref<400x128xf32, #tpu.memory_space<vmem>>, vector<400x128xf32>
    tpu.vector_store %arg12[%swap3A_50, %swap3A_51], %mul3A_49 {strides = array<i32>} : memref<400x128xf32, #tpu.memory_space<vmem>>, vector<400x128xf32>,
    %mul3A_53 = arith.mulf %get3A_7, %select_n3A : vector<400x128xf32>
    %swap3A_54 = arith.constant 0 : index
    %swap3A_55 = arith.constant 0 : index
    %swap3A_56 = vector.load %arg13[%swap3A_54, %swap3A_55] : memref<400x128xf32, #tpu.memory_space<vmem>>, vector<400x128xf32>
    tpu.vector_store %arg13[%swap3A_54, %swap3A_55], %mul3A_53 {strides = array<i32>} : memref<400x128xf32, #tpu.memory_space<vmem>>, vector<400x128xf32>,
    %mul3A_57 = arith.constant 0.628318548 : f32
    %mul3A_58 = vector.broadcast %mul3A_57 : f32 to vector<400x128xf32>
    %mul3A_59 = arith.mulf %mul3A_58, %sqrt3A : vector<400x128xf32>
    %sin3A = math.sin %mul3A_59 : vector<400x128xf32>
    %cos3A = math.cos %mul3A_59 : vector<400x128xf32>
    %mul3A_60 = arith.constant 2.000000e+00 : f32
    %mul3A_61 = vector.broadcast %mul3A_60 : f32 to vector<400x128xf32>
    %mul3A_62 = arith.mulf %mul3A_61, %cos3A : vector<400x128xf32>
    %mul3A_63 = arith.mulf %mul3A_42, %sin3A : vector<400x128xf32>
    %swap3A_64 = arith.constant 0 : index
    %swap3A_65 = arith.constant 0 : index
    %swap3A_66 = vector.load %arg5[%swap3A_64, %swap3A_65] : memref<400x128xf32, #tpu.memory_space<vmem>>, vector<400x128xf32>
    tpu.vector_store %arg5[%swap3A_64, %swap3A_65], %mul3A_63 {strides = array<i32>} : memref<400x128xf32, #tpu.memory_space<vmem>>, vector<400x128xf32>,
    %mul3A_67 = arith.mulf %mul3A_62, %sin3A : vector<400x128xf32>
    %mul3A_68 = arith.mulf %mul3A_42, %mul3A_67 : vector<400x128xf32>
    %swap3A_69 = arith.constant 0 : index
    %swap3A_70 = arith.constant 0 : index
    %swap3A_71 = vector.load %arg6[%swap3A_69, %swap3A_70] : memref<400x128xf32, #tpu.memory_space<vmem>>, vector<400x128xf32>
    tpu.vector_store %arg6[%swap3A_69, %swap3A_70], %mul3A_68 {strides = array<i32>} : memref<400x128xf32, #tpu.memory_space<vmem>>, vector<400x128xf32>,
    %mul3A_72 = arith.mulf %mul3A_62, %mul3A_67 : vector<400x128xf32>
    %sub3A_73 = arith.subf %mul3A_72, %sin3A : vector<400x128xf32>
    %mul3A_74 = arith.mulf %mul3A_42, %sub3A_73 : vector<400x128xf32>
    %swap3A_75 = arith.constant 0 : index
    %swap3A_76 = arith.constant 0 : index
    %swap3A_77 = vector.load %arg7[%swap3A_75, %swap3A_76] : memref<400x128xf32, #tpu.memory_space<vmem>>, vector<400x128xf32>
    tpu.vector_store %arg7[%swap3A_75, %swap3A_76], %mul3A_74 {strides = array<i32>} : memref<400x128xf32, #tpu.memory_space<vmem>>, vector<400x128xf32>,
    %mul3A_78 = arith.mulf %mul3A_62, %sub3A_73 : vector<400x128xf32>
    %sub3A_79 = arith.subf %mul3A_78, %mul3A_67 : vector<400x128xf32>
    %mul3A_80 = arith.mulf %mul3A_42, %sub3A_79 : vector<400x128xf32>
    %swap3A_81 = arith.constant 0 : index
    %swap3A_82 = arith.constant 0 : index
    %swap3A_83 = vector.load %arg8[%swap3A_81, %swap3A_82] : memref<400x128xf32, #tpu.memory_space<vmem>>, vector<400x128xf32>
    tpu.vector_store %arg8[%swap3A_81, %swap3A_82], %mul3A_80 {strides = array<i32>} : memref<400x128xf32, #tpu.memory_space<vmem>>, vector<400x128xf32>,
    %mul3A_84 = arith.mulf %mul3A_62, %sub3A_79 : vector<400x128xf32>
    %sub3A_85 = arith.subf %mul3A_84, %sub3A_73 : vector<400x128xf32>
    %mul3A_86 = arith.mulf %mul3A_42, %sub3A_85 : vector<400x128xf32>
    %swap3A_87 = arith.constant 0 : index
    %swap3A_88 = arith.constant 0 : index
    %swap3A_89 = vector.load %arg9[%swap3A_87, %swap3A_88] : memref<400x128xf32, #tpu.memory_space<vmem>>, vector<400x128xf32>
    tpu.vector_store %arg9[%swap3A_87, %swap3A_88], %mul3A_86 {strides = array<i32>} : memref<400x128xf32, #tpu.memory_space<vmem>>, vector<400x128xf32>,
    %mul3A_90 = arith.mulf %mul3A_62, %sub3A_85 : vector<400x128xf32>
    %sub3A_91 = arith.subf %mul3A_90, %sub3A_79 : vector<400x128xf32>
    %mul3A_92 = arith.mulf %mul3A_42, %sub3A_91 : vector<400x128xf32>
    %swap3A_93 = arith.constant 0 : index
    %swap3A_94 = arith.constant 0 : index
    %swap3A_95 = vector.load %arg10[%swap3A_93, %swap3A_94] : memref<400x128xf32, #tpu.memory_space<vmem>>, vector<400x128xf32>
    tpu.vector_store %arg10[%swap3A_93, %swap3A_94], %mul3A_92 {strides = array<i32>} : memref<400x128xf32, #tpu.memory_space<vmem>>, vector<400x128xf32>,
    return
  }
  func.func @transform_0(%arg0: i32) -> (i32, i32) {
    %c0_i32 = arith.constant 0 : i32
    %c0_i32_0 = arith.constant 0 : i32
    return %arg0, %c0_i32 : i32, i32
  }
  func.func @transform_1(%arg0: i32) -> (i32, i32) {
    %c0_i32 = arith.constant 0 : i32
    %c0_i32_0 = arith.constant 0 : i32
    return %arg0, %c0_i32 : i32, i32
  }
  func.func @transform_2(%arg0: i32) -> (i32, i32) {
    %c0_i32 = arith.constant 0 : i32
    %c0_i32_0 = arith.constant 0 : i32
    return %arg0, %c0_i32 : i32, i32
  }
  func.func @transform_3(%arg0: i32) -> (i32, i32) {
    %c0_i32 = arith.constant 0 : i32
    %c0_i32_0 = arith.constant 0 : i32
    return %arg0, %c0_i32 : i32, i32
  }
  func.func @transform_4(%arg0: i32) -> (i32, i32) {
    %c0_i32 = arith.constant 0 : i32
    %c0_i32_0 = arith.constant 0 : i32
    return %arg0, %c0_i32 : i32, i32
  }
  func.func @transform_5(%arg0: i32) -> (i32, i32) {
    %c0_i32 = arith.constant 0 : i32
    %c0_i32_0 = arith.constant 0 : i32
    return %arg0, %c0_i32 : i32, i32
  }
  func.func @transform_6(%arg0: i32) -> (i32, i32) {
    %c0_i32 = arith.constant 0 : i32
    %c0_i32_0 = arith.constant 0 : i32
    return %arg0, %c0_i32 : i32, i32
  }
  func.func @transform_7(%arg0: i32) -> (i32, i32) {
    %c0_i32 = arith.constant 0 : i32
    %c0_i32_0 = arith.constant 0 : i32
    return %arg0, %c0_i32 : i32, i32
  }
  func.func @transform_8(%arg0: i32) -> (i32, i32) {
    %c0_i32 = arith.constant 0 : i32
    %c0_i32_0 = arith.constant 0 : i32
    return %arg0, %c0_i32 : i32, i32
  }
  func.func @transform_9(%arg0: i32) -> (i32, i32) {
    %c0_i32 = arith.constant 0 : i32
    %c0_i32_0 = arith.constant 0 : i32
    return %arg0, %c0_i32 : i32, i32
  }
  func.func @transform_10(%arg0: i32) -> (i32, i32) {
    %c0_i32 = arith.constant 0 : i32
    %c0_i32_0 = arith.constant 0 : i32
    return %arg0, %c0_i32 : i32, i32
  }
  func.func @transform_11(%arg0: i32) -> (i32, i32) {
    %c0_i32 = arith.constant 0 : i32
    %c0_i32_0 = arith.constant 0 : i32
    return %arg0, %c0_i32 : i32, i32
  }
  func.func @transform_12(%arg0: i32) -> (i32, i32) {
    %c0_i32 = arith.constant 0 : i32
    %c0_i32_0 = arith.constant 0 : i32
    return %arg0, %c0_i32 : i32, i32
  }
}

</mosaic_0001>

<sc_bundles>
// kernel: kernel.4.cloned.1.call-start
scs
__scs_entry_jumppad:
0x0: {  	(pc) =	sbr.rel $0x88, $3  }
0x1: {  	(tag) =	ssettag $0x0;
	lr =	simm.s32 $0x1  }
0x2: {  	[smem:$0x3F9E] =	sst lr;
	_ =	strace $0xD0000000  }
0x3: {  	_ = 	snop  }
0x4: {  	_ = 	snop  }
0x5: {  	_ = 	snop  }
0x6: {  	_ = 	snop  }
0x7: {  	_ = 	snop  }
__scs_overlays_trampoline_lowered:
0x8: {  	[smem:$0x3FAD] =	sst s0  }
0x9: {  	[smem:$0x3FAE] =	sst s1  }
0xa: {  	[smem:$0x3FAF] =	sst s2  }
0xb: {  	[smem:$0x3FB0] =	sst s3  }
0xc: {  	[smem:$0x3FB1] =	sst s4  }
0xd: {  	[smem:$0x3FB2] =	sst s5  }
0xe: {  	[smem:$0x3FB3] =	sst s6  }
0xf: {  	[smem:$0x3FB4] =	sst s7  }
0x10: {  	[smem:$0x3FB5] =	sst s8  }
0x11: {  	[smem:$0x3FB6] =	sst s9;
	s0 =	simm.s32 @!p0 $0x0  }
0x12: {  	s1 =	sld [smem:$0x3F9C];
	s0 =	simm.s32 @p0 $0x1  }
0x13: {  	[smem:$0x3FB7] =	sst s0;
	s0 =	simm.s32 @!p1 $0x0  }
0x14: {  	s2 =	sld [smem:$0x3F9B];
	s0 =	simm.s32 @p1 $0x1  }
0x15: {  	[smem:$0x3FB8] =	sst s0;
	s0 =	simm.s32 @!p2 $0x0  }
0x16: {  	s3 =	sld [smem:$0x3FDB];
	s0 =	simm.s32 @p2 $0x1  }
0x17: {  	s4 =	simm.s32 $0x1BF5;
	[smem:$0x3FBA] =	sst s0  }
0x18: {  	s0 =	sld [smem:$0x3F9D];
	_ =	swait.ge [sflag:s4], $0x0  }
0x19: {  	s7 =	sld [smem:$0x3F9E]  }
0x1a: {  	s8 =	sadd.s32 $0xFFFFE003, lr  }
0x1b: {  	s9 =	sadd.s32 $0xFFFFFEF7, lr;
	s5 =	simm.s32 $0xFFFFFFFF;
	p2 =	slt.u32 s8, $0xFFFFF086  }
0x1c: {  	p1 =	slt.u32 s9, $0xF7A;
	s5 =	simm.s32 @!p2 $0x0  }
0x1d: {  	s5 =	simm.s32 @p1 $0x1;
	p0 =	seq.s32 s7, s2  }
0x1e: {  	s7 =	smul.u32 @!p0 $0xF7A, s2;
	p2 =	seq.s32 @!p0 s5, $0x0  }
0x1f: {  	s9 =	smul.u32 $0xF7A, s1;
	s8 =	simm.s32 @!p0 $0x1BF5;
	p2 =	por !p2, p0  }
0x20: {  	[sflag:s8] =	ssyncset.s32 @!p0 $0xFFFFF086;
	s6 =	sadd.s32 @!p0 s3, s7;
	s7 =	simm.s32 @!p0 $0x108  }
0x21: {  	s3 =	sadd.s32 s3, s9;
	s6 =	sadd.s32 @!p0 $0x88, s6;
	s7 =	simm.s32 @p2 $0x1082  }
0x22: {  	[simem:s7], [sflag:s8] =	dma.local @!p0 [hbm:s6], $0xF7A  }
0x23: {  	s9 =	sor.u32 $0xD0000000, s2;
	s6 =	simm.s32 $0x108;
	_ =	swait.ge @!p0 [sflag:s8], $0x0  }
0x24: {  	s3 =	sadd.s32 $0x88, s3;
	s6 =	simm.s32 @!p1 $0x1082;
	[sflag:s4] =	ssyncset.s32 $0xFFFFF086  }
0x25: {  	[simem:s6], [sflag:s4] =	dma.local [hbm:s3], $0xF7A  }
0x26: {  	[smem:$0x3F9E] =	sst s1;
	(tag) =	ssettag s2;
	_ =	strace s9  }
0x27: {  	s1 =	sld [smem:$0x3FAE]  }
0x28: {  	s2 =	sld [smem:$0x3FAF]  }
0x29: {  	s4 =	sld [smem:$0x3FB1]  }
0x2a: {  	p0 =	seq.s32 s5, $0x0;
	s5 =	sld [smem:$0x3FB2]  }
0x2b: {  	s6 =	sld [smem:$0x3FB3]  }
0x2c: {  	s7 =	sld [smem:$0x3FB4]  }
0x2d: {  	s3 =	simm.s32 $0x108;
	s8 =	sld [smem:$0x3FB5]  }
0x2e: {  	s3 =	simm.s32 @!p0 $0x1082;
	s9 =	sld [smem:$0x3FB6]  }
0x2f: {  	lr =	sadd.s32 s0, s3;
	s0 =	sld [smem:$0x3FAD]  }
0x30: {  	s3 =	sld [smem:$0x3FB0]  }
0x31: {  	[smem:$0x3FB9] =	sst s10  }
0x32: {  	s10 =	sld [smem:$0x3FB7];
	_ =	sdelay $0x3  }
0x33: {  	p0 =	seq.s32 s10, $0x1;
	s10 =	sld [smem:$0x3FB9];
	_ =	sdelay $0x3  }
0x34: {  	[smem:$0x3FB9] =	sst s10  }
0x35: {  	s10 =	sld [smem:$0x3FB8];
	_ =	sdelay $0x3  }
0x36: {  	p1 =	seq.s32 s10, $0x1;
	s10 =	sld [smem:$0x3FB9];
	_ =	sdelay $0x3  }
0x37: {  	[smem:$0x3FB9] =	sst s10  }
0x38: {  	s10 =	sld [smem:$0x3FBA]  }
0x39: {  	_ = 	snop;
	(pc) =	sbr.ind lr, $3  }
0x3a: {  	_ = 	snop  }
0x3b: {  	_ = 	snop  }
0x3c: {  	p2 =	seq.s32 s10, $0x1;
	s10 =	sld [smem:$0x3FB9]  }
0x3d: {  	_ =	shalt  }
0x3e: {  	_ =	shalt  }
0x3f: {  	_ =	shalt  }
0x40: {  	_ =	shalt  }
0x41: {  	_ =	shalt  }
0x42: {  	_ =	shalt  }
0x43: {  	_ =	shalt  }
0x44: {  	_ =	shalt  }
0x45: {  	_ =	shalt  }
0x46: {  	_ =	shalt  }
0x47: {  	_ =	shalt  }
0x48: {  	_ =	shalt  }
0x49: {  	_ =	shalt  }
0x4a: {  	_ =	shalt  }
0x4b: {  	_ =	shalt  }
0x4c: {  	_ =	shalt  }
0x4d: {  	_ =	shalt  }
0x4e: {  	_ =	shalt  }
0x4f: {  	_ =	shalt  }
0x50: {  	_ =	shalt  }
0x51: {  	_ =	shalt  }
0x52: {  	_ =	shalt  }
0x53: {  	_ =	shalt  }
0x54: {  	_ =	shalt  }
0x55: {  	_ =	shalt  }
0x56: {  	_ =	shalt  }
0x57: {  	_ =	shalt  }
0x58: {  	_ =	shalt  }
0x59: {  	_ =	shalt  }
0x5a: {  	_ =	shalt  }
0x5b: {  	_ =	shalt  }
0x5c: {  	_ =	shalt  }
0x5d: {  	_ =	shalt  }
0x5e: {  	_ =	shalt  }
0x5f: {  	_ =	shalt  }
0x60: {  	_ =	shalt  }
0x61: {  	_ =	shalt  }
0x62: {  	_ =	shalt  }
0x63: {  	_ =	shalt  }
0x64: {  	_ =	shalt  }
0x65: {  	_ =	shalt  }
0x66: {  	_ =	shalt  }
0x67: {  	_ =	shalt  }
0x68: {  	_ =	shalt  }
0x69: {  	_ =	shalt  }
0x6a: {  	_ =	shalt  }
0x6b: {  	_ =	shalt  }
0x6c: {  	_ =	shalt  }
0x6d: {  	_ =	shalt  }
0x6e: {  	_ =	shalt  }
0x6f: {  	_ =	shalt  }
0x70: {  	_ =	shalt  }
0x71: {  	_ =	shalt  }
0x72: {  	_ =	shalt  }
0x73: {  	_ =	shalt  }
0x74: {  	_ =	shalt  }
0x75: {  	_ =	shalt  }
0x76: {  	_ =	shalt  }
0x77: {  	_ =	shalt  }
0x78: {  	_ =	shalt  }
0x79: {  	_ =	shalt  }
0x7a: {  	_ =	shalt  }
0x7b: {  	_ =	shalt  }
0x7c: {  	_ =	shalt  }
0x7d: {  	_ =	shalt  }
0x7e: {  	_ =	shalt  }
0x7f: {  	_ =	shalt  }
0x80: {  	_ =	shalt  }
0x81: {  	_ =	shalt  }
0x82: {  	_ =	shalt  }
0x83: {  	_ =	shalt  }
0x84: {  	_ =	shalt  }
0x85: {  	_ =	shalt  }
0x86: {  	_ =	shalt  }
0x87: {  	_ =	shalt  }
.Lfunc_end0:
.L_simem_size_0:
called_computation_lowered:
.L_overlay_start_0:
0x88: {  	s2 =	sld [smem:$0x3FD9]  }
0x89: {  	s3 =	sld [smem:$0x3FFE];
	_ =	sdelay $0x1  }
0x8a: {  	s1 =	srdreg.scid  }
0x8b: {  	s0 =	sand.u32 $0x1, s1  }
0x8c: {  	s14 =	sshll.u32 s0, $0xA;
	s2 =	sadd.s32 s3, s2  }
0x8d: {  	s2 =	sadd.s32 s2, s14  }
0x8e: {  	[smem:$0x3FC5] =	sst s2  }
0x8f: {  	_ = 	snop  }
0x90: {  	s2 =	sld [smem:$0x3FD0];
	_ =	sdelay $0x2  }
0x91: {  	s15 =	simm.s32 $0xA;
	s4 =	simm.s32 $0x10  }
0x92: {  	[smem:s4], [sflag:s15] =	dma.local [hbm:s2], $0x1  }
0x93: {  	_ =	swait.eq [sflag:s15], $0x1  }
0x94: {  	s16 =	sld [smem:$0x10];
	[sflag:s15] =	ssyncset.done $0x0  }
0x95: {  	s17 =	sld [smem:$0x11];
	[sflag:s15] =	ssyncadd.s32 $0xFFFFFFFF  }
0x96: {  	s18 =	sld [smem:$0x12];
	(tm) =	ssettm $0x1  }
0x97: {  	s5 =	sld [smem:$0x3FFB];
	_ =	sdelay $0x3  }
0x98: {  	_ =	strace s5  }
0x99: {  	s5 =	sld [smem:$0x3FFC];
	_ =	sdelay $0x3  }
0x9a: {  	_ =	strace s5  }
0x9b: {  	s5 =	sld [smem:$0x3FFD];
	_ =	sdelay $0x3  }
0x9c: {  	_ =	strace s5  }
0x9d: {  	_ =	strace $0x8FFFFFFF  }
0x9e: {  	s19 =	sld [smem:$0x3FDB];
	_ =	sdelay $0x1  }
0x9f: {  	s6 =	simm.s32 $_scs_section_size  }
0xa0: {  	s7 =	simm.s32 $_size__tile_overlayer_lowered;
	s8 =	simm.s32 $_tile_overlayer_lowered  }
0xa1: {  	s22 =	simm.s32 $0x1BFF;
	s21 =	sshll.u32 s8, $0x1;
	s5 =	sadd.s32 s6, s19  }
0xa2: {  	s9 =	simm.s32 $0x0;
	s20 =	sshll.u32 s7, $0x1;
	s7 =	sadd.s32 s21, s5  }
0xa3: {  	[timem:s9], [sflag:s22] =	dma.local [hbm:s7], s20  }
0xa4: {  	_ =	swait.ge [sflag:s22], s20  }
0xa5: {  	s6 =	ssub.s32 $0x0, s20;
	[sflag:s22] =	ssyncset.done $0x0  }
0xa6: {  	[sflag:s22] =	ssyncadd.s32 s6;
	_ =	sdelay $0x1  }
0xa7: {  	s23 =	simm.s32 $0x1B8B  }
0xa8: {  	_ =	swait.ge [sflag:s23], $0x1  }
0xa9: {  	[sflag:s23] =	ssyncset.done $0x0  }
0xaa: {  	s25 =	simm.s32 $0x1B8E;
	s24 =	sld [smem:$0x3FFE];
	[sflag:s23] =	ssyncadd.s32 $0xFFFFFFFF  }
0xab: {  	s26 =	simm.s32 $execute0_lowered;
	[smem:$0x3FD2] =	sst s25  }
0xac: {  	s7 =	sshll.u32 s26, $0x1;
	_ =	strace $0x80000046;
	[dreg:$0x1] =	wrdreg $0xFFFFFFFF  }
0xad: {  	s28 =	simm.s32 $_size_execute0_lowered;
	s5 =	sadd.s32 s5, s7;
	[dreg:$0x0] =	wrdreg $0x0  }
0xae: {  	s7 =	sshll.u32 s28, $0x1;
	[dreg:$0x2] =	wrdreg s5  }
0xaf: {  	[dreg:$0x3] =	wrdreg s7  }
0xb0: {  	[dreg:$0x4] =	wrdreg $0xC0  }
0xb1: {  	_ =	task [dreg:s9], $0x5FFFF  }
0xb2: {  	[dreg:$0x1] =	wrdreg $0xFFFFFFFF  }
0xb3: {  	[dreg:$0x0] =	wrdreg $0x60  }
0xb4: {  	[dreg:$0x2] =	wrdreg s24  }
0xb5: {  	[dreg:$0x3] =	wrdreg s18  }
0xb6: {  	[dreg:$0x4] =	wrdreg s16  }
0xb7: {  	[dreg:$0x5] =	wrdreg s17  }
0xb8: {  	[dreg:$0x6] =	wrdreg $0x38000  }
0xb9: {  	[dreg:$0x7] =	wrdreg $0x50700  }
0xba: {  	[dreg:$0x8] =	wrdreg $0x68E00  }
0xbb: {  	[dreg:$0x9] =	wrdreg $0x9  }
0xbc: {  	_ =	task.clear_ibuf [dreg:s9], $0xAFFFF;
	_ =	strace $0x90000046  }
0xbd: {  	s29 =	simm.s32 $0x9;
	_ =	strace $0x80000048  }
0xbe: {  	_ =	swait.ge [sflag:s29], $0x1  }
0xbf: {  	[sflag:s29] =	ssyncadd.s32 $0xFFFFFFFF  }
0xc0: {  	_ =	strace $0x90000048  }
0xc1: {  	_ =	sfence  }
0xc2: {  	s30 =	sld [smem:$0x0];
	_ =	sdelay $0x2  }
0xc3: {  	s31 =	sshll.u32 s1, $0xD;
	s1 =	sshrl.u32 s1, $0x2  }
0xc4: {  	s3 =	sand.u32 $0x4000, s31;
	s1 =	sadd.s32 s1, s30  }
0xc5: {  	s0 =	sor.u32 s3, s0;
	s1 =	sshll.u32 s1, $0x11  }
0xc6: {  	s0 =	sor.u32 s1, s0  }
0xc7: {  	s0 =	sadd.s32 $0x8F2B, s0  }
0xc8: {  	[sflag:s0] =	ssyncadd.remote.s32 $0x1  }
0xc9: {  	_ =	sfence.sel $0xFFFF  }
0xca: {  	[dreg:$0x0] =	wrdreg $0xFFFFFFFF;
	(pc) =	sbr.abs _section_cstart, $3  }
0xcb: {  	[dreg:$0x1] =	wrdreg $0xFFFFFFFF  }
0xcc: {  	_ =	task.clear_ibuf [dreg:s9], $0x2FFFF;
	_ =	strace $0x9FFFFFFF  }
0xcd: {  	(tm) =	ssettm $0x7FFFFFFF  }
tec
execute0_lowered:
.L_overlay_start_1:
0x0: {  	(tag) =	ssettag $0x1  }
0x1: {  	s0 =	rddreg [dreg:$0x0]  }
0x2: {  	s5 =	rddreg [dreg:$0x1]  }
0x3: {  	s6 =	rddreg [dreg:$0x2]  }
0x4: {  	s7 =	rddreg [dreg:$0x3]  }
0x5: {  	s1 =	rddreg [dreg:$0x4]  }
0x6: {  	s2 =	rddreg [dreg:$0x5]  }
0x7: {  	s3 =	rddreg [dreg:$0x6]  }
0x8: {  	s4 =	simm.s32 $0x0;
	s25 =	srdreg.scid;
	s26 =	stileid.u32  }
0x9: {  	s21 =	simm.s32 $0x400;
	s18 =	simm.s32 $0x1600;
	s19 =	simm.s32 $0x1A00  }
0xa: {  	s20 =	simm.s32 $0x1E00;
	s22 =	simm.s32 $0x2C00;
	s23 =	simm.s32 $0x3000  }
0xb: {  	s24 =	simm.s32 $0x3400;
	[smem:$0x7FF] =	sst s4;
	s8 =	sadd.s32 $0x6600, s0  }
0xc: {  	s9 =	sadd.s32 $0x3400, s0;
	s10 =	sadd.s32 $0x200, s0;
	s17 =	sshll.u32 s26, $0x8  }
0xd: {  	s29 =	sshll.u32 s26, $0x1;
	_ =	strace $0x80000047;
	[dreg:$0x8] =	wrdreg s8  }
0xe: {  	p0 =	sne.s32 s26, $0x0;
	s26 =	simm.s32 $0x200;
	[dreg:$0x9] =	wrdreg s9  }
0xf: {  	s8 =	sand.u32 $0x1, s25;
	[dreg:$0xa] =	wrdreg s10;
	s0 =	sadd.s32 s17, s0  }
0x10: {  	[dreg:$0xb] =	wrdreg s29;
	s7 =	sadd.s32 s17, s7;
	s30 =	sadd.s32 s17, s6  }
0x11: {  	s31 =	sadd.s32 s17, s5;
	s25 =	simm.s32 $0x1;
	s5 =	simm.s32 $0x1C00  }
0x12: {  	s6 =	simm.s32 $0xA00;
	s28 =	ssub.s32 $0x2, s8;
	s8 =	sshll.u32 s8, $0x7  }
0x13: {  	s9 =	simm.s32 $0x1200;
	s11 =	sshrl.u32 s28, $0x1;
	s0 =	sadd.s32 s8, s0  }
0x14: {  	s13 =	sadd.s32 s8, s7;
	s10 =	ssub.s32 s28, s11;
	s11 =	sadd.s32 $0x253A00, s0  }
0x15: {  	s16 =	sadd.s32 s8, s30;
	s12 =	sadd.s32 $0x190400, s0;
	s14 =	sadd.s32 $0x9800, s0  }
.Ltmp0:
0x16: {  	s15 =	sadd.s32 $0xCCE00, s0;
	s10 =	smax.u32 s10, $0x1;
	(pc) =	sbr.rel .LBB2_1-.Ltmp0, $4  }
0x17: {  	[dreg:$0xc] =	wrdreg s10;
	s10 =	sadd.s32 $0x317000, s0;
	s0 =	sshrl.u32 @!p0 s1, $0x3  }
0x18: {  	s17 =	sadd.s32 s8, s31;
	[dreg:$0xd] =	wrdreg s0;
	s0 =	sshrl.u32 @!p0 s2, $0x3  }
0x19: {  	s7 =	simm.s32 $0xE00;
	[dreg:$0xe] =	wrdreg s0;
	s0 =	sshrl.u32 @!p0 s3, $0x3  }
0x1a: {  	s8 =	simm.s32 $0x600;
	[dreg:$0xf] =	wrdreg s0;
	s0 =	simm.s32 $0x0  }
.LBB2_5:
0x1b: {  	s0 =	rddreg [dreg:$0x10]  }
0x1c: {  	s28 =	rddreg [dreg:$0xc];
	s0 =	sadd.s32 $0x1, s0  }
0x1d: {  	p1 =	sne.s32 s0, s28  }
.Ltmp1:
0x1e: {  	_ = 	snop;
	(pc) =	sbr.rel @!p1 .LBB2_6-.Ltmp1, $1  }
0x1f: {  	_ =	sdelay $0x3  }
.LBB2_1:
0x20: {  	[dreg:$0x10] =	wrdreg s0  }
0x21: {  	s29 =	rddreg [dreg:$0x8]  }
0x22: {  	s28 =	simm.s32 @!p0 $0x1C02;
	s30 =	rddreg [dreg:$0xd]  }
0x23: {  	[spmem:s30], [sflag:s28] =	dma.local @!p0 [hbm:s29], $0x30E0  }
0x24: {  	s29 =	simm.s32 @!p0 $0x2  }
0x25: {  	_ =	swait.ge @!p0 [sflag:s29], $0x30E0  }
0x26: {  	[sflag:s29] =	ssyncset.done @!p0 $0x0;
	s30 =	rddreg [dreg:$0x9]  }
0x27: {  	s31 =	rddreg [dreg:$0xe];
	[sflag:s29] =	ssyncadd.s32 @!p0 $0xFFFFCF20  }
0x28: {  	[spmem:s31], [sflag:s28] =	dma.local @!p0 [hbm:s30], $0x30E0  }
0x29: {  	_ =	swait.ge @!p0 [sflag:s29], $0x30E0  }
0x2a: {  	[sflag:s29] =	ssyncset.done @!p0 $0x0;
	s30 =	rddreg [dreg:$0xa]  }
0x2b: {  	s31 =	rddreg [dreg:$0xf];
	[sflag:s29] =	ssyncadd.s32 @!p0 $0xFFFFCF20  }
0x2c: {  	[spmem:s31], [sflag:s28] =	dma.local @!p0 [hbm:s30], $0x30E0  }
.Ltmp2:
0x2d: {  	_ =	swait.ge @!p0 [sflag:s29], $0x30E0;
	(pc) =	sbr.rel .LBB2_2-.Ltmp2, $4  }
0x2e: {  	[sflag:s29] =	ssyncset.done @!p0 $0x0  }
0x2f: {  	[sflag:s29] =	ssyncadd.s32 @!p0 $0xFFFFCF20  }
0x30: {  	[bflag:$0x0] =	sbarrier.arrive $0xFFFF  }
0x31: {  	s31 =	simm.s32 $0x2000;
	s29 =	simm.s32 $0x0;
	s28 =	rddreg [dreg:$0xb]  }
.LBB2_4:
0x32: {  	s29 =	sadd.s32 $0x1000, s29  }
0x33: {  	p1 =	sne.s32 s29, $0xC4000  }
.Ltmp3:
0x34: {  	_ = 	snop;
	(pc) =	sbr.rel @!p1 .LBB2_5-.Ltmp3, $2  }
0x35: {  	_ =	sdelay $0x2  }
0x36: {  	s28 =	sadd.s32 $0x20, s28  }
.LBB2_2:
0x37: {  	p1 =	sgt.u32 s28, $0x1869  }
.Ltmp4:
0x38: {  	_ = 	snop;
	(pc) =	sbr.rel @p1 .LBB2_4-.Ltmp4, $1  }
0x39: {  	_ =	sdelay $0x3  }
0x3a: {  	s30 =	sadd.s32 s29, s17  }
0x3b: {  	[tilespmem:s4], [sflag:$0x1] =	stream.linear.gather [hbm4b:s30+s4], $0x400, $0x38;
	[tilespmem:$0x8150] =	vst v63  }
0x3c: {  	s0 =	sadd.s32 s29, s16  }
0x3d: {  	[tilespmem:s21], [sflag:$0x1] =	stream.linear.gather [hbm4b:s0+s4], $0x400, $0x38;
	[tilespmem:$0x8150] =	vst v63  }
0x3e: {  	s0 =	sadd.s32 s29, s15  }
0x3f: {  	[tilespmem:s31], [sflag:$0x1] =	stream.linear.gather [hbm4b:s0+s4], $0x400, $0x38;
	[tilespmem:$0x8150] =	vst v63  }
0x40: {  	s30 =	sadd.s32 s29, s14;
	s0 =	simm.s32 $0x2400  }
0x41: {  	[tilespmem:s0], [sflag:$0x1] =	stream.linear.gather [hbm4b:s30+s4], $0x400, $0x38;
	[tilespmem:$0x8150] =	vst v63  }
0x42: {  	s30 =	sadd.s32 s29, s13;
	s0 =	simm.s32 $0x2800  }
0x43: {  	[tilespmem:s0], [sflag:$0x1] =	stream.linear.gather [hbm4b:s30+s4], $0x400, $0x38;
	[tilespmem:$0x8150] =	vst v63  }
0x44: {  	_ =	swait.ge [sflag:s25], $0x400  }
0x45: {  	[sflag:s25] =	ssyncset.done $0x0  }
0x46: {  	[sflag:s25] =	ssyncadd.s32 $0xFFFFFC00  }
0x47: {  	_ =	swait.ge [sflag:s25], $0x400  }
0x48: {  	[sflag:s25] =	ssyncset.done $0x0  }
0x49: {  	[sflag:s25] =	ssyncadd.s32 $0xFFFFFC00  }
0x4a: {  	_ =	swait.ge [sflag:s25], $0x400  }
0x4b: {  	[sflag:s25] =	ssyncset.done $0x0  }
0x4c: {  	[sflag:s25] =	ssyncadd.s32 $0xFFFFFC00  }
0x4d: {  	_ =	swait.ge [sflag:s25], $0x400  }
0x4e: {  	[sflag:s25] =	ssyncset.done $0x0  }
0x4f: {  	[sflag:s25] =	ssyncadd.s32 $0xFFFFFC00  }
0x50: {  	_ =	swait.ge [sflag:s25], $0x400  }
0x51: {  	[sflag:s25] =	ssyncset.done $0x0  }
0x52: {  	s30 =	simm.s32 $0x800;
	[sflag:s25] =	ssyncadd.s32 $0xFFFFFC00  }
0x53: {  	[tilespmem:s30], [sflag:$0x1] =	stream.indirect.gather [spmem:s1], $0x1, s4, s26, $0xb8;
	[tilespmem:$0x8150] =	vst v63  }
0x54: {  	s30 =	simm.s32 $0xC00  }
0x55: {  	[tilespmem:s30], [sflag:$0x1] =	stream.indirect.gather [spmem:s2], $0x1, s4, s26, $0xb8;
	[tilespmem:$0x8150] =	vst v63  }
0x56: {  	s30 =	simm.s32 $0x1000  }
0x57: {  	[tilespmem:s30], [sflag:$0x1] =	stream.indirect.gather [spmem:s3], $0x1, s4, s26, $0xb8;
	[tilespmem:$0x8150] =	vst v63  }
0x58: {  	s30 =	simm.s32 $0x1400  }
0x59: {  	[tilespmem:s30], [sflag:$0x1] =	stream.indirect.gather [spmem:s1], $0x1, s21, s26, $0xb8;
	[tilespmem:$0x8150] =	vst v63  }
0x5a: {  	s30 =	simm.s32 $0x1800  }
0x5b: {  	[tilespmem:s30], [sflag:$0x1] =	stream.indirect.gather [spmem:s2], $0x1, s21, s26, $0xb8;
	[tilespmem:$0x8150] =	vst v63  }
0x5c: {  	_ = 	snop  }
0x5d: {  	[tilespmem:s5], [sflag:$0x1] =	stream.indirect.gather [spmem:s3], $0x1, s21, s26, $0xb8;
	[tilespmem:$0x8150] =	vst v63  }
0x5e: {  	_ = 	snop  }
0x5f: {  	[tilespmem:s6], [sflag:$0x1] =	stream.indirect.gather [spmem:s1], $0x1, s26, s26, $0xb8;
	[tilespmem:$0x8150] =	vst v63  }
0x60: {  	_ = 	snop  }
0x61: {  	[tilespmem:s7], [sflag:$0x1] =	stream.indirect.gather [spmem:s2], $0x1, s26, s26, $0xb8;
	[tilespmem:$0x8150] =	vst v63  }
0x62: {  	_ = 	snop  }
0x63: {  	[tilespmem:s9], [sflag:$0x1] =	stream.indirect.gather [spmem:s3], $0x1, s26, s26, $0xb8;
	[tilespmem:$0x8150] =	vst v63  }
0x64: {  	_ = 	snop  }
0x65: {  	[tilespmem:s18], [sflag:$0x1] =	stream.indirect.gather [spmem:s1], $0x1, s8, s26, $0xb8;
	[tilespmem:$0x8150] =	vst v63  }
0x66: {  	_ = 	snop  }
0x67: {  	[tilespmem:s19], [sflag:$0x1] =	stream.indirect.gather [spmem:s2], $0x1, s8, s26, $0xb8;
	[tilespmem:$0x8150] =	vst v63  }
0x68: {  	_ = 	snop  }
0x69: {  	[tilespmem:s20], [sflag:$0x1] =	stream.indirect.gather [spmem:s3], $0x1, s8, s26, $0xb8;
	[tilespmem:$0x8150] =	vst v63  }
0x6a: {  	_ =	swait.ge [sflag:s25], $0x200  }
0x6b: {  	[sflag:s25] =	ssyncset.done $0x0  }
0x6c: {  	[sflag:s25] =	ssyncadd.s32 $0xFFFFFE00  }
0x6d: {  	_ =	swait.ge [sflag:s25], $0x200  }
0x6e: {  	[sflag:s25] =	ssyncset.done $0x0  }
0x6f: {  	[sflag:s25] =	ssyncadd.s32 $0xFFFFFE00  }
0x70: {  	_ =	swait.ge [sflag:s25], $0x200  }
0x71: {  	[sflag:s25] =	ssyncset.done $0x0  }
0x72: {  	[sflag:s25] =	ssyncadd.s32 $0xFFFFFE00  }
0x73: {  	_ =	swait.ge [sflag:s25], $0x200  }
0x74: {  	[sflag:s25] =	ssyncset.done $0x0  }
0x75: {  	[sflag:s25] =	ssyncadd.s32 $0xFFFFFE00  }
0x76: {  	_ =	swait.ge [sflag:s25], $0x200  }
0x77: {  	[sflag:s25] =	ssyncset.done $0x0  }
0x78: {  	[sflag:s25] =	ssyncadd.s32 $0xFFFFFE00  }
0x79: {  	_ =	swait.ge [sflag:s25], $0x200  }
0x7a: {  	[sflag:s25] =	ssyncset.done $0x0  }
0x7b: {  	[sflag:s25] =	ssyncadd.s32 $0xFFFFFE00  }
0x7c: {  	_ =	swait.ge [sflag:s25], $0x200  }
0x7d: {  	[sflag:s25] =	ssyncset.done $0x0  }
0x7e: {  	[sflag:s25] =	ssyncadd.s32 $0xFFFFFE00  }
0x7f: {  	_ =	swait.ge [sflag:s25], $0x200  }
0x80: {  	[sflag:s25] =	ssyncset.done $0x0  }
0x81: {  	[sflag:s25] =	ssyncadd.s32 $0xFFFFFE00  }
0x82: {  	_ =	swait.ge [sflag:s25], $0x200  }
0x83: {  	[sflag:s25] =	ssyncset.done $0x0  }
0x84: {  	[sflag:s25] =	ssyncadd.s32 $0xFFFFFE00  }
0x85: {  	_ =	swait.ge [sflag:s25], $0x200  }
0x86: {  	[sflag:s25] =	ssyncset.done $0x0  }
0x87: {  	[sflag:s25] =	ssyncadd.s32 $0xFFFFFE00  }
0x88: {  	_ =	swait.ge [sflag:s25], $0x200  }
0x89: {  	[sflag:s25] =	ssyncset.done $0x0  }
0x8a: {  	[sflag:s25] =	ssyncadd.s32 $0xFFFFFE00  }
0x8b: {  	_ =	swait.ge [sflag:s25], $0x200  }
0x8c: {  	[sflag:s25] =	ssyncset.done $0x0  }
0x8d: {  	[sflag:s25] =	ssyncadd.s32 $0xFFFFFE00  }
0x8e: {  	v61 =	vld [tilespmem:$0x1870];
	_ =	sdelay $0x4  }
0x8f: {  	[tilespmem:$0x1ED60] =	vst v61;
	v61 =	vld [tilespmem:$0x2470];
	_ =	sdelay $0x4  }
0x90: {  	[tilespmem:$0x1EDA0] =	vst v61;
	v61 =	vld [tilespmem:$0x1C70];
	_ =	sdelay $0x4  }
0x91: {  	[tilespmem:$0x1ED80] =	vst v61;
	v61 =	vld [tilespmem:$0x1070];
	_ =	sdelay $0x4  }
0x92: {  	[tilespmem:$0x1ED90] =	vst v61;
	v61 =	vld [tilespmem:$0x2870];
	_ =	sdelay $0x4  }
0x93: {  	[tilespmem:$0x1EDD0] =	vst v61;
	v61 =	vld [tilespmem:$0x1480];
	_ =	sdelay $0x4  }
0x94: {  	[tilespmem:$0x1EDB0] =	vst v61;
	v61 =	vld [tilespmem:$0x880];
	_ =	sdelay $0x4  }
0x95: {  	[tilespmem:$0x1EDC0] =	vst v61;
	v61 =	vld [tilespmem:$0x2080];
	_ =	sdelay $0x4  }
0x96: {  	[tilespmem:$0x1EE00] =	vst v61;
	v61 =	vld [tilespmem:$0x1880];
	_ =	sdelay $0x4  }
0x97: {  	[tilespmem:$0x1EDE0] =	vst v61;
	v61 =	vld [tilespmem:$0xC80];
	_ =	sdelay $0x4  }
0x98: {  	[tilespmem:$0x1EDF0] =	vst v61;
	v61 =	vld [tilespmem:$0x2480];
	_ =	sdelay $0x4  }
0x99: {  	[tilespmem:$0x1EE30] =	vst v61;
	v61 =	vld [tilespmem:$0x1C80];
	_ =	sdelay $0x4  }
0x9a: {  	[tilespmem:$0x1EE10] =	vst v61;
	v61 =	vld [tilespmem:$0x1080];
	_ =	sdelay $0x4  }
0x9b: {  	[tilespmem:$0x1EE20] =	vst v61;
	v61 =	vld [tilespmem:$0x2880];
	_ =	sdelay $0x4  }
0x9c: {  	[tilespmem:$0x1EE60] =	vst v61;
	v61 =	vld [tilespmem:$0x1490];
	_ =	sdelay $0x4  }
0x9d: {  	[tilespmem:$0x1EE40] =	vst v61;
	v61 =	vld [tilespmem:$0x890];
	_ =	sdelay $0x4  }
0x9e: {  	[tilespmem:$0x1EE50] =	vst v61;
	v61 =	vld [tilespmem:$0x2090];
	_ =	sdelay $0x4  }
0x9f: {  	[tilespmem:$0x1EE90] =	vst v61;
	v61 =	vld [tilespmem:$0x1890];
	_ =	sdelay $0x4  }
0xa0: {  	[tilespmem:$0x1EE70] =	vst v61;
	v61 =	vld [tilespmem:$0xC90];
	_ =	sdelay $0x4  }
0xa1: {  	[tilespmem:$0x1EE80] =	vst v61;
	v61 =	vld [tilespmem:$0x2490];
	_ =	sdelay $0x4  }
0xa2: {  	[tilespmem:$0x1EEC0] =	vst v61;
	v61 =	vld [tilespmem:$0x1C90];
	_ =	sdelay $0x4  }
0xa3: {  	[tilespmem:$0x1EEA0] =	vst v61;
	v61 =	vld [tilespmem:$0x1090];
	_ =	sdelay $0x4  }
0xa4: {  	[tilespmem:$0x1EEB0] =	vst v61;
	v61 =	vld [tilespmem:$0x2890];
	_ =	sdelay $0x4  }
0xa5: {  	[tilespmem:$0x1EEF0] =	vst v61;
	v61 =	vld [tilespmem:$0x14A0];
	_ =	sdelay $0x4  }
0xa6: {  	[tilespmem:$0x1EED0] =	vst v61;
	v61 =	vld [tilespmem:$0x8A0];
	_ =	sdelay $0x4  }
0xa7: {  	[tilespmem:$0x1EEE0] =	vst v61;
	v61 =	vld [tilespmem:$0x20A0];
	_ =	sdelay $0x4  }
0xa8: {  	[tilespmem:$0x1EF20] =	vst v61;
	v61 =	vld [tilespmem:$0x18A0];
	_ =	sdelay $0x4  }
0xa9: {  	[tilespmem:$0x1EF00] =	vst v61;
	v61 =	vld [tilespmem:$0xCA0];
	_ =	sdelay $0x4  }
0xaa: {  	[tilespmem:$0x1EF10] =	vst v61;
	v61 =	vld [tilespmem:$0x24A0];
	_ =	sdelay $0x4  }
0xab: {  	[tilespmem:$0x1EF50] =	vst v61;
	v61 =	vld [tilespmem:$0x1CA0];
	_ =	sdelay $0x4  }
0xac: {  	[tilespmem:$0x1EF30] =	vst v61;
	v61 =	vld [tilespmem:$0x10A0];
	_ =	sdelay $0x3  }
0xad: {  	v9 =	vld [tilespmem:$0x1400]  }
0xae: {  	[tilespmem:$0x1EF40] =	vst v61;
	v61 =	vld [tilespmem:$0x28A0]  }
0xaf: {  	v5 =	vld [tilespmem:$0x800]  }
0xb0: {  	v16 =	vld [tilespmem:$0x2000]  }
0xb1: {  	v6 =	vld [tilespmem:$0x1800]  }
0xb2: {  	v0 =	vld [tilespmem:$0xC00]  }
0xb3: {  	[tilespmem:$0x1EF80] =	vst v61;
	v61 =	vld [tilespmem:$0x14B0]  }
0xb4: {  	v13 =	vld [tilespmem:$0x2400]  }
0xb5: {  	v7 =	vld [tilespmem:$0x1C00]  }
0xb6: {  	v1 =	vld [tilespmem:$0x1000]  }
0xb7: {  	v18 =	vld [tilespmem:$0x2800]  }
0xb8: {  	[tilespmem:$0x1EF60] =	vst v61;
	v61 =	vld [tilespmem:$0x8B0]  }
0xb9: {  	v3 =	vld [tilespmem:$0x1410]  }
0xba: {  	v2 =	vld [tilespmem:$0x810]  }
0xbb: {  	v21 =	vld [tilespmem:$0x2010]  }
0xbc: {  	v10 =	vld [tilespmem:$0x1810]  }
0xbd: {  	[tilespmem:$0x1EF70] =	vst v61;
	v61 =	vld [tilespmem:$0x20B0]  }
0xbe: {  	v4 =	vld [tilespmem:$0xC10]  }
0xbf: {  	v24 =	vld [tilespmem:$0x2410]  }
0xc0: {  	v12 =	vld [tilespmem:$0x1C10]  }
0xc1: {  	v8 =	vld [tilespmem:$0x1010]  }
0xc2: {  	[tilespmem:$0x1EFB0] =	vst v61;
	v61 =	vld [tilespmem:$0x18B0]  }
0xc3: {  	v63 =	vld [tilespmem:$0x2810]  }
0xc4: {  	v14 =	vld [tilespmem:$0x1420]  }
0xc5: {  	v11 =	vld [tilespmem:$0x820]  }
0xc6: {  	v30 =	vld [tilespmem:$0x2020]  }
0xc7: {  	[tilespmem:$0x1EF90] =	vst v61;
	v61 =	vld [tilespmem:$0xCB0]  }
0xc8: {  	v19 =	vld [tilespmem:$0x1820]  }
0xc9: {  	v15 =	vld [tilespmem:$0xC20]  }
0xca: {  	v39 =	vld [tilespmem:$0x2420]  }
0xcb: {  	v22 =	vld [tilespmem:$0x1C20]  }
0xcc: {  	[tilespmem:$0x1EFA0] =	vst v61;
	v61 =	vld [tilespmem:$0x24B0]  }
0xcd: {  	v17 =	vld [tilespmem:$0x1020]  }
0xce: {  	v35 =	vld [tilespmem:$0x2820]  }
0xcf: {  	v25 =	vld [tilespmem:$0x1430]  }
0xd0: {  	v20 =	vld [tilespmem:$0x830]  }
0xd1: {  	[tilespmem:$0x1EFE0] =	vst v61;
	v61 =	vld [tilespmem:$0x1CB0]  }
0xd2: {  	v37 =	vld [tilespmem:$0x2030]  }
0xd3: {  	v26 =	vld [tilespmem:$0x1830]  }
0xd4: {  	v23 =	vld [tilespmem:$0xC30]  }
0xd5: {  	v41 =	vld [tilespmem:$0x2430]  }
0xd6: {  	[tilespmem:$0x1EFC0] =	vst v61;
	v61 =	vld [tilespmem:$0x10B0]  }
0xd7: {  	v28 =	vld [tilespmem:$0x1C30]  }
0xd8: {  	v27 =	vld [tilespmem:$0x1030]  }
0xd9: {  	v45 =	vld [tilespmem:$0x2830]  }
0xda: {  	v32 =	vld [tilespmem:$0x1440]  }
0xdb: {  	[tilespmem:$0x1EFD0] =	vst v61;
	v61 =	vld [tilespmem:$0x28B0]  }
0xdc: {  	v29 =	vld [tilespmem:$0x840]  }
0xdd: {  	v46 =	vld [tilespmem:$0x2040]  }
0xde: {  	v34 =	vld [tilespmem:$0x1840]  }
0xdf: {  	v31 =	vld [tilespmem:$0xC40]  }
0xe0: {  	[tilespmem:$0x1F010] =	vst v61;
	v61 =	vld [tilespmem:$0x14C0]  }
0xe1: {  	v50 =	vld [tilespmem:$0x2440]  }
0xe2: {  	v36 =	vld [tilespmem:$0x1C40]  }
0xe3: {  	v33 =	vld [tilespmem:$0x1040]  }
0xe4: {  	v54 =	vld [tilespmem:$0x2840]  }
0xe5: {  	[tilespmem:$0x1EFF0] =	vst v61;
	v61 =	vld [tilespmem:$0x8C0]  }
0xe6: {  	v40 =	vld [tilespmem:$0x1450]  }
0xe7: {  	v38 =	vld [tilespmem:$0x850]  }
0xe8: {  	v57 =	vld [tilespmem:$0x2050]  }
0xe9: {  	v43 =	vld [tilespmem:$0x1850]  }
0xea: {  	[tilespmem:$0x1F000] =	vst v61;
	v61 =	vld [tilespmem:$0x20C0]  }
0xeb: {  	v42 =	vld [tilespmem:$0xC50]  }
0xec: {  	v60 =	vld [tilespmem:$0x2450]  }
0xed: {  	v47 =	vld [tilespmem:$0x1C50]  }
0xee: {  	v44 =	vld [tilespmem:$0x1050]  }
0xef: {  	[tilespmem:$0x1F040] =	vst v61;
	v61 =	vld [tilespmem:$0x18C0]  }
0xf0: {  	v62 =	vld [tilespmem:$0x2850]  }
0xf1: {  	v51 =	vld [tilespmem:$0x1460]  }
0xf2: {  	v48 =	vld [tilespmem:$0x860]  }
0xf3: {  	v49 =	vld [tilespmem:$0x2060]  }
0xf4: {  	[tilespmem:$0x1F020] =	vst v61;
	v61 =	vld [tilespmem:$0xCC0]  }
0xf5: {  	v52 =	vld [tilespmem:$0x1860]  }
0xf6: {  	v53 =	vld [tilespmem:$0x2460]  }
0xf7: {  	v55 =	vld [tilespmem:$0x1C60]  }
0xf8: {  	v56 =	vld [tilespmem:$0x2860]  }
0xf9: {  	[tilespmem:$0x1F030] =	vst v61;
	v61 =	vld [tilespmem:$0x24C0]  }
0xfa: {  	v58 =	vld [tilespmem:$0x1470]  }
0xfb: {  	v59 =	vld [tilespmem:$0x2070]  }
0xfc: {  	[tilespmem:$0x1ED30] =	vst v49;
	v49 =	vld [tilespmem:$0xC60]  }
0xfd: {  	[tilespmem:$0x1ED40] =	vst v53;
	v53 =	vld [tilespmem:$0x1060]  }
0xfe: {  	[tilespmem:$0x1F070] =	vst v61;
	v61 =	vld [tilespmem:$0x1CC0]  }
0xff: {  	[tilespmem:$0x1ED50] =	vst v56;
	v56 =	vld [tilespmem:$0x870]  }
0x100: {  	[tilespmem:$0x1ED70] =	vst v59;
	v59 =	vld [tilespmem:$0xC70]  }
0x101: {  	v5 =	vsub.f32 v9, v5;
	v9 =	vld [tilespmem:$0x10F0]  }
0x102: {  	v1 =	vsub.f32 v7, v1;
	v7 =	vld [tilespmem:$0x2900]  }
0x103: {  	[tilespmem:$0x1F050] =	vst v61;
	v61 =	vld [tilespmem:$0x10C0]  }
0x104: {  	v0 =	vsub.f32 v6, v0;
	v6 =	vld [tilespmem:$0x910]  }
0x105: {  	v8 =	vsub.f32 v12, v8;
	v12 =	vsub.f32 v14, v11;
	v11 =	vld [tilespmem:$0x1520]  }
0x106: {  	v0 =	vadd.f32 v13, v0;
	v13 =	vld [tilespmem:$0x1500]  }
0x107: {  	v1 =	vadd.f32 v18, v1;
	v18 =	vld [tilespmem:$0x900]  }
0x108: {  	v2 =	vsub.f32 v3, v2;
	v15 =	vsub.f32 v19, v15;
	[tilespmem:$0x1F060] =	vst v61;
	v61 =	vld [tilespmem:$0x28C0]  }
0x109: {  	v23 =	vsub.f32 v26, v23;
	v14 =	vadd.f32 v63, v8;
	v63 =	vld [tilespmem:$0xD00]  }
0x10a: {  	v5 =	vadd.f32 v16, v5;
	v19 =	vadd.f32 v39, v15;
	v39 =	vld [tilespmem:$0x1D00]  }
0x10b: {  	v21 =	vadd.f32 v21, v2;
	v2 =	vld [tilespmem:$0x1510]  }
0x10c: {  	v26 =	vadd.f32 v41, v23;
	v23 =	vld [tilespmem:$0x2920];
	[tilespmem:$0x2C00] =	vst v5  }
0x10d: {  	[tilespmem:$0x1F0A0] =	vst v61;
	v61 =	vld [tilespmem:$0x14D0]  }
0x10e: {  	[tilespmem:$0x3000] =	vst v0;
	v5 =	vld [tilespmem:$0x1100]  }
0x10f: {  	v16 =	vsub.f32 v10, v4;
	[tilespmem:$0x3400] =	vst v1;
	v0 =	vld [tilespmem:$0x2110]  }
0x110: {  	[tilespmem:$0x2C10] =	vst v21;
	v21 =	vsub.f32 v25, v20;
	v25 =	vsub.f32 v28, v27;
	v1 =	vld [tilespmem:$0x1910]  }
0x111: {  	v27 =	vsub.f32 v32, v29;
	v29 =	vsub.f32 v36, v33;
	v36 =	vld [tilespmem:$0x1ED30]  }
0x112: {  	v10 =	vadd.f32 v24, v16;
	[tilespmem:$0x1F080] =	vst v61;
	v61 =	vld [tilespmem:$0x8D0]  }
0x113: {  	v16 =	vadd.f32 v30, v12;
	v30 =	vsub.f32 v40, v38;
	v40 =	vld [tilespmem:$0x1ED40]  }
0x114: {  	v28 =	vsub.f32 v34, v31;
	v31 =	vsub.f32 v43, v42;
	v43 =	vld [tilespmem:$0x1ED50]  }
0x115: {  	v17 =	vsub.f32 v22, v17;
	v32 =	vsub.f32 v47, v44;
	v44 =	vld [tilespmem:$0x1ED60]  }
0x116: {  	[tilespmem:$0x3020] =	vst v19;
	v19 =	vld [tilespmem:$0xD20]  }
0x117: {  	v22 =	vadd.f32 v35, v17;
	[tilespmem:$0x1F090] =	vst v61;
	v61 =	vld [tilespmem:$0x20D0]  }
0x118: {  	v20 =	vld [tilespmem:$0x2520]  }
0x119: {  	[tilespmem:$0x3420] =	vst v22;
	v22 =	vld [tilespmem:$0x1120]  }
0x11a: {  	[tilespmem:$0x1F210] =	vst v9;
	v9 =	vld [tilespmem:$0x2100]  }
0x11b: {  	[tilespmem:$0x2C20] =	vst v16;
	v16 =	vld [tilespmem:$0x920]  }
0x11c: {  	[tilespmem:$0x1F0D0] =	vst v61;
	v61 =	vld [tilespmem:$0x18D0]  }
0x11d: {  	v4 =	vadd.f32 v45, v25;
	v45 =	vld [tilespmem:$0x1ED70]  }
0x11e: {  	v34 =	vsub.f32 v51, v48;
	[tilespmem:$0x3010] =	vst v10;
	v48 =	vld [tilespmem:$0x1EDA0]  }
0x11f: {  	v24 =	vadd.f32 v37, v21;
	v21 =	vld [tilespmem:$0x1D20];
	[tilespmem:$0x1F230] =	vst v13  }
0x120: {  	[tilespmem:$0x1F240] =	vst v18;
	v13 =	vld [tilespmem:$0x1900]  }
0x121: {  	v3 =	vadd.f32 v46, v27;
	[tilespmem:$0x1F0B0] =	vst v61;
	v61 =	vld [tilespmem:$0xCD0]  }
0x122: {  	v8 =	vadd.f32 v50, v28;
	v18 =	vld [tilespmem:$0x2500];
	[tilespmem:$0x3430] =	vst v4  }
0x123: {  	v10 =	vadd.f32 v57, v30;
	[tilespmem:$0x2C40] =	vst v3;
	v4 =	vld [tilespmem:$0xD10]  }
0x124: {  	[tilespmem:$0x3040] =	vst v8;
	v3 =	vld [tilespmem:$0x2510]  }
0x125: {  	v12 =	vadd.f32 v62, v32;
	v8 =	vld [tilespmem:$0x1D10];
	[tilespmem:$0x2C50] =	vst v10  }
0x126: {  	[tilespmem:$0x1F0C0] =	vst v61;
	v61 =	vld [tilespmem:$0x24D0]  }
0x127: {  	v10 =	vld [tilespmem:$0x1110];
	[tilespmem:$0x3450] =	vst v12  }
0x128: {  	v12 =	vld [tilespmem:$0x2120];
	[tilespmem:$0x1F260] =	vst v9;
	v9 =	vadd.f32 v54, v29  }
0x129: {  	v46 =	vld [tilespmem:$0x1ED80]  }
0x12a: {  	[tilespmem:$0x3440] =	vst v9;
	v9 =	vld [tilespmem:$0x2910]  }
0x12b: {  	[tilespmem:$0x1F100] =	vst v61;
	v61 =	vld [tilespmem:$0x1CD0]  }
0x12c: {  	[tilespmem:$0x1F270] =	vst v18;
	v18 =	vld [tilespmem:$0x1920]  }
0x12d: {  	v47 =	vld [tilespmem:$0x1ED90]  }
0x12e: {  	v51 =	vld [tilespmem:$0x1EDD0]  }
0x12f: {  	v35 =	vsub.f32 v52, v49;
	v49 =	vld [tilespmem:$0x1EDB0]  }
0x130: {  	[tilespmem:$0x1F0E0] =	vst v61;
	v61 =	vld [tilespmem:$0x10D0]  }
0x131: {  	v50 =	vld [tilespmem:$0x1EDC0]  }
0x132: {  	v54 =	vld [tilespmem:$0x1EE00]  }
0x133: {  	v52 =	vld [tilespmem:$0x1EDE0]  }
0x134: {  	v38 =	vsub.f32 v55, v53;
	v53 =	vld [tilespmem:$0x1EDF0]  }
0x135: {  	[tilespmem:$0x1F0F0] =	vst v61;
	v61 =	vld [tilespmem:$0x28D0]  }
0x136: {  	v57 =	vld [tilespmem:$0x1EE30]  }
0x137: {  	v55 =	vld [tilespmem:$0x1EE10]  }
0x138: {  	v42 =	vsub.f32 v58, v56;
	v58 =	vld [tilespmem:$0x1EE40]  }
0x139: {  	v15 =	vsub.f32 v44, v59;
	[tilespmem:$0x1F250] =	vst v13;
	v59 =	vld [tilespmem:$0x1EE50]  }
0x13a: {  	v13 =	vadd.f32 v45, v42;
	v17 =	vsub.f32 v46, v47;
	[tilespmem:$0x1F130] =	vst v61;
	v61 =	vld [tilespmem:$0x14E0]  }
0x13b: {  	[tilespmem:$0x3410] =	vst v14;
	v56 =	vld [tilespmem:$0x1EE20]  }
0x13c: {  	[tilespmem:$0x2C70] =	vst v13;
	v13 =	vadd.f32 v51, v17;
	v25 =	vld [tilespmem:$0x1EE90]  }
0x13d: {  	v33 =	vadd.f32 v60, v31;
	[tilespmem:$0x2C30] =	vst v24;
	v17 =	vsub.f32 v52, v53;
	v60 =	vld [tilespmem:$0x1EE60]  }
0x13e: {  	v14 =	vadd.f32 v43, v38;
	[tilespmem:$0x3470] =	vst v13;
	v62 =	vld [tilespmem:$0x1EE70]  }
0x13f: {  	v13 =	vadd.f32 v57, v17;
	v17 =	vsub.f32 v58, v59;
	[tilespmem:$0x1F110] =	vst v61;
	v61 =	vld [tilespmem:$0x8E0]  }
0x140: {  	[tilespmem:$0x3460] =	vst v14;
	v14 =	vadd.f32 v48, v15;
	v24 =	vld [tilespmem:$0x1EE80]  }
0x141: {  	v15 =	vsub.f32 v49, v50;
	[tilespmem:$0x3080] =	vst v13;
	v13 =	vadd.f32 v25, v17;
	v25 =	vld [tilespmem:$0x930]  }
0x142: {  	[tilespmem:$0x3030] =	vst v26;
	v28 =	vld [tilespmem:$0x1EEC0]  }
0x143: {  	[tilespmem:$0x3070] =	vst v14;
	v14 =	vadd.f32 v54, v15;
	v15 =	vsub.f32 v55, v56;
	v26 =	vld [tilespmem:$0x1EEA0]  }
0x144: {  	[tilespmem:$0x1F120] =	vst v61;
	v61 =	vld [tilespmem:$0x20E0]  }
0x145: {  	[tilespmem:$0x2C80] =	vst v14;
	v14 =	vadd.f32 v60, v15;
	v15 =	vsub.f32 v62, v24;
	v27 =	vld [tilespmem:$0x1EEB0]  }
0x146: {  	v24 =	vld [tilespmem:$0x1530]  }
0x147: {  	[tilespmem:$0x3480] =	vst v14;
	v14 =	vadd.f32 v28, v15;
	v28 =	vld [tilespmem:$0xD30]  }
0x148: {  	v31 =	vld [tilespmem:$0x1EEF0]  }
0x149: {  	[tilespmem:$0x1F160] =	vst v61;
	v61 =	vld [tilespmem:$0x18E0]  }
0x14a: {  	v17 =	vsub.f32 v26, v27;
	v26 =	vld [tilespmem:$0x2130]  }
0x14b: {  	v29 =	vld [tilespmem:$0x1EED0]  }
0x14c: {  	v30 =	vld [tilespmem:$0x1EEE0]  }
0x14d: {  	v27 =	vld [tilespmem:$0x1930]  }
0x14e: {  	[tilespmem:$0x1F140] =	vst v61;
	v61 =	vld [tilespmem:$0xCE0]  }
0x14f: {  	[tilespmem:$0x2C90] =	vst v13;
	v13 =	vadd.f32 v31, v17;
	v31 =	vld [tilespmem:$0x1130]  }
0x150: {  	v37 =	vadd.f32 v36, v34;
	v34 =	vld [tilespmem:$0x1EF20]  }
0x151: {  	v15 =	vsub.f32 v29, v30;
	v29 =	vld [tilespmem:$0x2530]  }
0x152: {  	v30 =	vld [tilespmem:$0x1D30]  }
0x153: {  	[tilespmem:$0x1F150] =	vst v61;
	v61 =	vld [tilespmem:$0x24E0]  }
0x154: {  	v32 =	vld [tilespmem:$0x1EF00]  }
0x155: {  	[tilespmem:$0x3090] =	vst v14;
	v14 =	vadd.f32 v34, v15;
	v34 =	vld [tilespmem:$0x940]  }
0x156: {  	[tilespmem:$0x3050] =	vst v33;
	v33 =	vld [tilespmem:$0x1EF10]  }
0x157: {  	[tilespmem:$0x2C60] =	vst v37;
	v37 =	vld [tilespmem:$0x1EF50]  }
0x158: {  	[tilespmem:$0x1F190] =	vst v61;
	v61 =	vld [tilespmem:$0x1CE0]  }
0x159: {  	v41 =	vadd.f32 v40, v35;
	v35 =	vld [tilespmem:$0x1EF30]  }
0x15a: {  	v36 =	vld [tilespmem:$0x1EF40]  }
0x15b: {  	v17 =	vsub.f32 v32, v33;
	v32 =	vld [tilespmem:$0x2930]  }
0x15c: {  	v33 =	vld [tilespmem:$0x1540]  }
0x15d: {  	[tilespmem:$0x1F170] =	vst v61;
	v61 =	vld [tilespmem:$0x10E0]  }
0x15e: {  	[tilespmem:$0x3060] =	vst v41;
	v41 =	vld [tilespmem:$0x1EF80]  }
0x15f: {  	v15 =	vsub.f32 v35, v36;
	v35 =	vld [tilespmem:$0x2140]  }
0x160: {  	v38 =	vld [tilespmem:$0x1EF60]  }
0x161: {  	v40 =	vld [tilespmem:$0x1EF70]  }
0x162: {  	[tilespmem:$0x1F180] =	vst v61;
	v61 =	vld [tilespmem:$0x28E0]  }
0x163: {  	v44 =	vld [tilespmem:$0x1EFB0]  }
0x164: {  	v42 =	vld [tilespmem:$0x1EF90]  }
0x165: {  	v43 =	vld [tilespmem:$0x1EFA0]  }
0x166: {  	v47 =	vld [tilespmem:$0x1EFE0]  }
0x167: {  	[tilespmem:$0x1F1C0] =	vst v61;
	v61 =	vld [tilespmem:$0x14F0]  }
0x168: {  	v45 =	vld [tilespmem:$0x1EFC0]  }
0x169: {  	v46 =	vld [tilespmem:$0x1EFD0]  }
0x16a: {  	v50 =	vld [tilespmem:$0x1F010]  }
0x16b: {  	v48 =	vld [tilespmem:$0x1EFF0]  }
0x16c: {  	[tilespmem:$0x1F1A0] =	vst v61;
	v61 =	vld [tilespmem:$0x8F0]  }
0x16d: {  	v49 =	vld [tilespmem:$0x1F000]  }
0x16e: {  	v53 =	vld [tilespmem:$0x1F040]  }
0x16f: {  	v51 =	vld [tilespmem:$0x1F020]  }
0x170: {  	v52 =	vld [tilespmem:$0x1F030]  }
0x171: {  	[tilespmem:$0x1F1B0] =	vst v61;
	v61 =	vld [tilespmem:$0x20F0]  }
0x172: {  	v56 =	vld [tilespmem:$0x1F070]  }
0x173: {  	[tilespmem:$0x3490] =	vst v13;
	v13 =	vadd.f32 v37, v17;
	v54 =	vld [tilespmem:$0x1F050]  }
0x174: {  	v17 =	vsub.f32 v38, v40;
	v57 =	vld [tilespmem:$0x1F080]  }
0x175: {  	[tilespmem:$0x30A0] =	vst v13;
	v58 =	vld [tilespmem:$0x1F090]  }
0x176: {  	v13 =	vadd.f32 v44, v17;
	v17 =	vsub.f32 v45, v46;
	[tilespmem:$0x1F1F0] =	vst v61;
	v61 =	vld [tilespmem:$0x18F0]  }
0x177: {  	v36 =	vld [tilespmem:$0x1F0D0]  }
0x178: {  	[tilespmem:$0x2CB0] =	vst v13;
	v13 =	vadd.f32 v50, v17;
	v17 =	vsub.f32 v51, v52;
	v55 =	vld [tilespmem:$0x1F060]  }
0x179: {  	v59 =	vld [tilespmem:$0x1F0A0]  }
0x17a: {  	[tilespmem:$0x34B0] =	vst v13;
	v13 =	vadd.f32 v56, v17;
	v17 =	vsub.f32 v57, v58;
	v60 =	vld [tilespmem:$0x1F0B0]  }
0x17b: {  	[tilespmem:$0x1F1D0] =	vst v61;
	v61 =	vld [tilespmem:$0xCF0]  }
0x17c: {  	[tilespmem:$0x30C0] =	vst v13;
	v13 =	vadd.f32 v36, v17;
	v36 =	vld [tilespmem:$0x1940]  }
0x17d: {  	[tilespmem:$0x2CA0] =	vst v14;
	v14 =	vadd.f32 v41, v15;
	v37 =	vld [tilespmem:$0x1F0E0]  }
0x17e: {  	v15 =	vsub.f32 v42, v43;
	v38 =	vld [tilespmem:$0x1F0F0]  }
0x17f: {  	[tilespmem:$0x34A0] =	vst v14;
	v62 =	vld [tilespmem:$0x1F0C0]  }
0x180: {  	v14 =	vadd.f32 v47, v15;
	v15 =	vsub.f32 v48, v49;
	[tilespmem:$0x1F1E0] =	vst v61;
	v61 =	vld [tilespmem:$0x24F0]  }
0x181: {  	v40 =	vld [tilespmem:$0x1F100]  }
0x182: {  	[tilespmem:$0x30B0] =	vst v14;
	v14 =	vadd.f32 v53, v15;
	v43 =	vld [tilespmem:$0x1F130]  }
0x183: {  	v15 =	vsub.f32 v54, v55;
	v17 =	vsub.f32 v37, v38;
	v37 =	vld [tilespmem:$0xD40]  }
0x184: {  	[tilespmem:$0x2CC0] =	vst v14;
	v41 =	vld [tilespmem:$0x1F110]  }
0x185: {  	v14 =	vadd.f32 v59, v15;
	v15 =	vsub.f32 v60, v62;
	[tilespmem:$0x1F220] =	vst v61;
	v61 =	vld [tilespmem:$0x1CF0]  }
0x186: {  	v42 =	vld [tilespmem:$0x1F120]  }
0x187: {  	[tilespmem:$0x34C0] =	vst v14;
	v14 =	vadd.f32 v40, v15;
	v46 =	vld [tilespmem:$0x1F160]  }
0x188: {  	[tilespmem:$0x2CD0] =	vst v13;
	v44 =	vld [tilespmem:$0x1F140]  }
0x189: {  	[tilespmem:$0x30D0] =	vst v14;
	v45 =	vld [tilespmem:$0x1F150]  }
0x18a: {  	[tilespmem:$0x1F200] =	vst v61;
	v61 =	vld [tilespmem:$0x28F0]  }
0x18b: {  	v47 =	vld [tilespmem:$0x1F170]  }
0x18c: {  	v49 =	vld [tilespmem:$0x1F190]  }
0x18d: {  	v50 =	vld [tilespmem:$0x1F1A0]  }
0x18e: {  	v51 =	vld [tilespmem:$0x1F1B0]  }
0x18f: {  	v55 =	vld [tilespmem:$0x1F1F0]  }
0x190: {  	v56 =	vld [tilespmem:$0x1F200]  }
0x191: {  	v57 =	vld [tilespmem:$0x1F210]  }
0x192: {  	v13 =	vadd.f32 v43, v17;
	v17 =	vsub.f32 v44, v45;
	_ =	sdelay $0x1  }
0x193: {  	[tilespmem:$0x34D0] =	vst v13;
	v13 =	vadd.f32 v49, v17;
	v17 =	vsub.f32 v50, v51;
	_ =	sdelay $0x1  }
0x194: {  	[tilespmem:$0x30E0] =	vst v13;
	v13 =	vadd.f32 v55, v17;
	v17 =	vsub.f32 v56, v57;
	_ =	sdelay $0x1  }
0x195: {  	v62 =	vadd.f32 v61, v17;
	_ =	sdelay $0x1  }
0x196: {  	[tilespmem:$0x34F0] =	vst v62;
	v62 =	vsub.f32 v21, v22;
	_ =	sdelay $0x1  }
0x197: {  	v23 =	vadd.f32 v23, v62;
	v62 =	vld [tilespmem:$0x25E0];
	_ =	sdelay $0x4  }
0x198: {  	[tilespmem:$0x1F2F0] =	vst v62;
	v62 =	vld [tilespmem:$0x1DE0];
	_ =	sdelay $0x4  }
0x199: {  	[tilespmem:$0x1F2D0] =	vst v62;
	v62 =	vld [tilespmem:$0x11E0];
	_ =	sdelay $0x4  }
0x19a: {  	[tilespmem:$0x1F2E0] =	vst v62;
	v62 =	vld [tilespmem:$0x29E0];
	_ =	sdelay $0x4  }
0x19b: {  	[tilespmem:$0x1F320] =	vst v62;
	v62 =	vld [tilespmem:$0x15F0];
	_ =	sdelay $0x4  }
0x19c: {  	[tilespmem:$0x1F300] =	vst v62;
	v62 =	vld [tilespmem:$0x9F0];
	_ =	sdelay $0x4  }
0x19d: {  	[tilespmem:$0x1F310] =	vst v62;
	v62 =	vld [tilespmem:$0x21F0];
	_ =	sdelay $0x4  }
0x19e: {  	[tilespmem:$0x1F350] =	vst v62;
	v62 =	vld [tilespmem:$0x19F0];
	_ =	sdelay $0x4  }
0x19f: {  	[tilespmem:$0x1F330] =	vst v62;
	v62 =	vld [tilespmem:$0xDF0];
	_ =	sdelay $0x4  }
0x1a0: {  	[tilespmem:$0x1F340] =	vst v62;
	v62 =	vld [tilespmem:$0x25F0];
	_ =	sdelay $0x4  }
0x1a1: {  	[tilespmem:$0x1F380] =	vst v62;
	v62 =	vld [tilespmem:$0x1DF0];
	_ =	sdelay $0x4  }
0x1a2: {  	[tilespmem:$0x1F360] =	vst v62;
	v62 =	vld [tilespmem:$0x11F0];
	_ =	sdelay $0x4  }
0x1a3: {  	[tilespmem:$0x1F370] =	vst v62;
	v62 =	vld [tilespmem:$0x29F0];
	_ =	sdelay $0x4  }
0x1a4: {  	[tilespmem:$0x1F3B0] =	vst v62;
	v62 =	vld [tilespmem:$0x1600];
	_ =	sdelay $0x4  }
0x1a5: {  	[tilespmem:$0x1F390] =	vst v62;
	v62 =	vld [tilespmem:$0xA00];
	_ =	sdelay $0x4  }
0x1a6: {  	[tilespmem:$0x1F3A0] =	vst v62;
	v62 =	vld [tilespmem:$0x2200];
	_ =	sdelay $0x4  }
0x1a7: {  	[tilespmem:$0x1F3E0] =	vst v62;
	v62 =	vld [tilespmem:$0x1A00];
	_ =	sdelay $0x4  }
0x1a8: {  	[tilespmem:$0x1F3C0] =	vst v62;
	v62 =	vld [tilespmem:$0xE00];
	_ =	sdelay $0x4  }
0x1a9: {  	[tilespmem:$0x1F3D0] =	vst v62;
	v62 =	vld [tilespmem:$0x2600];
	_ =	sdelay $0x4  }
0x1aa: {  	[tilespmem:$0x1F410] =	vst v62;
	v62 =	vld [tilespmem:$0x1E00];
	_ =	sdelay $0x4  }
0x1ab: {  	[tilespmem:$0x1F3F0] =	vst v62;
	v62 =	vld [tilespmem:$0x1200];
	_ =	sdelay $0x4  }
0x1ac: {  	[tilespmem:$0x1F400] =	vst v62;
	v62 =	vld [tilespmem:$0x2A00];
	_ =	sdelay $0x4  }
0x1ad: {  	[tilespmem:$0x1F440] =	vst v62;
	v62 =	vld [tilespmem:$0x1610];
	_ =	sdelay $0x4  }
0x1ae: {  	[tilespmem:$0x1F420] =	vst v62;
	v62 =	vld [tilespmem:$0xA10];
	_ =	sdelay $0x4  }
0x1af: {  	[tilespmem:$0x1F430] =	vst v62;
	v62 =	vld [tilespmem:$0x2210];
	_ =	sdelay $0x4  }
0x1b0: {  	[tilespmem:$0x1F470] =	vst v62;
	v62 =	vld [tilespmem:$0x1A10];
	_ =	sdelay $0x4  }
0x1b1: {  	[tilespmem:$0x1F450] =	vst v62;
	v62 =	vld [tilespmem:$0xE10];
	_ =	sdelay $0x4  }
0x1b2: {  	[tilespmem:$0x1F460] =	vst v62;
	v62 =	vld [tilespmem:$0x2610];
	_ =	sdelay $0x4  }
0x1b3: {  	[tilespmem:$0x1F4A0] =	vst v62;
	v62 =	vld [tilespmem:$0x1E10];
	_ =	sdelay $0x4  }
0x1b4: {  	[tilespmem:$0x1F480] =	vst v62;
	v62 =	vld [tilespmem:$0x1210];
	_ =	sdelay $0x4  }
0x1b5: {  	[tilespmem:$0x1F490] =	vst v62;
	v62 =	vld [tilespmem:$0x2A10];
	_ =	sdelay $0x4  }
0x1b6: {  	[tilespmem:$0x1F4D0] =	vst v62;
	v62 =	vld [tilespmem:$0x1620];
	_ =	sdelay $0x4  }
0x1b7: {  	[tilespmem:$0x1F4B0] =	vst v62;
	v62 =	vld [tilespmem:$0xA20];
	_ =	sdelay $0x4  }
0x1b8: {  	[tilespmem:$0x1F4C0] =	vst v62;
	v62 =	vld [tilespmem:$0x2220];
	_ =	sdelay $0x4  }
0x1b9: {  	[tilespmem:$0x1F500] =	vst v62;
	v62 =	vld [tilespmem:$0x1A20];
	_ =	sdelay $0x4  }
0x1ba: {  	[tilespmem:$0x1F4E0] =	vst v62;
	v62 =	vld [tilespmem:$0xE20];
	_ =	sdelay $0x4  }
0x1bb: {  	[tilespmem:$0x1F4F0] =	vst v62;
	v62 =	vld [tilespmem:$0x2620];
	_ =	sdelay $0x4  }
0x1bc: {  	[tilespmem:$0x1F530] =	vst v62;
	v62 =	vld [tilespmem:$0x1E20];
	_ =	sdelay $0x4  }
0x1bd: {  	[tilespmem:$0x1F510] =	vst v62;
	v62 =	vld [tilespmem:$0x1220];
	_ =	sdelay $0x4  }
0x1be: {  	[tilespmem:$0x1F520] =	vst v62;
	v62 =	vld [tilespmem:$0x2A20];
	_ =	sdelay $0x4  }
0x1bf: {  	[tilespmem:$0x1F560] =	vst v62;
	v62 =	vld [tilespmem:$0x1630];
	_ =	sdelay $0x4  }
0x1c0: {  	[tilespmem:$0x1F540] =	vst v62;
	v62 =	vld [tilespmem:$0xA30];
	_ =	sdelay $0x4  }
0x1c1: {  	[tilespmem:$0x1F550] =	vst v62;
	v62 =	vld [tilespmem:$0x2230];
	_ =	sdelay $0x4  }
0x1c2: {  	[tilespmem:$0x1F590] =	vst v62;
	v62 =	vld [tilespmem:$0x1A30];
	_ =	sdelay $0x4  }
0x1c3: {  	[tilespmem:$0x1F570] =	vst v62;
	v62 =	vld [tilespmem:$0xE30];
	_ =	sdelay $0x4  }
0x1c4: {  	[tilespmem:$0x1F580] =	vst v62;
	v62 =	vld [tilespmem:$0x2630];
	_ =	sdelay $0x4  }
0x1c5: {  	[tilespmem:$0x1F5C0] =	vst v62;
	v62 =	vld [tilespmem:$0x1E30];
	_ =	sdelay $0x4  }
0x1c6: {  	[tilespmem:$0x1F5A0] =	vst v62;
	v62 =	vld [tilespmem:$0x1230];
	_ =	sdelay $0x4  }
0x1c7: {  	[tilespmem:$0x1F5B0] =	vst v62;
	v62 =	vld [tilespmem:$0x2A30];
	_ =	sdelay $0x4  }
0x1c8: {  	[tilespmem:$0x1F5F0] =	vst v62;
	v62 =	vld [tilespmem:$0x1640];
	_ =	sdelay $0x4  }
0x1c9: {  	[tilespmem:$0x1F5D0] =	vst v62;
	v62 =	vld [tilespmem:$0xA40];
	_ =	sdelay $0x4  }
0x1ca: {  	[tilespmem:$0x1F5E0] =	vst v62;
	v62 =	vld [tilespmem:$0x2240];
	_ =	sdelay $0x4  }
0x1cb: {  	[tilespmem:$0x1F620] =	vst v62;
	v62 =	vld [tilespmem:$0x1A40];
	_ =	sdelay $0x4  }
0x1cc: {  	[tilespmem:$0x1F600] =	vst v62;
	v62 =	vld [tilespmem:$0xE40];
	_ =	sdelay $0x4  }
0x1cd: {  	[tilespmem:$0x1F610] =	vst v62;
	v62 =	vld [tilespmem:$0x2640];
	_ =	sdelay $0x4  }
0x1ce: {  	[tilespmem:$0x1F650] =	vst v62;
	v62 =	vld [tilespmem:$0x1E40];
	_ =	sdelay $0x4  }
0x1cf: {  	[tilespmem:$0x1F630] =	vst v62;
	v62 =	vld [tilespmem:$0x1240];
	_ =	sdelay $0x4  }
0x1d0: {  	[tilespmem:$0x1F640] =	vst v62;
	v62 =	vld [tilespmem:$0x2A40];
	_ =	sdelay $0x4  }
0x1d1: {  	[tilespmem:$0x1F680] =	vst v62;
	v62 =	vld [tilespmem:$0x1650];
	_ =	sdelay $0x4  }
0x1d2: {  	[tilespmem:$0x1F660] =	vst v62;
	v62 =	vld [tilespmem:$0xA50];
	_ =	sdelay $0x4  }
0x1d3: {  	[tilespmem:$0x1F670] =	vst v62;
	v62 =	vld [tilespmem:$0x2250];
	_ =	sdelay $0x4  }
0x1d4: {  	[tilespmem:$0x1F6B0] =	vst v62;
	v62 =	vld [tilespmem:$0x1A50];
	_ =	sdelay $0x4  }
0x1d5: {  	[tilespmem:$0x1F690] =	vst v62;
	v62 =	vld [tilespmem:$0xE50];
	_ =	sdelay $0x4  }
0x1d6: {  	[tilespmem:$0x1F6A0] =	vst v62;
	v62 =	vld [tilespmem:$0x2650];
	_ =	sdelay $0x4  }
0x1d7: {  	[tilespmem:$0x1F6E0] =	vst v62;
	v62 =	vld [tilespmem:$0x1E50];
	_ =	sdelay $0x4  }
0x1d8: {  	[tilespmem:$0x1F6C0] =	vst v62;
	v62 =	vld [tilespmem:$0x1250];
	_ =	sdelay $0x4  }
0x1d9: {  	[tilespmem:$0x1F6D0] =	vst v62;
	v62 =	vld [tilespmem:$0x2A50];
	_ =	sdelay $0x4  }
0x1da: {  	[tilespmem:$0x1F710] =	vst v62;
	v62 =	vld [tilespmem:$0x1660];
	_ =	sdelay $0x4  }
0x1db: {  	[tilespmem:$0x1F6F0] =	vst v62;
	v62 =	vld [tilespmem:$0xA60];
	_ =	sdelay $0x4  }
0x1dc: {  	[tilespmem:$0x1F700] =	vst v62;
	v62 =	vld [tilespmem:$0x2260];
	_ =	sdelay $0x4  }
0x1dd: {  	[tilespmem:$0x1F740] =	vst v62;
	v62 =	vld [tilespmem:$0x1A60];
	_ =	sdelay $0x4  }
0x1de: {  	[tilespmem:$0x1F720] =	vst v62;
	v62 =	vld [tilespmem:$0xE60];
	_ =	sdelay $0x4  }
0x1df: {  	[tilespmem:$0x1F730] =	vst v62;
	v62 =	vld [tilespmem:$0x2660];
	_ =	sdelay $0x4  }
0x1e0: {  	[tilespmem:$0x1F770] =	vst v62;
	v62 =	vld [tilespmem:$0x1E60];
	_ =	sdelay $0x4  }
0x1e1: {  	[tilespmem:$0x1F750] =	vst v62;
	v62 =	vld [tilespmem:$0x1260];
	_ =	sdelay $0x4  }
0x1e2: {  	[tilespmem:$0x1F760] =	vst v62;
	v62 =	vld [tilespmem:$0x2A60];
	_ =	sdelay $0x4  }
0x1e3: {  	[tilespmem:$0x1F7A0] =	vst v62;
	v62 =	vld [tilespmem:$0x1670];
	_ =	sdelay $0x4  }
0x1e4: {  	[tilespmem:$0x1F780] =	vst v62;
	v62 =	vld [tilespmem:$0xA70];
	_ =	sdelay $0x4  }
0x1e5: {  	[tilespmem:$0x1F790] =	vst v62;
	v62 =	vld [tilespmem:$0x2270];
	_ =	sdelay $0x4  }
0x1e6: {  	[tilespmem:$0x1F7D0] =	vst v62;
	v62 =	vld [tilespmem:$0x1A70];
	_ =	sdelay $0x4  }
0x1e7: {  	[tilespmem:$0x1F7B0] =	vst v62;
	v62 =	vld [tilespmem:$0xE70];
	_ =	sdelay $0x4  }
0x1e8: {  	[tilespmem:$0x1F7C0] =	vst v62;
	v62 =	vld [tilespmem:$0x2670];
	_ =	sdelay $0x4  }
0x1e9: {  	[tilespmem:$0x1F800] =	vst v62;
	v62 =	vld [tilespmem:$0x1E70];
	_ =	sdelay $0x4  }
0x1ea: {  	[tilespmem:$0x1F7E0] =	vst v62;
	v62 =	vld [tilespmem:$0x1270];
	_ =	sdelay $0x4  }
0x1eb: {  	[tilespmem:$0x1F7F0] =	vst v62;
	v62 =	vld [tilespmem:$0x2A70];
	_ =	sdelay $0x4  }
0x1ec: {  	[tilespmem:$0x1F830] =	vst v62;
	v62 =	vld [tilespmem:$0x1680];
	_ =	sdelay $0x4  }
0x1ed: {  	[tilespmem:$0x1F810] =	vst v62;
	v62 =	vld [tilespmem:$0xA80];
	_ =	sdelay $0x4  }
0x1ee: {  	[tilespmem:$0x1F820] =	vst v62;
	v62 =	vld [tilespmem:$0x2280];
	_ =	sdelay $0x4  }
0x1ef: {  	[tilespmem:$0x1F860] =	vst v62;
	v62 =	vld [tilespmem:$0x1A80];
	_ =	sdelay $0x4  }
0x1f0: {  	[tilespmem:$0x1F840] =	vst v62;
	v62 =	vld [tilespmem:$0xE80];
	_ =	sdelay $0x4  }
0x1f1: {  	[tilespmem:$0x1F850] =	vst v62;
	v62 =	vld [tilespmem:$0x2680];
	_ =	sdelay $0x4  }
0x1f2: {  	[tilespmem:$0x1F890] =	vst v62;
	v62 =	vld [tilespmem:$0x1E80];
	_ =	sdelay $0x4  }
0x1f3: {  	[tilespmem:$0x1F870] =	vst v62;
	v62 =	vld [tilespmem:$0x1280];
	_ =	sdelay $0x4  }
0x1f4: {  	[tilespmem:$0x1F880] =	vst v62;
	v62 =	vld [tilespmem:$0x2A80];
	_ =	sdelay $0x4  }
0x1f5: {  	[tilespmem:$0x1F8C0] =	vst v62;
	v62 =	vld [tilespmem:$0x1690];
	_ =	sdelay $0x4  }
0x1f6: {  	[tilespmem:$0x1F8A0] =	vst v62;
	v62 =	vld [tilespmem:$0xA90];
	_ =	sdelay $0x4  }
0x1f7: {  	[tilespmem:$0x1F8B0] =	vst v62;
	v62 =	vld [tilespmem:$0x2290];
	_ =	sdelay $0x4  }
0x1f8: {  	[tilespmem:$0x1F8F0] =	vst v62;
	v62 =	vld [tilespmem:$0x1A90];
	_ =	sdelay $0x4  }
0x1f9: {  	[tilespmem:$0x1F8D0] =	vst v62;
	v62 =	vld [tilespmem:$0xE90];
	_ =	sdelay $0x4  }
0x1fa: {  	[tilespmem:$0x1F8E0] =	vst v62;
	v62 =	vld [tilespmem:$0x2690];
	_ =	sdelay $0x4  }
0x1fb: {  	[tilespmem:$0x1F920] =	vst v62;
	v62 =	vld [tilespmem:$0x1E90];
	_ =	sdelay $0x4  }
0x1fc: {  	[tilespmem:$0x1F900] =	vst v62;
	v62 =	vld [tilespmem:$0x1290];
	_ =	sdelay $0x4  }
0x1fd: {  	[tilespmem:$0x1F910] =	vst v62;
	v62 =	vld [tilespmem:$0x2A90];
	_ =	sdelay $0x4  }
0x1fe: {  	[tilespmem:$0x1F950] =	vst v62;
	v62 =	vld [tilespmem:$0x16A0];
	_ =	sdelay $0x4  }
0x1ff: {  	[tilespmem:$0x1F930] =	vst v62;
	v62 =	vld [tilespmem:$0xAA0];
	_ =	sdelay $0x4  }
0x200: {  	[tilespmem:$0x1F940] =	vst v62;
	v62 =	vld [tilespmem:$0x22A0];
	_ =	sdelay $0x4  }
0x201: {  	[tilespmem:$0x1F980] =	vst v62;
	v62 =	vld [tilespmem:$0x1AA0];
	_ =	sdelay $0x4  }
0x202: {  	[tilespmem:$0x1F960] =	vst v62;
	v62 =	vld [tilespmem:$0xEA0];
	_ =	sdelay $0x4  }
0x203: {  	[tilespmem:$0x1F970] =	vst v62;
	v62 =	vld [tilespmem:$0x26A0];
	_ =	sdelay $0x4  }
0x204: {  	[tilespmem:$0x1F9B0] =	vst v62;
	v62 =	vld [tilespmem:$0x1EA0];
	_ =	sdelay $0x4  }
0x205: {  	[tilespmem:$0x1F990] =	vst v62;
	v62 =	vld [tilespmem:$0x12A0];
	_ =	sdelay $0x4  }
0x206: {  	[tilespmem:$0x1F9A0] =	vst v62;
	v62 =	vld [tilespmem:$0x2AA0];
	_ =	sdelay $0x4  }
0x207: {  	[tilespmem:$0x1F9E0] =	vst v62;
	v62 =	vld [tilespmem:$0x16B0];
	_ =	sdelay $0x4  }
0x208: {  	[tilespmem:$0x1F9C0] =	vst v62;
	v62 =	vld [tilespmem:$0xAB0];
	_ =	sdelay $0x4  }
0x209: {  	[tilespmem:$0x1F9D0] =	vst v62;
	v62 =	vld [tilespmem:$0x22B0];
	_ =	sdelay $0x4  }
0x20a: {  	[tilespmem:$0x1FA10] =	vst v62;
	v62 =	vld [tilespmem:$0x1AB0];
	_ =	sdelay $0x4  }
0x20b: {  	[tilespmem:$0x1F9F0] =	vst v62;
	v62 =	vld [tilespmem:$0xEB0];
	_ =	sdelay $0x4  }
0x20c: {  	[tilespmem:$0x1FA00] =	vst v62;
	v62 =	vld [tilespmem:$0x26B0];
	_ =	sdelay $0x4  }
0x20d: {  	[tilespmem:$0x1FA40] =	vst v62;
	v62 =	vld [tilespmem:$0x1EB0];
	_ =	sdelay $0x4  }
0x20e: {  	[tilespmem:$0x1FA20] =	vst v62;
	v62 =	vld [tilespmem:$0x12B0];
	_ =	sdelay $0x4  }
0x20f: {  	[tilespmem:$0x1FA30] =	vst v62;
	v62 =	vld [tilespmem:$0x2AB0];
	_ =	sdelay $0x4  }
0x210: {  	[tilespmem:$0x1FA70] =	vst v62;
	v62 =	vld [tilespmem:$0x16C0];
	_ =	sdelay $0x4  }
0x211: {  	[tilespmem:$0x1FA50] =	vst v62;
	v62 =	vld [tilespmem:$0xAC0];
	_ =	sdelay $0x4  }
0x212: {  	[tilespmem:$0x1FA60] =	vst v62;
	v62 =	vld [tilespmem:$0x22C0];
	_ =	sdelay $0x4  }
0x213: {  	[tilespmem:$0x1FAA0] =	vst v62;
	v62 =	vld [tilespmem:$0x1AC0];
	_ =	sdelay $0x4  }
0x214: {  	[tilespmem:$0x1FA80] =	vst v62;
	v62 =	vld [tilespmem:$0xEC0];
	_ =	sdelay $0x4  }
0x215: {  	[tilespmem:$0x1FA90] =	vst v62;
	v62 =	vld [tilespmem:$0x26C0];
	_ =	sdelay $0x4  }
0x216: {  	[tilespmem:$0x1FAD0] =	vst v62;
	v62 =	vld [tilespmem:$0x1EC0];
	_ =	sdelay $0x4  }
0x217: {  	[tilespmem:$0x1FAB0] =	vst v62;
	v62 =	vld [tilespmem:$0x12C0];
	_ =	sdelay $0x4  }
0x218: {  	[tilespmem:$0x1FAC0] =	vst v62;
	v62 =	vld [tilespmem:$0x2AC0];
	_ =	sdelay $0x4  }
0x219: {  	[tilespmem:$0x1FB00] =	vst v62;
	v62 =	vld [tilespmem:$0x16D0];
	_ =	sdelay $0x4  }
0x21a: {  	[tilespmem:$0x1FAE0] =	vst v62;
	v62 =	vld [tilespmem:$0xAD0];
	_ =	sdelay $0x4  }
0x21b: {  	[tilespmem:$0x1FAF0] =	vst v62;
	v62 =	vld [tilespmem:$0x22D0];
	_ =	sdelay $0x4  }
0x21c: {  	[tilespmem:$0x1FB30] =	vst v62;
	v62 =	vld [tilespmem:$0x1AD0];
	_ =	sdelay $0x4  }
0x21d: {  	[tilespmem:$0x1FB10] =	vst v62;
	v62 =	vld [tilespmem:$0xED0];
	_ =	sdelay $0x4  }
0x21e: {  	[tilespmem:$0x1FB20] =	vst v62;
	v62 =	vld [tilespmem:$0x26D0];
	_ =	sdelay $0x4  }
0x21f: {  	[tilespmem:$0x1FB60] =	vst v62;
	v62 =	vld [tilespmem:$0x1ED0];
	_ =	sdelay $0x4  }
0x220: {  	[tilespmem:$0x1FB40] =	vst v62;
	v62 =	vld [tilespmem:$0x12D0];
	_ =	sdelay $0x4  }
0x221: {  	[tilespmem:$0x1FB50] =	vst v62;
	v62 =	vld [tilespmem:$0x2AD0];
	_ =	sdelay $0x4  }
0x222: {  	[tilespmem:$0x1FB90] =	vst v62;
	v62 =	vld [tilespmem:$0x16E0];
	_ =	sdelay $0x4  }
0x223: {  	[tilespmem:$0x1FB70] =	vst v62;
	v62 =	vld [tilespmem:$0xAE0];
	_ =	sdelay $0x4  }
0x224: {  	[tilespmem:$0x1FB80] =	vst v62;
	v62 =	vld [tilespmem:$0x22E0];
	_ =	sdelay $0x4  }
0x225: {  	[tilespmem:$0x1FBC0] =	vst v62;
	v62 =	vld [tilespmem:$0x1AE0];
	_ =	sdelay $0x4  }
0x226: {  	[tilespmem:$0x1FBA0] =	vst v62;
	v62 =	vld [tilespmem:$0xEE0];
	_ =	sdelay $0x4  }
0x227: {  	[tilespmem:$0x1FBB0] =	vst v62;
	v62 =	vld [tilespmem:$0x26E0];
	_ =	sdelay $0x4  }
0x228: {  	[tilespmem:$0x1FBF0] =	vst v62;
	v62 =	vld [tilespmem:$0x1EE0];
	_ =	sdelay $0x4  }
0x229: {  	[tilespmem:$0x1FBD0] =	vst v62;
	v62 =	vld [tilespmem:$0x12E0];
	_ =	sdelay $0x4  }
0x22a: {  	[tilespmem:$0x1FBE0] =	vst v62;
	v62 =	vld [tilespmem:$0x2AE0];
	_ =	sdelay $0x4  }
0x22b: {  	[tilespmem:$0x1FC20] =	vst v62;
	v62 =	vld [tilespmem:$0x16F0];
	_ =	sdelay $0x4  }
0x22c: {  	[tilespmem:$0x1FC00] =	vst v62;
	v62 =	vld [tilespmem:$0xAF0];
	_ =	sdelay $0x4  }
0x22d: {  	[tilespmem:$0x1FC10] =	vst v62;
	v62 =	vld [tilespmem:$0x22F0];
	_ =	sdelay $0x4  }
0x22e: {  	[tilespmem:$0x1FC50] =	vst v62;
	v62 =	vld [tilespmem:$0x1AF0];
	_ =	sdelay $0x4  }
0x22f: {  	[tilespmem:$0x1FC30] =	vst v62;
	v62 =	vld [tilespmem:$0xEF0];
	_ =	sdelay $0x4  }
0x230: {  	[tilespmem:$0x1FC40] =	vst v62;
	v62 =	vld [tilespmem:$0x26F0];
	_ =	sdelay $0x4  }
0x231: {  	[tilespmem:$0x1FC80] =	vst v62;
	v62 =	vld [tilespmem:$0x1EF0];
	_ =	sdelay $0x4  }
0x232: {  	[tilespmem:$0x1FC60] =	vst v62;
	v62 =	vld [tilespmem:$0x12F0];
	_ =	sdelay $0x1  }
0x233: {  	v48 =	vld [tilespmem:$0x1F180]  }
0x234: {  	v38 =	vld [tilespmem:$0x2540]  }
0x235: {  	v40 =	vld [tilespmem:$0x1D40]  }
0x236: {  	[tilespmem:$0x1FC70] =	vst v62;
	v62 =	vld [tilespmem:$0x2AF0]  }
0x237: {  	v52 =	vld [tilespmem:$0x1F1C0]  }
0x238: {  	v53 =	vld [tilespmem:$0x1F1D0]  }
0x239: {  	v54 =	vld [tilespmem:$0x1F1E0]  }
0x23a: {  	v15 =	vsub.f32 v41, v42;
	v41 =	vld [tilespmem:$0x1140]  }
0x23b: {  	[tilespmem:$0x1FCB0] =	vst v62;
	v62 =	vld [tilespmem:$0x1700]  }
0x23c: {  	v42 =	vld [tilespmem:$0x2940]  }
0x23d: {  	v58 =	vld [tilespmem:$0x1F220]  }
0x23e: {  	v59 =	vld [tilespmem:$0x1F230]  }
0x23f: {  	v60 =	vld [tilespmem:$0x1F240]  }
0x240: {  	v5 =	vsub.f32 v39, v5;
	[tilespmem:$0x1FC90] =	vst v62;
	v62 =	vld [tilespmem:$0xB00]  }
0x241: {  	v43 =	vld [tilespmem:$0x1550]  }
0x242: {  	v5 =	vadd.f32 v7, v5;
	v39 =	vld [tilespmem:$0x1D60]  }
0x243: {  	v2 =	vsub.f32 v2, v6;
	v14 =	vadd.f32 v46, v15;
	v46 =	vld [tilespmem:$0x2560]  }
0x244: {  	[tilespmem:$0x3500] =	vst v5;
	v5 =	vld [tilespmem:$0x970]  }
0x245: {  	v0 =	vadd.f32 v0, v2;
	v1 =	vsub.f32 v1, v4;
	[tilespmem:$0x1FCA0] =	vst v62;
	v62 =	vld [tilespmem:$0x2300]  }
0x246: {  	v6 =	vld [tilespmem:$0x1970]  }
0x247: {  	v1 =	vadd.f32 v3, v1;
	[tilespmem:$0x2D10] =	vst v0;
	v0 =	vld [tilespmem:$0xD70]  }
0x248: {  	v7 =	vld [tilespmem:$0x1D70]  }
0x249: {  	[tilespmem:$0x3110] =	vst v1;
	v1 =	vld [tilespmem:$0x1170]  }
0x24a: {  	[tilespmem:$0x1FCE0] =	vst v62;
	v62 =	vld [tilespmem:$0x1B00]  }
0x24b: {  	v3 =	vld [tilespmem:$0x1580]  }
0x24c: {  	v2 =	vld [tilespmem:$0x980]  }
0x24d: {  	v4 =	vld [tilespmem:$0xD80]  }
0x24e: {  	v15 =	vsub.f32 v47, v48;
	v47 =	vld [tilespmem:$0x1F250]  }
0x24f: {  	[tilespmem:$0x1FCC0] =	vst v62;
	v62 =	vld [tilespmem:$0xF00]  }
0x250: {  	v48 =	vld [tilespmem:$0x950]  }
0x251: {  	v49 =	vld [tilespmem:$0x1F260]  }
0x252: {  	v50 =	vld [tilespmem:$0x2150]  }
0x253: {  	v51 =	vld [tilespmem:$0x1F270]  }
0x254: {  	[tilespmem:$0x1FCD0] =	vst v62;
	v62 =	vld [tilespmem:$0x2700]  }
0x255: {  	[tilespmem:$0x2CE0] =	vst v14;
	v14 =	vadd.f32 v52, v15;
	v52 =	vld [tilespmem:$0x1950]  }
0x256: {  	v15 =	vsub.f32 v53, v54;
	v53 =	vld [tilespmem:$0xD50]  }
0x257: {  	v55 =	vld [tilespmem:$0x2550]  }
0x258: {  	v57 =	vld [tilespmem:$0x1D50]  }
0x259: {  	[tilespmem:$0x1FD10] =	vst v62;
	v62 =	vld [tilespmem:$0x1F00]  }
0x25a: {  	v56 =	vsub.f32 v11, v16;
	v16 =	vld [tilespmem:$0x2170]  }
0x25b: {  	v54 =	vsub.f32 v8, v10;
	v10 =	vld [tilespmem:$0x1980]  }
0x25c: {  	v8 =	vld [tilespmem:$0x1180]  }
0x25d: {  	v11 =	vld [tilespmem:$0x990]  }
0x25e: {  	[tilespmem:$0x1FCF0] =	vst v62;
	v62 =	vld [tilespmem:$0x1300]  }
0x25f: {  	[tilespmem:$0x34E0] =	vst v14;
	v14 =	vadd.f32 v58, v15;
	v15 =	vsub.f32 v59, v60;
	v60 =	vld [tilespmem:$0x1150]  }
0x260: {  	v58 =	vadd.f32 v9, v54;
	v9 =	vld [tilespmem:$0x1570]  }
0x261: {  	v59 =	vsub.f32 v18, v19;
	v18 =	vld [tilespmem:$0x2970]  }
0x262: {  	v61 =	vadd.f32 v12, v56;
	v12 =	vld [tilespmem:$0x1D80]  }
0x263: {  	[tilespmem:$0x1FD00] =	vst v62;
	v62 =	vld [tilespmem:$0x2B00]  }
0x264: {  	v19 =	vld [tilespmem:$0x1990]  }
0x265: {  	v17 =	vsub.f32 v47, v63;
	v63 =	vld [tilespmem:$0x2950]  }
0x266: {  	v22 =	vld [tilespmem:$0x1560]  }
0x267: {  	v21 =	vsub.f32 v24, v25;
	v25 =	vld [tilespmem:$0x960]  }
0x268: {  	[tilespmem:$0x1FD40] =	vst v62;
	v62 =	vld [tilespmem:$0x1710]  }
0x269: {  	v24 =	vsub.f32 v27, v28;
	v28 =	vld [tilespmem:$0x2160]  }
0x26a: {  	v27 =	vsub.f32 v30, v31;
	v31 =	vld [tilespmem:$0x1960]  }
0x26b: {  	v30 =	vsub.f32 v33, v34;
	v33 =	vsub.f32 v36, v37;
	v34 =	vld [tilespmem:$0xD60]  }
0x26c: {  	v37 =	vsub.f32 v40, v41;
	v41 =	vsub.f32 v43, v48;
	v43 =	vld [tilespmem:$0x1160]  }
0x26d: {  	[tilespmem:$0x1FD20] =	vst v62;
	v62 =	vld [tilespmem:$0xB10]  }
0x26e: {  	[tilespmem:$0x30F0] =	vst v14;
	v14 =	vadd.f32 v49, v15;
	v49 =	vld [tilespmem:$0x2960]  }
0x26f: {  	v15 =	vld [tilespmem:$0xD90]  }
0x270: {  	[tilespmem:$0x3510] =	vst v58;
	v58 =	vld [tilespmem:$0x21D0]  }
0x271: {  	v20 =	vadd.f32 v20, v59;
	v59 =	vld [tilespmem:$0x25D0]  }
0x272: {  	[tilespmem:$0x1FD30] =	vst v62;
	v62 =	vld [tilespmem:$0x2310]  }
0x273: {  	[tilespmem:$0x2D20] =	vst v61;
	v61 =	vld [tilespmem:$0x29D0]  }
0x274: {  	[tilespmem:$0x2CF0] =	vst v13;
	v13 =	vadd.f32 v51, v17;
	v17 =	vld [tilespmem:$0x1190]  }
0x275: {  	v26 =	vadd.f32 v26, v21;
	v21 =	vld [tilespmem:$0x2180]  }
0x276: {  	v29 =	vadd.f32 v29, v24;
	v24 =	vld [tilespmem:$0x2580]  }
0x277: {  	[tilespmem:$0x1FD70] =	vst v62;
	v62 =	vld [tilespmem:$0x1B10]  }
0x278: {  	v32 =	vadd.f32 v32, v27;
	v27 =	vld [tilespmem:$0x2980]  }
0x279: {  	[tilespmem:$0x2D00] =	vst v14;
	v14 =	vld [tilespmem:$0x1590]  }
0x27a: {  	v36 =	vadd.f32 v35, v30;
	v30 =	vld [tilespmem:$0x2190]  }
0x27b: {  	v40 =	vadd.f32 v38, v33;
	v33 =	vld [tilespmem:$0x2590]  }
0x27c: {  	[tilespmem:$0x1FD50] =	vst v62;
	v62 =	vld [tilespmem:$0xF10]  }
0x27d: {  	[tilespmem:$0x3120] =	vst v20;
	v20 =	vld [tilespmem:$0x9A0]  }
0x27e: {  	v44 =	vadd.f32 v42, v37;
	v42 =	vld [tilespmem:$0x25A0]  }
0x27f: {  	v37 =	vld [tilespmem:$0x19B0]  }
0x280: {  	v35 =	vld [tilespmem:$0x11B0]  }
0x281: {  	[tilespmem:$0x1FD60] =	vst v62;
	v62 =	vld [tilespmem:$0x2710]  }
0x282: {  	v38 =	vld [tilespmem:$0x9C0]  }
0x283: {  	v45 =	vsub.f32 v52, v53;
	v47 =	vadd.f32 v50, v41;
	v41 =	vld [tilespmem:$0xDC0]  }
0x284: {  	[tilespmem:$0x3100] =	vst v13;
	v13 =	vld [tilespmem:$0x2570]  }
0x285: {  	v50 =	vadd.f32 v55, v45;
	v45 =	vld [tilespmem:$0x29A0]  }
0x286: {  	[tilespmem:$0x1FDA0] =	vst v62;
	v62 =	vld [tilespmem:$0x1F10]  }
0x287: {  	v48 =	vsub.f32 v57, v60;
	v60 =	vld [tilespmem:$0x25C0]  }
0x288: {  	[tilespmem:$0x2D40] =	vst v36;
	v36 =	vld [tilespmem:$0x2990]  }
0x289: {  	[tilespmem:$0x3520] =	vst v23;
	v23 =	vld [tilespmem:$0xDA0]  }
0x28a: {  	[tilespmem:$0x2D30] =	vst v26;
	v26 =	vld [tilespmem:$0x11A0]  }
0x28b: {  	[tilespmem:$0x1FD80] =	vst v62;
	v62 =	vld [tilespmem:$0x1310]  }
0x28c: {  	[tilespmem:$0x3130] =	vst v29;
	v29 =	vld [tilespmem:$0x9B0]  }
0x28d: {  	[tilespmem:$0x3530] =	vst v32;
	v32 =	vld [tilespmem:$0xDB0]  }
0x28e: {  	[tilespmem:$0x3140] =	vst v40;
	v40 =	vld [tilespmem:$0x1DB0]  }
0x28f: {  	[tilespmem:$0x3540] =	vst v44;
	v44 =	vld [tilespmem:$0x11C0]  }
0x290: {  	[tilespmem:$0x1FD90] =	vst v62;
	v62 =	vld [tilespmem:$0x2B10]  }
0x291: {  	[tilespmem:$0x2D50] =	vst v47;
	v47 =	vld [tilespmem:$0x9D0]  }
0x292: {  	v51 =	vsub.f32 v22, v25;
	v22 =	vld [tilespmem:$0x1D90]  }
0x293: {  	v25 =	vld [tilespmem:$0x15A0]  }
0x294: {  	v55 =	vsub.f32 v39, v43;
	v39 =	vld [tilespmem:$0x21A0]  }
0x295: {  	[tilespmem:$0x1FDD0] =	vst v62;
	v62 =	vld [tilespmem:$0x1720]  }
0x296: {  	v53 =	vsub.f32 v31, v34;
	v31 =	vld [tilespmem:$0x1DA0]  }
0x297: {  	v34 =	vld [tilespmem:$0x15B0]  }
0x298: {  	v52 =	vadd.f32 v63, v48;
	v48 =	vld [tilespmem:$0x21B0]  }
0x299: {  	v43 =	vld [tilespmem:$0x15C0]  }
0x29a: {  	[tilespmem:$0x1FDB0] =	vst v62;
	v62 =	vld [tilespmem:$0xB20]  }
0x29b: {  	v63 =	vld [tilespmem:$0x29C0]  }
0x29c: {  	[tilespmem:$0x3150] =	vst v50;
	v50 =	vld [tilespmem:$0xDD0]  }
0x29d: {  	[tilespmem:$0x1F280] =	vst v58;
	v58 =	vld [tilespmem:$0x1DD0]  }
0x29e: {  	[tilespmem:$0x1F290] =	vst v59;
	v59 =	vld [tilespmem:$0x15E0]  }
0x29f: {  	[tilespmem:$0x1FDC0] =	vst v62;
	v62 =	vld [tilespmem:$0x2320]  }
0x2a0: {  	[tilespmem:$0x1F2A0] =	vst v61;
	v61 =	vld [tilespmem:$0x21E0]  }
0x2a1: {  	v54 =	vadd.f32 v28, v51;
	v28 =	vld [tilespmem:$0x19A0]  }
0x2a2: {  	v51 =	vld [tilespmem:$0x25B0]  }
0x2a3: {  	v56 =	vadd.f32 v46, v53;
	v46 =	vld [tilespmem:$0x19C0]  }
0x2a4: {  	[tilespmem:$0x1FE00] =	vst v62;
	v62 =	vld [tilespmem:$0x1B20]  }
0x2a5: {  	v57 =	vadd.f32 v49, v55;
	v49 =	vld [tilespmem:$0x1DC0]  }
0x2a6: {  	[tilespmem:$0x3550] =	vst v52;
	v52 =	vld [tilespmem:$0x15D0]  }
0x2a7: {  	v55 =	vld [tilespmem:$0x19D0]  }
0x2a8: {  	[tilespmem:$0x1F2C0] =	vst v61;
	v61 =	vld [tilespmem:$0x19E0]  }
0x2a9: {  	[tilespmem:$0x1FDE0] =	vst v62;
	v62 =	vld [tilespmem:$0xF20]  }
0x2aa: {  	v53 =	vld [tilespmem:$0x11D0];
	[tilespmem:$0x2D60] =	vst v54  }
0x2ab: {  	[tilespmem:$0x3160] =	vst v56;
	v54 =	vld [tilespmem:$0x29B0]  }
0x2ac: {  	[tilespmem:$0x3560] =	vst v57;
	v57 =	vld [tilespmem:$0x21C0]  }
0x2ad: {  	v1 =	vsub.f32 v7, v1;
	v56 =	vld [tilespmem:$0x9E0];
	[tilespmem:$0x1F2B0] =	vst v61  }
0x2ae: {  	v5 =	vsub.f32 v9, v5;
	v61 =	vld [tilespmem:$0xDE0];
	[tilespmem:$0x1FDF0] =	vst v62  }
0x2af: {  	v0 =	vsub.f32 v6, v0;
	v1 =	vadd.f32 v18, v1;
	v62 =	vld [tilespmem:$0x2720]  }
0x2b0: {  	v5 =	vadd.f32 v16, v5;
	v18 =	vsub.f32 v14, v11;
	v9 =	vld [tilespmem:$0x1F20]  }
0x2b1: {  	v0 =	vadd.f32 v13, v0;
	v13 =	vsub.f32 v12, v8;
	v16 =	vld [tilespmem:$0x1730]  }
0x2b2: {  	v11 =	vsub.f32 v22, v17;
	v17 =	vsub.f32 v28, v23;
	[tilespmem:$0x2D70] =	vst v5;
	v5 =	vld [tilespmem:$0xB30]  }
0x2b3: {  	v14 =	vsub.f32 v25, v20;
	v20 =	vsub.f32 v31, v26;
	v12 =	vld [tilespmem:$0x2730]  }
0x2b4: {  	v22 =	vadd.f32 v42, v17;
	v42 =	vld [tilespmem:$0x1F40]  }
0x2b5: {  	v23 =	vsub.f32 v34, v29;
	v25 =	vadd.f32 v45, v20;
	v45 =	vld [tilespmem:$0x1340]  }
0x2b6: {  	v29 =	vsub.f32 v40, v35;
	v35 =	vsub.f32 v46, v41;
	v46 =	vld [tilespmem:$0x1F280]  }
0x2b7: {  	v26 =	vsub.f32 v37, v32;
	v28 =	vadd.f32 v48, v23;
	v48 =	vld [tilespmem:$0x2B40]  }
0x2b8: {  	v32 =	vsub.f32 v43, v38;
	v38 =	vsub.f32 v49, v44;
	v49 =	vld [tilespmem:$0x1F290]  }
0x2b9: {  	v31 =	vadd.f32 v51, v26;
	v51 =	vld [tilespmem:$0x1750]  }
0x2ba: {  	v41 =	vsub.f32 v52, v47;
	v52 =	vld [tilespmem:$0x1F2A0]  }
0x2bb: {  	v47 =	vsub.f32 v58, v53;
	v53 =	vld [tilespmem:$0x1F2B0]  }
0x2bc: {  	v34 =	vadd.f32 v54, v29;
	v54 =	vld [tilespmem:$0xB50]  }
0x2bd: {  	v44 =	vsub.f32 v55, v50;
	v55 =	vld [tilespmem:$0x1F2C0]  }
0x2be: {  	v50 =	vsub.f32 v59, v56;
	v56 =	vld [tilespmem:$0x1F2D0]  }
0x2bf: {  	v37 =	vadd.f32 v57, v32;
	v57 =	vld [tilespmem:$0x1F2E0]  }
0x2c0: {  	v58 =	vld [tilespmem:$0x2350]  }
0x2c1: {  	v59 =	vld [tilespmem:$0x1F2F0]  }
0x2c2: {  	v17 =	vld [tilespmem:$0x1F360]  }
0x2c3: {  	v20 =	vld [tilespmem:$0x2750]  }
0x2c4: {  	[tilespmem:$0x31A0] =	vst v22;
	v22 =	vld [tilespmem:$0x1F390]  }
0x2c5: {  	v23 =	vld [tilespmem:$0x1F3A0]  }
0x2c6: {  	[tilespmem:$0x35A0] =	vst v25;
	v25 =	vld [tilespmem:$0x1F50]  }
0x2c7: {  	v26 =	vld [tilespmem:$0x1F3B0]  }
0x2c8: {  	[tilespmem:$0x2DB0] =	vst v28;
	v28 =	vld [tilespmem:$0x1F3C0]  }
0x2c9: {  	v29 =	vld [tilespmem:$0x1F3D0]  }
0x2ca: {  	[tilespmem:$0x31B0] =	vst v31;
	v31 =	vld [tilespmem:$0x1350]  }
0x2cb: {  	v32 =	vld [tilespmem:$0x1F3E0]  }
0x2cc: {  	[tilespmem:$0x35B0] =	vst v34;
	v34 =	vld [tilespmem:$0x1F400]  }
0x2cd: {  	v43 =	vadd.f32 v63, v38;
	[tilespmem:$0x2DC0] =	vst v37;
	v37 =	vld [tilespmem:$0x1F410]  }
0x2ce: {  	v38 =	vld [tilespmem:$0x1F420]  }
0x2cf: {  	[tilespmem:$0x35C0] =	vst v43;
	v43 =	vld [tilespmem:$0x1F450]  }
0x2d0: {  	v7 =	vld [tilespmem:$0x1F520]  }
0x2d1: {  	[tilespmem:$0x1FE20] =	vst v62;
	v62 =	vld [tilespmem:$0x1320]  }
0x2d2: {  	v2 =	vsub.f32 v3, v2;
	v3 =	vsub.f32 v53, v61;
	v61 =	vld [tilespmem:$0x1F300]  }
0x2d3: {  	[tilespmem:$0x1FE90] =	vst v12;
	v12 =	vld [tilespmem:$0x1F330]  }
0x2d4: {  	[tilespmem:$0x3570] =	vst v1;
	v1 =	vadd.f32 v46, v41;
	v41 =	vld [tilespmem:$0x1760]  }
0x2d5: {  	[tilespmem:$0x1FF00] =	vst v42;
	v42 =	vld [tilespmem:$0x1F440]  }
0x2d6: {  	[tilespmem:$0x3170] =	vst v0;
	v0 =	vadd.f32 v49, v44;
	v44 =	vld [tilespmem:$0x1F460]  }
0x2d7: {  	v46 =	vld [tilespmem:$0xB60]  }
0x2d8: {  	[tilespmem:$0x1FF50] =	vst v48;
	v48 =	vld [tilespmem:$0x1F480]  }
0x2d9: {  	v49 =	vld [tilespmem:$0x1F490]  }
0x2da: {  	[tilespmem:$0x1FF30] =	vst v51;
	v51 =	vld [tilespmem:$0x2360]  }
0x2db: {  	[tilespmem:$0x1FF40] =	vst v54;
	v54 =	vld [tilespmem:$0x1F4B0]  }
0x2dc: {  	v6 =	vsub.f32 v56, v57;
	v57 =	vld [tilespmem:$0x1B60]  }
0x2dd: {  	[tilespmem:$0x1FF70] =	vst v58;
	v58 =	vld [tilespmem:$0x1F4D0]  }
0x2de: {  	[tilespmem:$0x1FF90] =	vst v31;
	v31 =	vld [tilespmem:$0x1F5B0]  }
0x2df: {  	[tilespmem:$0x1FFA0] =	vst v20;
	v20 =	vld [tilespmem:$0x1770]  }
0x2e0: {  	[tilespmem:$0x2DD0] =	vst v1;
	v1 =	vadd.f32 v52, v47;
	v47 =	vld [tilespmem:$0x1F470]  }
0x2e1: {  	v52 =	vld [tilespmem:$0x1F4A0]  }
0x2e2: {  	v40 =	vadd.f32 v60, v35;
	v60 =	vadd.f32 v59, v3;
	v59 =	vld [tilespmem:$0x1F4E0]  }
0x2e3: {  	[tilespmem:$0x31D0] =	vst v0;
	v0 =	vld [tilespmem:$0x1FF30]  }
0x2e4: {  	v3 =	vld [tilespmem:$0x1FC0]  }
0x2e5: {  	[tilespmem:$0x31E0] =	vst v60;
	v60 =	vld [tilespmem:$0x1F4F0]  }
0x2e6: {  	[tilespmem:$0x35D0] =	vst v1;
	v1 =	vld [tilespmem:$0x13C0]  }
0x2e7: {  	[tilespmem:$0x1FE10] =	vst v62;
	v62 =	vld [tilespmem:$0x2B20]  }
0x2e8: {  	[tilespmem:$0x1FFF0] =	vst v51;
	v51 =	vld [tilespmem:$0x2760]  }
0x2e9: {  	[tilespmem:$0x1FFB0] =	vst v41;
	v41 =	vld [tilespmem:$0x1F620]  }
0x2ea: {  	[tilespmem:$0x1FF10] =	vst v45;
	v45 =	vsub.f32 v43, v44;
	v43 =	vld [tilespmem:$0x1F640]  }
0x2eb: {  	[tilespmem:$0x1FFE0] =	vst v57;
	v57 =	vld [tilespmem:$0x1F6C0]  }
0x2ec: {  	v53 =	vadd.f32 v52, v45;
	v45 =	vld [tilespmem:$0x1F650]  }
0x2ed: {  	v52 =	vld [tilespmem:$0x1F690]  }
0x2ee: {  	[tilespmem:$0x3210] =	vst v53;
	v53 =	vld [tilespmem:$0x1F6A0]  }
0x2ef: {  	[tilespmem:$0x1FE40] =	vst v62;
	v62 =	vsub.f32 v10, v4;
	v4 =	vld [tilespmem:$0x2330]  }
0x2f0: {  	v10 =	vadd.f32 v21, v2;
	v21 =	vld [tilespmem:$0x1B30]  }
0x2f1: {  	v2 =	vadd.f32 v55, v50;
	v55 =	vld [tilespmem:$0x1F4C0]  }
0x2f2: {  	v50 =	vsub.f32 v48, v49;
	v48 =	vld [tilespmem:$0x1F670]  }
0x2f3: {  	[tilespmem:$0x1FE30] =	vst v16;
	v16 =	vadd.f32 v24, v62;
	v62 =	vld [tilespmem:$0xF30]  }
0x2f4: {  	v24 =	vadd.f32 v27, v13;
	v27 =	vsub.f32 v19, v15;
	v15 =	vld [tilespmem:$0x1F30]  }
0x2f5: {  	[tilespmem:$0x2D80] =	vst v10;
	v10 =	vadd.f32 v30, v18;
	v18 =	vld [tilespmem:$0x1330]  }
0x2f6: {  	v30 =	vld [tilespmem:$0x2340]  }
0x2f7: {  	v19 =	vadd.f32 v39, v14;
	v39 =	vld [tilespmem:$0x2740]  }
0x2f8: {  	[tilespmem:$0x2DE0] =	vst v2;
	v2 =	vld [tilespmem:$0xF50]  }
0x2f9: {  	[tilespmem:$0x3580] =	vst v24;
	v24 =	vld [tilespmem:$0x1740]  }
0x2fa: {  	v13 =	vadd.f32 v33, v27;
	v27 =	vld [tilespmem:$0xB40]  }
0x2fb: {  	v33 =	vld [tilespmem:$0x1B40]  }
0x2fc: {  	[tilespmem:$0x3180] =	vst v16;
	v16 =	vadd.f32 v36, v11;
	v36 =	vld [tilespmem:$0xF40]  }
0x2fd: {  	[tilespmem:$0x2D90] =	vst v10;
	v10 =	vld [tilespmem:$0x1B50]  }
0x2fe: {  	v11 =	vld [tilespmem:$0x1F320]  }
0x2ff: {  	[tilespmem:$0x1FE50] =	vst v21;
	v21 =	vld [tilespmem:$0x2B30]  }
0x300: {  	v56 =	vsub.f32 v54, v55;
	v55 =	vld [tilespmem:$0x1F6B0]  }
0x301: {  	v54 =	vsub.f32 v52, v53;
	v52 =	vld [tilespmem:$0x1F820];
	[tilespmem:$0x3190] =	vst v13  }
0x302: {  	v13 =	vld [tilespmem:$0x1F340];
	[tilespmem:$0x1FE60] =	vst v62  }
0x303: {  	[tilespmem:$0x1FE70] =	vst v15;
	v62 =	vld [tilespmem:$0x1F310]  }
0x304: {  	[tilespmem:$0x1FE80] =	vst v18;
	v15 =	vld [tilespmem:$0x1F350]  }
0x305: {  	[tilespmem:$0x1FEF0] =	vst v30;
	v18 =	vld [tilespmem:$0x1F370]  }
0x306: {  	[tilespmem:$0x1FF20] =	vst v39;
	v39 =	vld [tilespmem:$0x1F430]  }
0x307: {  	v30 =	vsub.f32 v28, v29;
	v29 =	vld [tilespmem:$0x1F590];
	[tilespmem:$0x1FEA0] =	vst v24  }
0x308: {  	[tilespmem:$0x1FED0] =	vst v33;
	v33 =	vld [tilespmem:$0x1F3F0]  }
0x309: {  	[tilespmem:$0x1FEE0] =	vst v36;
	v36 =	vld [tilespmem:$0x2B50]  }
0x30a: {  	[tilespmem:$0x1FF60] =	vst v10;
	v6 =	vadd.f32 v11, v6;
	v10 =	vld [tilespmem:$0x1F530]  }
0x30b: {  	[tilespmem:$0x1FEC0] =	vst v21;
	v21 =	vld [tilespmem:$0x1F380]  }
0x30c: {  	v24 =	vsub.f32 v22, v23;
	[tilespmem:$0x35E0] =	vst v6;
	v6 =	vld [tilespmem:$0x1F510]  }
0x30d: {  	v14 =	vsub.f32 v12, v13;
	v13 =	vld [tilespmem:$0x1F550]  }
0x30e: {  	v12 =	vadd.f32 v32, v24;
	v24 =	vld [tilespmem:$0x1F560]  }
0x30f: {  	v63 =	vsub.f32 v61, v62;
	v62 =	vld [tilespmem:$0x1F500]  }
0x310: {  	[tilespmem:$0x2DA0] =	vst v19;
	v19 =	vsub.f32 v17, v18;
	v17 =	vld [tilespmem:$0x1F60]  }
0x311: {  	[tilespmem:$0x31C0] =	vst v40;
	v40 =	vsub.f32 v38, v39;
	v38 =	vld [tilespmem:$0x1F600]  }
0x312: {  	v39 =	vld [tilespmem:$0x1F610]  }
0x313: {  	v18 =	vadd.f32 v58, v50;
	v50 =	vld [tilespmem:$0x1F680]  }
0x314: {  	v58 =	vld [tilespmem:$0x1F6D0]  }
0x315: {  	v61 =	vsub.f32 v59, v60;
	v60 =	vld [tilespmem:$0x1F6E0]  }
0x316: {  	[tilespmem:$0x2E00] =	vst v12;
	v12 =	vld [tilespmem:$0x1F540]  }
0x317: {  	[tilespmem:$0x1FEB0] =	vst v27;
	v27 =	vadd.f32 v26, v19;
	v26 =	vld [tilespmem:$0x1F570]  }
0x318: {  	v19 =	vld [tilespmem:$0x1360]  }
0x319: {  	[tilespmem:$0x3610] =	vst v18;
	v18 =	vld [tilespmem:$0x2B60]  }
0x31a: {  	v35 =	vsub.f32 v33, v34;
	v33 =	vld [tilespmem:$0x1F5C0]  }
0x31b: {  	v34 =	vld [tilespmem:$0x1F5D0]  }
0x31c: {  	v11 =	vadd.f32 v21, v14;
	v14 =	vadd.f32 v37, v30;
	v30 =	vld [tilespmem:$0x1F5A0]  }
0x31d: {  	v37 =	vld [tilespmem:$0x1F5F0]  }
0x31e: {  	[tilespmem:$0x35F0] =	vst v27;
	v27 =	vld [tilespmem:$0x1F580]  }
0x31f: {  	[tilespmem:$0x3590] =	vst v16;
	v16 =	vadd.f32 v15, v63;
	v15 =	vadd.f32 v42, v35;
	v35 =	vld [tilespmem:$0x1F5E0]  }
0x320: {  	v42 =	vld [tilespmem:$0x1F630]  }
0x321: {  	[tilespmem:$0x2DF0] =	vst v16;
	v16 =	vadd.f32 v47, v40;
	v47 =	vld [tilespmem:$0x1F660]  }
0x322: {  	v8 =	vsub.f32 v6, v7;
	v6 =	vld [tilespmem:$0x1F710]  }
0x323: {  	[tilespmem:$0x31F0] =	vst v11;
	v11 =	vadd.f32 v10, v61;
	v61 =	vld [tilespmem:$0x1F6F0]  }
0x324: {  	v63 =	vadd.f32 v62, v56;
	v62 =	vld [tilespmem:$0x1F700]  }
0x325: {  	v10 =	vld [tilespmem:$0x1F730]  }
0x326: {  	v40 =	vsub.f32 v38, v39;
	v38 =	vld [tilespmem:$0x1F790]  }
0x327: {  	v59 =	vsub.f32 v57, v58;
	v58 =	vld [tilespmem:$0x1F860]  }
0x328: {  	[tilespmem:$0x2E10] =	vst v16;
	v16 =	vld [tilespmem:$0xF60]  }
0x329: {  	[tilespmem:$0x1FF80] =	vst v25;
	v25 =	vadd.f32 v24, v8;
	v8 =	vld [tilespmem:$0x1F720]  }
0x32a: {  	[tilespmem:$0x3200] =	vst v14;
	v14 =	vsub.f32 v12, v13;
	v12 =	vld [tilespmem:$0x1F740]  }
0x32b: {  	v13 =	vld [tilespmem:$0x1F750]  }
0x32c: {  	[tilespmem:$0x1FFC0] =	vst v46;
	v46 =	vadd.f32 v45, v40;
	v40 =	vld [tilespmem:$0x1F7A0]  }
0x32d: {  	v45 =	vld [tilespmem:$0x1F7E0]  }
0x32e: {  	v17 =	vsub.f32 v17, v19;
	v19 =	vld [tilespmem:$0x23D0]  }
0x32f: {  	[tilespmem:$0x3620] =	vst v25;
	v25 =	vld [tilespmem:$0xF70]  }
0x330: {  	v22 =	vadd.f32 v29, v14;
	v14 =	vld [tilespmem:$0x1F760]  }
0x331: {  	v32 =	vsub.f32 v30, v31;
	v31 =	vld [tilespmem:$0xB80]  }
0x332: {  	v29 =	vadd.f32 v60, v54;
	v54 =	vld [tilespmem:$0x1F830]  }
0x333: {  	v60 =	vld [tilespmem:$0x1F870]  }
0x334: {  	v28 =	vsub.f32 v26, v27;
	v27 =	vld [tilespmem:$0x2B70]  }
0x335: {  	v44 =	vsub.f32 v42, v43;
	v42 =	vld [tilespmem:$0x1F7C0]  }
0x336: {  	[tilespmem:$0x3240] =	vst v46;
	v46 =	vld [tilespmem:$0x1F7F0]  }
0x337: {  	v49 =	vsub.f32 v47, v48;
	v48 =	vld [tilespmem:$0x1F800]  }
0x338: {  	[tilespmem:$0x1FFD0] =	vst v36;
	v36 =	vsub.f32 v34, v35;
	v35 =	vld [tilespmem:$0x1F80]  }
0x339: {  	[tilespmem:$0x2E30] =	vst v22;
	v22 =	vld [tilespmem:$0xB70]  }
0x33a: {  	v23 =	vadd.f32 v37, v32;
	v37 =	vld [tilespmem:$0x1F780]  }
0x33b: {  	[tilespmem:$0x3250] =	vst v29;
	v29 =	vld [tilespmem:$0x1780]  }
0x33c: {  	[tilespmem:$0x2E20] =	vst v63;
	v63 =	vsub.f32 v61, v62;
	v61 =	vld [tilespmem:$0x1F880]  }
0x33d: {  	v21 =	vadd.f32 v33, v28;
	v28 =	vld [tilespmem:$0x1370]  }
0x33e: {  	v24 =	vadd.f32 v41, v36;
	v36 =	vld [tilespmem:$0x1F770]  }
0x33f: {  	v41 =	vld [tilespmem:$0x1F7B0]  }
0x340: {  	v26 =	vadd.f32 v50, v44;
	v44 =	vld [tilespmem:$0x1F7D0]  }
0x341: {  	v7 =	vadd.f32 v6, v59;
	v50 =	vld [tilespmem:$0x1F810]  }
0x342: {  	v56 =	vadd.f32 v55, v49;
	v55 =	vld [tilespmem:$0x1F840]  }
0x343: {  	[tilespmem:$0x3650] =	vst v7;
	v7 =	vld [tilespmem:$0x1F8A0]  }
0x344: {  	[tilespmem:$0x3220] =	vst v11;
	v11 =	vsub.f32 v8, v10;
	v8 =	vld [tilespmem:$0x1F8B0]  }
0x345: {  	[tilespmem:$0x3630] =	vst v23;
	v23 =	vld [tilespmem:$0x1B70]  }
0x346: {  	v30 =	vadd.f32 v12, v63;
	v63 =	vld [tilespmem:$0x1F890]  }
0x347: {  	[tilespmem:$0x3230] =	vst v21;
	v21 =	vld [tilespmem:$0x2370]  }
0x348: {  	[tilespmem:$0x2E40] =	vst v24;
	v24 =	vld [tilespmem:$0x2770]  }
0x349: {  	[tilespmem:$0x3640] =	vst v26;
	v26 =	vld [tilespmem:$0x1F70]  }
0x34a: {  	[tilespmem:$0x2E50] =	vst v56;
	v56 =	vld [tilespmem:$0x1F850]  }
0x34b: {  	[tilespmem:$0x3600] =	vst v15;
	v15 =	vsub.f32 v13, v14;
	v13 =	vld [tilespmem:$0x1F8D0]  }
0x34c: {  	v14 =	vld [tilespmem:$0x1F8E0]  }
0x34d: {  	[tilespmem:$0x2E60] =	vst v30;
	v30 =	vld [tilespmem:$0x2380]  }
0x34e: {  	v47 =	vsub.f32 v45, v46;
	v46 =	vld [tilespmem:$0x1F920]  }
0x34f: {  	v39 =	vsub.f32 v37, v38;
	v37 =	vld [tilespmem:$0x1380]  }
0x350: {  	v38 =	vld [tilespmem:$0x1790]  }
0x351: {  	v62 =	vsub.f32 v60, v61;
	v61 =	vld [tilespmem:$0x1F9C0]  }
0x352: {  	v20 =	vsub.f32 v20, v22;
	v22 =	vld [tilespmem:$0x1BD0]  }
0x353: {  	v32 =	vadd.f32 v36, v11;
	v11 =	vld [tilespmem:$0x1F8C0]  }
0x354: {  	v43 =	vsub.f32 v41, v42;
	v42 =	vld [tilespmem:$0x1F8F0]  }
0x355: {  	v36 =	vadd.f32 v54, v47;
	v47 =	vld [tilespmem:$0x1F930]  }
0x356: {  	v53 =	vsub.f32 v50, v52;
	v50 =	vld [tilespmem:$0x1F950]  }
0x357: {  	v52 =	vld [tilespmem:$0x1F960]  }
0x358: {  	v33 =	vadd.f32 v40, v15;
	v10 =	vsub.f32 v7, v8;
	v7 =	vld [tilespmem:$0x1F9F0]  }
0x359: {  	v8 =	vld [tilespmem:$0x1FA00]  }
0x35a: {  	[tilespmem:$0x3660] =	vst v33;
	v33 =	vld [tilespmem:$0x2780]  }
0x35b: {  	v34 =	vadd.f32 v44, v39;
	v44 =	vld [tilespmem:$0x1F910]  }
0x35c: {  	[tilespmem:$0x3260] =	vst v32;
	v32 =	vld [tilespmem:$0x1B80]  }
0x35d: {  	v49 =	vadd.f32 v48, v43;
	v43 =	vld [tilespmem:$0x1F900]  }
0x35e: {  	[tilespmem:$0x3670] =	vst v36;
	v36 =	vld [tilespmem:$0x2B80]  }
0x35f: {  	v48 =	vld [tilespmem:$0x1F940]  }
0x360: {  	v59 =	vadd.f32 v58, v53;
	v53 =	vld [tilespmem:$0x1F970]  }
0x361: {  	v57 =	vsub.f32 v55, v56;
	v55 =	vld [tilespmem:$0x1F980]  }
0x362: {  	v56 =	vld [tilespmem:$0x1F990]  }
0x363: {  	v15 =	vsub.f32 v13, v14;
	v13 =	vld [tilespmem:$0x1FA20]  }
0x364: {  	v14 =	vld [tilespmem:$0x1FA30]  }
0x365: {  	[tilespmem:$0x2E70] =	vst v34;
	v34 =	vld [tilespmem:$0xF80]  }
0x366: {  	v6 =	vadd.f32 v63, v57;
	v57 =	vld [tilespmem:$0x1F9A0]  }
0x367: {  	[tilespmem:$0x2E80] =	vst v59;
	v59 =	vld [tilespmem:$0x1F9B0]  }
0x368: {  	v39 =	vadd.f32 v46, v15;
	v46 =	vld [tilespmem:$0x1390]  }
0x369: {  	v12 =	vadd.f32 v11, v62;
	v62 =	vld [tilespmem:$0x1F9D0]  }
0x36a: {  	v11 =	vld [tilespmem:$0x1FA10]  }
0x36b: {  	v40 =	vadd.f32 v42, v10;
	v10 =	vsub.f32 v7, v8;
	v7 =	vld [tilespmem:$0x1FAD0]  }
0x36c: {  	v8 =	vld [tilespmem:$0x1FAE0]  }
0x36d: {  	[tilespmem:$0x3290] =	vst v39;
	v39 =	vld [tilespmem:$0x2390]  }
0x36e: {  	[tilespmem:$0x3280] =	vst v6;
	v6 =	vld [tilespmem:$0x1F9E0]  }
0x36f: {  	[tilespmem:$0x2E90] =	vst v40;
	v40 =	vld [tilespmem:$0xB90]  }
0x370: {  	v45 =	vsub.f32 v43, v44;
	v43 =	vld [tilespmem:$0xF90]  }
0x371: {  	v54 =	vsub.f32 v52, v53;
	v52 =	vld [tilespmem:$0x1FA40]  }
0x372: {  	v53 =	vld [tilespmem:$0x1FA50]  }
0x373: {  	v29 =	vsub.f32 v29, v31;
	v15 =	vsub.f32 v13, v14;
	v13 =	vld [tilespmem:$0x1FB10]  }
0x374: {  	v14 =	vld [tilespmem:$0x1FB20]  }
0x375: {  	v32 =	vsub.f32 v32, v34;
	v34 =	vadd.f32 v30, v29;
	v29 =	vld [tilespmem:$0x23E0]  }
0x376: {  	v30 =	vld [tilespmem:$0x1BE0]  }
0x377: {  	v60 =	vadd.f32 v59, v54;
	v54 =	vld [tilespmem:$0x1FA60]  }
0x378: {  	v58 =	vsub.f32 v56, v57;
	v56 =	vld [tilespmem:$0x1FA70]  }
0x379: {  	[tilespmem:$0x3270] =	vst v49;
	v49 =	vsub.f32 v47, v48;
	v59 =	vld [tilespmem:$0x1FA90]  }
0x37a: {  	v41 =	vadd.f32 v50, v45;
	v45 =	vld [tilespmem:$0x2B90]  }
0x37b: {  	v42 =	vadd.f32 v55, v49;
	v49 =	vld [tilespmem:$0xBA0]  }
0x37c: {  	v63 =	vsub.f32 v61, v62;
	v61 =	vld [tilespmem:$0x1FAA0]  }
0x37d: {  	v62 =	vld [tilespmem:$0x1FAB0]  }
0x37e: {  	[tilespmem:$0x3690] =	vst v41;
	v41 =	vld [tilespmem:$0x1B90]  }
0x37f: {  	[tilespmem:$0x2EA0] =	vst v42;
	v42 =	vld [tilespmem:$0x2790]  }
0x380: {  	v44 =	vadd.f32 v6, v58;
	v58 =	vld [tilespmem:$0x1FA80]  }
0x381: {  	v35 =	vsub.f32 v35, v37;
	[tilespmem:$0x3680] =	vst v12;
	v12 =	vadd.f32 v11, v63;
	v63 =	vld [tilespmem:$0x1FAC0]  }
0x382: {  	v47 =	vadd.f32 v52, v10;
	v10 =	vld [tilespmem:$0x1FAF0]  }
0x383: {  	v38 =	vsub.f32 v38, v40;
	v40 =	vadd.f32 v36, v35;
	v36 =	vld [tilespmem:$0x13E0]  }
0x384: {  	[tilespmem:$0x36A0] =	vst v44;
	v44 =	vld [tilespmem:$0x1F90]  }
0x385: {  	[tilespmem:$0x32B0] =	vst v47;
	v47 =	vld [tilespmem:$0x17A0]  }
0x386: {  	[tilespmem:$0x2EB0] =	vst v12;
	v12 =	vld [tilespmem:$0x1FB00]  }
0x387: {  	v57 =	vadd.f32 v56, v15;
	v56 =	vld [tilespmem:$0x1FB40]  }
0x388: {  	v15 =	vsub.f32 v13, v14;
	v13 =	vld [tilespmem:$0x1FBD0]  }
0x389: {  	v14 =	vld [tilespmem:$0x1FBE0]  }
0x38a: {  	v55 =	vsub.f32 v53, v54;
	v54 =	vld [tilespmem:$0x1FA0]  }
0x38b: {  	[tilespmem:$0x3780] =	vst v40;
	v40 =	vld [tilespmem:$0xBF0]  }
0x38c: {  	v48 =	vadd.f32 v61, v55;
	v55 =	vld [tilespmem:$0x1FB30]  }
0x38d: {  	[tilespmem:$0x36B0] =	vst v57;
	v57 =	vld [tilespmem:$0x1FB50]  }
0x38e: {  	[tilespmem:$0x32A0] =	vst v60;
	v60 =	vsub.f32 v58, v59;
	v59 =	vld [tilespmem:$0x1FB60]  }
0x38f: {  	v61 =	vld [tilespmem:$0x1FB70]  }
0x390: {  	v41 =	vsub.f32 v41, v43;
	v43 =	vadd.f32 v39, v38;
	v39 =	vld [tilespmem:$0x17F0]  }
0x391: {  	v6 =	vsub.f32 v62, v63;
	v62 =	vld [tilespmem:$0x1FB80]  }
0x392: {  	v11 =	vsub.f32 v8, v10;
	v8 =	vld [tilespmem:$0x1FBB0]  }
0x393: {  	[tilespmem:$0x2EC0] =	vst v48;
	v48 =	vld [tilespmem:$0x23A0]  }
0x394: {  	v50 =	vadd.f32 v7, v60;
	v7 =	vld [tilespmem:$0x1FBA0]  }
0x395: {  	v44 =	vsub.f32 v44, v46;
	v46 =	vadd.f32 v42, v41;
	v41 =	vld [tilespmem:$0x23F0]  }
0x396: {  	v42 =	vld [tilespmem:$0x1BF0]  }
0x397: {  	v52 =	vadd.f32 v12, v6;
	v6 =	vld [tilespmem:$0x1FB90]  }
0x398: {  	[tilespmem:$0x32C0] =	vst v50;
	v50 =	vld [tilespmem:$0x1BA0]  }
0x399: {  	[tilespmem:$0x3390] =	vst v46;
	v46 =	vld [tilespmem:$0x1FF0]  }
0x39a: {  	v53 =	vadd.f32 v55, v11;
	v11 =	vld [tilespmem:$0x1FBC0]  }
0x39b: {  	v60 =	vadd.f32 v59, v15;
	v59 =	vld [tilespmem:$0x1FBF0]  }
0x39c: {  	v63 =	vsub.f32 v61, v62;
	v61 =	vld [tilespmem:$0x1FC00]  }
0x39d: {  	v58 =	vsub.f32 v56, v57;
	v62 =	vld [tilespmem:$0x1FC10]  }
0x39e: {  	v10 =	vsub.f32 v7, v8;
	v8 =	vld [tilespmem:$0x1FC30]  }
0x39f: {  	v55 =	vadd.f32 v6, v58;
	v6 =	vld [tilespmem:$0x1FC20];
	v12 =	vadd.f32 v11, v63  }
0x3a0: {  	[tilespmem:$0x32D0] =	vst v60;
	v60 =	vadd.f32 v59, v10;
	v10 =	vld [tilespmem:$0x1FC40]  }
0x3a1: {  	[tilespmem:$0x2EE0] =	vst v12;
	v12 =	vld [tilespmem:$0x1FC50]  }
0x3a2: {  	v15 =	vsub.f32 v13, v14;
	v13 =	vld [tilespmem:$0x1FC60]  }
0x3a3: {  	v14 =	vld [tilespmem:$0x1FC70]  }
0x3a4: {  	v63 =	vsub.f32 v61, v62;
	v7 =	vadd.f32 v6, v15;
	v6 =	vld [tilespmem:$0x1FC90]  }
0x3a5: {  	v11 =	vsub.f32 v8, v10;
	v10 =	vld [tilespmem:$0x1FCB0]  }
0x3a6: {  	v59 =	vadd.f32 v12, v63;
	v63 =	vld [tilespmem:$0x1FC80]  }
0x3a7: {  	[tilespmem:$0x36E0] =	vst v7;
	v7 =	vld [tilespmem:$0x1FCA0]  }
0x3a8: {  	[tilespmem:$0x36C0] =	vst v52;
	v52 =	vld [tilespmem:$0x27A0]  }
0x3a9: {  	v15 =	vsub.f32 v13, v14;
	v13 =	vld [tilespmem:$0x1FCD0]  }
0x3aa: {  	v12 =	vld [tilespmem:$0x1FCC0]  }
0x3ab: {  	v58 =	vadd.f32 v63, v11;
	v11 =	vadd.f32 v10, v15;
	v15 =	vld [tilespmem:$0x1FCE0]  }
0x3ac: {  	v8 =	vsub.f32 v6, v7;
	v6 =	vld [tilespmem:$0x1FD10]  }
0x3ad: {  	v63 =	vld [tilespmem:$0x1FD00]  }
0x3ae: {  	v10 =	vld [tilespmem:$0x1FD30]  }
0x3af: {  	[tilespmem:$0x32F0] =	vst v58;
	v58 =	vld [tilespmem:$0x1FCF0]  }
0x3b0: {  	v14 =	vsub.f32 v12, v13;
	v61 =	vadd.f32 v15, v8;
	v8 =	vld [tilespmem:$0x1FD20]  }
0x3b1: {  	v56 =	vld [tilespmem:$0x13A0]  }
0x3b2: {  	v13 =	vld [tilespmem:$0x1FD40];
	v7 =	vadd.f32 v6, v14  }
0x3b3: {  	v14 =	vld [tilespmem:$0x1FD50]  }
0x3b4: {  	[tilespmem:$0x3300] =	vst v7;
	v7 =	vld [tilespmem:$0x1FD70]  }
0x3b5: {  	[tilespmem:$0x36F0] =	vst v11;
	v63 =	vsub.f32 v58, v63;
	v11 =	vsub.f32 v8, v10;
	v8 =	vld [tilespmem:$0x1FD80]  }
0x3b6: {  	v10 =	vld [tilespmem:$0x1FD90]  }
0x3b7: {  	[tilespmem:$0x2F00] =	vst v61;
	v61 =	vadd.f32 v13, v63;
	v63 =	vld [tilespmem:$0x1FD60]  }
0x3b8: {  	v47 =	vsub.f32 v47, v49;
	v49 =	vadd.f32 v45, v44;
	v57 =	vld [tilespmem:$0x17B0]  }
0x3b9: {  	[tilespmem:$0x3700] =	vst v61;
	v61 =	vld [tilespmem:$0x1FDA0]  }
0x3ba: {  	[tilespmem:$0x3790] =	vst v49;
	v49 =	vld [tilespmem:$0x13F0]  }
0x3bb: {  	[tilespmem:$0x2EF0] =	vst v59;
	v59 =	vadd.f32 v7, v11;
	v11 =	vsub.f32 v8, v10;
	v10 =	vld [tilespmem:$0x1FDD0]  }
0x3bc: {  	[tilespmem:$0x36D0] =	vst v55;
	v55 =	vld [tilespmem:$0x2BA0];
	v6 =	vsub.f32 v14, v63  }
0x3bd: {  	v63 =	vld [tilespmem:$0x1FDB0]  }
0x3be: {  	v61 =	vadd.f32 v61, v6;
	v6 =	vld [tilespmem:$0x1FDC0]  }
0x3bf: {  	[tilespmem:$0x32E0] =	vst v60;
	v60 =	vld [tilespmem:$0x1FDF0]  }
0x3c0: {  	[tilespmem:$0x2F10] =	vst v59;
	v59 =	vadd.f32 v10, v11;
	v11 =	vld [tilespmem:$0x1FDE0]  }
0x3c1: {  	[tilespmem:$0x3310] =	vst v61;
	v61 =	vld [tilespmem:$0x1FE00]  }
0x3c2: {  	[tilespmem:$0x3710] =	vst v59;
	v59 =	vld [tilespmem:$0x1FE20]  }
0x3c3: {  	v7 =	vsub.f32 v63, v6;
	v6 =	vld [tilespmem:$0x1FE10]  }
0x3c4: {  	[tilespmem:$0x2ED0] =	vst v53;
	v53 =	vld [tilespmem:$0xFA0];
	v56 =	vsub.f32 v54, v56  }
0x3c5: {  	v62 =	vld [tilespmem:$0xBB0];
	v60 =	vsub.f32 v11, v60  }
0x3c6: {  	v35 =	vadd.f32 v55, v56;
	v55 =	vld [tilespmem:$0x2BF0]  }
0x3c7: {  	v59 =	vadd.f32 v59, v60;
	v60 =	vld [tilespmem:$0x1FE30]  }
0x3c8: {  	v61 =	vadd.f32 v61, v7;
	v7 =	vsub.f32 v9, v6;
	v6 =	vld [tilespmem:$0x1FE40]  }
0x3c9: {  	v12 =	vld [tilespmem:$0x1FB0]  }
0x3ca: {  	v15 =	vld [tilespmem:$0x1BB0]  }
0x3cb: {  	v58 =	vld [tilespmem:$0x23B0]  }
0x3cc: {  	v8 =	vld [tilespmem:$0x1FE60];
	v60 =	vsub.f32 v60, v5  }
0x3cd: {  	[tilespmem:$0x2F20] =	vst v61;
	v61 =	vadd.f32 v6, v7;
	v7 =	vld [tilespmem:$0x1FE50]  }
0x3ce: {  	[tilespmem:$0x3320] =	vst v59;
	v59 =	vadd.f32 v4, v60;
	v60 =	vld [tilespmem:$0x1FE70]  }
0x3cf: {  	v4 =	vld [tilespmem:$0x1FE80]  }
0x3d0: {  	v13 =	vld [tilespmem:$0xFB0]  }
0x3d1: {  	v5 =	vld [tilespmem:$0x1FE90]  }
0x3d2: {  	v14 =	vld [tilespmem:$0x27B0]  }
0x3d3: {  	v10 =	vld [tilespmem:$0x13B0]  }
0x3d4: {  	v63 =	vsub.f32 v7, v8;
	v60 =	vsub.f32 v60, v4;
	v4 =	vld [tilespmem:$0x1FEC0]  }
0x3d5: {  	v6 =	vld [tilespmem:$0x1FEA0]  }
0x3d6: {  	[tilespmem:$0x3720] =	vst v61;
	v61 =	vadd.f32 v5, v63;
	v63 =	vld [tilespmem:$0x1FEB0]  }
0x3d7: {  	v5 =	vld [tilespmem:$0x1FED0]  }
0x3d8: {  	[tilespmem:$0x3330] =	vst v61;
	v61 =	vld [tilespmem:$0x1FEF0]  }
0x3d9: {  	[tilespmem:$0x2F30] =	vst v59;
	v59 =	vadd.f32 v4, v60;
	v60 =	vld [tilespmem:$0x1FEE0]  }
0x3da: {  	v11 =	vld [tilespmem:$0x2BB0]  }
0x3db: {  	v63 =	vsub.f32 v6, v63;
	[tilespmem:$0x3730] =	vst v59;
	v59 =	vld [tilespmem:$0x1FF20]  }
0x3dc: {  	v9 =	vld [tilespmem:$0x17C0]  }
0x3dd: {  	v61 =	vadd.f32 v61, v63;
	v63 =	vld [tilespmem:$0x1FF00]  }
0x3de: {  	v60 =	vsub.f32 v5, v60;
	v5 =	vld [tilespmem:$0x1FF10]  }
0x3df: {  	[tilespmem:$0x2F40] =	vst v61;
	v61 =	vld [tilespmem:$0x1FF50]  }
0x3e0: {  	v59 =	vadd.f32 v59, v60;
	v60 =	vld [tilespmem:$0x1FF40]  }
0x3e1: {  	v7 =	vld [tilespmem:$0xBC0]  }
0x3e2: {  	[tilespmem:$0x3340] =	vst v59;
	v59 =	vld [tilespmem:$0x1FF70]  }
0x3e3: {  	v8 =	vld [tilespmem:$0x23C0];
	v63 =	vsub.f32 v63, v5  }
0x3e4: {  	v6 =	vld [tilespmem:$0x1BC0]  }
0x3e5: {  	v60 =	vsub.f32 v0, v60;
	v61 =	vadd.f32 v61, v63;
	v63 =	vld [tilespmem:$0x1FF60]  }
0x3e6: {  	v0 =	vld [tilespmem:$0x1FF80]  }
0x3e7: {  	v59 =	vadd.f32 v59, v60;
	v60 =	vld [tilespmem:$0x1FF90]  }
0x3e8: {  	v17 =	vadd.f32 v18, v17;
	[tilespmem:$0x3740] =	vst v61;
	v61 =	vld [tilespmem:$0x1FFA0]  }
0x3e9: {  	[tilespmem:$0x2F50] =	vst v59;
	v59 =	vld [tilespmem:$0x1FFD0]  }
0x3ea: {  	[tilespmem:$0x3760] =	vst v17;
	v37 =	vadd.f32 v33, v32;
	v50 =	vsub.f32 v50, v53;
	v4 =	vld [tilespmem:$0xFC0]  }
0x3eb: {  	[tilespmem:$0x2F80] =	vst v34;
	v53 =	vadd.f32 v48, v47;
	v5 =	vld [tilespmem:$0x27C0];
	v63 =	vsub.f32 v63, v2  }
0x3ec: {  	[tilespmem:$0x3380] =	vst v37;
	v62 =	vsub.f32 v57, v62;
	v60 =	vsub.f32 v0, v60;
	v0 =	vld [tilespmem:$0x1FFB0]  }
0x3ed: {  	[tilespmem:$0x2F90] =	vst v43;
	v13 =	vsub.f32 v15, v13;
	v61 =	vadd.f32 v61, v63;
	v63 =	vld [tilespmem:$0x1FFC0]  }
0x3ee: {  	v1 =	vsub.f32 v3, v1;
	[tilespmem:$0x2FA0] =	vst v53;
	v59 =	vadd.f32 v59, v60;
	v60 =	vld [tilespmem:$0x1FFE0]  }
0x3ef: {  	v37 =	vadd.f32 v58, v62;
	v13 =	vadd.f32 v14, v13;
	[tilespmem:$0x3350] =	vst v61;
	v61 =	vld [tilespmem:$0x1FFF0]  }
0x3f0: {  	[tilespmem:$0x37A0] =	vst v35;
	v10 =	vsub.f32 v12, v10;
	v7 =	vsub.f32 v9, v7;
	v2 =	vld [tilespmem:$0x2BC0]  }
0x3f1: {  	v4 =	vsub.f32 v6, v4;
	[tilespmem:$0x3750] =	vst v59;
	v59 =	vsub.f32 v23, v25;
	v23 =	vld [tilespmem:$0xFD0]  }
0x3f2: {  	[tilespmem:$0x2FB0] =	vst v37;
	v10 =	vadd.f32 v11, v10;
	v25 =	vld [tilespmem:$0x13D0];
	v63 =	vsub.f32 v0, v63  }
0x3f3: {  	[tilespmem:$0x33B0] =	vst v13;
	v7 =	vadd.f32 v8, v7;
	v4 =	vadd.f32 v5, v4;
	v0 =	vld [tilespmem:$0x17D0]  }
0x3f4: {  	[tilespmem:$0x37B0] =	vst v10;
	v16 =	vsub.f32 v60, v16;
	v60 =	vld [tilespmem:$0xBD0];
	v61 =	vadd.f32 v61, v63  }
0x3f5: {  	[tilespmem:$0x2FC0] =	vst v7;
	v63 =	vsub.f32 v26, v28;
	v28 =	vadd.f32 v24, v59;
	v24 =	vld [tilespmem:$0x1FD0]  }
0x3f6: {  	[tilespmem:$0x33C0] =	vst v4;
	v1 =	vadd.f32 v2, v1;
	v26 =	vld [tilespmem:$0x2BD0]  }
0x3f7: {  	[tilespmem:$0x2F60] =	vst v61;
	v61 =	vadd.f32 v21, v20;
	v21 =	vld [tilespmem:$0x27D0]  }
0x3f8: {  	[tilespmem:$0x37C0] =	vst v1;
	v16 =	vadd.f32 v51, v16;
	v31 =	vadd.f32 v27, v63;
	v27 =	vld [tilespmem:$0x17E0]  }
0x3f9: {  	[tilespmem:$0x3370] =	vst v28;
	v28 =	vld [tilespmem:$0xBE0]  }
0x3fa: {  	v57 =	vsub.f32 v39, v40;
	v51 =	vld [tilespmem:$0xFE0];
	v43 =	vsub.f32 v22, v23;
	[tilespmem:$0x3360] =	vst v16  }
0x3fb: {  	v63 =	vld [tilespmem:$0x1FE0];
	[tilespmem:$0x2F70] =	vst v61;
	v61 =	vadd.f32 v52, v50;
	v0 =	vsub.f32 v0, v60  }
0x3fc: {  	v44 =	vld [tilespmem:$0xFF0];
	[tilespmem:$0x3770] =	vst v31;
	v45 =	vsub.f32 v24, v25;
	v60 =	vadd.f32 v41, v57  }
0x3fd: {  	v59 =	vld [tilespmem:$0x27E0];
	[tilespmem:$0x33A0] =	vst v61;
	v61 =	vsub.f32 v46, v49;
	v0 =	vadd.f32 v19, v0  }
0x3fe: {  	v38 =	vld [tilespmem:$0x2BE0];
	v47 =	vadd.f32 v21, v43;
	v48 =	vsub.f32 v27, v28;
	[tilespmem:$0x2FF0] =	vst v60  }
0x3ff: {  	v52 =	vld [tilespmem:$0x27F0];
	v50 =	vadd.f32 v26, v45;
	v51 =	vsub.f32 v30, v51;
	[tilespmem:$0x2FD0] =	vst v0  }
0x400: {  	v54 =	vsub.f32 v63, v36;
	v63 =	vadd.f32 v55, v61;
	[tilespmem:$0x33D0] =	vst v47  }
0x401: {  	v53 =	vadd.f32 v29, v48;
	[tilespmem:$0x37D0] =	vst v50  }
0x402: {  	v56 =	vadd.f32 v59, v51;
	v59 =	vsub.f32 v42, v44;
	[tilespmem:$0x37F0] =	vst v63  }
0x403: {  	v58 =	vadd.f32 v38, v54;
	[tilespmem:$0x2FE0] =	vst v53  }
0x404: {  	[tilespmem:$0x33E0] =	vst v56;
	v62 =	vadd.f32 v52, v59  }
0x405: {  	[tilespmem:$0x37E0] =	vst v58  }
0x406: {  	s0 =	sadd.s32 s29, s12;
	[tilespmem:$0x33F0] =	vst v62  }
0x407: {  	[hbm4b:s0+s4] =	stream.linear.scatter [tilespmem:s22], [sflag:$0x1], $0x400, $0x38;
	[tilespmem:$0x8150] =	vst v63  }
0x408: {  	s0 =	sadd.s32 s29, s11  }
0x409: {  	[hbm4b:s0+s4] =	stream.linear.scatter [tilespmem:s23], [sflag:$0x1], $0x400, $0x38;
	[tilespmem:$0x8150] =	vst v63  }
0x40a: {  	s0 =	sadd.s32 s29, s10  }
0x40b: {  	[hbm4b:s0+s4] =	stream.linear.scatter [tilespmem:s24], [sflag:$0x1], $0x400, $0x38;
	[tilespmem:$0x8150] =	vst v63  }
0x40c: {  	_ =	swait.ge [sflag:s25], $0x400  }
0x40d: {  	[sflag:s25] =	ssyncset.done $0x0  }
0x40e: {  	[sflag:s25] =	ssyncadd.s32 $0xFFFFFC00  }
0x40f: {  	_ =	swait.ge [sflag:s25], $0x400  }
.Ltmp5:
0x410: {  	[sflag:s25] =	ssyncset.done $0x0;
	(pc) =	sbr.rel .LBB2_4-.Ltmp5, $4  }
0x411: {  	[sflag:s25] =	ssyncadd.s32 $0xFFFFFC00  }
0x412: {  	_ =	swait.ge [sflag:s25], $0x400  }
0x413: {  	[sflag:s25] =	ssyncset.done $0x0  }
0x414: {  	[sflag:s25] =	ssyncadd.s32 $0xFFFFFC00  }
.LBB2_6:
0x415: {  	_ =	sfence.sel $0x180000  }
0x416: {  	[bflag:$0x0] =	sbarrier.arrive $0xFFFF  }
0x417: {  	_ =	strace $0x90000047  }
0x418: {  	[bflag:$0x2] =	sbarrier.arrive $0xFFFF  }
0x419: {  	s0 =	rddreg [dreg:$0x7]  }
0x41a: {  	s0 =	sadd.s32 @!p0 $0x100000, s0  }
0x41b: {  	[sflag:s0] =	ssyncadd.tile.s32 @!p0 $0x1;
	_ =	shalt  }
.Lfunc_end2:
_tile_overlayer_lowered:
.L_overlay_start_2:
0x41c: {  	(tag) =	ssettag $0x2  }
0x41d: {  	s0 =	rddreg [dreg:$0x0];
	s2 =	stileid.u32  }
0x41e: {  	s1 =	rddreg [dreg:$0x1];
	p0 =	sne.s32 s2, $0x0  }
0x41f: {  	s3 =	rddreg [dreg:$0x2];
	[bflag:$0x3] =	sbarrier.arrive $0xFFFF;
	s2 =	simm.s32 @!p0 $0x1C02  }
0x420: {  	[timem:s3], [sflag:s2] =	dma.local @!p0 [hbm:s0], s1  }
0x421: {  	s0 =	simm.s32 @!p0 $0x2  }
0x422: {  	_ =	swait.ge @!p0 [sflag:s0], s1  }
0x423: {  	s1 =	ssub.s32 @!p0 $0x0, s1;
	[sflag:s0] =	ssyncset.done @!p0 $0x0  }
0x424: {  	[sflag:s0] =	ssyncadd.s32 @!p0 s1  }
0x425: {  	[bflag:$0x3] =	sbarrier.arrive $0xFFFF  }
0x426: {  	_ =	shalt  }

</sc_bundles>
